<compile_context>
chip_gen: v7x
topology: tpu7x:2x2x1
jax: 0.10.2.dev20260603
libtpu: 0.0.44.dev20260713+nightly
codegen_flags: <defaults>
</compile_context>

<pallas_src>
import jax
import jax.numpy as jnp
from jax import lax
from jax.experimental import pallas as pl
from jax.experimental.pallas import tpu as pltpu
from jax.experimental.pallas import tpu_sc as plsc

N = 100000
E = 3200000
IN_DIM = 128
OUT_DIM = 16

NC = 2
NS = 16
NW = NC * NS

CH = 128
CPB = 6
TOTC = E // CH
NB = 130
CH_PW = CPB * NB
NTAILC = TOTC - NW * CH_PW

ACC_ROWS = 100096
ROWS_PT = ACC_ROWS // NS
NPAD = 100096
WOUT = NPAD // NS

MM_BN = 10000

BF = 400
NFULL = N // BF
CPW_B = 8


def _mm_body(h_ref, w_ref, z_ref):
    z_ref[...] = jnp.dot(h_ref[...], w_ref[...],
                         preferred_element_type=jnp.float32)


def _matmul(h, wt):
    return pl.pallas_call(
        _mm_body,
        grid=(N // MM_BN,),
        in_specs=[
            pl.BlockSpec((MM_BN, IN_DIM), lambda i: (i, 0)),
            pl.BlockSpec((IN_DIM, OUT_DIM), lambda i: (0, 0)),
        ],
        out_specs=pl.BlockSpec((MM_BN, OUT_DIM), lambda i: (i, 0)),
        out_shape=jax.ShapeDtypeStruct((N, OUT_DIM), jnp.float32),
    )(h, wt)


def _snf_body(s_ref, o_ref):
    o_ref[...] = s_ref[...].reshape(1, 1, MM_BN)


def _snf(snorm_n):
    nb = N // MM_BN
    return pl.pallas_call(
        _snf_body,
        grid=(nb,),
        in_specs=[pl.BlockSpec((MM_BN, 1), lambda i: (i, 0))],
        out_specs=pl.BlockSpec((1, 1, MM_BN), lambda i: (i, 0, 0)),
        out_shape=jax.ShapeDtypeStruct((nb, 1, MM_BN), jnp.float32),
    )(snorm_n)


def _sc_body(z_hbm, e_hbm, zrows_hbm, out_hbm,
             acc, sflat, dflat, dblk, rows, gsem, ssem, isem):
    cid = lax.axis_index("c")
    sid = lax.axis_index("s")
    wid = sid * NC + cid

    pltpu.sync_copy(zrows_hbm, acc.at[pl.ds(sid * ROWS_PT, ROWS_PT)])
    plsc.subcore_barrier()

    base = wid * CH_PW * CH

    def load_idx(blk, slot, copy_fn):
        off = base + blk * CPB * CH
        copy_fn(e_hbm.at[0, pl.ds(off, CPB * CH)], sflat.at[slot])
        copy_fn(e_hbm.at[1, pl.ds(off, CPB * CH)], dflat.at[slot])

    def load_idx_sync(blk, slot):
        load_idx(blk, slot, pltpu.sync_copy)

    def load_idx_async(blk, slot):
        load_idx(blk, slot,
                 lambda s, d: pltpu.async_copy(s, d, isem))

    def drain_idx(slot):
        for _ in range(2):
            pltpu.make_async_copy(e_hbm.at[0, pl.ds(0, CPB * CH)],
                                  sflat.at[slot], isem).wait()

    def stage_dst(slot):
        for c in range(CPB):
            for g in range(CH // 16):
                dblk[slot, c, pl.ds(g * 16, 16)] = (
                    dflat[slot, pl.ds(c * CH + g * 16, 16)])

    def fire_gathers(slot, rb):
        for c in range(CPB):
            pltpu.async_copy(z_hbm.at[sflat.at[slot, pl.ds(c * CH, CH)]],
                             rows.at[rb, pl.ds(c * CH, CH)], gsem)

    def drain_bulk(sem, rb):
        pltpu.make_async_copy(out_hbm.at[0, pl.ds(0, CPB * CH)],
                              rows.at[rb], sem).wait()

    def fire_scatters(slot, rb):
        for c in range(CPB):
            pltpu.async_copy(rows.at[rb, pl.ds(c * CH, CH)],
                             acc.at[dblk.at[slot, c]], ssem, add=True)

    load_idx_sync(0, 0)
    stage_dst(0)
    fire_gathers(0, 0)
    load_idx_async(1, 1)

    def block(b, carry):
        par = b % 2

        drain_idx(1 - par)
        stage_dst(1 - par)
        fire_gathers(1 - par, 1 - par)
        drain_bulk(gsem, par)
        load_idx_async(b + 2, par)
        return carry

    lax.fori_loop(0, NB - 1, block, 0)

    lpar = (NB - 1) % 2
    drain_idx(1 - lpar)
    drain_bulk(gsem, lpar)

    def tail_chunk(chunk):
        off = chunk * CH
        pltpu.sync_copy(e_hbm.at[0, pl.ds(off, CH)], sflat.at[0, pl.ds(0, CH)])
        pltpu.sync_copy(e_hbm.at[1, pl.ds(off, CH)], dblk.at[0, 0])
        pltpu.async_copy(z_hbm.at[sflat.at[0, pl.ds(0, CH)]],
                         rows.at[0, pl.ds(0, CH)], gsem).wait()
        pltpu.sync_copy(rows.at[0, pl.ds(0, CH)],
                        acc.at[dblk.at[0, 0]], add=True)

    tail_chunk(NW * CH_PW + wid)

    @pl.when(wid < NTAILC - NW)
    def _():
        tail_chunk(NW * CH_PW + NW + wid)

    plsc.subcore_barrier()

    pltpu.sync_copy(acc.at[pl.ds(sid * WOUT, WOUT)],
                    out_hbm.at[cid, pl.ds(sid * WOUT, WOUT)])


def _sc_scatter(z, edge_index, zrows):
    call = pl.kernel(
        _sc_body,
        out_type=jax.ShapeDtypeStruct((NC, NPAD, OUT_DIM), jnp.float32),
        mesh=plsc.VectorSubcoreMesh(core_axis_name="c", subcore_axis_name="s",
                                    num_cores=NC, num_subcores=NS),
        scratch_types=[
            pltpu.VMEM_SHARED((ACC_ROWS, OUT_DIM), jnp.float32),
            pltpu.VMEM((2, CPB * CH), jnp.int32),
            pltpu.VMEM((2, CPB * CH), jnp.int32),
            pltpu.VMEM((2, CPB, CH), jnp.int32),
            pltpu.VMEM((2, CPB * CH, OUT_DIM), jnp.float32),
            pltpu.SemaphoreType.DMA,
            pltpu.SemaphoreType.DMA,
            pltpu.SemaphoreType.DMA,
        ],
        compiler_params=pltpu.CompilerParams(use_tc_tiling_on_sc=False),
    )
    return call(z, edge_index, zrows)


def _bcast_lane(vec, lane):
    idx = jnp.full((16, 1), lane, jnp.int32)
    return lax.gather(
        vec, idx,
        dimension_numbers=lax.GatherDimensionNumbers(
            offset_dims=(), collapsed_slice_dims=(0,), start_index_map=(0,)),
        slice_sizes=(1,),
        mode=lax.GatherScatterMode.PROMISE_IN_BOUNDS)


def _fin_body(p_hbm, sn_hbm, out_hbm, vp, sv, ov, lsem, osem):
    cid = lax.axis_index("c")
    sid = lax.axis_index("s")
    wid = sid * NC + cid

    spr = MM_BN // BF

    def fire_loads(j, buf):
        cj = wid + NW * j

        @pl.when(cj < NFULL)
        def _():
            r0 = cj * BF
            pltpu.async_copy(p_hbm.at[:, pl.ds(r0, BF)], vp.at[buf], lsem)
            pltpu.async_copy(sn_hbm.at[cj // spr, 0, pl.ds((cj % spr) * BF, BF)],
                             sv.at[buf], lsem)

    def drain_loads(j, buf):
        cj = wid + NW * j

        @pl.when(cj < NFULL)
        def _():
            pltpu.make_async_copy(p_hbm.at[:, pl.ds(0, BF)],
                                  vp.at[buf], lsem).wait()
            pltpu.make_async_copy(sn_hbm.at[0, 0, pl.ds(0, BF)],
                                  sv.at[buf], lsem).wait()

    def compute(buf, nrows):
        def grp(g, carry):
            s16 = sv[buf, pl.ds(g * 16, 16)]
            for r in range(16):
                row = g * 16 + r
                sr = _bcast_lane(s16, r)
                ov[buf, row, :] = jnp.maximum(
                    vp[buf, 0, row, :] + vp[buf, 1, row, :], 0.0) * sr
            return carry

        lax.fori_loop(0, nrows // 16, grp, 0)

    def drain_store(j, buf):
        cj = wid + NW * j

        @pl.when(cj < NFULL)
        def _():
            pltpu.make_async_copy(ov.at[buf],
                                  out_hbm.at[pl.ds(0, BF)], osem).wait()

    fire_loads(0, 0)

    def loop_body(j, carry):
        buf = j % 2
        fire_loads(j + 1, 1 - buf)
        drain_loads(j, buf)

        @pl.when(j >= 2)
        def _():
            drain_store(j - 2, buf)

        cj = wid + NW * j

        @pl.when(cj < NFULL)
        def _():
            compute(buf, BF)
            pltpu.async_copy(ov.at[buf], out_hbm.at[pl.ds(cj * BF, BF)], osem)

        return carry

    lax.fori_loop(0, CPW_B, loop_body, 0)
    drain_store(CPW_B - 2, CPW_B % 2)
    drain_store(CPW_B - 1, (CPW_B - 1) % 2)


def _finalize(partials, snorm_n):
    call = pl.kernel(
        _fin_body,
        out_type=jax.ShapeDtypeStruct((N, OUT_DIM), jnp.float32),
        mesh=plsc.VectorSubcoreMesh(core_axis_name="c", subcore_axis_name="s",
                                    num_cores=NC, num_subcores=NS),
        scratch_types=[
            pltpu.VMEM((2, 2, BF, OUT_DIM), jnp.float32),
            pltpu.VMEM((2, BF), jnp.float32),
            pltpu.VMEM((2, BF, OUT_DIM), jnp.float32),
            pltpu.SemaphoreType.DMA,
            pltpu.SemaphoreType.DMA,
        ],
        compiler_params=pltpu.CompilerParams(use_tc_tiling_on_sc=False),
    )
    return call(partials, snorm_n)


def kernel(h, edge_index, snorm_n, W_fc, W_attn):
    z = _matmul(h, W_fc.T)
    snf = _snf(snorm_n)
    zrows = jnp.zeros((ROWS_PT, OUT_DIM), jnp.float32)
    partials = _sc_scatter(z, edge_index, zrows)
    return _finalize(partials, snf)

# --- scband reference (transcript-rebuilt; emitter-appended) ---
"""Pipeline reference for scband-gathead-layer-32418413150992 (READ-ONLY COPY).

The authoritative reference and input builder live on the scoring server;
editing this copy changes nothing except your own understanding.
"""

import jax, jax.numpy as jnp
import numpy as np

N = 100000
E = 3200000
IN_DIM = 128
OUT_DIM = 16  # 128 // 8 heads


def setup_inputs(seed: int = 0) -> dict:
    key = jax.random.key(seed)
    k1, k2, k3, k4, k5 = jax.random.split(key, 5)
    h = jax.random.normal(k1, (N, IN_DIM), dtype=jnp.float32)
    edge_index = jax.random.randint(k2, (2, E), 0, N, dtype=jnp.int32)
    snorm_n = jax.random.uniform(k3, (N, 1), dtype=jnp.float32)
    # BayesianLinear replaced by its deterministic mean weights
    W_fc = jax.random.normal(k4, (OUT_DIM, IN_DIM), dtype=jnp.float32) * 0.08
    W_attn = jax.random.normal(k5, (1, 2 * OUT_DIM), dtype=jnp.float32) * 0.1
    return {"h": h, "edge_index": edge_index, "snorm_n": snorm_n, "W_fc": W_fc, "W_attn": W_attn}


def reference(h, edge_index, snorm_n, W_fc, W_attn):
    # z = self.fc(h)
    z = h @ W_fc.T  # [N, out_dim]
    src = edge_index[0]
    dst = edge_index[1]
    # edge_attention: cat(z_src, z_dst) -> attn_fc -> leaky_relu
    z_src = jnp.take(z, src, axis=0)  # [E, out_dim]
    z_dst = jnp.take(z, dst, axis=0)  # [E, out_dim]
    z2 = jnp.concatenate([z_src, z_dst], axis=1)  # [E, 2*out_dim]
    e = jax.nn.leaky_relu(z2 @ W_attn.T, negative_slope=0.01)  # [E, 1]
    # reduce_func: F.softmax(nodes.mailbox['e'], dim=-1) -- last dim has size 1,
    # so softmax over a singleton axis yields all-ones alpha (literal translation
    # of the torch/DGL code). Dropout is identity (p=0 / eval).
    alpha = jax.nn.softmax(e, axis=-1)  # [E, 1] == ones
    msg = alpha * z_src  # [E, out_dim]
    h_out = jax.ops.segment_sum(msg, dst, num_segments=N)  # [N, out_dim]
    # graph_norm
    h_out = h_out * snorm_n
    # batch_norm=False, layer_norm=False
    h_out = jax.nn.relu(h_out)
    # dropout p=0.0 -> identity
    return h_out

if __name__ == "__main__":
    import jax
    _d = setup_inputs()
    print(jax.jit(kernel)(*tuple(_d.values())))

</pallas_src>

<mosaic_0001>
#map = affine_map<(d0, d1) -> (0, 0, 0)>
#map1 = affine_map<(d0, d1) -> (0, 0)>
module attributes {stable_mosaic.version = 14 : i64} {
  func.func @_fin_body(%arg0: i32, %arg1: i32, %arg2: memref<2x100096x16xf32, #tpu.memory_space<hbm>>, %arg3: memref<10x1x10000xf32, #tpu.memory_space<hbm>>, %arg4: memref<100000x16xf32, #tpu.memory_space<hbm>>, %arg5: memref<2x2x400x16xf32, #tpu.memory_space<vmem>>, %arg6: memref<2x400xf32, #tpu.memory_space<vmem>>, %arg7: memref<2x400x16xf32, #tpu.memory_space<vmem>>, %arg8: memref<!tpu.dma_semaphore, #tpu.memory_space<semaphore_mem>>, %arg9: memref<!tpu.dma_semaphore, #tpu.memory_space<semaphore_mem>>) attributes {dimension_semantics = [#tpu.dimension_semantics<core_parallel>, #tpu.dimension_semantics<subcore_parallel>], iteration_bounds = array<i64: 2, 16>, scalar_prefetch = 0 : i64, scratch_operands = 5 : i64, tpu.core_type = #tpu.core_type<sc_vector_subcore>, window_params = [{transform_indices = #map}, {transform_indices = #map}, {transform_indices = #map1}]} {
    %mul3A = arith.constant 2 : i32
    %mul3A_0 = arith.muli %arg1, %mul3A : i32
    %add3A = arith.addi %mul3A_0, %arg0 : i32
    %add3A_1 = arith.constant 0 : i32
    %add3A_2 = arith.addi %add3A, %add3A_1 : i32
    %lt3A = arith.constant 250 : i32
    %lt3A_3 = arith.cmpi slt, %add3A_2, %lt3A : i32
    %convert_element_type3A = arith.extui %lt3A_3 : i1 to i32
    %cond3A = arith.constant 0 : i32
    %cond3A_4 = arith.cmpi ne, %convert_element_type3A, %cond3A : i32
    scf.if %cond3A_4 {
      %mul3A_24 = arith.constant 400 : i32
      %mul3A_25 = arith.muli %add3A_2, %mul3A_24 : i32
      %dma_start3A = arith.constant 0 : i32
      %dma_start3A_26 = arith.constant 0 : i32
      %dma_start3A_27 = arith.constant 0 : i32
      %dma_start3A_28 = arith.constant 0 : i32
      %dma_start3A_29 = tpu.memref_slice %arg5[%dma_start3A, %dma_start3A_26, %dma_start3A_27, %dma_start3A_28] : memref<2x2x400x16xf32, #tpu.memory_space<vmem>> -> memref<1x2x400x16xf32, #tpu.memory_space<vmem>>
      %dma_start3A_30 = tpu.memref_squeeze %dma_start3A_29 : memref<1x2x400x16xf32, #tpu.memory_space<vmem>> -> memref<2x400x16xf32, #tpu.memory_space<vmem>>
      %dma_start3A_31 = arith.constant 0 : i32
      %dma_start3A_32 = arith.constant 0 : i32
      %dma_start3A_33 = tpu.memref_slice %arg2[%dma_start3A_31, %mul3A_25, %dma_start3A_32] : memref<2x100096x16xf32, #tpu.memory_space<hbm>> -> memref<2x400x16xf32, #tpu.memory_space<hbm>>
      %dma_start3A_34 = arith.constant 0 : i32
      %dma_start3A_35 = arith.constant 0 : i32
      %dma_start3A_36 = arith.constant 0 : i32
      %dma_start3A_37 = tpu.memref_slice %arg5[%dma_start3A, %dma_start3A_34, %dma_start3A_35, %dma_start3A_36] : memref<2x2x400x16xf32, #tpu.memory_space<vmem>> -> memref<1x2x400x16xf32, #tpu.memory_space<vmem>>
      %dma_start3A_38 = tpu.memref_squeeze %dma_start3A_37 : memref<1x2x400x16xf32, #tpu.memory_space<vmem>> -> memref<2x400x16xf32, #tpu.memory_space<vmem>>
      %dma_start3A_39 = arith.constant 0 : i32
      %dma_start3A_40 = arith.constant 0 : i32
      %dma_start3A_41 = tpu.memref_slice %arg2[%dma_start3A_39, %mul3A_25, %dma_start3A_40] : memref<2x100096x16xf32, #tpu.memory_space<hbm>> -> memref<2x400x16xf32, #tpu.memory_space<hbm>>
      tpu.enqueue_dma source(%dma_start3A_41 : memref<2x400x16xf32, #tpu.memory_space<hbm>>) target(%dma_start3A_38 : memref<2x400x16xf32, #tpu.memory_space<vmem>>) target_semaphore(%arg8 : memref<!tpu.dma_semaphore, #tpu.memory_space<semaphore_mem>>)
      %jit3A = arith.constant 25 : i32
      %div3A = arith.divsi %add3A_2, %jit3A : i32
      %sign3A = arith.constant 0 : i32
      %sign3A_42 = arith.cmpi sgt, %add3A_2, %sign3A : i32
      %sign3A_43 = arith.extui %sign3A_42 : i1 to i32
      %sign3A_44 = arith.constant 0 : i32
      %sign3A_45 = arith.cmpi slt, %add3A_2, %sign3A_44 : i32
      %sign3A_46 = arith.extui %sign3A_45 : i1 to i32
      %sign3A_47 = arith.subi %sign3A_43, %sign3A_46 : i32
      %sign3A_48 = arith.constant 0 : i32
      %sign3A_49 = arith.cmpi sgt, %jit3A, %sign3A_48 : i32
      %sign3A_50 = arith.extui %sign3A_49 : i1 to i32
      %sign3A_51 = arith.constant 0 : i32
      %sign3A_52 = arith.cmpi slt, %jit3A, %sign3A_51 : i32
      %sign3A_53 = arith.extui %sign3A_52 : i1 to i32
      %sign3A_54 = arith.subi %sign3A_50, %sign3A_53 : i32
      %ne3A = arith.cmpi ne, %sign3A_47, %sign3A_54 : i32
      %rem3A = arith.remsi %add3A_2, %jit3A : i32
      %ne3A_55 = arith.constant 0 : i32
      %ne3A_56 = arith.cmpi ne, %rem3A, %ne3A_55 : i32
      %and3A = arith.andi %ne3A, %ne3A_56 : i1
      %sub3A = arith.constant 1 : i32
      %sub3A_57 = arith.subi %div3A, %sub3A : i32
      %select_n3A = arith.select %and3A, %sub3A_57, %div3A : i32
      %jit3A_58 = arith.constant 25 : i32
      %eq3A = arith.constant 0 : i32
      %eq3A_59 = arith.cmpi eq, %jit3A_58, %eq3A : i32
      %jit3A_60 = arith.constant 1 : i32
      %select_n3A_61 = arith.select %eq3A_59, %jit3A_60, %jit3A_58 : i32
      %rem3A_62 = arith.remsi %add3A_2, %select_n3A_61 : i32
      %ne3A_63 = arith.constant 0 : i32
      %ne3A_64 = arith.cmpi ne, %rem3A_62, %ne3A_63 : i32
      %lt3A_65 = arith.constant 0 : i32
      %lt3A_66 = arith.cmpi slt, %rem3A_62, %lt3A_65 : i32
      %lt3A_67 = arith.constant 0 : i32
      %lt3A_68 = arith.cmpi slt, %select_n3A_61, %lt3A_67 : i32
      %ne3A_69 = arith.xori %lt3A_66, %lt3A_68 : i1
      %and3A_70 = arith.andi %ne3A_69, %ne3A_64 : i1
      %add3A_71 = arith.addi %rem3A_62, %select_n3A_61 : i32
      %select_n3A_72 = arith.select %and3A_70, %add3A_71, %rem3A_62 : i32
      %mul3A_73 = arith.constant 400 : i32
      %mul3A_74 = arith.muli %select_n3A_72, %mul3A_73 : i32
      %dma_start3A_75 = arith.constant 0 : i32
      %dma_start3A_76 = arith.constant 0 : i32
      %dma_start3A_77 = arith.constant 0 : i32
      %dma_start3A_78 = tpu.memref_slice %arg6[%dma_start3A_76, %dma_start3A_77] : memref<2x400xf32, #tpu.memory_space<vmem>> -> memref<1x400xf32, #tpu.memory_space<vmem>>
      %dma_start3A_79 = tpu.memref_squeeze %dma_start3A_78 : memref<1x400xf32, #tpu.memory_space<vmem>> -> memref<400xf32, #tpu.memory_space<vmem>>
      %dma_start3A_80 = tpu.memref_slice %arg3[%select_n3A, %dma_start3A_75, %mul3A_74] : memref<10x1x10000xf32, #tpu.memory_space<hbm>> -> memref<1x1x400xf32, #tpu.memory_space<hbm>>
      %dma_start3A_81 = tpu.memref_squeeze %dma_start3A_80 : memref<1x1x400xf32, #tpu.memory_space<hbm>> -> memref<400xf32, #tpu.memory_space<hbm>>
      %dma_start3A_82 = arith.constant 0 : i32
      %dma_start3A_83 = tpu.memref_slice %arg6[%dma_start3A_76, %dma_start3A_82] : memref<2x400xf32, #tpu.memory_space<vmem>> -> memref<1x400xf32, #tpu.memory_space<vmem>>
      %dma_start3A_84 = tpu.memref_squeeze %dma_start3A_83 : memref<1x400xf32, #tpu.memory_space<vmem>> -> memref<400xf32, #tpu.memory_space<vmem>>
      %dma_start3A_85 = tpu.memref_slice %arg3[%select_n3A, %dma_start3A_75, %mul3A_74] : memref<10x1x10000xf32, #tpu.memory_space<hbm>> -> memref<1x1x400xf32, #tpu.memory_space<hbm>>
      %dma_start3A_86 = tpu.memref_squeeze %dma_start3A_85 : memref<1x1x400xf32, #tpu.memory_space<hbm>> -> memref<400xf32, #tpu.memory_space<hbm>>
      tpu.enqueue_dma source(%dma_start3A_86 : memref<400xf32, #tpu.memory_space<hbm>>) target(%dma_start3A_84 : memref<400xf32, #tpu.memory_space<vmem>>) target_semaphore(%arg8 : memref<!tpu.dma_semaphore, #tpu.memory_space<semaphore_mem>>)
    } else {
    }
    %scan3A = arith.constant 0 : i32
    %scan3A_5 = arith.constant 0 : i32
    %scan3A_6 = arith.constant 8 : i32
    %scan3A_7 = arith.addi %scan3A_5, %scan3A_6 : i32
    %scan3A_8 = arith.constant 1 : i32
    scf.for %scan3A_24 = %scan3A_5 to %scan3A_7 step %scan3A_8  : i32 {
      %jit3A = arith.constant 2 : i32
      %eq3A = arith.constant 0 : i32
      %eq3A_25 = arith.cmpi eq, %jit3A, %eq3A : i32
      %jit3A_26 = arith.constant 1 : i32
      %select_n3A = arith.select %eq3A_25, %jit3A_26, %jit3A : i32
      %rem3A = arith.remsi %scan3A_24, %select_n3A : i32
      %ne3A = arith.constant 0 : i32
      %ne3A_27 = arith.cmpi ne, %rem3A, %ne3A : i32
      %lt3A_28 = arith.constant 0 : i32
      %lt3A_29 = arith.cmpi slt, %rem3A, %lt3A_28 : i32
      %lt3A_30 = arith.constant 0 : i32
      %lt3A_31 = arith.cmpi slt, %select_n3A, %lt3A_30 : i32
      %ne3A_32 = arith.xori %lt3A_29, %lt3A_31 : i1
      %and3A = arith.andi %ne3A_32, %ne3A_27 : i1
      %add3A_33 = arith.addi %rem3A, %select_n3A : i32
      %select_n3A_34 = arith.select %and3A, %add3A_33, %rem3A : i32
      %add3A_35 = arith.constant 1 : i32
      %add3A_36 = arith.addi %scan3A_24, %add3A_35 : i32
      %sub3A = arith.constant 1 : i32
      %sub3A_37 = arith.subi %sub3A, %select_n3A_34 : i32
      %mul3A_38 = arith.constant 32 : i32
      %mul3A_39 = arith.muli %mul3A_38, %add3A_36 : i32
      %add3A_40 = arith.addi %add3A, %mul3A_39 : i32
      %lt3A_41 = arith.constant 250 : i32
      %lt3A_42 = arith.cmpi slt, %add3A_40, %lt3A_41 : i32
      %convert_element_type3A_43 = arith.extui %lt3A_42 : i1 to i32
      %cond3A_44 = arith.constant 0 : i32
      %cond3A_45 = arith.cmpi ne, %convert_element_type3A_43, %cond3A_44 : i32
      scf.if %cond3A_45 {
        %mul3A_66 = arith.constant 400 : i32
        %mul3A_67 = arith.muli %add3A_40, %mul3A_66 : i32
        %dma_start3A = arith.constant 0 : i32
        %dma_start3A_68 = arith.constant 0 : i32
        %dma_start3A_69 = arith.constant 0 : i32
        %dma_start3A_70 = tpu.memref_slice %arg5[%sub3A_37, %dma_start3A, %dma_start3A_68, %dma_start3A_69] : memref<2x2x400x16xf32, #tpu.memory_space<vmem>> -> memref<1x2x400x16xf32, #tpu.memory_space<vmem>>
        %dma_start3A_71 = tpu.memref_squeeze %dma_start3A_70 : memref<1x2x400x16xf32, #tpu.memory_space<vmem>> -> memref<2x400x16xf32, #tpu.memory_space<vmem>>
        %dma_start3A_72 = arith.constant 0 : i32
        %dma_start3A_73 = arith.constant 0 : i32
        %dma_start3A_74 = tpu.memref_slice %arg2[%dma_start3A_72, %mul3A_67, %dma_start3A_73] : memref<2x100096x16xf32, #tpu.memory_space<hbm>> -> memref<2x400x16xf32, #tpu.memory_space<hbm>>
        %dma_start3A_75 = arith.constant 0 : i32
        %dma_start3A_76 = arith.constant 0 : i32
        %dma_start3A_77 = arith.constant 0 : i32
        %dma_start3A_78 = tpu.memref_slice %arg5[%sub3A_37, %dma_start3A_75, %dma_start3A_76, %dma_start3A_77] : memref<2x2x400x16xf32, #tpu.memory_space<vmem>> -> memref<1x2x400x16xf32, #tpu.memory_space<vmem>>
        %dma_start3A_79 = tpu.memref_squeeze %dma_start3A_78 : memref<1x2x400x16xf32, #tpu.memory_space<vmem>> -> memref<2x400x16xf32, #tpu.memory_space<vmem>>
        %dma_start3A_80 = arith.constant 0 : i32
        %dma_start3A_81 = arith.constant 0 : i32
        %dma_start3A_82 = tpu.memref_slice %arg2[%dma_start3A_80, %mul3A_67, %dma_start3A_81] : memref<2x100096x16xf32, #tpu.memory_space<hbm>> -> memref<2x400x16xf32, #tpu.memory_space<hbm>>
        tpu.enqueue_dma source(%dma_start3A_82 : memref<2x400x16xf32, #tpu.memory_space<hbm>>) target(%dma_start3A_79 : memref<2x400x16xf32, #tpu.memory_space<vmem>>) target_semaphore(%arg8 : memref<!tpu.dma_semaphore, #tpu.memory_space<semaphore_mem>>)
        %jit3A_83 = arith.constant 25 : i32
        %div3A = arith.divsi %add3A_40, %jit3A_83 : i32
        %sign3A = arith.constant 0 : i32
        %sign3A_84 = arith.cmpi sgt, %add3A_40, %sign3A : i32
        %sign3A_85 = arith.extui %sign3A_84 : i1 to i32
        %sign3A_86 = arith.constant 0 : i32
        %sign3A_87 = arith.cmpi slt, %add3A_40, %sign3A_86 : i32
        %sign3A_88 = arith.extui %sign3A_87 : i1 to i32
        %sign3A_89 = arith.subi %sign3A_85, %sign3A_88 : i32
        %sign3A_90 = arith.constant 0 : i32
        %sign3A_91 = arith.cmpi sgt, %jit3A_83, %sign3A_90 : i32
        %sign3A_92 = arith.extui %sign3A_91 : i1 to i32
        %sign3A_93 = arith.constant 0 : i32
        %sign3A_94 = arith.cmpi slt, %jit3A_83, %sign3A_93 : i32
        %sign3A_95 = arith.extui %sign3A_94 : i1 to i32
        %sign3A_96 = arith.subi %sign3A_92, %sign3A_95 : i32
        %ne3A_97 = arith.cmpi ne, %sign3A_89, %sign3A_96 : i32
        %rem3A_98 = arith.remsi %add3A_40, %jit3A_83 : i32
        %ne3A_99 = arith.constant 0 : i32
        %ne3A_100 = arith.cmpi ne, %rem3A_98, %ne3A_99 : i32
        %and3A_101 = arith.andi %ne3A_97, %ne3A_100 : i1
        %sub3A_102 = arith.constant 1 : i32
        %sub3A_103 = arith.subi %div3A, %sub3A_102 : i32
        %select_n3A_104 = arith.select %and3A_101, %sub3A_103, %div3A : i32
        %jit3A_105 = arith.constant 25 : i32
        %eq3A_106 = arith.constant 0 : i32
        %eq3A_107 = arith.cmpi eq, %jit3A_105, %eq3A_106 : i32
        %jit3A_108 = arith.constant 1 : i32
        %select_n3A_109 = arith.select %eq3A_107, %jit3A_108, %jit3A_105 : i32
        %rem3A_110 = arith.remsi %add3A_40, %select_n3A_109 : i32
        %ne3A_111 = arith.constant 0 : i32
        %ne3A_112 = arith.cmpi ne, %rem3A_110, %ne3A_111 : i32
        %lt3A_113 = arith.constant 0 : i32
        %lt3A_114 = arith.cmpi slt, %rem3A_110, %lt3A_113 : i32
        %lt3A_115 = arith.constant 0 : i32
        %lt3A_116 = arith.cmpi slt, %select_n3A_109, %lt3A_115 : i32
        %ne3A_117 = arith.xori %lt3A_114, %lt3A_116 : i1
        %and3A_118 = arith.andi %ne3A_117, %ne3A_112 : i1
        %add3A_119 = arith.addi %rem3A_110, %select_n3A_109 : i32
        %select_n3A_120 = arith.select %and3A_118, %add3A_119, %rem3A_110 : i32
        %mul3A_121 = arith.constant 400 : i32
        %mul3A_122 = arith.muli %select_n3A_120, %mul3A_121 : i32
        %dma_start3A_123 = arith.constant 0 : i32
        %dma_start3A_124 = arith.constant 0 : i32
        %dma_start3A_125 = tpu.memref_slice %arg6[%sub3A_37, %dma_start3A_124] : memref<2x400xf32, #tpu.memory_space<vmem>> -> memref<1x400xf32, #tpu.memory_space<vmem>>
        %dma_start3A_126 = tpu.memref_squeeze %dma_start3A_125 : memref<1x400xf32, #tpu.memory_space<vmem>> -> memref<400xf32, #tpu.memory_space<vmem>>
        %dma_start3A_127 = tpu.memref_slice %arg3[%select_n3A_104, %dma_start3A_123, %mul3A_122] : memref<10x1x10000xf32, #tpu.memory_space<hbm>> -> memref<1x1x400xf32, #tpu.memory_space<hbm>>
        %dma_start3A_128 = tpu.memref_squeeze %dma_start3A_127 : memref<1x1x400xf32, #tpu.memory_space<hbm>> -> memref<400xf32, #tpu.memory_space<hbm>>
        %dma_start3A_129 = arith.constant 0 : i32
        %dma_start3A_130 = tpu.memref_slice %arg6[%sub3A_37, %dma_start3A_129] : memref<2x400xf32, #tpu.memory_space<vmem>> -> memref<1x400xf32, #tpu.memory_space<vmem>>
        %dma_start3A_131 = tpu.memref_squeeze %dma_start3A_130 : memref<1x400xf32, #tpu.memory_space<vmem>> -> memref<400xf32, #tpu.memory_space<vmem>>
        %dma_start3A_132 = tpu.memref_slice %arg3[%select_n3A_104, %dma_start3A_123, %mul3A_122] : memref<10x1x10000xf32, #tpu.memory_space<hbm>> -> memref<1x1x400xf32, #tpu.memory_space<hbm>>
        %dma_start3A_133 = tpu.memref_squeeze %dma_start3A_132 : memref<1x1x400xf32, #tpu.memory_space<hbm>> -> memref<400xf32, #tpu.memory_space<hbm>>
        tpu.enqueue_dma source(%dma_start3A_133 : memref<400xf32, #tpu.memory_space<hbm>>) target(%dma_start3A_131 : memref<400xf32, #tpu.memory_space<vmem>>) target_semaphore(%arg8 : memref<!tpu.dma_semaphore, #tpu.memory_space<semaphore_mem>>)
      } else {
      }
      %mul3A_46 = arith.constant 32 : i32
      %mul3A_47 = arith.muli %mul3A_46, %scan3A_24 : i32
      %add3A_48 = arith.addi %add3A, %mul3A_47 : i32
      %lt3A_49 = arith.constant 250 : i32
      %lt3A_50 = arith.cmpi slt, %add3A_48, %lt3A_49 : i32
      %convert_element_type3A_51 = arith.extui %lt3A_50 : i1 to i32
      %cond3A_52 = arith.constant 0 : i32
      %cond3A_53 = arith.cmpi ne, %convert_element_type3A_51, %cond3A_52 : i32
      scf.if %cond3A_53 {
        %dma_wait3A = arith.constant 0 : i32
        %dma_wait3A_66 = arith.constant 0 : i32
        %dma_wait3A_67 = arith.constant 0 : i32
        %dma_wait3A_68 = tpu.memref_slice %arg5[%select_n3A_34, %dma_wait3A, %dma_wait3A_66, %dma_wait3A_67] : memref<2x2x400x16xf32, #tpu.memory_space<vmem>> -> memref<1x2x400x16xf32, #tpu.memory_space<vmem>>
        %dma_wait3A_69 = tpu.memref_squeeze %dma_wait3A_68 : memref<1x2x400x16xf32, #tpu.memory_space<vmem>> -> memref<2x400x16xf32, #tpu.memory_space<vmem>>
        %dma_wait3A_70 = arith.constant 0 : i32
        %dma_wait3A_71 = arith.constant 0 : i32
        %dma_wait3A_72 = arith.constant 0 : i32
        %dma_wait3A_73 = tpu.memref_slice %arg2[%dma_wait3A_70, %dma_wait3A_71, %dma_wait3A_72] : memref<2x100096x16xf32, #tpu.memory_space<hbm>> -> memref<2x400x16xf32, #tpu.memory_space<hbm>>
        %dma_wait3A_74 = arith.constant 0 : i32
        %dma_wait3A_75 = arith.constant 0 : i32
        %dma_wait3A_76 = arith.constant 0 : i32
        %dma_wait3A_77 = tpu.memref_slice %arg5[%select_n3A_34, %dma_wait3A_74, %dma_wait3A_75, %dma_wait3A_76] : memref<2x2x400x16xf32, #tpu.memory_space<vmem>> -> memref<1x2x400x16xf32, #tpu.memory_space<vmem>>
        %dma_wait3A_78 = tpu.memref_squeeze %dma_wait3A_77 : memref<1x2x400x16xf32, #tpu.memory_space<vmem>> -> memref<2x400x16xf32, #tpu.memory_space<vmem>>
        %dma_wait3A_79 = arith.constant 0 : i32
        %dma_wait3A_80 = arith.constant 0 : i32
        %dma_wait3A_81 = arith.constant 0 : i32
        %dma_wait3A_82 = tpu.memref_slice %arg2[%dma_wait3A_79, %dma_wait3A_80, %dma_wait3A_81] : memref<2x100096x16xf32, #tpu.memory_space<hbm>> -> memref<2x400x16xf32, #tpu.memory_space<hbm>>
        tpu.wait_dma2 semaphore(%arg8 : memref<!tpu.dma_semaphore, #tpu.memory_space<semaphore_mem>>) src(%dma_wait3A_82 : memref<2x400x16xf32, #tpu.memory_space<hbm>>) dst(%dma_wait3A_78 : memref<2x400x16xf32, #tpu.memory_space<vmem>>)
        %dma_wait3A_83 = arith.constant 0 : i32
        %dma_wait3A_84 = arith.constant 0 : i32
        %dma_wait3A_85 = arith.constant 0 : i32
        %dma_wait3A_86 = tpu.memref_slice %arg6[%select_n3A_34, %dma_wait3A_85] : memref<2x400xf32, #tpu.memory_space<vmem>> -> memref<1x400xf32, #tpu.memory_space<vmem>>
        %dma_wait3A_87 = tpu.memref_squeeze %dma_wait3A_86 : memref<1x400xf32, #tpu.memory_space<vmem>> -> memref<400xf32, #tpu.memory_space<vmem>>
        %dma_wait3A_88 = arith.constant 0 : i32
        %dma_wait3A_89 = tpu.memref_slice %arg3[%dma_wait3A_83, %dma_wait3A_84, %dma_wait3A_88] : memref<10x1x10000xf32, #tpu.memory_space<hbm>> -> memref<1x1x400xf32, #tpu.memory_space<hbm>>
        %dma_wait3A_90 = tpu.memref_squeeze %dma_wait3A_89 : memref<1x1x400xf32, #tpu.memory_space<hbm>> -> memref<400xf32, #tpu.memory_space<hbm>>
        %dma_wait3A_91 = arith.constant 0 : i32
        %dma_wait3A_92 = tpu.memref_slice %arg6[%select_n3A_34, %dma_wait3A_91] : memref<2x400xf32, #tpu.memory_space<vmem>> -> memref<1x400xf32, #tpu.memory_space<vmem>>
        %dma_wait3A_93 = tpu.memref_squeeze %dma_wait3A_92 : memref<1x400xf32, #tpu.memory_space<vmem>> -> memref<400xf32, #tpu.memory_space<vmem>>
        %dma_wait3A_94 = arith.constant 0 : i32
        %dma_wait3A_95 = tpu.memref_slice %arg3[%dma_wait3A_83, %dma_wait3A_84, %dma_wait3A_94] : memref<10x1x10000xf32, #tpu.memory_space<hbm>> -> memref<1x1x400xf32, #tpu.memory_space<hbm>>
        %dma_wait3A_96 = tpu.memref_squeeze %dma_wait3A_95 : memref<1x1x400xf32, #tpu.memory_space<hbm>> -> memref<400xf32, #tpu.memory_space<hbm>>
        tpu.wait_dma2 semaphore(%arg8 : memref<!tpu.dma_semaphore, #tpu.memory_space<semaphore_mem>>) src(%dma_wait3A_96 : memref<400xf32, #tpu.memory_space<hbm>>) dst(%dma_wait3A_93 : memref<400xf32, #tpu.memory_space<vmem>>)
      } else {
      }
      %ge3A = arith.constant 2 : i32
      %ge3A_54 = arith.cmpi sge, %scan3A_24, %ge3A : i32
      %convert_element_type3A_55 = arith.extui %ge3A_54 : i1 to i32
      %cond3A_56 = arith.constant 0 : i32
      %cond3A_57 = arith.cmpi ne, %convert_element_type3A_55, %cond3A_56 : i32
      scf.if %cond3A_57 {
        %sub3A_66 = arith.constant 2 : i32
        %sub3A_67 = arith.subi %scan3A_24, %sub3A_66 : i32
        %mul3A_68 = arith.constant 32 : i32
        %mul3A_69 = arith.muli %mul3A_68, %sub3A_67 : i32
        %add3A_70 = arith.addi %add3A, %mul3A_69 : i32
        %lt3A_71 = arith.constant 250 : i32
        %lt3A_72 = arith.cmpi slt, %add3A_70, %lt3A_71 : i32
        %convert_element_type3A_73 = arith.extui %lt3A_72 : i1 to i32
        %cond3A_74 = arith.constant 0 : i32
        %cond3A_75 = arith.cmpi ne, %convert_element_type3A_73, %cond3A_74 : i32
        scf.if %cond3A_75 {
          %dma_wait3A = arith.constant 0 : i32
          %dma_wait3A_76 = arith.constant 0 : i32
          %dma_wait3A_77 = tpu.memref_slice %arg7[%select_n3A_34, %dma_wait3A, %dma_wait3A_76] : memref<2x400x16xf32, #tpu.memory_space<vmem>> -> memref<1x400x16xf32, #tpu.memory_space<vmem>>
          %dma_wait3A_78 = tpu.memref_squeeze %dma_wait3A_77 : memref<1x400x16xf32, #tpu.memory_space<vmem>> -> memref<400x16xf32, #tpu.memory_space<vmem>>
          %dma_wait3A_79 = arith.constant 0 : i32
          %dma_wait3A_80 = arith.constant 0 : i32
          %dma_wait3A_81 = tpu.memref_slice %arg4[%dma_wait3A_79, %dma_wait3A_80] : memref<100000x16xf32, #tpu.memory_space<hbm>> -> memref<400x16xf32, #tpu.memory_space<hbm>>
          %dma_wait3A_82 = arith.constant 0 : i32
          %dma_wait3A_83 = arith.constant 0 : i32
          %dma_wait3A_84 = tpu.memref_slice %arg4[%dma_wait3A_82, %dma_wait3A_83] : memref<100000x16xf32, #tpu.memory_space<hbm>> -> memref<400x16xf32, #tpu.memory_space<hbm>>
          %dma_wait3A_85 = arith.constant 0 : i32
          %dma_wait3A_86 = arith.constant 0 : i32
          %dma_wait3A_87 = tpu.memref_slice %arg7[%select_n3A_34, %dma_wait3A_85, %dma_wait3A_86] : memref<2x400x16xf32, #tpu.memory_space<vmem>> -> memref<1x400x16xf32, #tpu.memory_space<vmem>>
          %dma_wait3A_88 = tpu.memref_squeeze %dma_wait3A_87 : memref<1x400x16xf32, #tpu.memory_space<vmem>> -> memref<400x16xf32, #tpu.memory_space<vmem>>
          tpu.wait_dma2 semaphore(%arg9 : memref<!tpu.dma_semaphore, #tpu.memory_space<semaphore_mem>>) src(%dma_wait3A_88 : memref<400x16xf32, #tpu.memory_space<vmem>>) dst(%dma_wait3A_84 : memref<400x16xf32, #tpu.memory_space<hbm>>)
        } else {
        }
      } else {
      }
      %mul3A_58 = arith.constant 32 : i32
      %mul3A_59 = arith.muli %mul3A_58, %scan3A_24 : i32
      %add3A_60 = arith.addi %add3A, %mul3A_59 : i32
      %lt3A_61 = arith.constant 250 : i32
      %lt3A_62 = arith.cmpi slt, %add3A_60, %lt3A_61 : i32
      %convert_element_type3A_63 = arith.extui %lt3A_62 : i1 to i32
      %cond3A_64 = arith.constant 0 : i32
      %cond3A_65 = arith.cmpi ne, %convert_element_type3A_63, %cond3A_64 : i32
      scf.if %cond3A_65 {
        %scan3A_66 = arith.constant 0 : i32
        %scan3A_67 = arith.constant 0 : i32
        %scan3A_68 = arith.constant 25 : i32
        %scan3A_69 = arith.addi %scan3A_67, %scan3A_68 : i32
        %scan3A_70 = arith.constant 1 : i32
        scf.for %scan3A_85 = %scan3A_67 to %scan3A_69 step %scan3A_70  : i32 {
          %mul3A_86 = arith.constant 16 : i32
          %mul3A_87 = arith.muli %scan3A_85, %mul3A_86 : i32
          %get3A = arith.index_cast %select_n3A_34 : i32 to index
          %get3A_88 = arith.index_cast %mul3A_87 : i32 to index
          %get3A_89 = tpu.vector_load %arg6[%get3A, %get3A_88] {strides = array<i32>} : memref<2x400xf32, #tpu.memory_space<vmem>>, vector<1x16xf32>,
          %get3A_90 = vector.shape_cast %get3A_89 : vector<1x16xf32> to vector<16xf32>
          %mul3A_91 = arith.constant 16 : i32
          %mul3A_92 = arith.muli %scan3A_85, %mul3A_91 : i32
          %add3A_93 = arith.constant 0 : i32
          %add3A_94 = arith.addi %mul3A_92, %add3A_93 : i32
          %broadcast_in_dim3A = arith.constant 0 : i32
          %broadcast_in_dim3A_95 = vector.broadcast %broadcast_in_dim3A : i32 to vector<16x1xi32>
          %gather3A = vector.shape_cast %broadcast_in_dim3A_95 : vector<16x1xi32> to vector<16xi32>
          %gather3A_96 = tpu.dynamic_gather %get3A_90[%gather3A] in [0] : vector<16xf32>, vector<16xi32> -> vector<16xf32>
          %get3A_97 = arith.constant 0 : i32
          %get3A_98 = arith.index_cast %select_n3A_34 : i32 to index
          %get3A_99 = arith.index_cast %get3A_97 : i32 to index
          %get3A_100 = arith.index_cast %add3A_94 : i32 to index
          %get3A_101 = arith.constant 0 : index
          %get3A_102 = tpu.vector_load %arg5[%get3A_98, %get3A_99, %get3A_100, %get3A_101] {strides = array<i32>} : memref<2x2x400x16xf32, #tpu.memory_space<vmem>>, vector<1x1x1x16xf32>,
          %get3A_103 = vector.shape_cast %get3A_102 : vector<1x1x1x16xf32> to vector<16xf32>
          %get3A_104 = arith.constant 1 : i32
          %get3A_105 = arith.index_cast %select_n3A_34 : i32 to index
          %get3A_106 = arith.index_cast %get3A_104 : i32 to index
          %get3A_107 = arith.index_cast %add3A_94 : i32 to index
          %get3A_108 = arith.constant 0 : index
          %get3A_109 = tpu.vector_load %arg5[%get3A_105, %get3A_106, %get3A_107, %get3A_108] {strides = array<i32>} : memref<2x2x400x16xf32, #tpu.memory_space<vmem>>, vector<1x1x1x16xf32>,
          %get3A_110 = vector.shape_cast %get3A_109 : vector<1x1x1x16xf32> to vector<16xf32>
          %add3A_111 = arith.addf %get3A_103, %get3A_110 : vector<16xf32>
          %max3A = arith.constant 0.000000e+00 : f32
          %max3A_112 = vector.broadcast %max3A : f32 to vector<16xf32>
          %max3A_113 = arith.maximumf %add3A_111, %max3A_112 : vector<16xf32>
          %mul3A_114 = arith.mulf %max3A_113, %gather3A_96 : vector<16xf32>
          %swap3A = arith.index_cast %select_n3A_34 : i32 to index
          %swap3A_115 = arith.index_cast %add3A_94 : i32 to index
          %swap3A_116 = arith.constant 0 : index
          %swap3A_117 = tpu.vector_load %arg7[%swap3A, %swap3A_115, %swap3A_116] {strides = array<i32>} : memref<2x400x16xf32, #tpu.memory_space<vmem>>, vector<1x1x16xf32>,
          %swap3A_118 = vector.shape_cast %swap3A_117 : vector<1x1x16xf32> to vector<16xf32>
          %swap3A_119 = vector.shape_cast %mul3A_114 : vector<16xf32> to vector<1x1x16xf32>
          tpu.vector_store %arg7[%swap3A, %swap3A_115, %swap3A_116], %swap3A_119 {strides = array<i32>} : memref<2x400x16xf32, #tpu.memory_space<vmem>>, vector<1x1x16xf32>,
          %mul3A_120 = arith.constant 16 : i32
          %mul3A_121 = arith.muli %scan3A_85, %mul3A_120 : i32
          %add3A_122 = arith.constant 1 : i32
          %add3A_123 = arith.addi %mul3A_121, %add3A_122 : i32
          %broadcast_in_dim3A_124 = arith.constant 1 : i32
          %broadcast_in_dim3A_125 = vector.broadcast %broadcast_in_dim3A_124 : i32 to vector<16x1xi32>
          %gather3A_126 = vector.shape_cast %broadcast_in_dim3A_125 : vector<16x1xi32> to vector<16xi32>
          %gather3A_127 = tpu.dynamic_gather %get3A_90[%gather3A_126] in [0] : vector<16xf32>, vector<16xi32> -> vector<16xf32>
          %get3A_128 = arith.constant 0 : i32
          %get3A_129 = arith.index_cast %select_n3A_34 : i32 to index
          %get3A_130 = arith.index_cast %get3A_128 : i32 to index
          %get3A_131 = arith.index_cast %add3A_123 : i32 to index
          %get3A_132 = arith.constant 0 : index
          %get3A_133 = tpu.vector_load %arg5[%get3A_129, %get3A_130, %get3A_131, %get3A_132] {strides = array<i32>} : memref<2x2x400x16xf32, #tpu.memory_space<vmem>>, vector<1x1x1x16xf32>,
          %get3A_134 = vector.shape_cast %get3A_133 : vector<1x1x1x16xf32> to vector<16xf32>
          %get3A_135 = arith.constant 1 : i32
          %get3A_136 = arith.index_cast %select_n3A_34 : i32 to index
          %get3A_137 = arith.index_cast %get3A_135 : i32 to index
          %get3A_138 = arith.index_cast %add3A_123 : i32 to index
          %get3A_139 = arith.constant 0 : index
          %get3A_140 = tpu.vector_load %arg5[%get3A_136, %get3A_137, %get3A_138, %get3A_139] {strides = array<i32>} : memref<2x2x400x16xf32, #tpu.memory_space<vmem>>, vector<1x1x1x16xf32>,
          %get3A_141 = vector.shape_cast %get3A_140 : vector<1x1x1x16xf32> to vector<16xf32>
          %add3A_142 = arith.addf %get3A_134, %get3A_141 : vector<16xf32>
          %max3A_143 = arith.constant 0.000000e+00 : f32
          %max3A_144 = vector.broadcast %max3A_143 : f32 to vector<16xf32>
          %max3A_145 = arith.maximumf %add3A_142, %max3A_144 : vector<16xf32>
          %mul3A_146 = arith.mulf %max3A_145, %gather3A_127 : vector<16xf32>
          %swap3A_147 = arith.index_cast %select_n3A_34 : i32 to index
          %swap3A_148 = arith.index_cast %add3A_123 : i32 to index
          %swap3A_149 = arith.constant 0 : index
          %swap3A_150 = tpu.vector_load %arg7[%swap3A_147, %swap3A_148, %swap3A_149] {strides = array<i32>} : memref<2x400x16xf32, #tpu.memory_space<vmem>>, vector<1x1x16xf32>,
          %swap3A_151 = vector.shape_cast %swap3A_150 : vector<1x1x16xf32> to vector<16xf32>
          %swap3A_152 = vector.shape_cast %mul3A_146 : vector<16xf32> to vector<1x1x16xf32>
          tpu.vector_store %arg7[%swap3A_147, %swap3A_148, %swap3A_149], %swap3A_152 {strides = array<i32>} : memref<2x400x16xf32, #tpu.memory_space<vmem>>, vector<1x1x16xf32>,
          %mul3A_153 = arith.constant 16 : i32
          %mul3A_154 = arith.muli %scan3A_85, %mul3A_153 : i32
          %add3A_155 = arith.constant 2 : i32
          %add3A_156 = arith.addi %mul3A_154, %add3A_155 : i32
          %broadcast_in_dim3A_157 = arith.constant 2 : i32
          %broadcast_in_dim3A_158 = vector.broadcast %broadcast_in_dim3A_157 : i32 to vector<16x1xi32>
          %gather3A_159 = vector.shape_cast %broadcast_in_dim3A_158 : vector<16x1xi32> to vector<16xi32>
          %gather3A_160 = tpu.dynamic_gather %get3A_90[%gather3A_159] in [0] : vector<16xf32>, vector<16xi32> -> vector<16xf32>
          %get3A_161 = arith.constant 0 : i32
          %get3A_162 = arith.index_cast %select_n3A_34 : i32 to index
          %get3A_163 = arith.index_cast %get3A_161 : i32 to index
          %get3A_164 = arith.index_cast %add3A_156 : i32 to index
          %get3A_165 = arith.constant 0 : index
          %get3A_166 = tpu.vector_load %arg5[%get3A_162, %get3A_163, %get3A_164, %get3A_165] {strides = array<i32>} : memref<2x2x400x16xf32, #tpu.memory_space<vmem>>, vector<1x1x1x16xf32>,
          %get3A_167 = vector.shape_cast %get3A_166 : vector<1x1x1x16xf32> to vector<16xf32>
          %get3A_168 = arith.constant 1 : i32
          %get3A_169 = arith.index_cast %select_n3A_34 : i32 to index
          %get3A_170 = arith.index_cast %get3A_168 : i32 to index
          %get3A_171 = arith.index_cast %add3A_156 : i32 to index
          %get3A_172 = arith.constant 0 : index
          %get3A_173 = tpu.vector_load %arg5[%get3A_169, %get3A_170, %get3A_171, %get3A_172] {strides = array<i32>} : memref<2x2x400x16xf32, #tpu.memory_space<vmem>>, vector<1x1x1x16xf32>,
          %get3A_174 = vector.shape_cast %get3A_173 : vector<1x1x1x16xf32> to vector<16xf32>
          %add3A_175 = arith.addf %get3A_167, %get3A_174 : vector<16xf32>
          %max3A_176 = arith.constant 0.000000e+00 : f32
          %max3A_177 = vector.broadcast %max3A_176 : f32 to vector<16xf32>
          %max3A_178 = arith.maximumf %add3A_175, %max3A_177 : vector<16xf32>
          %mul3A_179 = arith.mulf %max3A_178, %gather3A_160 : vector<16xf32>
          %swap3A_180 = arith.index_cast %select_n3A_34 : i32 to index
          %swap3A_181 = arith.index_cast %add3A_156 : i32 to index
          %swap3A_182 = arith.constant 0 : index
          %swap3A_183 = tpu.vector_load %arg7[%swap3A_180, %swap3A_181, %swap3A_182] {strides = array<i32>} : memref<2x400x16xf32, #tpu.memory_space<vmem>>, vector<1x1x16xf32>,
          %swap3A_184 = vector.shape_cast %swap3A_183 : vector<1x1x16xf32> to vector<16xf32>
          %swap3A_185 = vector.shape_cast %mul3A_179 : vector<16xf32> to vector<1x1x16xf32>
          tpu.vector_store %arg7[%swap3A_180, %swap3A_181, %swap3A_182], %swap3A_185 {strides = array<i32>} : memref<2x400x16xf32, #tpu.memory_space<vmem>>, vector<1x1x16xf32>,
          %mul3A_186 = arith.constant 16 : i32
          %mul3A_187 = arith.muli %scan3A_85, %mul3A_186 : i32
          %add3A_188 = arith.constant 3 : i32
          %add3A_189 = arith.addi %mul3A_187, %add3A_188 : i32
          %broadcast_in_dim3A_190 = arith.constant 3 : i32
          %broadcast_in_dim3A_191 = vector.broadcast %broadcast_in_dim3A_190 : i32 to vector<16x1xi32>
          %gather3A_192 = vector.shape_cast %broadcast_in_dim3A_191 : vector<16x1xi32> to vector<16xi32>
          %gather3A_193 = tpu.dynamic_gather %get3A_90[%gather3A_192] in [0] : vector<16xf32>, vector<16xi32> -> vector<16xf32>
          %get3A_194 = arith.constant 0 : i32
          %get3A_195 = arith.index_cast %select_n3A_34 : i32 to index
          %get3A_196 = arith.index_cast %get3A_194 : i32 to index
          %get3A_197 = arith.index_cast %add3A_189 : i32 to index
          %get3A_198 = arith.constant 0 : index
          %get3A_199 = tpu.vector_load %arg5[%get3A_195, %get3A_196, %get3A_197, %get3A_198] {strides = array<i32>} : memref<2x2x400x16xf32, #tpu.memory_space<vmem>>, vector<1x1x1x16xf32>,
          %get3A_200 = vector.shape_cast %get3A_199 : vector<1x1x1x16xf32> to vector<16xf32>
          %get3A_201 = arith.constant 1 : i32
          %get3A_202 = arith.index_cast %select_n3A_34 : i32 to index
          %get3A_203 = arith.index_cast %get3A_201 : i32 to index
          %get3A_204 = arith.index_cast %add3A_189 : i32 to index
          %get3A_205 = arith.constant 0 : index
          %get3A_206 = tpu.vector_load %arg5[%get3A_202, %get3A_203, %get3A_204, %get3A_205] {strides = array<i32>} : memref<2x2x400x16xf32, #tpu.memory_space<vmem>>, vector<1x1x1x16xf32>,
          %get3A_207 = vector.shape_cast %get3A_206 : vector<1x1x1x16xf32> to vector<16xf32>
          %add3A_208 = arith.addf %get3A_200, %get3A_207 : vector<16xf32>
          %max3A_209 = arith.constant 0.000000e+00 : f32
          %max3A_210 = vector.broadcast %max3A_209 : f32 to vector<16xf32>
          %max3A_211 = arith.maximumf %add3A_208, %max3A_210 : vector<16xf32>
          %mul3A_212 = arith.mulf %max3A_211, %gather3A_193 : vector<16xf32>
          %swap3A_213 = arith.index_cast %select_n3A_34 : i32 to index
          %swap3A_214 = arith.index_cast %add3A_189 : i32 to index
          %swap3A_215 = arith.constant 0 : index
          %swap3A_216 = tpu.vector_load %arg7[%swap3A_213, %swap3A_214, %swap3A_215] {strides = array<i32>} : memref<2x400x16xf32, #tpu.memory_space<vmem>>, vector<1x1x16xf32>,
          %swap3A_217 = vector.shape_cast %swap3A_216 : vector<1x1x16xf32> to vector<16xf32>
          %swap3A_218 = vector.shape_cast %mul3A_212 : vector<16xf32> to vector<1x1x16xf32>
          tpu.vector_store %arg7[%swap3A_213, %swap3A_214, %swap3A_215], %swap3A_218 {strides = array<i32>} : memref<2x400x16xf32, #tpu.memory_space<vmem>>, vector<1x1x16xf32>,
          %mul3A_219 = arith.constant 16 : i32
          %mul3A_220 = arith.muli %scan3A_85, %mul3A_219 : i32
          %add3A_221 = arith.constant 4 : i32
          %add3A_222 = arith.addi %mul3A_220, %add3A_221 : i32
          %broadcast_in_dim3A_223 = arith.constant 4 : i32
          %broadcast_in_dim3A_224 = vector.broadcast %broadcast_in_dim3A_223 : i32 to vector<16x1xi32>
          %gather3A_225 = vector.shape_cast %broadcast_in_dim3A_224 : vector<16x1xi32> to vector<16xi32>
          %gather3A_226 = tpu.dynamic_gather %get3A_90[%gather3A_225] in [0] : vector<16xf32>, vector<16xi32> -> vector<16xf32>
          %get3A_227 = arith.constant 0 : i32
          %get3A_228 = arith.index_cast %select_n3A_34 : i32 to index
          %get3A_229 = arith.index_cast %get3A_227 : i32 to index
          %get3A_230 = arith.index_cast %add3A_222 : i32 to index
          %get3A_231 = arith.constant 0 : index
          %get3A_232 = tpu.vector_load %arg5[%get3A_228, %get3A_229, %get3A_230, %get3A_231] {strides = array<i32>} : memref<2x2x400x16xf32, #tpu.memory_space<vmem>>, vector<1x1x1x16xf32>,
          %get3A_233 = vector.shape_cast %get3A_232 : vector<1x1x1x16xf32> to vector<16xf32>
          %get3A_234 = arith.constant 1 : i32
          %get3A_235 = arith.index_cast %select_n3A_34 : i32 to index
          %get3A_236 = arith.index_cast %get3A_234 : i32 to index
          %get3A_237 = arith.index_cast %add3A_222 : i32 to index
          %get3A_238 = arith.constant 0 : index
          %get3A_239 = tpu.vector_load %arg5[%get3A_235, %get3A_236, %get3A_237, %get3A_238] {strides = array<i32>} : memref<2x2x400x16xf32, #tpu.memory_space<vmem>>, vector<1x1x1x16xf32>,
          %get3A_240 = vector.shape_cast %get3A_239 : vector<1x1x1x16xf32> to vector<16xf32>
          %add3A_241 = arith.addf %get3A_233, %get3A_240 : vector<16xf32>
          %max3A_242 = arith.constant 0.000000e+00 : f32
          %max3A_243 = vector.broadcast %max3A_242 : f32 to vector<16xf32>
          %max3A_244 = arith.maximumf %add3A_241, %max3A_243 : vector<16xf32>
          %mul3A_245 = arith.mulf %max3A_244, %gather3A_226 : vector<16xf32>
          %swap3A_246 = arith.index_cast %select_n3A_34 : i32 to index
          %swap3A_247 = arith.index_cast %add3A_222 : i32 to index
          %swap3A_248 = arith.constant 0 : index
          %swap3A_249 = tpu.vector_load %arg7[%swap3A_246, %swap3A_247, %swap3A_248] {strides = array<i32>} : memref<2x400x16xf32, #tpu.memory_space<vmem>>, vector<1x1x16xf32>,
          %swap3A_250 = vector.shape_cast %swap3A_249 : vector<1x1x16xf32> to vector<16xf32>
          %swap3A_251 = vector.shape_cast %mul3A_245 : vector<16xf32> to vector<1x1x16xf32>
          tpu.vector_store %arg7[%swap3A_246, %swap3A_247, %swap3A_248], %swap3A_251 {strides = array<i32>} : memref<2x400x16xf32, #tpu.memory_space<vmem>>, vector<1x1x16xf32>,
          %mul3A_252 = arith.constant 16 : i32
          %mul3A_253 = arith.muli %scan3A_85, %mul3A_252 : i32
          %add3A_254 = arith.constant 5 : i32
          %add3A_255 = arith.addi %mul3A_253, %add3A_254 : i32
          %broadcast_in_dim3A_256 = arith.constant 5 : i32
          %broadcast_in_dim3A_257 = vector.broadcast %broadcast_in_dim3A_256 : i32 to vector<16x1xi32>
          %gather3A_258 = vector.shape_cast %broadcast_in_dim3A_257 : vector<16x1xi32> to vector<16xi32>
          %gather3A_259 = tpu.dynamic_gather %get3A_90[%gather3A_258] in [0] : vector<16xf32>, vector<16xi32> -> vector<16xf32>
          %get3A_260 = arith.constant 0 : i32
          %get3A_261 = arith.index_cast %select_n3A_34 : i32 to index
          %get3A_262 = arith.index_cast %get3A_260 : i32 to index
          %get3A_263 = arith.index_cast %add3A_255 : i32 to index
          %get3A_264 = arith.constant 0 : index
          %get3A_265 = tpu.vector_load %arg5[%get3A_261, %get3A_262, %get3A_263, %get3A_264] {strides = array<i32>} : memref<2x2x400x16xf32, #tpu.memory_space<vmem>>, vector<1x1x1x16xf32>,
          %get3A_266 = vector.shape_cast %get3A_265 : vector<1x1x1x16xf32> to vector<16xf32>
          %get3A_267 = arith.constant 1 : i32
          %get3A_268 = arith.index_cast %select_n3A_34 : i32 to index
          %get3A_269 = arith.index_cast %get3A_267 : i32 to index
          %get3A_270 = arith.index_cast %add3A_255 : i32 to index
          %get3A_271 = arith.constant 0 : index
          %get3A_272 = tpu.vector_load %arg5[%get3A_268, %get3A_269, %get3A_270, %get3A_271] {strides = array<i32>} : memref<2x2x400x16xf32, #tpu.memory_space<vmem>>, vector<1x1x1x16xf32>,
          %get3A_273 = vector.shape_cast %get3A_272 : vector<1x1x1x16xf32> to vector<16xf32>
          %add3A_274 = arith.addf %get3A_266, %get3A_273 : vector<16xf32>
          %max3A_275 = arith.constant 0.000000e+00 : f32
          %max3A_276 = vector.broadcast %max3A_275 : f32 to vector<16xf32>
          %max3A_277 = arith.maximumf %add3A_274, %max3A_276 : vector<16xf32>
          %mul3A_278 = arith.mulf %max3A_277, %gather3A_259 : vector<16xf32>
          %swap3A_279 = arith.index_cast %select_n3A_34 : i32 to index
          %swap3A_280 = arith.index_cast %add3A_255 : i32 to index
          %swap3A_281 = arith.constant 0 : index
          %swap3A_282 = tpu.vector_load %arg7[%swap3A_279, %swap3A_280, %swap3A_281] {strides = array<i32>} : memref<2x400x16xf32, #tpu.memory_space<vmem>>, vector<1x1x16xf32>,
          %swap3A_283 = vector.shape_cast %swap3A_282 : vector<1x1x16xf32> to vector<16xf32>
          %swap3A_284 = vector.shape_cast %mul3A_278 : vector<16xf32> to vector<1x1x16xf32>
          tpu.vector_store %arg7[%swap3A_279, %swap3A_280, %swap3A_281], %swap3A_284 {strides = array<i32>} : memref<2x400x16xf32, #tpu.memory_space<vmem>>, vector<1x1x16xf32>,
          %mul3A_285 = arith.constant 16 : i32
          %mul3A_286 = arith.muli %scan3A_85, %mul3A_285 : i32
          %add3A_287 = arith.constant 6 : i32
          %add3A_288 = arith.addi %mul3A_286, %add3A_287 : i32
          %broadcast_in_dim3A_289 = arith.constant 6 : i32
          %broadcast_in_dim3A_290 = vector.broadcast %broadcast_in_dim3A_289 : i32 to vector<16x1xi32>
          %gather3A_291 = vector.shape_cast %broadcast_in_dim3A_290 : vector<16x1xi32> to vector<16xi32>
          %gather3A_292 = tpu.dynamic_gather %get3A_90[%gather3A_291] in [0] : vector<16xf32>, vector<16xi32> -> vector<16xf32>
          %get3A_293 = arith.constant 0 : i32
          %get3A_294 = arith.index_cast %select_n3A_34 : i32 to index
          %get3A_295 = arith.index_cast %get3A_293 : i32 to index
          %get3A_296 = arith.index_cast %add3A_288 : i32 to index
          %get3A_297 = arith.constant 0 : index
          %get3A_298 = tpu.vector_load %arg5[%get3A_294, %get3A_295, %get3A_296, %get3A_297] {strides = array<i32>} : memref<2x2x400x16xf32, #tpu.memory_space<vmem>>, vector<1x1x1x16xf32>,
          %get3A_299 = vector.shape_cast %get3A_298 : vector<1x1x1x16xf32> to vector<16xf32>
          %get3A_300 = arith.constant 1 : i32
          %get3A_301 = arith.index_cast %select_n3A_34 : i32 to index
          %get3A_302 = arith.index_cast %get3A_300 : i32 to index
          %get3A_303 = arith.index_cast %add3A_288 : i32 to index
          %get3A_304 = arith.constant 0 : index
          %get3A_305 = tpu.vector_load %arg5[%get3A_301, %get3A_302, %get3A_303, %get3A_304] {strides = array<i32>} : memref<2x2x400x16xf32, #tpu.memory_space<vmem>>, vector<1x1x1x16xf32>,
          %get3A_306 = vector.shape_cast %get3A_305 : vector<1x1x1x16xf32> to vector<16xf32>
          %add3A_307 = arith.addf %get3A_299, %get3A_306 : vector<16xf32>
          %max3A_308 = arith.constant 0.000000e+00 : f32
          %max3A_309 = vector.broadcast %max3A_308 : f32 to vector<16xf32>
          %max3A_310 = arith.maximumf %add3A_307, %max3A_309 : vector<16xf32>
          %mul3A_311 = arith.mulf %max3A_310, %gather3A_292 : vector<16xf32>
          %swap3A_312 = arith.index_cast %select_n3A_34 : i32 to index
          %swap3A_313 = arith.index_cast %add3A_288 : i32 to index
          %swap3A_314 = arith.constant 0 : index
          %swap3A_315 = tpu.vector_load %arg7[%swap3A_312, %swap3A_313, %swap3A_314] {strides = array<i32>} : memref<2x400x16xf32, #tpu.memory_space<vmem>>, vector<1x1x16xf32>,
          %swap3A_316 = vector.shape_cast %swap3A_315 : vector<1x1x16xf32> to vector<16xf32>
          %swap3A_317 = vector.shape_cast %mul3A_311 : vector<16xf32> to vector<1x1x16xf32>
          tpu.vector_store %arg7[%swap3A_312, %swap3A_313, %swap3A_314], %swap3A_317 {strides = array<i32>} : memref<2x400x16xf32, #tpu.memory_space<vmem>>, vector<1x1x16xf32>,
          %mul3A_318 = arith.constant 16 : i32
          %mul3A_319 = arith.muli %scan3A_85, %mul3A_318 : i32
          %add3A_320 = arith.constant 7 : i32
          %add3A_321 = arith.addi %mul3A_319, %add3A_320 : i32
          %broadcast_in_dim3A_322 = arith.constant 7 : i32
          %broadcast_in_dim3A_323 = vector.broadcast %broadcast_in_dim3A_322 : i32 to vector<16x1xi32>
          %gather3A_324 = vector.shape_cast %broadcast_in_dim3A_323 : vector<16x1xi32> to vector<16xi32>
          %gather3A_325 = tpu.dynamic_gather %get3A_90[%gather3A_324] in [0] : vector<16xf32>, vector<16xi32> -> vector<16xf32>
          %get3A_326 = arith.constant 0 : i32
          %get3A_327 = arith.index_cast %select_n3A_34 : i32 to index
          %get3A_328 = arith.index_cast %get3A_326 : i32 to index
          %get3A_329 = arith.index_cast %add3A_321 : i32 to index
          %get3A_330 = arith.constant 0 : index
          %get3A_331 = tpu.vector_load %arg5[%get3A_327, %get3A_328, %get3A_329, %get3A_330] {strides = array<i32>} : memref<2x2x400x16xf32, #tpu.memory_space<vmem>>, vector<1x1x1x16xf32>,
          %get3A_332 = vector.shape_cast %get3A_331 : vector<1x1x1x16xf32> to vector<16xf32>
          %get3A_333 = arith.constant 1 : i32
          %get3A_334 = arith.index_cast %select_n3A_34 : i32 to index
          %get3A_335 = arith.index_cast %get3A_333 : i32 to index
          %get3A_336 = arith.index_cast %add3A_321 : i32 to index
          %get3A_337 = arith.constant 0 : index
          %get3A_338 = tpu.vector_load %arg5[%get3A_334, %get3A_335, %get3A_336, %get3A_337] {strides = array<i32>} : memref<2x2x400x16xf32, #tpu.memory_space<vmem>>, vector<1x1x1x16xf32>,
          %get3A_339 = vector.shape_cast %get3A_338 : vector<1x1x1x16xf32> to vector<16xf32>
          %add3A_340 = arith.addf %get3A_332, %get3A_339 : vector<16xf32>
          %max3A_341 = arith.constant 0.000000e+00 : f32
          %max3A_342 = vector.broadcast %max3A_341 : f32 to vector<16xf32>
          %max3A_343 = arith.maximumf %add3A_340, %max3A_342 : vector<16xf32>
          %mul3A_344 = arith.mulf %max3A_343, %gather3A_325 : vector<16xf32>
          %swap3A_345 = arith.index_cast %select_n3A_34 : i32 to index
          %swap3A_346 = arith.index_cast %add3A_321 : i32 to index
          %swap3A_347 = arith.constant 0 : index
          %swap3A_348 = tpu.vector_load %arg7[%swap3A_345, %swap3A_346, %swap3A_347] {strides = array<i32>} : memref<2x400x16xf32, #tpu.memory_space<vmem>>, vector<1x1x16xf32>,
          %swap3A_349 = vector.shape_cast %swap3A_348 : vector<1x1x16xf32> to vector<16xf32>
          %swap3A_350 = vector.shape_cast %mul3A_344 : vector<16xf32> to vector<1x1x16xf32>
          tpu.vector_store %arg7[%swap3A_345, %swap3A_346, %swap3A_347], %swap3A_350 {strides = array<i32>} : memref<2x400x16xf32, #tpu.memory_space<vmem>>, vector<1x1x16xf32>,
          %mul3A_351 = arith.constant 16 : i32
          %mul3A_352 = arith.muli %scan3A_85, %mul3A_351 : i32
          %add3A_353 = arith.constant 8 : i32
          %add3A_354 = arith.addi %mul3A_352, %add3A_353 : i32
          %broadcast_in_dim3A_355 = arith.constant 8 : i32
          %broadcast_in_dim3A_356 = vector.broadcast %broadcast_in_dim3A_355 : i32 to vector<16x1xi32>
          %gather3A_357 = vector.shape_cast %broadcast_in_dim3A_356 : vector<16x1xi32> to vector<16xi32>
          %gather3A_358 = tpu.dynamic_gather %get3A_90[%gather3A_357] in [0] : vector<16xf32>, vector<16xi32> -> vector<16xf32>
          %get3A_359 = arith.constant 0 : i32
          %get3A_360 = arith.index_cast %select_n3A_34 : i32 to index
          %get3A_361 = arith.index_cast %get3A_359 : i32 to index
          %get3A_362 = arith.index_cast %add3A_354 : i32 to index
          %get3A_363 = arith.constant 0 : index
          %get3A_364 = tpu.vector_load %arg5[%get3A_360, %get3A_361, %get3A_362, %get3A_363] {strides = array<i32>} : memref<2x2x400x16xf32, #tpu.memory_space<vmem>>, vector<1x1x1x16xf32>,
          %get3A_365 = vector.shape_cast %get3A_364 : vector<1x1x1x16xf32> to vector<16xf32>
          %get3A_366 = arith.constant 1 : i32
          %get3A_367 = arith.index_cast %select_n3A_34 : i32 to index
          %get3A_368 = arith.index_cast %get3A_366 : i32 to index
          %get3A_369 = arith.index_cast %add3A_354 : i32 to index
          %get3A_370 = arith.constant 0 : index
          %get3A_371 = tpu.vector_load %arg5[%get3A_367, %get3A_368, %get3A_369, %get3A_370] {strides = array<i32>} : memref<2x2x400x16xf32, #tpu.memory_space<vmem>>, vector<1x1x1x16xf32>,
          %get3A_372 = vector.shape_cast %get3A_371 : vector<1x1x1x16xf32> to vector<16xf32>
          %add3A_373 = arith.addf %get3A_365, %get3A_372 : vector<16xf32>
          %max3A_374 = arith.constant 0.000000e+00 : f32
          %max3A_375 = vector.broadcast %max3A_374 : f32 to vector<16xf32>
          %max3A_376 = arith.maximumf %add3A_373, %max3A_375 : vector<16xf32>
          %mul3A_377 = arith.mulf %max3A_376, %gather3A_358 : vector<16xf32>
          %swap3A_378 = arith.index_cast %select_n3A_34 : i32 to index
          %swap3A_379 = arith.index_cast %add3A_354 : i32 to index
          %swap3A_380 = arith.constant 0 : index
          %swap3A_381 = tpu.vector_load %arg7[%swap3A_378, %swap3A_379, %swap3A_380] {strides = array<i32>} : memref<2x400x16xf32, #tpu.memory_space<vmem>>, vector<1x1x16xf32>,
          %swap3A_382 = vector.shape_cast %swap3A_381 : vector<1x1x16xf32> to vector<16xf32>
          %swap3A_383 = vector.shape_cast %mul3A_377 : vector<16xf32> to vector<1x1x16xf32>
          tpu.vector_store %arg7[%swap3A_378, %swap3A_379, %swap3A_380], %swap3A_383 {strides = array<i32>} : memref<2x400x16xf32, #tpu.memory_space<vmem>>, vector<1x1x16xf32>,
          %mul3A_384 = arith.constant 16 : i32
          %mul3A_385 = arith.muli %scan3A_85, %mul3A_384 : i32
          %add3A_386 = arith.constant 9 : i32
          %add3A_387 = arith.addi %mul3A_385, %add3A_386 : i32
          %broadcast_in_dim3A_388 = arith.constant 9 : i32
          %broadcast_in_dim3A_389 = vector.broadcast %broadcast_in_dim3A_388 : i32 to vector<16x1xi32>
          %gather3A_390 = vector.shape_cast %broadcast_in_dim3A_389 : vector<16x1xi32> to vector<16xi32>
          %gather3A_391 = tpu.dynamic_gather %get3A_90[%gather3A_390] in [0] : vector<16xf32>, vector<16xi32> -> vector<16xf32>
          %get3A_392 = arith.constant 0 : i32
          %get3A_393 = arith.index_cast %select_n3A_34 : i32 to index
          %get3A_394 = arith.index_cast %get3A_392 : i32 to index
          %get3A_395 = arith.index_cast %add3A_387 : i32 to index
          %get3A_396 = arith.constant 0 : index
          %get3A_397 = tpu.vector_load %arg5[%get3A_393, %get3A_394, %get3A_395, %get3A_396] {strides = array<i32>} : memref<2x2x400x16xf32, #tpu.memory_space<vmem>>, vector<1x1x1x16xf32>,
          %get3A_398 = vector.shape_cast %get3A_397 : vector<1x1x1x16xf32> to vector<16xf32>
          %get3A_399 = arith.constant 1 : i32
          %get3A_400 = arith.index_cast %select_n3A_34 : i32 to index
          %get3A_401 = arith.index_cast %get3A_399 : i32 to index
          %get3A_402 = arith.index_cast %add3A_387 : i32 to index
          %get3A_403 = arith.constant 0 : index
          %get3A_404 = tpu.vector_load %arg5[%get3A_400, %get3A_401, %get3A_402, %get3A_403] {strides = array<i32>} : memref<2x2x400x16xf32, #tpu.memory_space<vmem>>, vector<1x1x1x16xf32>,
          %get3A_405 = vector.shape_cast %get3A_404 : vector<1x1x1x16xf32> to vector<16xf32>
          %add3A_406 = arith.addf %get3A_398, %get3A_405 : vector<16xf32>
          %max3A_407 = arith.constant 0.000000e+00 : f32
          %max3A_408 = vector.broadcast %max3A_407 : f32 to vector<16xf32>
          %max3A_409 = arith.maximumf %add3A_406, %max3A_408 : vector<16xf32>
          %mul3A_410 = arith.mulf %max3A_409, %gather3A_391 : vector<16xf32>
          %swap3A_411 = arith.index_cast %select_n3A_34 : i32 to index
          %swap3A_412 = arith.index_cast %add3A_387 : i32 to index
          %swap3A_413 = arith.constant 0 : index
          %swap3A_414 = tpu.vector_load %arg7[%swap3A_411, %swap3A_412, %swap3A_413] {strides = array<i32>} : memref<2x400x16xf32, #tpu.memory_space<vmem>>, vector<1x1x16xf32>,
          %swap3A_415 = vector.shape_cast %swap3A_414 : vector<1x1x16xf32> to vector<16xf32>
          %swap3A_416 = vector.shape_cast %mul3A_410 : vector<16xf32> to vector<1x1x16xf32>
          tpu.vector_store %arg7[%swap3A_411, %swap3A_412, %swap3A_413], %swap3A_416 {strides = array<i32>} : memref<2x400x16xf32, #tpu.memory_space<vmem>>, vector<1x1x16xf32>,
          %mul3A_417 = arith.constant 16 : i32
          %mul3A_418 = arith.muli %scan3A_85, %mul3A_417 : i32
          %add3A_419 = arith.constant 10 : i32
          %add3A_420 = arith.addi %mul3A_418, %add3A_419 : i32
          %broadcast_in_dim3A_421 = arith.constant 10 : i32
          %broadcast_in_dim3A_422 = vector.broadcast %broadcast_in_dim3A_421 : i32 to vector<16x1xi32>
          %gather3A_423 = vector.shape_cast %broadcast_in_dim3A_422 : vector<16x1xi32> to vector<16xi32>
          %gather3A_424 = tpu.dynamic_gather %get3A_90[%gather3A_423] in [0] : vector<16xf32>, vector<16xi32> -> vector<16xf32>
          %get3A_425 = arith.constant 0 : i32
          %get3A_426 = arith.index_cast %select_n3A_34 : i32 to index
          %get3A_427 = arith.index_cast %get3A_425 : i32 to index
          %get3A_428 = arith.index_cast %add3A_420 : i32 to index
          %get3A_429 = arith.constant 0 : index
          %get3A_430 = tpu.vector_load %arg5[%get3A_426, %get3A_427, %get3A_428, %get3A_429] {strides = array<i32>} : memref<2x2x400x16xf32, #tpu.memory_space<vmem>>, vector<1x1x1x16xf32>,
          %get3A_431 = vector.shape_cast %get3A_430 : vector<1x1x1x16xf32> to vector<16xf32>
          %get3A_432 = arith.constant 1 : i32
          %get3A_433 = arith.index_cast %select_n3A_34 : i32 to index
          %get3A_434 = arith.index_cast %get3A_432 : i32 to index
          %get3A_435 = arith.index_cast %add3A_420 : i32 to index
          %get3A_436 = arith.constant 0 : index
          %get3A_437 = tpu.vector_load %arg5[%get3A_433, %get3A_434, %get3A_435, %get3A_436] {strides = array<i32>} : memref<2x2x400x16xf32, #tpu.memory_space<vmem>>, vector<1x1x1x16xf32>,
          %get3A_438 = vector.shape_cast %get3A_437 : vector<1x1x1x16xf32> to vector<16xf32>
          %add3A_439 = arith.addf %get3A_431, %get3A_438 : vector<16xf32>
          %max3A_440 = arith.constant 0.000000e+00 : f32
          %max3A_441 = vector.broadcast %max3A_440 : f32 to vector<16xf32>
          %max3A_442 = arith.maximumf %add3A_439, %max3A_441 : vector<16xf32>
          %mul3A_443 = arith.mulf %max3A_442, %gather3A_424 : vector<16xf32>
          %swap3A_444 = arith.index_cast %select_n3A_34 : i32 to index
          %swap3A_445 = arith.index_cast %add3A_420 : i32 to index
          %swap3A_446 = arith.constant 0 : index
          %swap3A_447 = tpu.vector_load %arg7[%swap3A_444, %swap3A_445, %swap3A_446] {strides = array<i32>} : memref<2x400x16xf32, #tpu.memory_space<vmem>>, vector<1x1x16xf32>,
          %swap3A_448 = vector.shape_cast %swap3A_447 : vector<1x1x16xf32> to vector<16xf32>
          %swap3A_449 = vector.shape_cast %mul3A_443 : vector<16xf32> to vector<1x1x16xf32>
          tpu.vector_store %arg7[%swap3A_444, %swap3A_445, %swap3A_446], %swap3A_449 {strides = array<i32>} : memref<2x400x16xf32, #tpu.memory_space<vmem>>, vector<1x1x16xf32>,
          %mul3A_450 = arith.constant 16 : i32
          %mul3A_451 = arith.muli %scan3A_85, %mul3A_450 : i32
          %add3A_452 = arith.constant 11 : i32
          %add3A_453 = arith.addi %mul3A_451, %add3A_452 : i32
          %broadcast_in_dim3A_454 = arith.constant 11 : i32
          %broadcast_in_dim3A_455 = vector.broadcast %broadcast_in_dim3A_454 : i32 to vector<16x1xi32>
          %gather3A_456 = vector.shape_cast %broadcast_in_dim3A_455 : vector<16x1xi32> to vector<16xi32>
          %gather3A_457 = tpu.dynamic_gather %get3A_90[%gather3A_456] in [0] : vector<16xf32>, vector<16xi32> -> vector<16xf32>
          %get3A_458 = arith.constant 0 : i32
          %get3A_459 = arith.index_cast %select_n3A_34 : i32 to index
          %get3A_460 = arith.index_cast %get3A_458 : i32 to index
          %get3A_461 = arith.index_cast %add3A_453 : i32 to index
          %get3A_462 = arith.constant 0 : index
          %get3A_463 = tpu.vector_load %arg5[%get3A_459, %get3A_460, %get3A_461, %get3A_462] {strides = array<i32>} : memref<2x2x400x16xf32, #tpu.memory_space<vmem>>, vector<1x1x1x16xf32>,
          %get3A_464 = vector.shape_cast %get3A_463 : vector<1x1x1x16xf32> to vector<16xf32>
          %get3A_465 = arith.constant 1 : i32
          %get3A_466 = arith.index_cast %select_n3A_34 : i32 to index
          %get3A_467 = arith.index_cast %get3A_465 : i32 to index
          %get3A_468 = arith.index_cast %add3A_453 : i32 to index
          %get3A_469 = arith.constant 0 : index
          %get3A_470 = tpu.vector_load %arg5[%get3A_466, %get3A_467, %get3A_468, %get3A_469] {strides = array<i32>} : memref<2x2x400x16xf32, #tpu.memory_space<vmem>>, vector<1x1x1x16xf32>,
          %get3A_471 = vector.shape_cast %get3A_470 : vector<1x1x1x16xf32> to vector<16xf32>
          %add3A_472 = arith.addf %get3A_464, %get3A_471 : vector<16xf32>
          %max3A_473 = arith.constant 0.000000e+00 : f32
          %max3A_474 = vector.broadcast %max3A_473 : f32 to vector<16xf32>
          %max3A_475 = arith.maximumf %add3A_472, %max3A_474 : vector<16xf32>
          %mul3A_476 = arith.mulf %max3A_475, %gather3A_457 : vector<16xf32>
          %swap3A_477 = arith.index_cast %select_n3A_34 : i32 to index
          %swap3A_478 = arith.index_cast %add3A_453 : i32 to index
          %swap3A_479 = arith.constant 0 : index
          %swap3A_480 = tpu.vector_load %arg7[%swap3A_477, %swap3A_478, %swap3A_479] {strides = array<i32>} : memref<2x400x16xf32, #tpu.memory_space<vmem>>, vector<1x1x16xf32>,
          %swap3A_481 = vector.shape_cast %swap3A_480 : vector<1x1x16xf32> to vector<16xf32>
          %swap3A_482 = vector.shape_cast %mul3A_476 : vector<16xf32> to vector<1x1x16xf32>
          tpu.vector_store %arg7[%swap3A_477, %swap3A_478, %swap3A_479], %swap3A_482 {strides = array<i32>} : memref<2x400x16xf32, #tpu.memory_space<vmem>>, vector<1x1x16xf32>,
          %mul3A_483 = arith.constant 16 : i32
          %mul3A_484 = arith.muli %scan3A_85, %mul3A_483 : i32
          %add3A_485 = arith.constant 12 : i32
          %add3A_486 = arith.addi %mul3A_484, %add3A_485 : i32
          %broadcast_in_dim3A_487 = arith.constant 12 : i32
          %broadcast_in_dim3A_488 = vector.broadcast %broadcast_in_dim3A_487 : i32 to vector<16x1xi32>
          %gather3A_489 = vector.shape_cast %broadcast_in_dim3A_488 : vector<16x1xi32> to vector<16xi32>
          %gather3A_490 = tpu.dynamic_gather %get3A_90[%gather3A_489] in [0] : vector<16xf32>, vector<16xi32> -> vector<16xf32>
          %get3A_491 = arith.constant 0 : i32
          %get3A_492 = arith.index_cast %select_n3A_34 : i32 to index
          %get3A_493 = arith.index_cast %get3A_491 : i32 to index
          %get3A_494 = arith.index_cast %add3A_486 : i32 to index
          %get3A_495 = arith.constant 0 : index
          %get3A_496 = tpu.vector_load %arg5[%get3A_492, %get3A_493, %get3A_494, %get3A_495] {strides = array<i32>} : memref<2x2x400x16xf32, #tpu.memory_space<vmem>>, vector<1x1x1x16xf32>,
          %get3A_497 = vector.shape_cast %get3A_496 : vector<1x1x1x16xf32> to vector<16xf32>
          %get3A_498 = arith.constant 1 : i32
          %get3A_499 = arith.index_cast %select_n3A_34 : i32 to index
          %get3A_500 = arith.index_cast %get3A_498 : i32 to index
          %get3A_501 = arith.index_cast %add3A_486 : i32 to index
          %get3A_502 = arith.constant 0 : index
          %get3A_503 = tpu.vector_load %arg5[%get3A_499, %get3A_500, %get3A_501, %get3A_502] {strides = array<i32>} : memref<2x2x400x16xf32, #tpu.memory_space<vmem>>, vector<1x1x1x16xf32>,
          %get3A_504 = vector.shape_cast %get3A_503 : vector<1x1x1x16xf32> to vector<16xf32>
          %add3A_505 = arith.addf %get3A_497, %get3A_504 : vector<16xf32>
          %max3A_506 = arith.constant 0.000000e+00 : f32
          %max3A_507 = vector.broadcast %max3A_506 : f32 to vector<16xf32>
          %max3A_508 = arith.maximumf %add3A_505, %max3A_507 : vector<16xf32>
          %mul3A_509 = arith.mulf %max3A_508, %gather3A_490 : vector<16xf32>
          %swap3A_510 = arith.index_cast %select_n3A_34 : i32 to index
          %swap3A_511 = arith.index_cast %add3A_486 : i32 to index
          %swap3A_512 = arith.constant 0 : index
          %swap3A_513 = tpu.vector_load %arg7[%swap3A_510, %swap3A_511, %swap3A_512] {strides = array<i32>} : memref<2x400x16xf32, #tpu.memory_space<vmem>>, vector<1x1x16xf32>,
          %swap3A_514 = vector.shape_cast %swap3A_513 : vector<1x1x16xf32> to vector<16xf32>
          %swap3A_515 = vector.shape_cast %mul3A_509 : vector<16xf32> to vector<1x1x16xf32>
          tpu.vector_store %arg7[%swap3A_510, %swap3A_511, %swap3A_512], %swap3A_515 {strides = array<i32>} : memref<2x400x16xf32, #tpu.memory_space<vmem>>, vector<1x1x16xf32>,
          %mul3A_516 = arith.constant 16 : i32
          %mul3A_517 = arith.muli %scan3A_85, %mul3A_516 : i32
          %add3A_518 = arith.constant 13 : i32
          %add3A_519 = arith.addi %mul3A_517, %add3A_518 : i32
          %broadcast_in_dim3A_520 = arith.constant 13 : i32
          %broadcast_in_dim3A_521 = vector.broadcast %broadcast_in_dim3A_520 : i32 to vector<16x1xi32>
          %gather3A_522 = vector.shape_cast %broadcast_in_dim3A_521 : vector<16x1xi32> to vector<16xi32>
          %gather3A_523 = tpu.dynamic_gather %get3A_90[%gather3A_522] in [0] : vector<16xf32>, vector<16xi32> -> vector<16xf32>
          %get3A_524 = arith.constant 0 : i32
          %get3A_525 = arith.index_cast %select_n3A_34 : i32 to index
          %get3A_526 = arith.index_cast %get3A_524 : i32 to index
          %get3A_527 = arith.index_cast %add3A_519 : i32 to index
          %get3A_528 = arith.constant 0 : index
          %get3A_529 = tpu.vector_load %arg5[%get3A_525, %get3A_526, %get3A_527, %get3A_528] {strides = array<i32>} : memref<2x2x400x16xf32, #tpu.memory_space<vmem>>, vector<1x1x1x16xf32>,
          %get3A_530 = vector.shape_cast %get3A_529 : vector<1x1x1x16xf32> to vector<16xf32>
          %get3A_531 = arith.constant 1 : i32
          %get3A_532 = arith.index_cast %select_n3A_34 : i32 to index
          %get3A_533 = arith.index_cast %get3A_531 : i32 to index
          %get3A_534 = arith.index_cast %add3A_519 : i32 to index
          %get3A_535 = arith.constant 0 : index
          %get3A_536 = tpu.vector_load %arg5[%get3A_532, %get3A_533, %get3A_534, %get3A_535] {strides = array<i32>} : memref<2x2x400x16xf32, #tpu.memory_space<vmem>>, vector<1x1x1x16xf32>,
          %get3A_537 = vector.shape_cast %get3A_536 : vector<1x1x1x16xf32> to vector<16xf32>
          %add3A_538 = arith.addf %get3A_530, %get3A_537 : vector<16xf32>
          %max3A_539 = arith.constant 0.000000e+00 : f32
          %max3A_540 = vector.broadcast %max3A_539 : f32 to vector<16xf32>
          %max3A_541 = arith.maximumf %add3A_538, %max3A_540 : vector<16xf32>
          %mul3A_542 = arith.mulf %max3A_541, %gather3A_523 : vector<16xf32>
          %swap3A_543 = arith.index_cast %select_n3A_34 : i32 to index
          %swap3A_544 = arith.index_cast %add3A_519 : i32 to index
          %swap3A_545 = arith.constant 0 : index
          %swap3A_546 = tpu.vector_load %arg7[%swap3A_543, %swap3A_544, %swap3A_545] {strides = array<i32>} : memref<2x400x16xf32, #tpu.memory_space<vmem>>, vector<1x1x16xf32>,
          %swap3A_547 = vector.shape_cast %swap3A_546 : vector<1x1x16xf32> to vector<16xf32>
          %swap3A_548 = vector.shape_cast %mul3A_542 : vector<16xf32> to vector<1x1x16xf32>
          tpu.vector_store %arg7[%swap3A_543, %swap3A_544, %swap3A_545], %swap3A_548 {strides = array<i32>} : memref<2x400x16xf32, #tpu.memory_space<vmem>>, vector<1x1x16xf32>,
          %mul3A_549 = arith.constant 16 : i32
          %mul3A_550 = arith.muli %scan3A_85, %mul3A_549 : i32
          %add3A_551 = arith.constant 14 : i32
          %add3A_552 = arith.addi %mul3A_550, %add3A_551 : i32
          %broadcast_in_dim3A_553 = arith.constant 14 : i32
          %broadcast_in_dim3A_554 = vector.broadcast %broadcast_in_dim3A_553 : i32 to vector<16x1xi32>
          %gather3A_555 = vector.shape_cast %broadcast_in_dim3A_554 : vector<16x1xi32> to vector<16xi32>
          %gather3A_556 = tpu.dynamic_gather %get3A_90[%gather3A_555] in [0] : vector<16xf32>, vector<16xi32> -> vector<16xf32>
          %get3A_557 = arith.constant 0 : i32
          %get3A_558 = arith.index_cast %select_n3A_34 : i32 to index
          %get3A_559 = arith.index_cast %get3A_557 : i32 to index
          %get3A_560 = arith.index_cast %add3A_552 : i32 to index
          %get3A_561 = arith.constant 0 : index
          %get3A_562 = tpu.vector_load %arg5[%get3A_558, %get3A_559, %get3A_560, %get3A_561] {strides = array<i32>} : memref<2x2x400x16xf32, #tpu.memory_space<vmem>>, vector<1x1x1x16xf32>,
          %get3A_563 = vector.shape_cast %get3A_562 : vector<1x1x1x16xf32> to vector<16xf32>
          %get3A_564 = arith.constant 1 : i32
          %get3A_565 = arith.index_cast %select_n3A_34 : i32 to index
          %get3A_566 = arith.index_cast %get3A_564 : i32 to index
          %get3A_567 = arith.index_cast %add3A_552 : i32 to index
          %get3A_568 = arith.constant 0 : index
          %get3A_569 = tpu.vector_load %arg5[%get3A_565, %get3A_566, %get3A_567, %get3A_568] {strides = array<i32>} : memref<2x2x400x16xf32, #tpu.memory_space<vmem>>, vector<1x1x1x16xf32>,
          %get3A_570 = vector.shape_cast %get3A_569 : vector<1x1x1x16xf32> to vector<16xf32>
          %add3A_571 = arith.addf %get3A_563, %get3A_570 : vector<16xf32>
          %max3A_572 = arith.constant 0.000000e+00 : f32
          %max3A_573 = vector.broadcast %max3A_572 : f32 to vector<16xf32>
          %max3A_574 = arith.maximumf %add3A_571, %max3A_573 : vector<16xf32>
          %mul3A_575 = arith.mulf %max3A_574, %gather3A_556 : vector<16xf32>
          %swap3A_576 = arith.index_cast %select_n3A_34 : i32 to index
          %swap3A_577 = arith.index_cast %add3A_552 : i32 to index
          %swap3A_578 = arith.constant 0 : index
          %swap3A_579 = tpu.vector_load %arg7[%swap3A_576, %swap3A_577, %swap3A_578] {strides = array<i32>} : memref<2x400x16xf32, #tpu.memory_space<vmem>>, vector<1x1x16xf32>,
          %swap3A_580 = vector.shape_cast %swap3A_579 : vector<1x1x16xf32> to vector<16xf32>
          %swap3A_581 = vector.shape_cast %mul3A_575 : vector<16xf32> to vector<1x1x16xf32>
          tpu.vector_store %arg7[%swap3A_576, %swap3A_577, %swap3A_578], %swap3A_581 {strides = array<i32>} : memref<2x400x16xf32, #tpu.memory_space<vmem>>, vector<1x1x16xf32>,
          %mul3A_582 = arith.constant 16 : i32
          %mul3A_583 = arith.muli %scan3A_85, %mul3A_582 : i32
          %add3A_584 = arith.constant 15 : i32
          %add3A_585 = arith.addi %mul3A_583, %add3A_584 : i32
          %broadcast_in_dim3A_586 = arith.constant 15 : i32
          %broadcast_in_dim3A_587 = vector.broadcast %broadcast_in_dim3A_586 : i32 to vector<16x1xi32>
          %gather3A_588 = vector.shape_cast %broadcast_in_dim3A_587 : vector<16x1xi32> to vector<16xi32>
          %gather3A_589 = tpu.dynamic_gather %get3A_90[%gather3A_588] in [0] : vector<16xf32>, vector<16xi32> -> vector<16xf32>
          %get3A_590 = arith.constant 0 : i32
          %get3A_591 = arith.index_cast %select_n3A_34 : i32 to index
          %get3A_592 = arith.index_cast %get3A_590 : i32 to index
          %get3A_593 = arith.index_cast %add3A_585 : i32 to index
          %get3A_594 = arith.constant 0 : index
          %get3A_595 = tpu.vector_load %arg5[%get3A_591, %get3A_592, %get3A_593, %get3A_594] {strides = array<i32>} : memref<2x2x400x16xf32, #tpu.memory_space<vmem>>, vector<1x1x1x16xf32>,
          %get3A_596 = vector.shape_cast %get3A_595 : vector<1x1x1x16xf32> to vector<16xf32>
          %get3A_597 = arith.constant 1 : i32
          %get3A_598 = arith.index_cast %select_n3A_34 : i32 to index
          %get3A_599 = arith.index_cast %get3A_597 : i32 to index
          %get3A_600 = arith.index_cast %add3A_585 : i32 to index
          %get3A_601 = arith.constant 0 : index
          %get3A_602 = tpu.vector_load %arg5[%get3A_598, %get3A_599, %get3A_600, %get3A_601] {strides = array<i32>} : memref<2x2x400x16xf32, #tpu.memory_space<vmem>>, vector<1x1x1x16xf32>,
          %get3A_603 = vector.shape_cast %get3A_602 : vector<1x1x1x16xf32> to vector<16xf32>
          %add3A_604 = arith.addf %get3A_596, %get3A_603 : vector<16xf32>
          %max3A_605 = arith.constant 0.000000e+00 : f32
          %max3A_606 = vector.broadcast %max3A_605 : f32 to vector<16xf32>
          %max3A_607 = arith.maximumf %add3A_604, %max3A_606 : vector<16xf32>
          %mul3A_608 = arith.mulf %max3A_607, %gather3A_589 : vector<16xf32>
          %swap3A_609 = arith.index_cast %select_n3A_34 : i32 to index
          %swap3A_610 = arith.index_cast %add3A_585 : i32 to index
          %swap3A_611 = arith.constant 0 : index
          %swap3A_612 = tpu.vector_load %arg7[%swap3A_609, %swap3A_610, %swap3A_611] {strides = array<i32>} : memref<2x400x16xf32, #tpu.memory_space<vmem>>, vector<1x1x16xf32>,
          %swap3A_613 = vector.shape_cast %swap3A_612 : vector<1x1x16xf32> to vector<16xf32>
          %swap3A_614 = vector.shape_cast %mul3A_608 : vector<16xf32> to vector<1x1x16xf32>
          tpu.vector_store %arg7[%swap3A_609, %swap3A_610, %swap3A_611], %swap3A_614 {strides = array<i32>} : memref<2x400x16xf32, #tpu.memory_space<vmem>>, vector<1x1x16xf32>,
        }
        %scan3A_71 = arith.constant 25 : i32
        %mul3A_72 = arith.constant 400 : i32
        %mul3A_73 = arith.muli %add3A_60, %mul3A_72 : i32
        %dma_start3A = arith.constant 0 : i32
        %dma_start3A_74 = arith.constant 0 : i32
        %dma_start3A_75 = tpu.memref_slice %arg7[%select_n3A_34, %dma_start3A, %dma_start3A_74] : memref<2x400x16xf32, #tpu.memory_space<vmem>> -> memref<1x400x16xf32, #tpu.memory_space<vmem>>
        %dma_start3A_76 = tpu.memref_squeeze %dma_start3A_75 : memref<1x400x16xf32, #tpu.memory_space<vmem>> -> memref<400x16xf32, #tpu.memory_space<vmem>>
        %dma_start3A_77 = arith.constant 0 : i32
        %dma_start3A_78 = tpu.memref_slice %arg4[%mul3A_73, %dma_start3A_77] : memref<100000x16xf32, #tpu.memory_space<hbm>> -> memref<400x16xf32, #tpu.memory_space<hbm>>
        %dma_start3A_79 = arith.constant 0 : i32
        %dma_start3A_80 = tpu.memref_slice %arg4[%mul3A_73, %dma_start3A_79] : memref<100000x16xf32, #tpu.memory_space<hbm>> -> memref<400x16xf32, #tpu.memory_space<hbm>>
        %dma_start3A_81 = arith.constant 0 : i32
        %dma_start3A_82 = arith.constant 0 : i32
        %dma_start3A_83 = tpu.memref_slice %arg7[%select_n3A_34, %dma_start3A_81, %dma_start3A_82] : memref<2x400x16xf32, #tpu.memory_space<vmem>> -> memref<1x400x16xf32, #tpu.memory_space<vmem>>
        %dma_start3A_84 = tpu.memref_squeeze %dma_start3A_83 : memref<1x400x16xf32, #tpu.memory_space<vmem>> -> memref<400x16xf32, #tpu.memory_space<vmem>>
        tpu.enqueue_dma source(%dma_start3A_84 : memref<400x16xf32, #tpu.memory_space<vmem>>) target(%dma_start3A_80 : memref<400x16xf32, #tpu.memory_space<hbm>>) target_semaphore(%arg9 : memref<!tpu.dma_semaphore, #tpu.memory_space<semaphore_mem>>)
      } else {
      }
    }
    %scan3A_9 = arith.constant 8 : i32
    %add3A_10 = arith.constant 192 : i32
    %add3A_11 = arith.addi %add3A, %add3A_10 : i32
    %lt3A_12 = arith.constant 250 : i32
    %lt3A_13 = arith.cmpi slt, %add3A_11, %lt3A_12 : i32
    %convert_element_type3A_14 = arith.extui %lt3A_13 : i1 to i32
    %cond3A_15 = arith.constant 0 : i32
    %cond3A_16 = arith.cmpi ne, %convert_element_type3A_14, %cond3A_15 : i32
    scf.if %cond3A_16 {
      %dma_wait3A = arith.constant 0 : i32
      %dma_wait3A_24 = arith.constant 0 : i32
      %dma_wait3A_25 = arith.constant 0 : i32
      %dma_wait3A_26 = tpu.memref_slice %arg7[%dma_wait3A, %dma_wait3A_24, %dma_wait3A_25] : memref<2x400x16xf32, #tpu.memory_space<vmem>> -> memref<1x400x16xf32, #tpu.memory_space<vmem>>
      %dma_wait3A_27 = tpu.memref_squeeze %dma_wait3A_26 : memref<1x400x16xf32, #tpu.memory_space<vmem>> -> memref<400x16xf32, #tpu.memory_space<vmem>>
      %dma_wait3A_28 = arith.constant 0 : i32
      %dma_wait3A_29 = arith.constant 0 : i32
      %dma_wait3A_30 = tpu.memref_slice %arg4[%dma_wait3A_28, %dma_wait3A_29] : memref<100000x16xf32, #tpu.memory_space<hbm>> -> memref<400x16xf32, #tpu.memory_space<hbm>>
      %dma_wait3A_31 = arith.constant 0 : i32
      %dma_wait3A_32 = arith.constant 0 : i32
      %dma_wait3A_33 = tpu.memref_slice %arg4[%dma_wait3A_31, %dma_wait3A_32] : memref<100000x16xf32, #tpu.memory_space<hbm>> -> memref<400x16xf32, #tpu.memory_space<hbm>>
      %dma_wait3A_34 = arith.constant 0 : i32
      %dma_wait3A_35 = arith.constant 0 : i32
      %dma_wait3A_36 = tpu.memref_slice %arg7[%dma_wait3A, %dma_wait3A_34, %dma_wait3A_35] : memref<2x400x16xf32, #tpu.memory_space<vmem>> -> memref<1x400x16xf32, #tpu.memory_space<vmem>>
      %dma_wait3A_37 = tpu.memref_squeeze %dma_wait3A_36 : memref<1x400x16xf32, #tpu.memory_space<vmem>> -> memref<400x16xf32, #tpu.memory_space<vmem>>
      tpu.wait_dma2 semaphore(%arg9 : memref<!tpu.dma_semaphore, #tpu.memory_space<semaphore_mem>>) src(%dma_wait3A_37 : memref<400x16xf32, #tpu.memory_space<vmem>>) dst(%dma_wait3A_33 : memref<400x16xf32, #tpu.memory_space<hbm>>)
    } else {
    }
    %add3A_17 = arith.constant 224 : i32
    %add3A_18 = arith.addi %add3A, %add3A_17 : i32
    %lt3A_19 = arith.constant 250 : i32
    %lt3A_20 = arith.cmpi slt, %add3A_18, %lt3A_19 : i32
    %convert_element_type3A_21 = arith.extui %lt3A_20 : i1 to i32
    %cond3A_22 = arith.constant 0 : i32
    %cond3A_23 = arith.cmpi ne, %convert_element_type3A_21, %cond3A_22 : i32
    scf.if %cond3A_23 {
      %dma_wait3A = arith.constant 1 : i32
      %dma_wait3A_24 = arith.constant 0 : i32
      %dma_wait3A_25 = arith.constant 0 : i32
      %dma_wait3A_26 = tpu.memref_slice %arg7[%dma_wait3A, %dma_wait3A_24, %dma_wait3A_25] : memref<2x400x16xf32, #tpu.memory_space<vmem>> -> memref<1x400x16xf32, #tpu.memory_space<vmem>>
      %dma_wait3A_27 = tpu.memref_squeeze %dma_wait3A_26 : memref<1x400x16xf32, #tpu.memory_space<vmem>> -> memref<400x16xf32, #tpu.memory_space<vmem>>
      %dma_wait3A_28 = arith.constant 0 : i32
      %dma_wait3A_29 = arith.constant 0 : i32
      %dma_wait3A_30 = tpu.memref_slice %arg4[%dma_wait3A_28, %dma_wait3A_29] : memref<100000x16xf32, #tpu.memory_space<hbm>> -> memref<400x16xf32, #tpu.memory_space<hbm>>
      %dma_wait3A_31 = arith.constant 0 : i32
      %dma_wait3A_32 = arith.constant 0 : i32
      %dma_wait3A_33 = tpu.memref_slice %arg4[%dma_wait3A_31, %dma_wait3A_32] : memref<100000x16xf32, #tpu.memory_space<hbm>> -> memref<400x16xf32, #tpu.memory_space<hbm>>
      %dma_wait3A_34 = arith.constant 0 : i32
      %dma_wait3A_35 = arith.constant 0 : i32
      %dma_wait3A_36 = tpu.memref_slice %arg7[%dma_wait3A, %dma_wait3A_34, %dma_wait3A_35] : memref<2x400x16xf32, #tpu.memory_space<vmem>> -> memref<1x400x16xf32, #tpu.memory_space<vmem>>
      %dma_wait3A_37 = tpu.memref_squeeze %dma_wait3A_36 : memref<1x400x16xf32, #tpu.memory_space<vmem>> -> memref<400x16xf32, #tpu.memory_space<vmem>>
      tpu.wait_dma2 semaphore(%arg9 : memref<!tpu.dma_semaphore, #tpu.memory_space<semaphore_mem>>) src(%dma_wait3A_37 : memref<400x16xf32, #tpu.memory_space<vmem>>) dst(%dma_wait3A_33 : memref<400x16xf32, #tpu.memory_space<hbm>>)
    } else {
    }
    return
  }
}

#map = affine_map<(d0, d1) -> (0, 0)>
#map1 = affine_map<(d0, d1) -> (0, 0, 0)>
module attributes {stable_mosaic.version = 14 : i64} {
  func.func @_sc_body(%arg0: i32, %arg1: i32, %arg2: memref<100000x16xf32, #tpu.memory_space<hbm>>, %arg3: memref<2x3200000xi32, #tpu.memory_space<hbm>>, %arg4: memref<6256x16xf32, #tpu.memory_space<hbm>>, %arg5: memref<2x100096x16xf32, #tpu.memory_space<hbm>>, %arg6: memref<100096x16xf32, #tpu.memory_space<vmem_shared>>, %arg7: memref<2x768xi32, #tpu.memory_space<vmem>>, %arg8: memref<2x768xi32, #tpu.memory_space<vmem>>, %arg9: memref<2x6x128xi32, #tpu.memory_space<vmem>>, %arg10: memref<2x768x16xf32, #tpu.memory_space<vmem>>, %arg11: memref<!tpu.dma_semaphore, #tpu.memory_space<semaphore_mem>>, %arg12: memref<!tpu.dma_semaphore, #tpu.memory_space<semaphore_mem>>, %arg13: memref<!tpu.dma_semaphore, #tpu.memory_space<semaphore_mem>>) attributes {dimension_semantics = [#tpu.dimension_semantics<core_parallel>, #tpu.dimension_semantics<subcore_parallel>], iteration_bounds = array<i64: 2, 16>, scalar_prefetch = 0 : i64, scratch_operands = 8 : i64, tpu.core_type = #tpu.core_type<sc_vector_subcore>, window_params = [{transform_indices = #map}, {transform_indices = #map}, {transform_indices = #map}, {transform_indices = #map1}]} {
    %mul3A = arith.constant 2 : i32
    %mul3A_0 = arith.muli %arg1, %mul3A : i32
    %add3A = arith.addi %mul3A_0, %arg0 : i32
    %mul3A_1 = arith.constant 6256 : i32
    %mul3A_2 = arith.muli %arg1, %mul3A_1 : i32
    "tpu.region"() ({
      %run_scoped3A_824 = tpu.sem_alloc : memref<!tpu.dma_semaphore, #tpu.memory_space<semaphore_mem>>
      %dma_start3A_825 = arith.constant 0 : i32
      %dma_start3A_826 = tpu.memref_slice %arg6[%mul3A_2, %dma_start3A_825] : memref<100096x16xf32, #tpu.memory_space<vmem_shared>> -> memref<6256x16xf32, #tpu.memory_space<vmem_shared>>
      tpu.enqueue_dma source(%arg4 : memref<6256x16xf32, #tpu.memory_space<hbm>>) target(%dma_start3A_826 : memref<6256x16xf32, #tpu.memory_space<vmem_shared>>) target_semaphore(%run_scoped3A_824 : memref<!tpu.dma_semaphore, #tpu.memory_space<semaphore_mem>>)
      %dma_wait3A_827 = arith.constant 0 : i32
      %dma_wait3A_828 = tpu.memref_slice %arg6[%mul3A_2, %dma_wait3A_827] : memref<100096x16xf32, #tpu.memory_space<vmem_shared>> -> memref<6256x16xf32, #tpu.memory_space<vmem_shared>>
      tpu.wait_dma2 semaphore(%run_scoped3A_824 : memref<!tpu.dma_semaphore, #tpu.memory_space<semaphore_mem>>) src(%arg4 : memref<6256x16xf32, #tpu.memory_space<hbm>>) dst(%dma_wait3A_828 : memref<6256x16xf32, #tpu.memory_space<vmem_shared>>)
      tpu.yield
    }) : () -> ()
    %barrier3A = arith.constant 0 : index
    tpu.barrier barrier_id(%barrier3A)
    %mul3A_3 = arith.constant 780 : i32
    %mul3A_4 = arith.muli %add3A, %mul3A_3 : i32
    %mul3A_5 = arith.constant 128 : i32
    %mul3A_6 = arith.muli %mul3A_4, %mul3A_5 : i32
    %add3A_7 = arith.constant 0 : i32
    %add3A_8 = arith.addi %mul3A_6, %add3A_7 : i32
    %run_scoped3A = arith.constant 0 : i32
    %run_scoped3A_9 = arith.constant 0 : i32
    "tpu.region"() ({
      %run_scoped3A_824 = tpu.sem_alloc : memref<!tpu.dma_semaphore, #tpu.memory_space<semaphore_mem>>
      %dma_start3A_825 = arith.constant 0 : i32
      %dma_start3A_826 = tpu.memref_slice %arg7[%run_scoped3A_9, %dma_start3A_825] : memref<2x768xi32, #tpu.memory_space<vmem>> -> memref<1x768xi32, #tpu.memory_space<vmem>>
      %dma_start3A_827 = tpu.memref_squeeze %dma_start3A_826 : memref<1x768xi32, #tpu.memory_space<vmem>> -> memref<768xi32, #tpu.memory_space<vmem>>
      %dma_start3A_828 = tpu.memref_slice %arg3[%run_scoped3A, %add3A_8] : memref<2x3200000xi32, #tpu.memory_space<hbm>> -> memref<1x768xi32, #tpu.memory_space<hbm>>
      %dma_start3A_829 = tpu.memref_squeeze %dma_start3A_828 : memref<1x768xi32, #tpu.memory_space<hbm>> -> memref<768xi32, #tpu.memory_space<hbm>>
      %dma_start3A_830 = arith.constant 0 : i32
      %dma_start3A_831 = tpu.memref_slice %arg7[%run_scoped3A_9, %dma_start3A_830] : memref<2x768xi32, #tpu.memory_space<vmem>> -> memref<1x768xi32, #tpu.memory_space<vmem>>
      %dma_start3A_832 = tpu.memref_squeeze %dma_start3A_831 : memref<1x768xi32, #tpu.memory_space<vmem>> -> memref<768xi32, #tpu.memory_space<vmem>>
      %dma_start3A_833 = tpu.memref_slice %arg3[%run_scoped3A, %add3A_8] : memref<2x3200000xi32, #tpu.memory_space<hbm>> -> memref<1x768xi32, #tpu.memory_space<hbm>>
      %dma_start3A_834 = tpu.memref_squeeze %dma_start3A_833 : memref<1x768xi32, #tpu.memory_space<hbm>> -> memref<768xi32, #tpu.memory_space<hbm>>
      tpu.enqueue_dma source(%dma_start3A_834 : memref<768xi32, #tpu.memory_space<hbm>>) target(%dma_start3A_832 : memref<768xi32, #tpu.memory_space<vmem>>) target_semaphore(%run_scoped3A_824 : memref<!tpu.dma_semaphore, #tpu.memory_space<semaphore_mem>>)
      %dma_wait3A_835 = arith.constant 0 : i32
      %dma_wait3A_836 = tpu.memref_slice %arg7[%run_scoped3A_9, %dma_wait3A_835] : memref<2x768xi32, #tpu.memory_space<vmem>> -> memref<1x768xi32, #tpu.memory_space<vmem>>
      %dma_wait3A_837 = tpu.memref_squeeze %dma_wait3A_836 : memref<1x768xi32, #tpu.memory_space<vmem>> -> memref<768xi32, #tpu.memory_space<vmem>>
      %dma_wait3A_838 = tpu.memref_slice %arg3[%run_scoped3A, %add3A_8] : memref<2x3200000xi32, #tpu.memory_space<hbm>> -> memref<1x768xi32, #tpu.memory_space<hbm>>
      %dma_wait3A_839 = tpu.memref_squeeze %dma_wait3A_838 : memref<1x768xi32, #tpu.memory_space<hbm>> -> memref<768xi32, #tpu.memory_space<hbm>>
      %dma_wait3A_840 = arith.constant 0 : i32
      %dma_wait3A_841 = tpu.memref_slice %arg7[%run_scoped3A_9, %dma_wait3A_840] : memref<2x768xi32, #tpu.memory_space<vmem>> -> memref<1x768xi32, #tpu.memory_space<vmem>>
      %dma_wait3A_842 = tpu.memref_squeeze %dma_wait3A_841 : memref<1x768xi32, #tpu.memory_space<vmem>> -> memref<768xi32, #tpu.memory_space<vmem>>
      %dma_wait3A_843 = tpu.memref_slice %arg3[%run_scoped3A, %add3A_8] : memref<2x3200000xi32, #tpu.memory_space<hbm>> -> memref<1x768xi32, #tpu.memory_space<hbm>>
      %dma_wait3A_844 = tpu.memref_squeeze %dma_wait3A_843 : memref<1x768xi32, #tpu.memory_space<hbm>> -> memref<768xi32, #tpu.memory_space<hbm>>
      tpu.wait_dma2 semaphore(%run_scoped3A_824 : memref<!tpu.dma_semaphore, #tpu.memory_space<semaphore_mem>>) src(%dma_wait3A_844 : memref<768xi32, #tpu.memory_space<hbm>>) dst(%dma_wait3A_842 : memref<768xi32, #tpu.memory_space<vmem>>)
      tpu.yield
    }) : () -> ()
    %run_scoped3A_10 = arith.constant 1 : i32
    %run_scoped3A_11 = arith.constant 0 : i32
    "tpu.region"() ({
      %run_scoped3A_824 = tpu.sem_alloc : memref<!tpu.dma_semaphore, #tpu.memory_space<semaphore_mem>>
      %dma_start3A_825 = arith.constant 0 : i32
      %dma_start3A_826 = tpu.memref_slice %arg8[%run_scoped3A_11, %dma_start3A_825] : memref<2x768xi32, #tpu.memory_space<vmem>> -> memref<1x768xi32, #tpu.memory_space<vmem>>
      %dma_start3A_827 = tpu.memref_squeeze %dma_start3A_826 : memref<1x768xi32, #tpu.memory_space<vmem>> -> memref<768xi32, #tpu.memory_space<vmem>>
      %dma_start3A_828 = tpu.memref_slice %arg3[%run_scoped3A_10, %add3A_8] : memref<2x3200000xi32, #tpu.memory_space<hbm>> -> memref<1x768xi32, #tpu.memory_space<hbm>>
      %dma_start3A_829 = tpu.memref_squeeze %dma_start3A_828 : memref<1x768xi32, #tpu.memory_space<hbm>> -> memref<768xi32, #tpu.memory_space<hbm>>
      %dma_start3A_830 = arith.constant 0 : i32
      %dma_start3A_831 = tpu.memref_slice %arg8[%run_scoped3A_11, %dma_start3A_830] : memref<2x768xi32, #tpu.memory_space<vmem>> -> memref<1x768xi32, #tpu.memory_space<vmem>>
      %dma_start3A_832 = tpu.memref_squeeze %dma_start3A_831 : memref<1x768xi32, #tpu.memory_space<vmem>> -> memref<768xi32, #tpu.memory_space<vmem>>
      %dma_start3A_833 = tpu.memref_slice %arg3[%run_scoped3A_10, %add3A_8] : memref<2x3200000xi32, #tpu.memory_space<hbm>> -> memref<1x768xi32, #tpu.memory_space<hbm>>
      %dma_start3A_834 = tpu.memref_squeeze %dma_start3A_833 : memref<1x768xi32, #tpu.memory_space<hbm>> -> memref<768xi32, #tpu.memory_space<hbm>>
      tpu.enqueue_dma source(%dma_start3A_834 : memref<768xi32, #tpu.memory_space<hbm>>) target(%dma_start3A_832 : memref<768xi32, #tpu.memory_space<vmem>>) target_semaphore(%run_scoped3A_824 : memref<!tpu.dma_semaphore, #tpu.memory_space<semaphore_mem>>)
      %dma_wait3A_835 = arith.constant 0 : i32
      %dma_wait3A_836 = tpu.memref_slice %arg8[%run_scoped3A_11, %dma_wait3A_835] : memref<2x768xi32, #tpu.memory_space<vmem>> -> memref<1x768xi32, #tpu.memory_space<vmem>>
      %dma_wait3A_837 = tpu.memref_squeeze %dma_wait3A_836 : memref<1x768xi32, #tpu.memory_space<vmem>> -> memref<768xi32, #tpu.memory_space<vmem>>
      %dma_wait3A_838 = tpu.memref_slice %arg3[%run_scoped3A_10, %add3A_8] : memref<2x3200000xi32, #tpu.memory_space<hbm>> -> memref<1x768xi32, #tpu.memory_space<hbm>>
      %dma_wait3A_839 = tpu.memref_squeeze %dma_wait3A_838 : memref<1x768xi32, #tpu.memory_space<hbm>> -> memref<768xi32, #tpu.memory_space<hbm>>
      %dma_wait3A_840 = arith.constant 0 : i32
      %dma_wait3A_841 = tpu.memref_slice %arg8[%run_scoped3A_11, %dma_wait3A_840] : memref<2x768xi32, #tpu.memory_space<vmem>> -> memref<1x768xi32, #tpu.memory_space<vmem>>
      %dma_wait3A_842 = tpu.memref_squeeze %dma_wait3A_841 : memref<1x768xi32, #tpu.memory_space<vmem>> -> memref<768xi32, #tpu.memory_space<vmem>>
      %dma_wait3A_843 = tpu.memref_slice %arg3[%run_scoped3A_10, %add3A_8] : memref<2x3200000xi32, #tpu.memory_space<hbm>> -> memref<1x768xi32, #tpu.memory_space<hbm>>
      %dma_wait3A_844 = tpu.memref_squeeze %dma_wait3A_843 : memref<1x768xi32, #tpu.memory_space<hbm>> -> memref<768xi32, #tpu.memory_space<hbm>>
      tpu.wait_dma2 semaphore(%run_scoped3A_824 : memref<!tpu.dma_semaphore, #tpu.memory_space<semaphore_mem>>) src(%dma_wait3A_844 : memref<768xi32, #tpu.memory_space<hbm>>) dst(%dma_wait3A_842 : memref<768xi32, #tpu.memory_space<vmem>>)
      tpu.yield
    }) : () -> ()
    %get3A = arith.constant 0 : i32
    %get3A_12 = arith.index_cast %get3A : i32 to index
    %get3A_13 = arith.constant 0 : index
    %get3A_14 = tpu.vector_load %arg8[%get3A_12, %get3A_13] {strides = array<i32>} : memref<2x768xi32, #tpu.memory_space<vmem>>, vector<1x16xi32>,
    %get3A_15 = vector.shape_cast %get3A_14 : vector<1x16xi32> to vector<16xi32>
    %swap3A = arith.constant 0 : i32
    %swap3A_16 = arith.constant 0 : i32
    %swap3A_17 = arith.index_cast %swap3A : i32 to index
    %swap3A_18 = arith.index_cast %swap3A_16 : i32 to index
    %swap3A_19 = arith.constant 0 : index
    %swap3A_20 = tpu.vector_load %arg9[%swap3A_17, %swap3A_18, %swap3A_19] {strides = array<i32>} : memref<2x6x128xi32, #tpu.memory_space<vmem>>, vector<1x1x16xi32>,
    %swap3A_21 = vector.shape_cast %swap3A_20 : vector<1x1x16xi32> to vector<16xi32>
    %swap3A_22 = vector.shape_cast %get3A_15 : vector<16xi32> to vector<1x1x16xi32>
    tpu.vector_store %arg9[%swap3A_17, %swap3A_18, %swap3A_19], %swap3A_22 {strides = array<i32>} : memref<2x6x128xi32, #tpu.memory_space<vmem>>, vector<1x1x16xi32>,
    %get3A_23 = arith.constant 0 : i32
    %get3A_24 = arith.index_cast %get3A_23 : i32 to index
    %get3A_25 = arith.constant 16 : index
    %get3A_26 = tpu.vector_load %arg8[%get3A_24, %get3A_25] {strides = array<i32>} : memref<2x768xi32, #tpu.memory_space<vmem>>, vector<1x16xi32>,
    %get3A_27 = vector.shape_cast %get3A_26 : vector<1x16xi32> to vector<16xi32>
    %swap3A_28 = arith.constant 0 : i32
    %swap3A_29 = arith.constant 0 : i32
    %swap3A_30 = arith.index_cast %swap3A_28 : i32 to index
    %swap3A_31 = arith.index_cast %swap3A_29 : i32 to index
    %swap3A_32 = arith.constant 16 : index
    %swap3A_33 = tpu.vector_load %arg9[%swap3A_30, %swap3A_31, %swap3A_32] {strides = array<i32>} : memref<2x6x128xi32, #tpu.memory_space<vmem>>, vector<1x1x16xi32>,
    %swap3A_34 = vector.shape_cast %swap3A_33 : vector<1x1x16xi32> to vector<16xi32>
    %swap3A_35 = vector.shape_cast %get3A_27 : vector<16xi32> to vector<1x1x16xi32>
    tpu.vector_store %arg9[%swap3A_30, %swap3A_31, %swap3A_32], %swap3A_35 {strides = array<i32>} : memref<2x6x128xi32, #tpu.memory_space<vmem>>, vector<1x1x16xi32>,
    %get3A_36 = arith.constant 0 : i32
    %get3A_37 = arith.index_cast %get3A_36 : i32 to index
    %get3A_38 = arith.constant 32 : index
    %get3A_39 = tpu.vector_load %arg8[%get3A_37, %get3A_38] {strides = array<i32>} : memref<2x768xi32, #tpu.memory_space<vmem>>, vector<1x16xi32>,
    %get3A_40 = vector.shape_cast %get3A_39 : vector<1x16xi32> to vector<16xi32>
    %swap3A_41 = arith.constant 0 : i32
    %swap3A_42 = arith.constant 0 : i32
    %swap3A_43 = arith.index_cast %swap3A_41 : i32 to index
    %swap3A_44 = arith.index_cast %swap3A_42 : i32 to index
    %swap3A_45 = arith.constant 32 : index
    %swap3A_46 = tpu.vector_load %arg9[%swap3A_43, %swap3A_44, %swap3A_45] {strides = array<i32>} : memref<2x6x128xi32, #tpu.memory_space<vmem>>, vector<1x1x16xi32>,
    %swap3A_47 = vector.shape_cast %swap3A_46 : vector<1x1x16xi32> to vector<16xi32>
    %swap3A_48 = vector.shape_cast %get3A_40 : vector<16xi32> to vector<1x1x16xi32>
    tpu.vector_store %arg9[%swap3A_43, %swap3A_44, %swap3A_45], %swap3A_48 {strides = array<i32>} : memref<2x6x128xi32, #tpu.memory_space<vmem>>, vector<1x1x16xi32>,
    %get3A_49 = arith.constant 0 : i32
    %get3A_50 = arith.index_cast %get3A_49 : i32 to index
    %get3A_51 = arith.constant 48 : index
    %get3A_52 = tpu.vector_load %arg8[%get3A_50, %get3A_51] {strides = array<i32>} : memref<2x768xi32, #tpu.memory_space<vmem>>, vector<1x16xi32>,
    %get3A_53 = vector.shape_cast %get3A_52 : vector<1x16xi32> to vector<16xi32>
    %swap3A_54 = arith.constant 0 : i32
    %swap3A_55 = arith.constant 0 : i32
    %swap3A_56 = arith.index_cast %swap3A_54 : i32 to index
    %swap3A_57 = arith.index_cast %swap3A_55 : i32 to index
    %swap3A_58 = arith.constant 48 : index
    %swap3A_59 = tpu.vector_load %arg9[%swap3A_56, %swap3A_57, %swap3A_58] {strides = array<i32>} : memref<2x6x128xi32, #tpu.memory_space<vmem>>, vector<1x1x16xi32>,
    %swap3A_60 = vector.shape_cast %swap3A_59 : vector<1x1x16xi32> to vector<16xi32>
    %swap3A_61 = vector.shape_cast %get3A_53 : vector<16xi32> to vector<1x1x16xi32>
    tpu.vector_store %arg9[%swap3A_56, %swap3A_57, %swap3A_58], %swap3A_61 {strides = array<i32>} : memref<2x6x128xi32, #tpu.memory_space<vmem>>, vector<1x1x16xi32>,
    %get3A_62 = arith.constant 0 : i32
    %get3A_63 = arith.index_cast %get3A_62 : i32 to index
    %get3A_64 = arith.constant 64 : index
    %get3A_65 = tpu.vector_load %arg8[%get3A_63, %get3A_64] {strides = array<i32>} : memref<2x768xi32, #tpu.memory_space<vmem>>, vector<1x16xi32>,
    %get3A_66 = vector.shape_cast %get3A_65 : vector<1x16xi32> to vector<16xi32>
    %swap3A_67 = arith.constant 0 : i32
    %swap3A_68 = arith.constant 0 : i32
    %swap3A_69 = arith.index_cast %swap3A_67 : i32 to index
    %swap3A_70 = arith.index_cast %swap3A_68 : i32 to index
    %swap3A_71 = arith.constant 64 : index
    %swap3A_72 = tpu.vector_load %arg9[%swap3A_69, %swap3A_70, %swap3A_71] {strides = array<i32>} : memref<2x6x128xi32, #tpu.memory_space<vmem>>, vector<1x1x16xi32>,
    %swap3A_73 = vector.shape_cast %swap3A_72 : vector<1x1x16xi32> to vector<16xi32>
    %swap3A_74 = vector.shape_cast %get3A_66 : vector<16xi32> to vector<1x1x16xi32>
    tpu.vector_store %arg9[%swap3A_69, %swap3A_70, %swap3A_71], %swap3A_74 {strides = array<i32>} : memref<2x6x128xi32, #tpu.memory_space<vmem>>, vector<1x1x16xi32>,
    %get3A_75 = arith.constant 0 : i32
    %get3A_76 = arith.index_cast %get3A_75 : i32 to index
    %get3A_77 = arith.constant 80 : index
    %get3A_78 = tpu.vector_load %arg8[%get3A_76, %get3A_77] {strides = array<i32>} : memref<2x768xi32, #tpu.memory_space<vmem>>, vector<1x16xi32>,
    %get3A_79 = vector.shape_cast %get3A_78 : vector<1x16xi32> to vector<16xi32>
    %swap3A_80 = arith.constant 0 : i32
    %swap3A_81 = arith.constant 0 : i32
    %swap3A_82 = arith.index_cast %swap3A_80 : i32 to index
    %swap3A_83 = arith.index_cast %swap3A_81 : i32 to index
    %swap3A_84 = arith.constant 80 : index
    %swap3A_85 = tpu.vector_load %arg9[%swap3A_82, %swap3A_83, %swap3A_84] {strides = array<i32>} : memref<2x6x128xi32, #tpu.memory_space<vmem>>, vector<1x1x16xi32>,
    %swap3A_86 = vector.shape_cast %swap3A_85 : vector<1x1x16xi32> to vector<16xi32>
    %swap3A_87 = vector.shape_cast %get3A_79 : vector<16xi32> to vector<1x1x16xi32>
    tpu.vector_store %arg9[%swap3A_82, %swap3A_83, %swap3A_84], %swap3A_87 {strides = array<i32>} : memref<2x6x128xi32, #tpu.memory_space<vmem>>, vector<1x1x16xi32>,
    %get3A_88 = arith.constant 0 : i32
    %get3A_89 = arith.index_cast %get3A_88 : i32 to index
    %get3A_90 = arith.constant 96 : index
    %get3A_91 = tpu.vector_load %arg8[%get3A_89, %get3A_90] {strides = array<i32>} : memref<2x768xi32, #tpu.memory_space<vmem>>, vector<1x16xi32>,
    %get3A_92 = vector.shape_cast %get3A_91 : vector<1x16xi32> to vector<16xi32>
    %swap3A_93 = arith.constant 0 : i32
    %swap3A_94 = arith.constant 0 : i32
    %swap3A_95 = arith.index_cast %swap3A_93 : i32 to index
    %swap3A_96 = arith.index_cast %swap3A_94 : i32 to index
    %swap3A_97 = arith.constant 96 : index
    %swap3A_98 = tpu.vector_load %arg9[%swap3A_95, %swap3A_96, %swap3A_97] {strides = array<i32>} : memref<2x6x128xi32, #tpu.memory_space<vmem>>, vector<1x1x16xi32>,
    %swap3A_99 = vector.shape_cast %swap3A_98 : vector<1x1x16xi32> to vector<16xi32>
    %swap3A_100 = vector.shape_cast %get3A_92 : vector<16xi32> to vector<1x1x16xi32>
    tpu.vector_store %arg9[%swap3A_95, %swap3A_96, %swap3A_97], %swap3A_100 {strides = array<i32>} : memref<2x6x128xi32, #tpu.memory_space<vmem>>, vector<1x1x16xi32>,
    %get3A_101 = arith.constant 0 : i32
    %get3A_102 = arith.index_cast %get3A_101 : i32 to index
    %get3A_103 = arith.constant 112 : index
    %get3A_104 = tpu.vector_load %arg8[%get3A_102, %get3A_103] {strides = array<i32>} : memref<2x768xi32, #tpu.memory_space<vmem>>, vector<1x16xi32>,
    %get3A_105 = vector.shape_cast %get3A_104 : vector<1x16xi32> to vector<16xi32>
    %swap3A_106 = arith.constant 0 : i32
    %swap3A_107 = arith.constant 0 : i32
    %swap3A_108 = arith.index_cast %swap3A_106 : i32 to index
    %swap3A_109 = arith.index_cast %swap3A_107 : i32 to index
    %swap3A_110 = arith.constant 112 : index
    %swap3A_111 = tpu.vector_load %arg9[%swap3A_108, %swap3A_109, %swap3A_110] {strides = array<i32>} : memref<2x6x128xi32, #tpu.memory_space<vmem>>, vector<1x1x16xi32>,
    %swap3A_112 = vector.shape_cast %swap3A_111 : vector<1x1x16xi32> to vector<16xi32>
    %swap3A_113 = vector.shape_cast %get3A_105 : vector<16xi32> to vector<1x1x16xi32>
    tpu.vector_store %arg9[%swap3A_108, %swap3A_109, %swap3A_110], %swap3A_113 {strides = array<i32>} : memref<2x6x128xi32, #tpu.memory_space<vmem>>, vector<1x1x16xi32>,
    %get3A_114 = arith.constant 0 : i32
    %get3A_115 = arith.index_cast %get3A_114 : i32 to index
    %get3A_116 = arith.constant 128 : index
    %get3A_117 = tpu.vector_load %arg8[%get3A_115, %get3A_116] {strides = array<i32>} : memref<2x768xi32, #tpu.memory_space<vmem>>, vector<1x16xi32>,
    %get3A_118 = vector.shape_cast %get3A_117 : vector<1x16xi32> to vector<16xi32>
    %swap3A_119 = arith.constant 0 : i32
    %swap3A_120 = arith.constant 1 : i32
    %swap3A_121 = arith.index_cast %swap3A_119 : i32 to index
    %swap3A_122 = arith.index_cast %swap3A_120 : i32 to index
    %swap3A_123 = arith.constant 0 : index
    %swap3A_124 = tpu.vector_load %arg9[%swap3A_121, %swap3A_122, %swap3A_123] {strides = array<i32>} : memref<2x6x128xi32, #tpu.memory_space<vmem>>, vector<1x1x16xi32>,
    %swap3A_125 = vector.shape_cast %swap3A_124 : vector<1x1x16xi32> to vector<16xi32>
    %swap3A_126 = vector.shape_cast %get3A_118 : vector<16xi32> to vector<1x1x16xi32>
    tpu.vector_store %arg9[%swap3A_121, %swap3A_122, %swap3A_123], %swap3A_126 {strides = array<i32>} : memref<2x6x128xi32, #tpu.memory_space<vmem>>, vector<1x1x16xi32>,
    %get3A_127 = arith.constant 0 : i32
    %get3A_128 = arith.index_cast %get3A_127 : i32 to index
    %get3A_129 = arith.constant 144 : index
    %get3A_130 = tpu.vector_load %arg8[%get3A_128, %get3A_129] {strides = array<i32>} : memref<2x768xi32, #tpu.memory_space<vmem>>, vector<1x16xi32>,
    %get3A_131 = vector.shape_cast %get3A_130 : vector<1x16xi32> to vector<16xi32>
    %swap3A_132 = arith.constant 0 : i32
    %swap3A_133 = arith.constant 1 : i32
    %swap3A_134 = arith.index_cast %swap3A_132 : i32 to index
    %swap3A_135 = arith.index_cast %swap3A_133 : i32 to index
    %swap3A_136 = arith.constant 16 : index
    %swap3A_137 = tpu.vector_load %arg9[%swap3A_134, %swap3A_135, %swap3A_136] {strides = array<i32>} : memref<2x6x128xi32, #tpu.memory_space<vmem>>, vector<1x1x16xi32>,
    %swap3A_138 = vector.shape_cast %swap3A_137 : vector<1x1x16xi32> to vector<16xi32>
    %swap3A_139 = vector.shape_cast %get3A_131 : vector<16xi32> to vector<1x1x16xi32>
    tpu.vector_store %arg9[%swap3A_134, %swap3A_135, %swap3A_136], %swap3A_139 {strides = array<i32>} : memref<2x6x128xi32, #tpu.memory_space<vmem>>, vector<1x1x16xi32>,
    %get3A_140 = arith.constant 0 : i32
    %get3A_141 = arith.index_cast %get3A_140 : i32 to index
    %get3A_142 = arith.constant 160 : index
    %get3A_143 = tpu.vector_load %arg8[%get3A_141, %get3A_142] {strides = array<i32>} : memref<2x768xi32, #tpu.memory_space<vmem>>, vector<1x16xi32>,
    %get3A_144 = vector.shape_cast %get3A_143 : vector<1x16xi32> to vector<16xi32>
    %swap3A_145 = arith.constant 0 : i32
    %swap3A_146 = arith.constant 1 : i32
    %swap3A_147 = arith.index_cast %swap3A_145 : i32 to index
    %swap3A_148 = arith.index_cast %swap3A_146 : i32 to index
    %swap3A_149 = arith.constant 32 : index
    %swap3A_150 = tpu.vector_load %arg9[%swap3A_147, %swap3A_148, %swap3A_149] {strides = array<i32>} : memref<2x6x128xi32, #tpu.memory_space<vmem>>, vector<1x1x16xi32>,
    %swap3A_151 = vector.shape_cast %swap3A_150 : vector<1x1x16xi32> to vector<16xi32>
    %swap3A_152 = vector.shape_cast %get3A_144 : vector<16xi32> to vector<1x1x16xi32>
    tpu.vector_store %arg9[%swap3A_147, %swap3A_148, %swap3A_149], %swap3A_152 {strides = array<i32>} : memref<2x6x128xi32, #tpu.memory_space<vmem>>, vector<1x1x16xi32>,
    %get3A_153 = arith.constant 0 : i32
    %get3A_154 = arith.index_cast %get3A_153 : i32 to index
    %get3A_155 = arith.constant 176 : index
    %get3A_156 = tpu.vector_load %arg8[%get3A_154, %get3A_155] {strides = array<i32>} : memref<2x768xi32, #tpu.memory_space<vmem>>, vector<1x16xi32>,
    %get3A_157 = vector.shape_cast %get3A_156 : vector<1x16xi32> to vector<16xi32>
    %swap3A_158 = arith.constant 0 : i32
    %swap3A_159 = arith.constant 1 : i32
    %swap3A_160 = arith.index_cast %swap3A_158 : i32 to index
    %swap3A_161 = arith.index_cast %swap3A_159 : i32 to index
    %swap3A_162 = arith.constant 48 : index
    %swap3A_163 = tpu.vector_load %arg9[%swap3A_160, %swap3A_161, %swap3A_162] {strides = array<i32>} : memref<2x6x128xi32, #tpu.memory_space<vmem>>, vector<1x1x16xi32>,
    %swap3A_164 = vector.shape_cast %swap3A_163 : vector<1x1x16xi32> to vector<16xi32>
    %swap3A_165 = vector.shape_cast %get3A_157 : vector<16xi32> to vector<1x1x16xi32>
    tpu.vector_store %arg9[%swap3A_160, %swap3A_161, %swap3A_162], %swap3A_165 {strides = array<i32>} : memref<2x6x128xi32, #tpu.memory_space<vmem>>, vector<1x1x16xi32>,
    %get3A_166 = arith.constant 0 : i32
    %get3A_167 = arith.index_cast %get3A_166 : i32 to index
    %get3A_168 = arith.constant 192 : index
    %get3A_169 = tpu.vector_load %arg8[%get3A_167, %get3A_168] {strides = array<i32>} : memref<2x768xi32, #tpu.memory_space<vmem>>, vector<1x16xi32>,
    %get3A_170 = vector.shape_cast %get3A_169 : vector<1x16xi32> to vector<16xi32>
    %swap3A_171 = arith.constant 0 : i32
    %swap3A_172 = arith.constant 1 : i32
    %swap3A_173 = arith.index_cast %swap3A_171 : i32 to index
    %swap3A_174 = arith.index_cast %swap3A_172 : i32 to index
    %swap3A_175 = arith.constant 64 : index
    %swap3A_176 = tpu.vector_load %arg9[%swap3A_173, %swap3A_174, %swap3A_175] {strides = array<i32>} : memref<2x6x128xi32, #tpu.memory_space<vmem>>, vector<1x1x16xi32>,
    %swap3A_177 = vector.shape_cast %swap3A_176 : vector<1x1x16xi32> to vector<16xi32>
    %swap3A_178 = vector.shape_cast %get3A_170 : vector<16xi32> to vector<1x1x16xi32>
    tpu.vector_store %arg9[%swap3A_173, %swap3A_174, %swap3A_175], %swap3A_178 {strides = array<i32>} : memref<2x6x128xi32, #tpu.memory_space<vmem>>, vector<1x1x16xi32>,
    %get3A_179 = arith.constant 0 : i32
    %get3A_180 = arith.index_cast %get3A_179 : i32 to index
    %get3A_181 = arith.constant 208 : index
    %get3A_182 = tpu.vector_load %arg8[%get3A_180, %get3A_181] {strides = array<i32>} : memref<2x768xi32, #tpu.memory_space<vmem>>, vector<1x16xi32>,
    %get3A_183 = vector.shape_cast %get3A_182 : vector<1x16xi32> to vector<16xi32>
    %swap3A_184 = arith.constant 0 : i32
    %swap3A_185 = arith.constant 1 : i32
    %swap3A_186 = arith.index_cast %swap3A_184 : i32 to index
    %swap3A_187 = arith.index_cast %swap3A_185 : i32 to index
    %swap3A_188 = arith.constant 80 : index
    %swap3A_189 = tpu.vector_load %arg9[%swap3A_186, %swap3A_187, %swap3A_188] {strides = array<i32>} : memref<2x6x128xi32, #tpu.memory_space<vmem>>, vector<1x1x16xi32>,
    %swap3A_190 = vector.shape_cast %swap3A_189 : vector<1x1x16xi32> to vector<16xi32>
    %swap3A_191 = vector.shape_cast %get3A_183 : vector<16xi32> to vector<1x1x16xi32>
    tpu.vector_store %arg9[%swap3A_186, %swap3A_187, %swap3A_188], %swap3A_191 {strides = array<i32>} : memref<2x6x128xi32, #tpu.memory_space<vmem>>, vector<1x1x16xi32>,
    %get3A_192 = arith.constant 0 : i32
    %get3A_193 = arith.index_cast %get3A_192 : i32 to index
    %get3A_194 = arith.constant 224 : index
    %get3A_195 = tpu.vector_load %arg8[%get3A_193, %get3A_194] {strides = array<i32>} : memref<2x768xi32, #tpu.memory_space<vmem>>, vector<1x16xi32>,
    %get3A_196 = vector.shape_cast %get3A_195 : vector<1x16xi32> to vector<16xi32>
    %swap3A_197 = arith.constant 0 : i32
    %swap3A_198 = arith.constant 1 : i32
    %swap3A_199 = arith.index_cast %swap3A_197 : i32 to index
    %swap3A_200 = arith.index_cast %swap3A_198 : i32 to index
    %swap3A_201 = arith.constant 96 : index
    %swap3A_202 = tpu.vector_load %arg9[%swap3A_199, %swap3A_200, %swap3A_201] {strides = array<i32>} : memref<2x6x128xi32, #tpu.memory_space<vmem>>, vector<1x1x16xi32>,
    %swap3A_203 = vector.shape_cast %swap3A_202 : vector<1x1x16xi32> to vector<16xi32>
    %swap3A_204 = vector.shape_cast %get3A_196 : vector<16xi32> to vector<1x1x16xi32>
    tpu.vector_store %arg9[%swap3A_199, %swap3A_200, %swap3A_201], %swap3A_204 {strides = array<i32>} : memref<2x6x128xi32, #tpu.memory_space<vmem>>, vector<1x1x16xi32>,
    %get3A_205 = arith.constant 0 : i32
    %get3A_206 = arith.index_cast %get3A_205 : i32 to index
    %get3A_207 = arith.constant 240 : index
    %get3A_208 = tpu.vector_load %arg8[%get3A_206, %get3A_207] {strides = array<i32>} : memref<2x768xi32, #tpu.memory_space<vmem>>, vector<1x16xi32>,
    %get3A_209 = vector.shape_cast %get3A_208 : vector<1x16xi32> to vector<16xi32>
    %swap3A_210 = arith.constant 0 : i32
    %swap3A_211 = arith.constant 1 : i32
    %swap3A_212 = arith.index_cast %swap3A_210 : i32 to index
    %swap3A_213 = arith.index_cast %swap3A_211 : i32 to index
    %swap3A_214 = arith.constant 112 : index
    %swap3A_215 = tpu.vector_load %arg9[%swap3A_212, %swap3A_213, %swap3A_214] {strides = array<i32>} : memref<2x6x128xi32, #tpu.memory_space<vmem>>, vector<1x1x16xi32>,
    %swap3A_216 = vector.shape_cast %swap3A_215 : vector<1x1x16xi32> to vector<16xi32>
    %swap3A_217 = vector.shape_cast %get3A_209 : vector<16xi32> to vector<1x1x16xi32>
    tpu.vector_store %arg9[%swap3A_212, %swap3A_213, %swap3A_214], %swap3A_217 {strides = array<i32>} : memref<2x6x128xi32, #tpu.memory_space<vmem>>, vector<1x1x16xi32>,
    %get3A_218 = arith.constant 0 : i32
    %get3A_219 = arith.index_cast %get3A_218 : i32 to index
    %get3A_220 = arith.constant 256 : index
    %get3A_221 = tpu.vector_load %arg8[%get3A_219, %get3A_220] {strides = array<i32>} : memref<2x768xi32, #tpu.memory_space<vmem>>, vector<1x16xi32>,
    %get3A_222 = vector.shape_cast %get3A_221 : vector<1x16xi32> to vector<16xi32>
    %swap3A_223 = arith.constant 0 : i32
    %swap3A_224 = arith.constant 2 : i32
    %swap3A_225 = arith.index_cast %swap3A_223 : i32 to index
    %swap3A_226 = arith.index_cast %swap3A_224 : i32 to index
    %swap3A_227 = arith.constant 0 : index
    %swap3A_228 = tpu.vector_load %arg9[%swap3A_225, %swap3A_226, %swap3A_227] {strides = array<i32>} : memref<2x6x128xi32, #tpu.memory_space<vmem>>, vector<1x1x16xi32>,
    %swap3A_229 = vector.shape_cast %swap3A_228 : vector<1x1x16xi32> to vector<16xi32>
    %swap3A_230 = vector.shape_cast %get3A_222 : vector<16xi32> to vector<1x1x16xi32>
    tpu.vector_store %arg9[%swap3A_225, %swap3A_226, %swap3A_227], %swap3A_230 {strides = array<i32>} : memref<2x6x128xi32, #tpu.memory_space<vmem>>, vector<1x1x16xi32>,
    %get3A_231 = arith.constant 0 : i32
    %get3A_232 = arith.index_cast %get3A_231 : i32 to index
    %get3A_233 = arith.constant 272 : index
    %get3A_234 = tpu.vector_load %arg8[%get3A_232, %get3A_233] {strides = array<i32>} : memref<2x768xi32, #tpu.memory_space<vmem>>, vector<1x16xi32>,
    %get3A_235 = vector.shape_cast %get3A_234 : vector<1x16xi32> to vector<16xi32>
    %swap3A_236 = arith.constant 0 : i32
    %swap3A_237 = arith.constant 2 : i32
    %swap3A_238 = arith.index_cast %swap3A_236 : i32 to index
    %swap3A_239 = arith.index_cast %swap3A_237 : i32 to index
    %swap3A_240 = arith.constant 16 : index
    %swap3A_241 = tpu.vector_load %arg9[%swap3A_238, %swap3A_239, %swap3A_240] {strides = array<i32>} : memref<2x6x128xi32, #tpu.memory_space<vmem>>, vector<1x1x16xi32>,
    %swap3A_242 = vector.shape_cast %swap3A_241 : vector<1x1x16xi32> to vector<16xi32>
    %swap3A_243 = vector.shape_cast %get3A_235 : vector<16xi32> to vector<1x1x16xi32>
    tpu.vector_store %arg9[%swap3A_238, %swap3A_239, %swap3A_240], %swap3A_243 {strides = array<i32>} : memref<2x6x128xi32, #tpu.memory_space<vmem>>, vector<1x1x16xi32>,
    %get3A_244 = arith.constant 0 : i32
    %get3A_245 = arith.index_cast %get3A_244 : i32 to index
    %get3A_246 = arith.constant 288 : index
    %get3A_247 = tpu.vector_load %arg8[%get3A_245, %get3A_246] {strides = array<i32>} : memref<2x768xi32, #tpu.memory_space<vmem>>, vector<1x16xi32>,
    %get3A_248 = vector.shape_cast %get3A_247 : vector<1x16xi32> to vector<16xi32>
    %swap3A_249 = arith.constant 0 : i32
    %swap3A_250 = arith.constant 2 : i32
    %swap3A_251 = arith.index_cast %swap3A_249 : i32 to index
    %swap3A_252 = arith.index_cast %swap3A_250 : i32 to index
    %swap3A_253 = arith.constant 32 : index
    %swap3A_254 = tpu.vector_load %arg9[%swap3A_251, %swap3A_252, %swap3A_253] {strides = array<i32>} : memref<2x6x128xi32, #tpu.memory_space<vmem>>, vector<1x1x16xi32>,
    %swap3A_255 = vector.shape_cast %swap3A_254 : vector<1x1x16xi32> to vector<16xi32>
    %swap3A_256 = vector.shape_cast %get3A_248 : vector<16xi32> to vector<1x1x16xi32>
    tpu.vector_store %arg9[%swap3A_251, %swap3A_252, %swap3A_253], %swap3A_256 {strides = array<i32>} : memref<2x6x128xi32, #tpu.memory_space<vmem>>, vector<1x1x16xi32>,
    %get3A_257 = arith.constant 0 : i32
    %get3A_258 = arith.index_cast %get3A_257 : i32 to index
    %get3A_259 = arith.constant 304 : index
    %get3A_260 = tpu.vector_load %arg8[%get3A_258, %get3A_259] {strides = array<i32>} : memref<2x768xi32, #tpu.memory_space<vmem>>, vector<1x16xi32>,
    %get3A_261 = vector.shape_cast %get3A_260 : vector<1x16xi32> to vector<16xi32>
    %swap3A_262 = arith.constant 0 : i32
    %swap3A_263 = arith.constant 2 : i32
    %swap3A_264 = arith.index_cast %swap3A_262 : i32 to index
    %swap3A_265 = arith.index_cast %swap3A_263 : i32 to index
    %swap3A_266 = arith.constant 48 : index
    %swap3A_267 = tpu.vector_load %arg9[%swap3A_264, %swap3A_265, %swap3A_266] {strides = array<i32>} : memref<2x6x128xi32, #tpu.memory_space<vmem>>, vector<1x1x16xi32>,
    %swap3A_268 = vector.shape_cast %swap3A_267 : vector<1x1x16xi32> to vector<16xi32>
    %swap3A_269 = vector.shape_cast %get3A_261 : vector<16xi32> to vector<1x1x16xi32>
    tpu.vector_store %arg9[%swap3A_264, %swap3A_265, %swap3A_266], %swap3A_269 {strides = array<i32>} : memref<2x6x128xi32, #tpu.memory_space<vmem>>, vector<1x1x16xi32>,
    %get3A_270 = arith.constant 0 : i32
    %get3A_271 = arith.index_cast %get3A_270 : i32 to index
    %get3A_272 = arith.constant 320 : index
    %get3A_273 = tpu.vector_load %arg8[%get3A_271, %get3A_272] {strides = array<i32>} : memref<2x768xi32, #tpu.memory_space<vmem>>, vector<1x16xi32>,
    %get3A_274 = vector.shape_cast %get3A_273 : vector<1x16xi32> to vector<16xi32>
    %swap3A_275 = arith.constant 0 : i32
    %swap3A_276 = arith.constant 2 : i32
    %swap3A_277 = arith.index_cast %swap3A_275 : i32 to index
    %swap3A_278 = arith.index_cast %swap3A_276 : i32 to index
    %swap3A_279 = arith.constant 64 : index
    %swap3A_280 = tpu.vector_load %arg9[%swap3A_277, %swap3A_278, %swap3A_279] {strides = array<i32>} : memref<2x6x128xi32, #tpu.memory_space<vmem>>, vector<1x1x16xi32>,
    %swap3A_281 = vector.shape_cast %swap3A_280 : vector<1x1x16xi32> to vector<16xi32>
    %swap3A_282 = vector.shape_cast %get3A_274 : vector<16xi32> to vector<1x1x16xi32>
    tpu.vector_store %arg9[%swap3A_277, %swap3A_278, %swap3A_279], %swap3A_282 {strides = array<i32>} : memref<2x6x128xi32, #tpu.memory_space<vmem>>, vector<1x1x16xi32>,
    %get3A_283 = arith.constant 0 : i32
    %get3A_284 = arith.index_cast %get3A_283 : i32 to index
    %get3A_285 = arith.constant 336 : index
    %get3A_286 = tpu.vector_load %arg8[%get3A_284, %get3A_285] {strides = array<i32>} : memref<2x768xi32, #tpu.memory_space<vmem>>, vector<1x16xi32>,
    %get3A_287 = vector.shape_cast %get3A_286 : vector<1x16xi32> to vector<16xi32>
    %swap3A_288 = arith.constant 0 : i32
    %swap3A_289 = arith.constant 2 : i32
    %swap3A_290 = arith.index_cast %swap3A_288 : i32 to index
    %swap3A_291 = arith.index_cast %swap3A_289 : i32 to index
    %swap3A_292 = arith.constant 80 : index
    %swap3A_293 = tpu.vector_load %arg9[%swap3A_290, %swap3A_291, %swap3A_292] {strides = array<i32>} : memref<2x6x128xi32, #tpu.memory_space<vmem>>, vector<1x1x16xi32>,
    %swap3A_294 = vector.shape_cast %swap3A_293 : vector<1x1x16xi32> to vector<16xi32>
    %swap3A_295 = vector.shape_cast %get3A_287 : vector<16xi32> to vector<1x1x16xi32>
    tpu.vector_store %arg9[%swap3A_290, %swap3A_291, %swap3A_292], %swap3A_295 {strides = array<i32>} : memref<2x6x128xi32, #tpu.memory_space<vmem>>, vector<1x1x16xi32>,
    %get3A_296 = arith.constant 0 : i32
    %get3A_297 = arith.index_cast %get3A_296 : i32 to index
    %get3A_298 = arith.constant 352 : index
    %get3A_299 = tpu.vector_load %arg8[%get3A_297, %get3A_298] {strides = array<i32>} : memref<2x768xi32, #tpu.memory_space<vmem>>, vector<1x16xi32>,
    %get3A_300 = vector.shape_cast %get3A_299 : vector<1x16xi32> to vector<16xi32>
    %swap3A_301 = arith.constant 0 : i32
    %swap3A_302 = arith.constant 2 : i32
    %swap3A_303 = arith.index_cast %swap3A_301 : i32 to index
    %swap3A_304 = arith.index_cast %swap3A_302 : i32 to index
    %swap3A_305 = arith.constant 96 : index
    %swap3A_306 = tpu.vector_load %arg9[%swap3A_303, %swap3A_304, %swap3A_305] {strides = array<i32>} : memref<2x6x128xi32, #tpu.memory_space<vmem>>, vector<1x1x16xi32>,
    %swap3A_307 = vector.shape_cast %swap3A_306 : vector<1x1x16xi32> to vector<16xi32>
    %swap3A_308 = vector.shape_cast %get3A_300 : vector<16xi32> to vector<1x1x16xi32>
    tpu.vector_store %arg9[%swap3A_303, %swap3A_304, %swap3A_305], %swap3A_308 {strides = array<i32>} : memref<2x6x128xi32, #tpu.memory_space<vmem>>, vector<1x1x16xi32>,
    %get3A_309 = arith.constant 0 : i32
    %get3A_310 = arith.index_cast %get3A_309 : i32 to index
    %get3A_311 = arith.constant 368 : index
    %get3A_312 = tpu.vector_load %arg8[%get3A_310, %get3A_311] {strides = array<i32>} : memref<2x768xi32, #tpu.memory_space<vmem>>, vector<1x16xi32>,
    %get3A_313 = vector.shape_cast %get3A_312 : vector<1x16xi32> to vector<16xi32>
    %swap3A_314 = arith.constant 0 : i32
    %swap3A_315 = arith.constant 2 : i32
    %swap3A_316 = arith.index_cast %swap3A_314 : i32 to index
    %swap3A_317 = arith.index_cast %swap3A_315 : i32 to index
    %swap3A_318 = arith.constant 112 : index
    %swap3A_319 = tpu.vector_load %arg9[%swap3A_316, %swap3A_317, %swap3A_318] {strides = array<i32>} : memref<2x6x128xi32, #tpu.memory_space<vmem>>, vector<1x1x16xi32>,
    %swap3A_320 = vector.shape_cast %swap3A_319 : vector<1x1x16xi32> to vector<16xi32>
    %swap3A_321 = vector.shape_cast %get3A_313 : vector<16xi32> to vector<1x1x16xi32>
    tpu.vector_store %arg9[%swap3A_316, %swap3A_317, %swap3A_318], %swap3A_321 {strides = array<i32>} : memref<2x6x128xi32, #tpu.memory_space<vmem>>, vector<1x1x16xi32>,
    %get3A_322 = arith.constant 0 : i32
    %get3A_323 = arith.index_cast %get3A_322 : i32 to index
    %get3A_324 = arith.constant 384 : index
    %get3A_325 = tpu.vector_load %arg8[%get3A_323, %get3A_324] {strides = array<i32>} : memref<2x768xi32, #tpu.memory_space<vmem>>, vector<1x16xi32>,
    %get3A_326 = vector.shape_cast %get3A_325 : vector<1x16xi32> to vector<16xi32>
    %swap3A_327 = arith.constant 0 : i32
    %swap3A_328 = arith.constant 3 : i32
    %swap3A_329 = arith.index_cast %swap3A_327 : i32 to index
    %swap3A_330 = arith.index_cast %swap3A_328 : i32 to index
    %swap3A_331 = arith.constant 0 : index
    %swap3A_332 = tpu.vector_load %arg9[%swap3A_329, %swap3A_330, %swap3A_331] {strides = array<i32>} : memref<2x6x128xi32, #tpu.memory_space<vmem>>, vector<1x1x16xi32>,
    %swap3A_333 = vector.shape_cast %swap3A_332 : vector<1x1x16xi32> to vector<16xi32>
    %swap3A_334 = vector.shape_cast %get3A_326 : vector<16xi32> to vector<1x1x16xi32>
    tpu.vector_store %arg9[%swap3A_329, %swap3A_330, %swap3A_331], %swap3A_334 {strides = array<i32>} : memref<2x6x128xi32, #tpu.memory_space<vmem>>, vector<1x1x16xi32>,
    %get3A_335 = arith.constant 0 : i32
    %get3A_336 = arith.index_cast %get3A_335 : i32 to index
    %get3A_337 = arith.constant 400 : index
    %get3A_338 = tpu.vector_load %arg8[%get3A_336, %get3A_337] {strides = array<i32>} : memref<2x768xi32, #tpu.memory_space<vmem>>, vector<1x16xi32>,
    %get3A_339 = vector.shape_cast %get3A_338 : vector<1x16xi32> to vector<16xi32>
    %swap3A_340 = arith.constant 0 : i32
    %swap3A_341 = arith.constant 3 : i32
    %swap3A_342 = arith.index_cast %swap3A_340 : i32 to index
    %swap3A_343 = arith.index_cast %swap3A_341 : i32 to index
    %swap3A_344 = arith.constant 16 : index
    %swap3A_345 = tpu.vector_load %arg9[%swap3A_342, %swap3A_343, %swap3A_344] {strides = array<i32>} : memref<2x6x128xi32, #tpu.memory_space<vmem>>, vector<1x1x16xi32>,
    %swap3A_346 = vector.shape_cast %swap3A_345 : vector<1x1x16xi32> to vector<16xi32>
    %swap3A_347 = vector.shape_cast %get3A_339 : vector<16xi32> to vector<1x1x16xi32>
    tpu.vector_store %arg9[%swap3A_342, %swap3A_343, %swap3A_344], %swap3A_347 {strides = array<i32>} : memref<2x6x128xi32, #tpu.memory_space<vmem>>, vector<1x1x16xi32>,
    %get3A_348 = arith.constant 0 : i32
    %get3A_349 = arith.index_cast %get3A_348 : i32 to index
    %get3A_350 = arith.constant 416 : index
    %get3A_351 = tpu.vector_load %arg8[%get3A_349, %get3A_350] {strides = array<i32>} : memref<2x768xi32, #tpu.memory_space<vmem>>, vector<1x16xi32>,
    %get3A_352 = vector.shape_cast %get3A_351 : vector<1x16xi32> to vector<16xi32>
    %swap3A_353 = arith.constant 0 : i32
    %swap3A_354 = arith.constant 3 : i32
    %swap3A_355 = arith.index_cast %swap3A_353 : i32 to index
    %swap3A_356 = arith.index_cast %swap3A_354 : i32 to index
    %swap3A_357 = arith.constant 32 : index
    %swap3A_358 = tpu.vector_load %arg9[%swap3A_355, %swap3A_356, %swap3A_357] {strides = array<i32>} : memref<2x6x128xi32, #tpu.memory_space<vmem>>, vector<1x1x16xi32>,
    %swap3A_359 = vector.shape_cast %swap3A_358 : vector<1x1x16xi32> to vector<16xi32>
    %swap3A_360 = vector.shape_cast %get3A_352 : vector<16xi32> to vector<1x1x16xi32>
    tpu.vector_store %arg9[%swap3A_355, %swap3A_356, %swap3A_357], %swap3A_360 {strides = array<i32>} : memref<2x6x128xi32, #tpu.memory_space<vmem>>, vector<1x1x16xi32>,
    %get3A_361 = arith.constant 0 : i32
    %get3A_362 = arith.index_cast %get3A_361 : i32 to index
    %get3A_363 = arith.constant 432 : index
    %get3A_364 = tpu.vector_load %arg8[%get3A_362, %get3A_363] {strides = array<i32>} : memref<2x768xi32, #tpu.memory_space<vmem>>, vector<1x16xi32>,
    %get3A_365 = vector.shape_cast %get3A_364 : vector<1x16xi32> to vector<16xi32>
    %swap3A_366 = arith.constant 0 : i32
    %swap3A_367 = arith.constant 3 : i32
    %swap3A_368 = arith.index_cast %swap3A_366 : i32 to index
    %swap3A_369 = arith.index_cast %swap3A_367 : i32 to index
    %swap3A_370 = arith.constant 48 : index
    %swap3A_371 = tpu.vector_load %arg9[%swap3A_368, %swap3A_369, %swap3A_370] {strides = array<i32>} : memref<2x6x128xi32, #tpu.memory_space<vmem>>, vector<1x1x16xi32>,
    %swap3A_372 = vector.shape_cast %swap3A_371 : vector<1x1x16xi32> to vector<16xi32>
    %swap3A_373 = vector.shape_cast %get3A_365 : vector<16xi32> to vector<1x1x16xi32>
    tpu.vector_store %arg9[%swap3A_368, %swap3A_369, %swap3A_370], %swap3A_373 {strides = array<i32>} : memref<2x6x128xi32, #tpu.memory_space<vmem>>, vector<1x1x16xi32>,
    %get3A_374 = arith.constant 0 : i32
    %get3A_375 = arith.index_cast %get3A_374 : i32 to index
    %get3A_376 = arith.constant 448 : index
    %get3A_377 = tpu.vector_load %arg8[%get3A_375, %get3A_376] {strides = array<i32>} : memref<2x768xi32, #tpu.memory_space<vmem>>, vector<1x16xi32>,
    %get3A_378 = vector.shape_cast %get3A_377 : vector<1x16xi32> to vector<16xi32>
    %swap3A_379 = arith.constant 0 : i32
    %swap3A_380 = arith.constant 3 : i32
    %swap3A_381 = arith.index_cast %swap3A_379 : i32 to index
    %swap3A_382 = arith.index_cast %swap3A_380 : i32 to index
    %swap3A_383 = arith.constant 64 : index
    %swap3A_384 = tpu.vector_load %arg9[%swap3A_381, %swap3A_382, %swap3A_383] {strides = array<i32>} : memref<2x6x128xi32, #tpu.memory_space<vmem>>, vector<1x1x16xi32>,
    %swap3A_385 = vector.shape_cast %swap3A_384 : vector<1x1x16xi32> to vector<16xi32>
    %swap3A_386 = vector.shape_cast %get3A_378 : vector<16xi32> to vector<1x1x16xi32>
    tpu.vector_store %arg9[%swap3A_381, %swap3A_382, %swap3A_383], %swap3A_386 {strides = array<i32>} : memref<2x6x128xi32, #tpu.memory_space<vmem>>, vector<1x1x16xi32>,
    %get3A_387 = arith.constant 0 : i32
    %get3A_388 = arith.index_cast %get3A_387 : i32 to index
    %get3A_389 = arith.constant 464 : index
    %get3A_390 = tpu.vector_load %arg8[%get3A_388, %get3A_389] {strides = array<i32>} : memref<2x768xi32, #tpu.memory_space<vmem>>, vector<1x16xi32>,
    %get3A_391 = vector.shape_cast %get3A_390 : vector<1x16xi32> to vector<16xi32>
    %swap3A_392 = arith.constant 0 : i32
    %swap3A_393 = arith.constant 3 : i32
    %swap3A_394 = arith.index_cast %swap3A_392 : i32 to index
    %swap3A_395 = arith.index_cast %swap3A_393 : i32 to index
    %swap3A_396 = arith.constant 80 : index
    %swap3A_397 = tpu.vector_load %arg9[%swap3A_394, %swap3A_395, %swap3A_396] {strides = array<i32>} : memref<2x6x128xi32, #tpu.memory_space<vmem>>, vector<1x1x16xi32>,
    %swap3A_398 = vector.shape_cast %swap3A_397 : vector<1x1x16xi32> to vector<16xi32>
    %swap3A_399 = vector.shape_cast %get3A_391 : vector<16xi32> to vector<1x1x16xi32>
    tpu.vector_store %arg9[%swap3A_394, %swap3A_395, %swap3A_396], %swap3A_399 {strides = array<i32>} : memref<2x6x128xi32, #tpu.memory_space<vmem>>, vector<1x1x16xi32>,
    %get3A_400 = arith.constant 0 : i32
    %get3A_401 = arith.index_cast %get3A_400 : i32 to index
    %get3A_402 = arith.constant 480 : index
    %get3A_403 = tpu.vector_load %arg8[%get3A_401, %get3A_402] {strides = array<i32>} : memref<2x768xi32, #tpu.memory_space<vmem>>, vector<1x16xi32>,
    %get3A_404 = vector.shape_cast %get3A_403 : vector<1x16xi32> to vector<16xi32>
    %swap3A_405 = arith.constant 0 : i32
    %swap3A_406 = arith.constant 3 : i32
    %swap3A_407 = arith.index_cast %swap3A_405 : i32 to index
    %swap3A_408 = arith.index_cast %swap3A_406 : i32 to index
    %swap3A_409 = arith.constant 96 : index
    %swap3A_410 = tpu.vector_load %arg9[%swap3A_407, %swap3A_408, %swap3A_409] {strides = array<i32>} : memref<2x6x128xi32, #tpu.memory_space<vmem>>, vector<1x1x16xi32>,
    %swap3A_411 = vector.shape_cast %swap3A_410 : vector<1x1x16xi32> to vector<16xi32>
    %swap3A_412 = vector.shape_cast %get3A_404 : vector<16xi32> to vector<1x1x16xi32>
    tpu.vector_store %arg9[%swap3A_407, %swap3A_408, %swap3A_409], %swap3A_412 {strides = array<i32>} : memref<2x6x128xi32, #tpu.memory_space<vmem>>, vector<1x1x16xi32>,
    %get3A_413 = arith.constant 0 : i32
    %get3A_414 = arith.index_cast %get3A_413 : i32 to index
    %get3A_415 = arith.constant 496 : index
    %get3A_416 = tpu.vector_load %arg8[%get3A_414, %get3A_415] {strides = array<i32>} : memref<2x768xi32, #tpu.memory_space<vmem>>, vector<1x16xi32>,
    %get3A_417 = vector.shape_cast %get3A_416 : vector<1x16xi32> to vector<16xi32>
    %swap3A_418 = arith.constant 0 : i32
    %swap3A_419 = arith.constant 3 : i32
    %swap3A_420 = arith.index_cast %swap3A_418 : i32 to index
    %swap3A_421 = arith.index_cast %swap3A_419 : i32 to index
    %swap3A_422 = arith.constant 112 : index
    %swap3A_423 = tpu.vector_load %arg9[%swap3A_420, %swap3A_421, %swap3A_422] {strides = array<i32>} : memref<2x6x128xi32, #tpu.memory_space<vmem>>, vector<1x1x16xi32>,
    %swap3A_424 = vector.shape_cast %swap3A_423 : vector<1x1x16xi32> to vector<16xi32>
    %swap3A_425 = vector.shape_cast %get3A_417 : vector<16xi32> to vector<1x1x16xi32>
    tpu.vector_store %arg9[%swap3A_420, %swap3A_421, %swap3A_422], %swap3A_425 {strides = array<i32>} : memref<2x6x128xi32, #tpu.memory_space<vmem>>, vector<1x1x16xi32>,
    %get3A_426 = arith.constant 0 : i32
    %get3A_427 = arith.index_cast %get3A_426 : i32 to index
    %get3A_428 = arith.constant 512 : index
    %get3A_429 = tpu.vector_load %arg8[%get3A_427, %get3A_428] {strides = array<i32>} : memref<2x768xi32, #tpu.memory_space<vmem>>, vector<1x16xi32>,
    %get3A_430 = vector.shape_cast %get3A_429 : vector<1x16xi32> to vector<16xi32>
    %swap3A_431 = arith.constant 0 : i32
    %swap3A_432 = arith.constant 4 : i32
    %swap3A_433 = arith.index_cast %swap3A_431 : i32 to index
    %swap3A_434 = arith.index_cast %swap3A_432 : i32 to index
    %swap3A_435 = arith.constant 0 : index
    %swap3A_436 = tpu.vector_load %arg9[%swap3A_433, %swap3A_434, %swap3A_435] {strides = array<i32>} : memref<2x6x128xi32, #tpu.memory_space<vmem>>, vector<1x1x16xi32>,
    %swap3A_437 = vector.shape_cast %swap3A_436 : vector<1x1x16xi32> to vector<16xi32>
    %swap3A_438 = vector.shape_cast %get3A_430 : vector<16xi32> to vector<1x1x16xi32>
    tpu.vector_store %arg9[%swap3A_433, %swap3A_434, %swap3A_435], %swap3A_438 {strides = array<i32>} : memref<2x6x128xi32, #tpu.memory_space<vmem>>, vector<1x1x16xi32>,
    %get3A_439 = arith.constant 0 : i32
    %get3A_440 = arith.index_cast %get3A_439 : i32 to index
    %get3A_441 = arith.constant 528 : index
    %get3A_442 = tpu.vector_load %arg8[%get3A_440, %get3A_441] {strides = array<i32>} : memref<2x768xi32, #tpu.memory_space<vmem>>, vector<1x16xi32>,
    %get3A_443 = vector.shape_cast %get3A_442 : vector<1x16xi32> to vector<16xi32>
    %swap3A_444 = arith.constant 0 : i32
    %swap3A_445 = arith.constant 4 : i32
    %swap3A_446 = arith.index_cast %swap3A_444 : i32 to index
    %swap3A_447 = arith.index_cast %swap3A_445 : i32 to index
    %swap3A_448 = arith.constant 16 : index
    %swap3A_449 = tpu.vector_load %arg9[%swap3A_446, %swap3A_447, %swap3A_448] {strides = array<i32>} : memref<2x6x128xi32, #tpu.memory_space<vmem>>, vector<1x1x16xi32>,
    %swap3A_450 = vector.shape_cast %swap3A_449 : vector<1x1x16xi32> to vector<16xi32>
    %swap3A_451 = vector.shape_cast %get3A_443 : vector<16xi32> to vector<1x1x16xi32>
    tpu.vector_store %arg9[%swap3A_446, %swap3A_447, %swap3A_448], %swap3A_451 {strides = array<i32>} : memref<2x6x128xi32, #tpu.memory_space<vmem>>, vector<1x1x16xi32>,
    %get3A_452 = arith.constant 0 : i32
    %get3A_453 = arith.index_cast %get3A_452 : i32 to index
    %get3A_454 = arith.constant 544 : index
    %get3A_455 = tpu.vector_load %arg8[%get3A_453, %get3A_454] {strides = array<i32>} : memref<2x768xi32, #tpu.memory_space<vmem>>, vector<1x16xi32>,
    %get3A_456 = vector.shape_cast %get3A_455 : vector<1x16xi32> to vector<16xi32>
    %swap3A_457 = arith.constant 0 : i32
    %swap3A_458 = arith.constant 4 : i32
    %swap3A_459 = arith.index_cast %swap3A_457 : i32 to index
    %swap3A_460 = arith.index_cast %swap3A_458 : i32 to index
    %swap3A_461 = arith.constant 32 : index
    %swap3A_462 = tpu.vector_load %arg9[%swap3A_459, %swap3A_460, %swap3A_461] {strides = array<i32>} : memref<2x6x128xi32, #tpu.memory_space<vmem>>, vector<1x1x16xi32>,
    %swap3A_463 = vector.shape_cast %swap3A_462 : vector<1x1x16xi32> to vector<16xi32>
    %swap3A_464 = vector.shape_cast %get3A_456 : vector<16xi32> to vector<1x1x16xi32>
    tpu.vector_store %arg9[%swap3A_459, %swap3A_460, %swap3A_461], %swap3A_464 {strides = array<i32>} : memref<2x6x128xi32, #tpu.memory_space<vmem>>, vector<1x1x16xi32>,
    %get3A_465 = arith.constant 0 : i32
    %get3A_466 = arith.index_cast %get3A_465 : i32 to index
    %get3A_467 = arith.constant 560 : index
    %get3A_468 = tpu.vector_load %arg8[%get3A_466, %get3A_467] {strides = array<i32>} : memref<2x768xi32, #tpu.memory_space<vmem>>, vector<1x16xi32>,
    %get3A_469 = vector.shape_cast %get3A_468 : vector<1x16xi32> to vector<16xi32>
    %swap3A_470 = arith.constant 0 : i32
    %swap3A_471 = arith.constant 4 : i32
    %swap3A_472 = arith.index_cast %swap3A_470 : i32 to index
    %swap3A_473 = arith.index_cast %swap3A_471 : i32 to index
    %swap3A_474 = arith.constant 48 : index
    %swap3A_475 = tpu.vector_load %arg9[%swap3A_472, %swap3A_473, %swap3A_474] {strides = array<i32>} : memref<2x6x128xi32, #tpu.memory_space<vmem>>, vector<1x1x16xi32>,
    %swap3A_476 = vector.shape_cast %swap3A_475 : vector<1x1x16xi32> to vector<16xi32>
    %swap3A_477 = vector.shape_cast %get3A_469 : vector<16xi32> to vector<1x1x16xi32>
    tpu.vector_store %arg9[%swap3A_472, %swap3A_473, %swap3A_474], %swap3A_477 {strides = array<i32>} : memref<2x6x128xi32, #tpu.memory_space<vmem>>, vector<1x1x16xi32>,
    %get3A_478 = arith.constant 0 : i32
    %get3A_479 = arith.index_cast %get3A_478 : i32 to index
    %get3A_480 = arith.constant 576 : index
    %get3A_481 = tpu.vector_load %arg8[%get3A_479, %get3A_480] {strides = array<i32>} : memref<2x768xi32, #tpu.memory_space<vmem>>, vector<1x16xi32>,
    %get3A_482 = vector.shape_cast %get3A_481 : vector<1x16xi32> to vector<16xi32>
    %swap3A_483 = arith.constant 0 : i32
    %swap3A_484 = arith.constant 4 : i32
    %swap3A_485 = arith.index_cast %swap3A_483 : i32 to index
    %swap3A_486 = arith.index_cast %swap3A_484 : i32 to index
    %swap3A_487 = arith.constant 64 : index
    %swap3A_488 = tpu.vector_load %arg9[%swap3A_485, %swap3A_486, %swap3A_487] {strides = array<i32>} : memref<2x6x128xi32, #tpu.memory_space<vmem>>, vector<1x1x16xi32>,
    %swap3A_489 = vector.shape_cast %swap3A_488 : vector<1x1x16xi32> to vector<16xi32>
    %swap3A_490 = vector.shape_cast %get3A_482 : vector<16xi32> to vector<1x1x16xi32>
    tpu.vector_store %arg9[%swap3A_485, %swap3A_486, %swap3A_487], %swap3A_490 {strides = array<i32>} : memref<2x6x128xi32, #tpu.memory_space<vmem>>, vector<1x1x16xi32>,
    %get3A_491 = arith.constant 0 : i32
    %get3A_492 = arith.index_cast %get3A_491 : i32 to index
    %get3A_493 = arith.constant 592 : index
    %get3A_494 = tpu.vector_load %arg8[%get3A_492, %get3A_493] {strides = array<i32>} : memref<2x768xi32, #tpu.memory_space<vmem>>, vector<1x16xi32>,
    %get3A_495 = vector.shape_cast %get3A_494 : vector<1x16xi32> to vector<16xi32>
    %swap3A_496 = arith.constant 0 : i32
    %swap3A_497 = arith.constant 4 : i32
    %swap3A_498 = arith.index_cast %swap3A_496 : i32 to index
    %swap3A_499 = arith.index_cast %swap3A_497 : i32 to index
    %swap3A_500 = arith.constant 80 : index
    %swap3A_501 = tpu.vector_load %arg9[%swap3A_498, %swap3A_499, %swap3A_500] {strides = array<i32>} : memref<2x6x128xi32, #tpu.memory_space<vmem>>, vector<1x1x16xi32>,
    %swap3A_502 = vector.shape_cast %swap3A_501 : vector<1x1x16xi32> to vector<16xi32>
    %swap3A_503 = vector.shape_cast %get3A_495 : vector<16xi32> to vector<1x1x16xi32>
    tpu.vector_store %arg9[%swap3A_498, %swap3A_499, %swap3A_500], %swap3A_503 {strides = array<i32>} : memref<2x6x128xi32, #tpu.memory_space<vmem>>, vector<1x1x16xi32>,
    %get3A_504 = arith.constant 0 : i32
    %get3A_505 = arith.index_cast %get3A_504 : i32 to index
    %get3A_506 = arith.constant 608 : index
    %get3A_507 = tpu.vector_load %arg8[%get3A_505, %get3A_506] {strides = array<i32>} : memref<2x768xi32, #tpu.memory_space<vmem>>, vector<1x16xi32>,
    %get3A_508 = vector.shape_cast %get3A_507 : vector<1x16xi32> to vector<16xi32>
    %swap3A_509 = arith.constant 0 : i32
    %swap3A_510 = arith.constant 4 : i32
    %swap3A_511 = arith.index_cast %swap3A_509 : i32 to index
    %swap3A_512 = arith.index_cast %swap3A_510 : i32 to index
    %swap3A_513 = arith.constant 96 : index
    %swap3A_514 = tpu.vector_load %arg9[%swap3A_511, %swap3A_512, %swap3A_513] {strides = array<i32>} : memref<2x6x128xi32, #tpu.memory_space<vmem>>, vector<1x1x16xi32>,
    %swap3A_515 = vector.shape_cast %swap3A_514 : vector<1x1x16xi32> to vector<16xi32>
    %swap3A_516 = vector.shape_cast %get3A_508 : vector<16xi32> to vector<1x1x16xi32>
    tpu.vector_store %arg9[%swap3A_511, %swap3A_512, %swap3A_513], %swap3A_516 {strides = array<i32>} : memref<2x6x128xi32, #tpu.memory_space<vmem>>, vector<1x1x16xi32>,
    %get3A_517 = arith.constant 0 : i32
    %get3A_518 = arith.index_cast %get3A_517 : i32 to index
    %get3A_519 = arith.constant 624 : index
    %get3A_520 = tpu.vector_load %arg8[%get3A_518, %get3A_519] {strides = array<i32>} : memref<2x768xi32, #tpu.memory_space<vmem>>, vector<1x16xi32>,
    %get3A_521 = vector.shape_cast %get3A_520 : vector<1x16xi32> to vector<16xi32>
    %swap3A_522 = arith.constant 0 : i32
    %swap3A_523 = arith.constant 4 : i32
    %swap3A_524 = arith.index_cast %swap3A_522 : i32 to index
    %swap3A_525 = arith.index_cast %swap3A_523 : i32 to index
    %swap3A_526 = arith.constant 112 : index
    %swap3A_527 = tpu.vector_load %arg9[%swap3A_524, %swap3A_525, %swap3A_526] {strides = array<i32>} : memref<2x6x128xi32, #tpu.memory_space<vmem>>, vector<1x1x16xi32>,
    %swap3A_528 = vector.shape_cast %swap3A_527 : vector<1x1x16xi32> to vector<16xi32>
    %swap3A_529 = vector.shape_cast %get3A_521 : vector<16xi32> to vector<1x1x16xi32>
    tpu.vector_store %arg9[%swap3A_524, %swap3A_525, %swap3A_526], %swap3A_529 {strides = array<i32>} : memref<2x6x128xi32, #tpu.memory_space<vmem>>, vector<1x1x16xi32>,
    %get3A_530 = arith.constant 0 : i32
    %get3A_531 = arith.index_cast %get3A_530 : i32 to index
    %get3A_532 = arith.constant 640 : index
    %get3A_533 = tpu.vector_load %arg8[%get3A_531, %get3A_532] {strides = array<i32>} : memref<2x768xi32, #tpu.memory_space<vmem>>, vector<1x16xi32>,
    %get3A_534 = vector.shape_cast %get3A_533 : vector<1x16xi32> to vector<16xi32>
    %swap3A_535 = arith.constant 0 : i32
    %swap3A_536 = arith.constant 5 : i32
    %swap3A_537 = arith.index_cast %swap3A_535 : i32 to index
    %swap3A_538 = arith.index_cast %swap3A_536 : i32 to index
    %swap3A_539 = arith.constant 0 : index
    %swap3A_540 = tpu.vector_load %arg9[%swap3A_537, %swap3A_538, %swap3A_539] {strides = array<i32>} : memref<2x6x128xi32, #tpu.memory_space<vmem>>, vector<1x1x16xi32>,
    %swap3A_541 = vector.shape_cast %swap3A_540 : vector<1x1x16xi32> to vector<16xi32>
    %swap3A_542 = vector.shape_cast %get3A_534 : vector<16xi32> to vector<1x1x16xi32>
    tpu.vector_store %arg9[%swap3A_537, %swap3A_538, %swap3A_539], %swap3A_542 {strides = array<i32>} : memref<2x6x128xi32, #tpu.memory_space<vmem>>, vector<1x1x16xi32>,
    %get3A_543 = arith.constant 0 : i32
    %get3A_544 = arith.index_cast %get3A_543 : i32 to index
    %get3A_545 = arith.constant 656 : index
    %get3A_546 = tpu.vector_load %arg8[%get3A_544, %get3A_545] {strides = array<i32>} : memref<2x768xi32, #tpu.memory_space<vmem>>, vector<1x16xi32>,
    %get3A_547 = vector.shape_cast %get3A_546 : vector<1x16xi32> to vector<16xi32>
    %swap3A_548 = arith.constant 0 : i32
    %swap3A_549 = arith.constant 5 : i32
    %swap3A_550 = arith.index_cast %swap3A_548 : i32 to index
    %swap3A_551 = arith.index_cast %swap3A_549 : i32 to index
    %swap3A_552 = arith.constant 16 : index
    %swap3A_553 = tpu.vector_load %arg9[%swap3A_550, %swap3A_551, %swap3A_552] {strides = array<i32>} : memref<2x6x128xi32, #tpu.memory_space<vmem>>, vector<1x1x16xi32>,
    %swap3A_554 = vector.shape_cast %swap3A_553 : vector<1x1x16xi32> to vector<16xi32>
    %swap3A_555 = vector.shape_cast %get3A_547 : vector<16xi32> to vector<1x1x16xi32>
    tpu.vector_store %arg9[%swap3A_550, %swap3A_551, %swap3A_552], %swap3A_555 {strides = array<i32>} : memref<2x6x128xi32, #tpu.memory_space<vmem>>, vector<1x1x16xi32>,
    %get3A_556 = arith.constant 0 : i32
    %get3A_557 = arith.index_cast %get3A_556 : i32 to index
    %get3A_558 = arith.constant 672 : index
    %get3A_559 = tpu.vector_load %arg8[%get3A_557, %get3A_558] {strides = array<i32>} : memref<2x768xi32, #tpu.memory_space<vmem>>, vector<1x16xi32>,
    %get3A_560 = vector.shape_cast %get3A_559 : vector<1x16xi32> to vector<16xi32>
    %swap3A_561 = arith.constant 0 : i32
    %swap3A_562 = arith.constant 5 : i32
    %swap3A_563 = arith.index_cast %swap3A_561 : i32 to index
    %swap3A_564 = arith.index_cast %swap3A_562 : i32 to index
    %swap3A_565 = arith.constant 32 : index
    %swap3A_566 = tpu.vector_load %arg9[%swap3A_563, %swap3A_564, %swap3A_565] {strides = array<i32>} : memref<2x6x128xi32, #tpu.memory_space<vmem>>, vector<1x1x16xi32>,
    %swap3A_567 = vector.shape_cast %swap3A_566 : vector<1x1x16xi32> to vector<16xi32>
    %swap3A_568 = vector.shape_cast %get3A_560 : vector<16xi32> to vector<1x1x16xi32>
    tpu.vector_store %arg9[%swap3A_563, %swap3A_564, %swap3A_565], %swap3A_568 {strides = array<i32>} : memref<2x6x128xi32, #tpu.memory_space<vmem>>, vector<1x1x16xi32>,
    %get3A_569 = arith.constant 0 : i32
    %get3A_570 = arith.index_cast %get3A_569 : i32 to index
    %get3A_571 = arith.constant 688 : index
    %get3A_572 = tpu.vector_load %arg8[%get3A_570, %get3A_571] {strides = array<i32>} : memref<2x768xi32, #tpu.memory_space<vmem>>, vector<1x16xi32>,
    %get3A_573 = vector.shape_cast %get3A_572 : vector<1x16xi32> to vector<16xi32>
    %swap3A_574 = arith.constant 0 : i32
    %swap3A_575 = arith.constant 5 : i32
    %swap3A_576 = arith.index_cast %swap3A_574 : i32 to index
    %swap3A_577 = arith.index_cast %swap3A_575 : i32 to index
    %swap3A_578 = arith.constant 48 : index
    %swap3A_579 = tpu.vector_load %arg9[%swap3A_576, %swap3A_577, %swap3A_578] {strides = array<i32>} : memref<2x6x128xi32, #tpu.memory_space<vmem>>, vector<1x1x16xi32>,
    %swap3A_580 = vector.shape_cast %swap3A_579 : vector<1x1x16xi32> to vector<16xi32>
    %swap3A_581 = vector.shape_cast %get3A_573 : vector<16xi32> to vector<1x1x16xi32>
    tpu.vector_store %arg9[%swap3A_576, %swap3A_577, %swap3A_578], %swap3A_581 {strides = array<i32>} : memref<2x6x128xi32, #tpu.memory_space<vmem>>, vector<1x1x16xi32>,
    %get3A_582 = arith.constant 0 : i32
    %get3A_583 = arith.index_cast %get3A_582 : i32 to index
    %get3A_584 = arith.constant 704 : index
    %get3A_585 = tpu.vector_load %arg8[%get3A_583, %get3A_584] {strides = array<i32>} : memref<2x768xi32, #tpu.memory_space<vmem>>, vector<1x16xi32>,
    %get3A_586 = vector.shape_cast %get3A_585 : vector<1x16xi32> to vector<16xi32>
    %swap3A_587 = arith.constant 0 : i32
    %swap3A_588 = arith.constant 5 : i32
    %swap3A_589 = arith.index_cast %swap3A_587 : i32 to index
    %swap3A_590 = arith.index_cast %swap3A_588 : i32 to index
    %swap3A_591 = arith.constant 64 : index
    %swap3A_592 = tpu.vector_load %arg9[%swap3A_589, %swap3A_590, %swap3A_591] {strides = array<i32>} : memref<2x6x128xi32, #tpu.memory_space<vmem>>, vector<1x1x16xi32>,
    %swap3A_593 = vector.shape_cast %swap3A_592 : vector<1x1x16xi32> to vector<16xi32>
    %swap3A_594 = vector.shape_cast %get3A_586 : vector<16xi32> to vector<1x1x16xi32>
    tpu.vector_store %arg9[%swap3A_589, %swap3A_590, %swap3A_591], %swap3A_594 {strides = array<i32>} : memref<2x6x128xi32, #tpu.memory_space<vmem>>, vector<1x1x16xi32>,
    %get3A_595 = arith.constant 0 : i32
    %get3A_596 = arith.index_cast %get3A_595 : i32 to index
    %get3A_597 = arith.constant 720 : index
    %get3A_598 = tpu.vector_load %arg8[%get3A_596, %get3A_597] {strides = array<i32>} : memref<2x768xi32, #tpu.memory_space<vmem>>, vector<1x16xi32>,
    %get3A_599 = vector.shape_cast %get3A_598 : vector<1x16xi32> to vector<16xi32>
    %swap3A_600 = arith.constant 0 : i32
    %swap3A_601 = arith.constant 5 : i32
    %swap3A_602 = arith.index_cast %swap3A_600 : i32 to index
    %swap3A_603 = arith.index_cast %swap3A_601 : i32 to index
    %swap3A_604 = arith.constant 80 : index
    %swap3A_605 = tpu.vector_load %arg9[%swap3A_602, %swap3A_603, %swap3A_604] {strides = array<i32>} : memref<2x6x128xi32, #tpu.memory_space<vmem>>, vector<1x1x16xi32>,
    %swap3A_606 = vector.shape_cast %swap3A_605 : vector<1x1x16xi32> to vector<16xi32>
    %swap3A_607 = vector.shape_cast %get3A_599 : vector<16xi32> to vector<1x1x16xi32>
    tpu.vector_store %arg9[%swap3A_602, %swap3A_603, %swap3A_604], %swap3A_607 {strides = array<i32>} : memref<2x6x128xi32, #tpu.memory_space<vmem>>, vector<1x1x16xi32>,
    %get3A_608 = arith.constant 0 : i32
    %get3A_609 = arith.index_cast %get3A_608 : i32 to index
    %get3A_610 = arith.constant 736 : index
    %get3A_611 = tpu.vector_load %arg8[%get3A_609, %get3A_610] {strides = array<i32>} : memref<2x768xi32, #tpu.memory_space<vmem>>, vector<1x16xi32>,
    %get3A_612 = vector.shape_cast %get3A_611 : vector<1x16xi32> to vector<16xi32>
    %swap3A_613 = arith.constant 0 : i32
    %swap3A_614 = arith.constant 5 : i32
    %swap3A_615 = arith.index_cast %swap3A_613 : i32 to index
    %swap3A_616 = arith.index_cast %swap3A_614 : i32 to index
    %swap3A_617 = arith.constant 96 : index
    %swap3A_618 = tpu.vector_load %arg9[%swap3A_615, %swap3A_616, %swap3A_617] {strides = array<i32>} : memref<2x6x128xi32, #tpu.memory_space<vmem>>, vector<1x1x16xi32>,
    %swap3A_619 = vector.shape_cast %swap3A_618 : vector<1x1x16xi32> to vector<16xi32>
    %swap3A_620 = vector.shape_cast %get3A_612 : vector<16xi32> to vector<1x1x16xi32>
    tpu.vector_store %arg9[%swap3A_615, %swap3A_616, %swap3A_617], %swap3A_620 {strides = array<i32>} : memref<2x6x128xi32, #tpu.memory_space<vmem>>, vector<1x1x16xi32>,
    %get3A_621 = arith.constant 0 : i32
    %get3A_622 = arith.index_cast %get3A_621 : i32 to index
    %get3A_623 = arith.constant 752 : index
    %get3A_624 = tpu.vector_load %arg8[%get3A_622, %get3A_623] {strides = array<i32>} : memref<2x768xi32, #tpu.memory_space<vmem>>, vector<1x16xi32>,
    %get3A_625 = vector.shape_cast %get3A_624 : vector<1x16xi32> to vector<16xi32>
    %swap3A_626 = arith.constant 0 : i32
    %swap3A_627 = arith.constant 5 : i32
    %swap3A_628 = arith.index_cast %swap3A_626 : i32 to index
    %swap3A_629 = arith.index_cast %swap3A_627 : i32 to index
    %swap3A_630 = arith.constant 112 : index
    %swap3A_631 = tpu.vector_load %arg9[%swap3A_628, %swap3A_629, %swap3A_630] {strides = array<i32>} : memref<2x6x128xi32, #tpu.memory_space<vmem>>, vector<1x1x16xi32>,
    %swap3A_632 = vector.shape_cast %swap3A_631 : vector<1x1x16xi32> to vector<16xi32>
    %swap3A_633 = vector.shape_cast %get3A_625 : vector<16xi32> to vector<1x1x16xi32>
    tpu.vector_store %arg9[%swap3A_628, %swap3A_629, %swap3A_630], %swap3A_633 {strides = array<i32>} : memref<2x6x128xi32, #tpu.memory_space<vmem>>, vector<1x1x16xi32>,
    %dma_start3A = arith.constant 0 : i32
    %dma_start3A_634 = arith.constant 0 : i32
    %dma_start3A_635 = arith.constant 0 : i32
    %dma_start3A_636 = arith.constant 0 : i32
    %dma_start3A_637 = tpu.memref_slice %arg10[%dma_start3A_634, %dma_start3A_635, %dma_start3A_636] : memref<2x768x16xf32, #tpu.memory_space<vmem>> -> memref<1x128x16xf32, #tpu.memory_space<vmem>>
    %dma_start3A_638 = tpu.memref_squeeze %dma_start3A_637 : memref<1x128x16xf32, #tpu.memory_space<vmem>> -> memref<128x16xf32, #tpu.memory_space<vmem>>
    %dma_start3A_639 = arith.constant 0 : i32
    %dma_start3A_640 = tpu.memref_slice %arg7[%dma_start3A, %dma_start3A_639] : memref<2x768xi32, #tpu.memory_space<vmem>> -> memref<1x128xi32, #tpu.memory_space<vmem>>
    %dma_start3A_641 = tpu.memref_squeeze %dma_start3A_640 : memref<1x128xi32, #tpu.memory_space<vmem>> -> memref<128xi32, #tpu.memory_space<vmem>>
    %dma_start3A_642 = arith.constant 0 : i32
    %dma_start3A_643 = arith.constant 0 : i32
    %dma_start3A_644 = tpu.memref_slice %arg2[%dma_start3A_642, %dma_start3A_643] : memref<100000x16xf32, #tpu.memory_space<hbm>> -> memref<100000x16xf32, #tpu.memory_space<hbm>>
    tpu.enqueue_indirect_dma source(%dma_start3A_644 : memref<100000x16xf32, #tpu.memory_space<hbm>>) target(%dma_start3A_638 : memref<128x16xf32, #tpu.memory_space<vmem>>) offsets(%dma_start3A_641 : memref<128xi32, #tpu.memory_space<vmem>>) semaphore(%arg11 : memref<!tpu.dma_semaphore, #tpu.memory_space<semaphore_mem>>)
    %dma_start3A_645 = arith.constant 0 : i32
    %dma_start3A_646 = arith.constant 0 : i32
    %dma_start3A_647 = arith.constant 128 : i32
    %dma_start3A_648 = arith.constant 0 : i32
    %dma_start3A_649 = tpu.memref_slice %arg10[%dma_start3A_646, %dma_start3A_647, %dma_start3A_648] : memref<2x768x16xf32, #tpu.memory_space<vmem>> -> memref<1x128x16xf32, #tpu.memory_space<vmem>>
    %dma_start3A_650 = tpu.memref_squeeze %dma_start3A_649 : memref<1x128x16xf32, #tpu.memory_space<vmem>> -> memref<128x16xf32, #tpu.memory_space<vmem>>
    %dma_start3A_651 = arith.constant 128 : i32
    %dma_start3A_652 = tpu.memref_slice %arg7[%dma_start3A_645, %dma_start3A_651] : memref<2x768xi32, #tpu.memory_space<vmem>> -> memref<1x128xi32, #tpu.memory_space<vmem>>
    %dma_start3A_653 = tpu.memref_squeeze %dma_start3A_652 : memref<1x128xi32, #tpu.memory_space<vmem>> -> memref<128xi32, #tpu.memory_space<vmem>>
    %dma_start3A_654 = arith.constant 0 : i32
    %dma_start3A_655 = arith.constant 0 : i32
    %dma_start3A_656 = tpu.memref_slice %arg2[%dma_start3A_654, %dma_start3A_655] : memref<100000x16xf32, #tpu.memory_space<hbm>> -> memref<100000x16xf32, #tpu.memory_space<hbm>>
    tpu.enqueue_indirect_dma source(%dma_start3A_656 : memref<100000x16xf32, #tpu.memory_space<hbm>>) target(%dma_start3A_650 : memref<128x16xf32, #tpu.memory_space<vmem>>) offsets(%dma_start3A_653 : memref<128xi32, #tpu.memory_space<vmem>>) semaphore(%arg11 : memref<!tpu.dma_semaphore, #tpu.memory_space<semaphore_mem>>)
    %dma_start3A_657 = arith.constant 0 : i32
    %dma_start3A_658 = arith.constant 0 : i32
    %dma_start3A_659 = arith.constant 256 : i32
    %dma_start3A_660 = arith.constant 0 : i32
    %dma_start3A_661 = tpu.memref_slice %arg10[%dma_start3A_658, %dma_start3A_659, %dma_start3A_660] : memref<2x768x16xf32, #tpu.memory_space<vmem>> -> memref<1x128x16xf32, #tpu.memory_space<vmem>>
    %dma_start3A_662 = tpu.memref_squeeze %dma_start3A_661 : memref<1x128x16xf32, #tpu.memory_space<vmem>> -> memref<128x16xf32, #tpu.memory_space<vmem>>
    %dma_start3A_663 = arith.constant 256 : i32
    %dma_start3A_664 = tpu.memref_slice %arg7[%dma_start3A_657, %dma_start3A_663] : memref<2x768xi32, #tpu.memory_space<vmem>> -> memref<1x128xi32, #tpu.memory_space<vmem>>
    %dma_start3A_665 = tpu.memref_squeeze %dma_start3A_664 : memref<1x128xi32, #tpu.memory_space<vmem>> -> memref<128xi32, #tpu.memory_space<vmem>>
    %dma_start3A_666 = arith.constant 0 : i32
    %dma_start3A_667 = arith.constant 0 : i32
    %dma_start3A_668 = tpu.memref_slice %arg2[%dma_start3A_666, %dma_start3A_667] : memref<100000x16xf32, #tpu.memory_space<hbm>> -> memref<100000x16xf32, #tpu.memory_space<hbm>>
    tpu.enqueue_indirect_dma source(%dma_start3A_668 : memref<100000x16xf32, #tpu.memory_space<hbm>>) target(%dma_start3A_662 : memref<128x16xf32, #tpu.memory_space<vmem>>) offsets(%dma_start3A_665 : memref<128xi32, #tpu.memory_space<vmem>>) semaphore(%arg11 : memref<!tpu.dma_semaphore, #tpu.memory_space<semaphore_mem>>)
    %dma_start3A_669 = arith.constant 0 : i32
    %dma_start3A_670 = arith.constant 0 : i32
    %dma_start3A_671 = arith.constant 384 : i32
    %dma_start3A_672 = arith.constant 0 : i32
    %dma_start3A_673 = tpu.memref_slice %arg10[%dma_start3A_670, %dma_start3A_671, %dma_start3A_672] : memref<2x768x16xf32, #tpu.memory_space<vmem>> -> memref<1x128x16xf32, #tpu.memory_space<vmem>>
    %dma_start3A_674 = tpu.memref_squeeze %dma_start3A_673 : memref<1x128x16xf32, #tpu.memory_space<vmem>> -> memref<128x16xf32, #tpu.memory_space<vmem>>
    %dma_start3A_675 = arith.constant 384 : i32
    %dma_start3A_676 = tpu.memref_slice %arg7[%dma_start3A_669, %dma_start3A_675] : memref<2x768xi32, #tpu.memory_space<vmem>> -> memref<1x128xi32, #tpu.memory_space<vmem>>
    %dma_start3A_677 = tpu.memref_squeeze %dma_start3A_676 : memref<1x128xi32, #tpu.memory_space<vmem>> -> memref<128xi32, #tpu.memory_space<vmem>>
    %dma_start3A_678 = arith.constant 0 : i32
    %dma_start3A_679 = arith.constant 0 : i32
    %dma_start3A_680 = tpu.memref_slice %arg2[%dma_start3A_678, %dma_start3A_679] : memref<100000x16xf32, #tpu.memory_space<hbm>> -> memref<100000x16xf32, #tpu.memory_space<hbm>>
    tpu.enqueue_indirect_dma source(%dma_start3A_680 : memref<100000x16xf32, #tpu.memory_space<hbm>>) target(%dma_start3A_674 : memref<128x16xf32, #tpu.memory_space<vmem>>) offsets(%dma_start3A_677 : memref<128xi32, #tpu.memory_space<vmem>>) semaphore(%arg11 : memref<!tpu.dma_semaphore, #tpu.memory_space<semaphore_mem>>)
    %dma_start3A_681 = arith.constant 0 : i32
    %dma_start3A_682 = arith.constant 0 : i32
    %dma_start3A_683 = arith.constant 512 : i32
    %dma_start3A_684 = arith.constant 0 : i32
    %dma_start3A_685 = tpu.memref_slice %arg10[%dma_start3A_682, %dma_start3A_683, %dma_start3A_684] : memref<2x768x16xf32, #tpu.memory_space<vmem>> -> memref<1x128x16xf32, #tpu.memory_space<vmem>>
    %dma_start3A_686 = tpu.memref_squeeze %dma_start3A_685 : memref<1x128x16xf32, #tpu.memory_space<vmem>> -> memref<128x16xf32, #tpu.memory_space<vmem>>
    %dma_start3A_687 = arith.constant 512 : i32
    %dma_start3A_688 = tpu.memref_slice %arg7[%dma_start3A_681, %dma_start3A_687] : memref<2x768xi32, #tpu.memory_space<vmem>> -> memref<1x128xi32, #tpu.memory_space<vmem>>
    %dma_start3A_689 = tpu.memref_squeeze %dma_start3A_688 : memref<1x128xi32, #tpu.memory_space<vmem>> -> memref<128xi32, #tpu.memory_space<vmem>>
    %dma_start3A_690 = arith.constant 0 : i32
    %dma_start3A_691 = arith.constant 0 : i32
    %dma_start3A_692 = tpu.memref_slice %arg2[%dma_start3A_690, %dma_start3A_691] : memref<100000x16xf32, #tpu.memory_space<hbm>> -> memref<100000x16xf32, #tpu.memory_space<hbm>>
    tpu.enqueue_indirect_dma source(%dma_start3A_692 : memref<100000x16xf32, #tpu.memory_space<hbm>>) target(%dma_start3A_686 : memref<128x16xf32, #tpu.memory_space<vmem>>) offsets(%dma_start3A_689 : memref<128xi32, #tpu.memory_space<vmem>>) semaphore(%arg11 : memref<!tpu.dma_semaphore, #tpu.memory_space<semaphore_mem>>)
    %dma_start3A_693 = arith.constant 0 : i32
    %dma_start3A_694 = arith.constant 0 : i32
    %dma_start3A_695 = arith.constant 640 : i32
    %dma_start3A_696 = arith.constant 0 : i32
    %dma_start3A_697 = tpu.memref_slice %arg10[%dma_start3A_694, %dma_start3A_695, %dma_start3A_696] : memref<2x768x16xf32, #tpu.memory_space<vmem>> -> memref<1x128x16xf32, #tpu.memory_space<vmem>>
    %dma_start3A_698 = tpu.memref_squeeze %dma_start3A_697 : memref<1x128x16xf32, #tpu.memory_space<vmem>> -> memref<128x16xf32, #tpu.memory_space<vmem>>
    %dma_start3A_699 = arith.constant 640 : i32
    %dma_start3A_700 = tpu.memref_slice %arg7[%dma_start3A_693, %dma_start3A_699] : memref<2x768xi32, #tpu.memory_space<vmem>> -> memref<1x128xi32, #tpu.memory_space<vmem>>
    %dma_start3A_701 = tpu.memref_squeeze %dma_start3A_700 : memref<1x128xi32, #tpu.memory_space<vmem>> -> memref<128xi32, #tpu.memory_space<vmem>>
    %dma_start3A_702 = arith.constant 0 : i32
    %dma_start3A_703 = arith.constant 0 : i32
    %dma_start3A_704 = tpu.memref_slice %arg2[%dma_start3A_702, %dma_start3A_703] : memref<100000x16xf32, #tpu.memory_space<hbm>> -> memref<100000x16xf32, #tpu.memory_space<hbm>>
    tpu.enqueue_indirect_dma source(%dma_start3A_704 : memref<100000x16xf32, #tpu.memory_space<hbm>>) target(%dma_start3A_698 : memref<128x16xf32, #tpu.memory_space<vmem>>) offsets(%dma_start3A_701 : memref<128xi32, #tpu.memory_space<vmem>>) semaphore(%arg11 : memref<!tpu.dma_semaphore, #tpu.memory_space<semaphore_mem>>)
    %add3A_705 = arith.constant 768 : i32
    %add3A_706 = arith.addi %mul3A_6, %add3A_705 : i32
    %dma_start3A_707 = arith.constant 0 : i32
    %dma_start3A_708 = arith.constant 1 : i32
    %dma_start3A_709 = arith.constant 0 : i32
    %dma_start3A_710 = tpu.memref_slice %arg7[%dma_start3A_708, %dma_start3A_709] : memref<2x768xi32, #tpu.memory_space<vmem>> -> memref<1x768xi32, #tpu.memory_space<vmem>>
    %dma_start3A_711 = tpu.memref_squeeze %dma_start3A_710 : memref<1x768xi32, #tpu.memory_space<vmem>> -> memref<768xi32, #tpu.memory_space<vmem>>
    %dma_start3A_712 = tpu.memref_slice %arg3[%dma_start3A_707, %add3A_706] : memref<2x3200000xi32, #tpu.memory_space<hbm>> -> memref<1x768xi32, #tpu.memory_space<hbm>>
    %dma_start3A_713 = tpu.memref_squeeze %dma_start3A_712 : memref<1x768xi32, #tpu.memory_space<hbm>> -> memref<768xi32, #tpu.memory_space<hbm>>
    %dma_start3A_714 = arith.constant 0 : i32
    %dma_start3A_715 = tpu.memref_slice %arg7[%dma_start3A_708, %dma_start3A_714] : memref<2x768xi32, #tpu.memory_space<vmem>> -> memref<1x768xi32, #tpu.memory_space<vmem>>
    %dma_start3A_716 = tpu.memref_squeeze %dma_start3A_715 : memref<1x768xi32, #tpu.memory_space<vmem>> -> memref<768xi32, #tpu.memory_space<vmem>>
    %dma_start3A_717 = tpu.memref_slice %arg3[%dma_start3A_707, %add3A_706] : memref<2x3200000xi32, #tpu.memory_space<hbm>> -> memref<1x768xi32, #tpu.memory_space<hbm>>
    %dma_start3A_718 = tpu.memref_squeeze %dma_start3A_717 : memref<1x768xi32, #tpu.memory_space<hbm>> -> memref<768xi32, #tpu.memory_space<hbm>>
    tpu.enqueue_dma source(%dma_start3A_718 : memref<768xi32, #tpu.memory_space<hbm>>) target(%dma_start3A_716 : memref<768xi32, #tpu.memory_space<vmem>>) target_semaphore(%arg13 : memref<!tpu.dma_semaphore, #tpu.memory_space<semaphore_mem>>)
    %dma_start3A_719 = arith.constant 1 : i32
    %dma_start3A_720 = arith.constant 1 : i32
    %dma_start3A_721 = arith.constant 0 : i32
    %dma_start3A_722 = tpu.memref_slice %arg8[%dma_start3A_720, %dma_start3A_721] : memref<2x768xi32, #tpu.memory_space<vmem>> -> memref<1x768xi32, #tpu.memory_space<vmem>>
    %dma_start3A_723 = tpu.memref_squeeze %dma_start3A_722 : memref<1x768xi32, #tpu.memory_space<vmem>> -> memref<768xi32, #tpu.memory_space<vmem>>
    %dma_start3A_724 = tpu.memref_slice %arg3[%dma_start3A_719, %add3A_706] : memref<2x3200000xi32, #tpu.memory_space<hbm>> -> memref<1x768xi32, #tpu.memory_space<hbm>>
    %dma_start3A_725 = tpu.memref_squeeze %dma_start3A_724 : memref<1x768xi32, #tpu.memory_space<hbm>> -> memref<768xi32, #tpu.memory_space<hbm>>
    %dma_start3A_726 = arith.constant 0 : i32
    %dma_start3A_727 = tpu.memref_slice %arg8[%dma_start3A_720, %dma_start3A_726] : memref<2x768xi32, #tpu.memory_space<vmem>> -> memref<1x768xi32, #tpu.memory_space<vmem>>
    %dma_start3A_728 = tpu.memref_squeeze %dma_start3A_727 : memref<1x768xi32, #tpu.memory_space<vmem>> -> memref<768xi32, #tpu.memory_space<vmem>>
    %dma_start3A_729 = tpu.memref_slice %arg3[%dma_start3A_719, %add3A_706] : memref<2x3200000xi32, #tpu.memory_space<hbm>> -> memref<1x768xi32, #tpu.memory_space<hbm>>
    %dma_start3A_730 = tpu.memref_squeeze %dma_start3A_729 : memref<1x768xi32, #tpu.memory_space<hbm>> -> memref<768xi32, #tpu.memory_space<hbm>>
    tpu.enqueue_dma source(%dma_start3A_730 : memref<768xi32, #tpu.memory_space<hbm>>) target(%dma_start3A_728 : memref<768xi32, #tpu.memory_space<vmem>>) target_semaphore(%arg13 : memref<!tpu.dma_semaphore, #tpu.memory_space<semaphore_mem>>)
    %scan3A = arith.constant 0 : i32
    %scan3A_731 = arith.constant 0 : i32
    %scan3A_732 = arith.constant 129 : i32
    %scan3A_733 = arith.addi %scan3A_731, %scan3A_732 : i32
    %scan3A_734 = arith.constant 1 : i32
    scf.for %scan3A_824 = %scan3A_731 to %scan3A_733 step %scan3A_734  : i32 {
      %jit3A = arith.constant 2 : i32
      %eq3A = arith.constant 0 : i32
      %eq3A_825 = arith.cmpi eq, %jit3A, %eq3A : i32
      %jit3A_826 = arith.constant 1 : i32
      %select_n3A = arith.select %eq3A_825, %jit3A_826, %jit3A : i32
      %rem3A = arith.remsi %scan3A_824, %select_n3A : i32
      %ne3A = arith.constant 0 : i32
      %ne3A_827 = arith.cmpi ne, %rem3A, %ne3A : i32
      %lt3A_828 = arith.constant 0 : i32
      %lt3A_829 = arith.cmpi slt, %rem3A, %lt3A_828 : i32
      %lt3A_830 = arith.constant 0 : i32
      %lt3A_831 = arith.cmpi slt, %select_n3A, %lt3A_830 : i32
      %ne3A_832 = arith.xori %lt3A_829, %lt3A_831 : i1
      %and3A = arith.andi %ne3A_832, %ne3A_827 : i1
      %add3A_833 = arith.addi %rem3A, %select_n3A : i32
      %select_n3A_834 = arith.select %and3A, %add3A_833, %rem3A : i32
      %sub3A = arith.constant 1 : i32
      %sub3A_835 = arith.subi %sub3A, %select_n3A_834 : i32
      %dma_wait3A_836 = arith.constant 0 : i32
      %dma_wait3A_837 = arith.constant 0 : i32
      %dma_wait3A_838 = tpu.memref_slice %arg7[%sub3A_835, %dma_wait3A_837] : memref<2x768xi32, #tpu.memory_space<vmem>> -> memref<1x768xi32, #tpu.memory_space<vmem>>
      %dma_wait3A_839 = tpu.memref_squeeze %dma_wait3A_838 : memref<1x768xi32, #tpu.memory_space<vmem>> -> memref<768xi32, #tpu.memory_space<vmem>>
      %dma_wait3A_840 = arith.constant 0 : i32
      %dma_wait3A_841 = tpu.memref_slice %arg3[%dma_wait3A_836, %dma_wait3A_840] : memref<2x3200000xi32, #tpu.memory_space<hbm>> -> memref<1x768xi32, #tpu.memory_space<hbm>>
      %dma_wait3A_842 = tpu.memref_squeeze %dma_wait3A_841 : memref<1x768xi32, #tpu.memory_space<hbm>> -> memref<768xi32, #tpu.memory_space<hbm>>
      %dma_wait3A_843 = arith.constant 0 : i32
      %dma_wait3A_844 = tpu.memref_slice %arg7[%sub3A_835, %dma_wait3A_843] : memref<2x768xi32, #tpu.memory_space<vmem>> -> memref<1x768xi32, #tpu.memory_space<vmem>>
      %dma_wait3A_845 = tpu.memref_squeeze %dma_wait3A_844 : memref<1x768xi32, #tpu.memory_space<vmem>> -> memref<768xi32, #tpu.memory_space<vmem>>
      %dma_wait3A_846 = arith.constant 0 : i32
      %dma_wait3A_847 = tpu.memref_slice %arg3[%dma_wait3A_836, %dma_wait3A_846] : memref<2x3200000xi32, #tpu.memory_space<hbm>> -> memref<1x768xi32, #tpu.memory_space<hbm>>
      %dma_wait3A_848 = tpu.memref_squeeze %dma_wait3A_847 : memref<1x768xi32, #tpu.memory_space<hbm>> -> memref<768xi32, #tpu.memory_space<hbm>>
      tpu.wait_dma2 semaphore(%arg13 : memref<!tpu.dma_semaphore, #tpu.memory_space<semaphore_mem>>) src(%dma_wait3A_848 : memref<768xi32, #tpu.memory_space<hbm>>) dst(%dma_wait3A_845 : memref<768xi32, #tpu.memory_space<vmem>>)
      %dma_wait3A_849 = arith.constant 0 : i32
      %dma_wait3A_850 = arith.constant 0 : i32
      %dma_wait3A_851 = tpu.memref_slice %arg7[%sub3A_835, %dma_wait3A_850] : memref<2x768xi32, #tpu.memory_space<vmem>> -> memref<1x768xi32, #tpu.memory_space<vmem>>
      %dma_wait3A_852 = tpu.memref_squeeze %dma_wait3A_851 : memref<1x768xi32, #tpu.memory_space<vmem>> -> memref<768xi32, #tpu.memory_space<vmem>>
      %dma_wait3A_853 = arith.constant 0 : i32
      %dma_wait3A_854 = tpu.memref_slice %arg3[%dma_wait3A_849, %dma_wait3A_853] : memref<2x3200000xi32, #tpu.memory_space<hbm>> -> memref<1x768xi32, #tpu.memory_space<hbm>>
      %dma_wait3A_855 = tpu.memref_squeeze %dma_wait3A_854 : memref<1x768xi32, #tpu.memory_space<hbm>> -> memref<768xi32, #tpu.memory_space<hbm>>
      %dma_wait3A_856 = arith.constant 0 : i32
      %dma_wait3A_857 = tpu.memref_slice %arg7[%sub3A_835, %dma_wait3A_856] : memref<2x768xi32, #tpu.memory_space<vmem>> -> memref<1x768xi32, #tpu.memory_space<vmem>>
      %dma_wait3A_858 = tpu.memref_squeeze %dma_wait3A_857 : memref<1x768xi32, #tpu.memory_space<vmem>> -> memref<768xi32, #tpu.memory_space<vmem>>
      %dma_wait3A_859 = arith.constant 0 : i32
      %dma_wait3A_860 = tpu.memref_slice %arg3[%dma_wait3A_849, %dma_wait3A_859] : memref<2x3200000xi32, #tpu.memory_space<hbm>> -> memref<1x768xi32, #tpu.memory_space<hbm>>
      %dma_wait3A_861 = tpu.memref_squeeze %dma_wait3A_860 : memref<1x768xi32, #tpu.memory_space<hbm>> -> memref<768xi32, #tpu.memory_space<hbm>>
      tpu.wait_dma2 semaphore(%arg13 : memref<!tpu.dma_semaphore, #tpu.memory_space<semaphore_mem>>) src(%dma_wait3A_861 : memref<768xi32, #tpu.memory_space<hbm>>) dst(%dma_wait3A_858 : memref<768xi32, #tpu.memory_space<vmem>>)
      %sub3A_862 = arith.constant 1 : i32
      %sub3A_863 = arith.subi %sub3A_862, %select_n3A_834 : i32
      %get3A_864 = arith.index_cast %sub3A_863 : i32 to index
      %get3A_865 = arith.constant 0 : index
      %get3A_866 = tpu.vector_load %arg8[%get3A_864, %get3A_865] {strides = array<i32>} : memref<2x768xi32, #tpu.memory_space<vmem>>, vector<1x16xi32>,
      %get3A_867 = vector.shape_cast %get3A_866 : vector<1x16xi32> to vector<16xi32>
      %swap3A_868 = arith.constant 0 : i32
      %swap3A_869 = arith.index_cast %sub3A_863 : i32 to index
      %swap3A_870 = arith.index_cast %swap3A_868 : i32 to index
      %swap3A_871 = arith.constant 0 : index
      %swap3A_872 = tpu.vector_load %arg9[%swap3A_869, %swap3A_870, %swap3A_871] {strides = array<i32>} : memref<2x6x128xi32, #tpu.memory_space<vmem>>, vector<1x1x16xi32>,
      %swap3A_873 = vector.shape_cast %swap3A_872 : vector<1x1x16xi32> to vector<16xi32>
      %swap3A_874 = vector.shape_cast %get3A_867 : vector<16xi32> to vector<1x1x16xi32>
      tpu.vector_store %arg9[%swap3A_869, %swap3A_870, %swap3A_871], %swap3A_874 {strides = array<i32>} : memref<2x6x128xi32, #tpu.memory_space<vmem>>, vector<1x1x16xi32>,
      %get3A_875 = arith.index_cast %sub3A_863 : i32 to index
      %get3A_876 = arith.constant 16 : index
      %get3A_877 = tpu.vector_load %arg8[%get3A_875, %get3A_876] {strides = array<i32>} : memref<2x768xi32, #tpu.memory_space<vmem>>, vector<1x16xi32>,
      %get3A_878 = vector.shape_cast %get3A_877 : vector<1x16xi32> to vector<16xi32>
      %swap3A_879 = arith.constant 0 : i32
      %swap3A_880 = arith.index_cast %sub3A_863 : i32 to index
      %swap3A_881 = arith.index_cast %swap3A_879 : i32 to index
      %swap3A_882 = arith.constant 16 : index
      %swap3A_883 = tpu.vector_load %arg9[%swap3A_880, %swap3A_881, %swap3A_882] {strides = array<i32>} : memref<2x6x128xi32, #tpu.memory_space<vmem>>, vector<1x1x16xi32>,
      %swap3A_884 = vector.shape_cast %swap3A_883 : vector<1x1x16xi32> to vector<16xi32>
      %swap3A_885 = vector.shape_cast %get3A_878 : vector<16xi32> to vector<1x1x16xi32>
      tpu.vector_store %arg9[%swap3A_880, %swap3A_881, %swap3A_882], %swap3A_885 {strides = array<i32>} : memref<2x6x128xi32, #tpu.memory_space<vmem>>, vector<1x1x16xi32>,
      %get3A_886 = arith.index_cast %sub3A_863 : i32 to index
      %get3A_887 = arith.constant 32 : index
      %get3A_888 = tpu.vector_load %arg8[%get3A_886, %get3A_887] {strides = array<i32>} : memref<2x768xi32, #tpu.memory_space<vmem>>, vector<1x16xi32>,
      %get3A_889 = vector.shape_cast %get3A_888 : vector<1x16xi32> to vector<16xi32>
      %swap3A_890 = arith.constant 0 : i32
      %swap3A_891 = arith.index_cast %sub3A_863 : i32 to index
      %swap3A_892 = arith.index_cast %swap3A_890 : i32 to index
      %swap3A_893 = arith.constant 32 : index
      %swap3A_894 = tpu.vector_load %arg9[%swap3A_891, %swap3A_892, %swap3A_893] {strides = array<i32>} : memref<2x6x128xi32, #tpu.memory_space<vmem>>, vector<1x1x16xi32>,
      %swap3A_895 = vector.shape_cast %swap3A_894 : vector<1x1x16xi32> to vector<16xi32>
      %swap3A_896 = vector.shape_cast %get3A_889 : vector<16xi32> to vector<1x1x16xi32>
      tpu.vector_store %arg9[%swap3A_891, %swap3A_892, %swap3A_893], %swap3A_896 {strides = array<i32>} : memref<2x6x128xi32, #tpu.memory_space<vmem>>, vector<1x1x16xi32>,
      %get3A_897 = arith.index_cast %sub3A_863 : i32 to index
      %get3A_898 = arith.constant 48 : index
      %get3A_899 = tpu.vector_load %arg8[%get3A_897, %get3A_898] {strides = array<i32>} : memref<2x768xi32, #tpu.memory_space<vmem>>, vector<1x16xi32>,
      %get3A_900 = vector.shape_cast %get3A_899 : vector<1x16xi32> to vector<16xi32>
      %swap3A_901 = arith.constant 0 : i32
      %swap3A_902 = arith.index_cast %sub3A_863 : i32 to index
      %swap3A_903 = arith.index_cast %swap3A_901 : i32 to index
      %swap3A_904 = arith.constant 48 : index
      %swap3A_905 = tpu.vector_load %arg9[%swap3A_902, %swap3A_903, %swap3A_904] {strides = array<i32>} : memref<2x6x128xi32, #tpu.memory_space<vmem>>, vector<1x1x16xi32>,
      %swap3A_906 = vector.shape_cast %swap3A_905 : vector<1x1x16xi32> to vector<16xi32>
      %swap3A_907 = vector.shape_cast %get3A_900 : vector<16xi32> to vector<1x1x16xi32>
      tpu.vector_store %arg9[%swap3A_902, %swap3A_903, %swap3A_904], %swap3A_907 {strides = array<i32>} : memref<2x6x128xi32, #tpu.memory_space<vmem>>, vector<1x1x16xi32>,
      %get3A_908 = arith.index_cast %sub3A_863 : i32 to index
      %get3A_909 = arith.constant 64 : index
      %get3A_910 = tpu.vector_load %arg8[%get3A_908, %get3A_909] {strides = array<i32>} : memref<2x768xi32, #tpu.memory_space<vmem>>, vector<1x16xi32>,
      %get3A_911 = vector.shape_cast %get3A_910 : vector<1x16xi32> to vector<16xi32>
      %swap3A_912 = arith.constant 0 : i32
      %swap3A_913 = arith.index_cast %sub3A_863 : i32 to index
      %swap3A_914 = arith.index_cast %swap3A_912 : i32 to index
      %swap3A_915 = arith.constant 64 : index
      %swap3A_916 = tpu.vector_load %arg9[%swap3A_913, %swap3A_914, %swap3A_915] {strides = array<i32>} : memref<2x6x128xi32, #tpu.memory_space<vmem>>, vector<1x1x16xi32>,
      %swap3A_917 = vector.shape_cast %swap3A_916 : vector<1x1x16xi32> to vector<16xi32>
      %swap3A_918 = vector.shape_cast %get3A_911 : vector<16xi32> to vector<1x1x16xi32>
      tpu.vector_store %arg9[%swap3A_913, %swap3A_914, %swap3A_915], %swap3A_918 {strides = array<i32>} : memref<2x6x128xi32, #tpu.memory_space<vmem>>, vector<1x1x16xi32>,
      %get3A_919 = arith.index_cast %sub3A_863 : i32 to index
      %get3A_920 = arith.constant 80 : index
      %get3A_921 = tpu.vector_load %arg8[%get3A_919, %get3A_920] {strides = array<i32>} : memref<2x768xi32, #tpu.memory_space<vmem>>, vector<1x16xi32>,
      %get3A_922 = vector.shape_cast %get3A_921 : vector<1x16xi32> to vector<16xi32>
      %swap3A_923 = arith.constant 0 : i32
      %swap3A_924 = arith.index_cast %sub3A_863 : i32 to index
      %swap3A_925 = arith.index_cast %swap3A_923 : i32 to index
      %swap3A_926 = arith.constant 80 : index
      %swap3A_927 = tpu.vector_load %arg9[%swap3A_924, %swap3A_925, %swap3A_926] {strides = array<i32>} : memref<2x6x128xi32, #tpu.memory_space<vmem>>, vector<1x1x16xi32>,
      %swap3A_928 = vector.shape_cast %swap3A_927 : vector<1x1x16xi32> to vector<16xi32>
      %swap3A_929 = vector.shape_cast %get3A_922 : vector<16xi32> to vector<1x1x16xi32>
      tpu.vector_store %arg9[%swap3A_924, %swap3A_925, %swap3A_926], %swap3A_929 {strides = array<i32>} : memref<2x6x128xi32, #tpu.memory_space<vmem>>, vector<1x1x16xi32>,
      %get3A_930 = arith.index_cast %sub3A_863 : i32 to index
      %get3A_931 = arith.constant 96 : index
      %get3A_932 = tpu.vector_load %arg8[%get3A_930, %get3A_931] {strides = array<i32>} : memref<2x768xi32, #tpu.memory_space<vmem>>, vector<1x16xi32>,
      %get3A_933 = vector.shape_cast %get3A_932 : vector<1x16xi32> to vector<16xi32>
      %swap3A_934 = arith.constant 0 : i32
      %swap3A_935 = arith.index_cast %sub3A_863 : i32 to index
      %swap3A_936 = arith.index_cast %swap3A_934 : i32 to index
      %swap3A_937 = arith.constant 96 : index
      %swap3A_938 = tpu.vector_load %arg9[%swap3A_935, %swap3A_936, %swap3A_937] {strides = array<i32>} : memref<2x6x128xi32, #tpu.memory_space<vmem>>, vector<1x1x16xi32>,
      %swap3A_939 = vector.shape_cast %swap3A_938 : vector<1x1x16xi32> to vector<16xi32>
      %swap3A_940 = vector.shape_cast %get3A_933 : vector<16xi32> to vector<1x1x16xi32>
      tpu.vector_store %arg9[%swap3A_935, %swap3A_936, %swap3A_937], %swap3A_940 {strides = array<i32>} : memref<2x6x128xi32, #tpu.memory_space<vmem>>, vector<1x1x16xi32>,
      %get3A_941 = arith.index_cast %sub3A_863 : i32 to index
      %get3A_942 = arith.constant 112 : index
      %get3A_943 = tpu.vector_load %arg8[%get3A_941, %get3A_942] {strides = array<i32>} : memref<2x768xi32, #tpu.memory_space<vmem>>, vector<1x16xi32>,
      %get3A_944 = vector.shape_cast %get3A_943 : vector<1x16xi32> to vector<16xi32>
      %swap3A_945 = arith.constant 0 : i32
      %swap3A_946 = arith.index_cast %sub3A_863 : i32 to index
      %swap3A_947 = arith.index_cast %swap3A_945 : i32 to index
      %swap3A_948 = arith.constant 112 : index
      %swap3A_949 = tpu.vector_load %arg9[%swap3A_946, %swap3A_947, %swap3A_948] {strides = array<i32>} : memref<2x6x128xi32, #tpu.memory_space<vmem>>, vector<1x1x16xi32>,
      %swap3A_950 = vector.shape_cast %swap3A_949 : vector<1x1x16xi32> to vector<16xi32>
      %swap3A_951 = vector.shape_cast %get3A_944 : vector<16xi32> to vector<1x1x16xi32>
      tpu.vector_store %arg9[%swap3A_946, %swap3A_947, %swap3A_948], %swap3A_951 {strides = array<i32>} : memref<2x6x128xi32, #tpu.memory_space<vmem>>, vector<1x1x16xi32>,
      %get3A_952 = arith.index_cast %sub3A_863 : i32 to index
      %get3A_953 = arith.constant 128 : index
      %get3A_954 = tpu.vector_load %arg8[%get3A_952, %get3A_953] {strides = array<i32>} : memref<2x768xi32, #tpu.memory_space<vmem>>, vector<1x16xi32>,
      %get3A_955 = vector.shape_cast %get3A_954 : vector<1x16xi32> to vector<16xi32>
      %swap3A_956 = arith.constant 1 : i32
      %swap3A_957 = arith.index_cast %sub3A_863 : i32 to index
      %swap3A_958 = arith.index_cast %swap3A_956 : i32 to index
      %swap3A_959 = arith.constant 0 : index
      %swap3A_960 = tpu.vector_load %arg9[%swap3A_957, %swap3A_958, %swap3A_959] {strides = array<i32>} : memref<2x6x128xi32, #tpu.memory_space<vmem>>, vector<1x1x16xi32>,
      %swap3A_961 = vector.shape_cast %swap3A_960 : vector<1x1x16xi32> to vector<16xi32>
      %swap3A_962 = vector.shape_cast %get3A_955 : vector<16xi32> to vector<1x1x16xi32>
      tpu.vector_store %arg9[%swap3A_957, %swap3A_958, %swap3A_959], %swap3A_962 {strides = array<i32>} : memref<2x6x128xi32, #tpu.memory_space<vmem>>, vector<1x1x16xi32>,
      %get3A_963 = arith.index_cast %sub3A_863 : i32 to index
      %get3A_964 = arith.constant 144 : index
      %get3A_965 = tpu.vector_load %arg8[%get3A_963, %get3A_964] {strides = array<i32>} : memref<2x768xi32, #tpu.memory_space<vmem>>, vector<1x16xi32>,
      %get3A_966 = vector.shape_cast %get3A_965 : vector<1x16xi32> to vector<16xi32>
      %swap3A_967 = arith.constant 1 : i32
      %swap3A_968 = arith.index_cast %sub3A_863 : i32 to index
      %swap3A_969 = arith.index_cast %swap3A_967 : i32 to index
      %swap3A_970 = arith.constant 16 : index
      %swap3A_971 = tpu.vector_load %arg9[%swap3A_968, %swap3A_969, %swap3A_970] {strides = array<i32>} : memref<2x6x128xi32, #tpu.memory_space<vmem>>, vector<1x1x16xi32>,
      %swap3A_972 = vector.shape_cast %swap3A_971 : vector<1x1x16xi32> to vector<16xi32>
      %swap3A_973 = vector.shape_cast %get3A_966 : vector<16xi32> to vector<1x1x16xi32>
      tpu.vector_store %arg9[%swap3A_968, %swap3A_969, %swap3A_970], %swap3A_973 {strides = array<i32>} : memref<2x6x128xi32, #tpu.memory_space<vmem>>, vector<1x1x16xi32>,
      %get3A_974 = arith.index_cast %sub3A_863 : i32 to index
      %get3A_975 = arith.constant 160 : index
      %get3A_976 = tpu.vector_load %arg8[%get3A_974, %get3A_975] {strides = array<i32>} : memref<2x768xi32, #tpu.memory_space<vmem>>, vector<1x16xi32>,
      %get3A_977 = vector.shape_cast %get3A_976 : vector<1x16xi32> to vector<16xi32>
      %swap3A_978 = arith.constant 1 : i32
      %swap3A_979 = arith.index_cast %sub3A_863 : i32 to index
      %swap3A_980 = arith.index_cast %swap3A_978 : i32 to index
      %swap3A_981 = arith.constant 32 : index
      %swap3A_982 = tpu.vector_load %arg9[%swap3A_979, %swap3A_980, %swap3A_981] {strides = array<i32>} : memref<2x6x128xi32, #tpu.memory_space<vmem>>, vector<1x1x16xi32>,
      %swap3A_983 = vector.shape_cast %swap3A_982 : vector<1x1x16xi32> to vector<16xi32>
      %swap3A_984 = vector.shape_cast %get3A_977 : vector<16xi32> to vector<1x1x16xi32>
      tpu.vector_store %arg9[%swap3A_979, %swap3A_980, %swap3A_981], %swap3A_984 {strides = array<i32>} : memref<2x6x128xi32, #tpu.memory_space<vmem>>, vector<1x1x16xi32>,
      %get3A_985 = arith.index_cast %sub3A_863 : i32 to index
      %get3A_986 = arith.constant 176 : index
      %get3A_987 = tpu.vector_load %arg8[%get3A_985, %get3A_986] {strides = array<i32>} : memref<2x768xi32, #tpu.memory_space<vmem>>, vector<1x16xi32>,
      %get3A_988 = vector.shape_cast %get3A_987 : vector<1x16xi32> to vector<16xi32>
      %swap3A_989 = arith.constant 1 : i32
      %swap3A_990 = arith.index_cast %sub3A_863 : i32 to index
      %swap3A_991 = arith.index_cast %swap3A_989 : i32 to index
      %swap3A_992 = arith.constant 48 : index
      %swap3A_993 = tpu.vector_load %arg9[%swap3A_990, %swap3A_991, %swap3A_992] {strides = array<i32>} : memref<2x6x128xi32, #tpu.memory_space<vmem>>, vector<1x1x16xi32>,
      %swap3A_994 = vector.shape_cast %swap3A_993 : vector<1x1x16xi32> to vector<16xi32>
      %swap3A_995 = vector.shape_cast %get3A_988 : vector<16xi32> to vector<1x1x16xi32>
      tpu.vector_store %arg9[%swap3A_990, %swap3A_991, %swap3A_992], %swap3A_995 {strides = array<i32>} : memref<2x6x128xi32, #tpu.memory_space<vmem>>, vector<1x1x16xi32>,
      %get3A_996 = arith.index_cast %sub3A_863 : i32 to index
      %get3A_997 = arith.constant 192 : index
      %get3A_998 = tpu.vector_load %arg8[%get3A_996, %get3A_997] {strides = array<i32>} : memref<2x768xi32, #tpu.memory_space<vmem>>, vector<1x16xi32>,
      %get3A_999 = vector.shape_cast %get3A_998 : vector<1x16xi32> to vector<16xi32>
      %swap3A_1000 = arith.constant 1 : i32
      %swap3A_1001 = arith.index_cast %sub3A_863 : i32 to index
      %swap3A_1002 = arith.index_cast %swap3A_1000 : i32 to index
      %swap3A_1003 = arith.constant 64 : index
      %swap3A_1004 = tpu.vector_load %arg9[%swap3A_1001, %swap3A_1002, %swap3A_1003] {strides = array<i32>} : memref<2x6x128xi32, #tpu.memory_space<vmem>>, vector<1x1x16xi32>,
      %swap3A_1005 = vector.shape_cast %swap3A_1004 : vector<1x1x16xi32> to vector<16xi32>
      %swap3A_1006 = vector.shape_cast %get3A_999 : vector<16xi32> to vector<1x1x16xi32>
      tpu.vector_store %arg9[%swap3A_1001, %swap3A_1002, %swap3A_1003], %swap3A_1006 {strides = array<i32>} : memref<2x6x128xi32, #tpu.memory_space<vmem>>, vector<1x1x16xi32>,
      %get3A_1007 = arith.index_cast %sub3A_863 : i32 to index
      %get3A_1008 = arith.constant 208 : index
      %get3A_1009 = tpu.vector_load %arg8[%get3A_1007, %get3A_1008] {strides = array<i32>} : memref<2x768xi32, #tpu.memory_space<vmem>>, vector<1x16xi32>,
      %get3A_1010 = vector.shape_cast %get3A_1009 : vector<1x16xi32> to vector<16xi32>
      %swap3A_1011 = arith.constant 1 : i32
      %swap3A_1012 = arith.index_cast %sub3A_863 : i32 to index
      %swap3A_1013 = arith.index_cast %swap3A_1011 : i32 to index
      %swap3A_1014 = arith.constant 80 : index
      %swap3A_1015 = tpu.vector_load %arg9[%swap3A_1012, %swap3A_1013, %swap3A_1014] {strides = array<i32>} : memref<2x6x128xi32, #tpu.memory_space<vmem>>, vector<1x1x16xi32>,
      %swap3A_1016 = vector.shape_cast %swap3A_1015 : vector<1x1x16xi32> to vector<16xi32>
      %swap3A_1017 = vector.shape_cast %get3A_1010 : vector<16xi32> to vector<1x1x16xi32>
      tpu.vector_store %arg9[%swap3A_1012, %swap3A_1013, %swap3A_1014], %swap3A_1017 {strides = array<i32>} : memref<2x6x128xi32, #tpu.memory_space<vmem>>, vector<1x1x16xi32>,
      %get3A_1018 = arith.index_cast %sub3A_863 : i32 to index
      %get3A_1019 = arith.constant 224 : index
      %get3A_1020 = tpu.vector_load %arg8[%get3A_1018, %get3A_1019] {strides = array<i32>} : memref<2x768xi32, #tpu.memory_space<vmem>>, vector<1x16xi32>,
      %get3A_1021 = vector.shape_cast %get3A_1020 : vector<1x16xi32> to vector<16xi32>
      %swap3A_1022 = arith.constant 1 : i32
      %swap3A_1023 = arith.index_cast %sub3A_863 : i32 to index
      %swap3A_1024 = arith.index_cast %swap3A_1022 : i32 to index
      %swap3A_1025 = arith.constant 96 : index
      %swap3A_1026 = tpu.vector_load %arg9[%swap3A_1023, %swap3A_1024, %swap3A_1025] {strides = array<i32>} : memref<2x6x128xi32, #tpu.memory_space<vmem>>, vector<1x1x16xi32>,
      %swap3A_1027 = vector.shape_cast %swap3A_1026 : vector<1x1x16xi32> to vector<16xi32>
      %swap3A_1028 = vector.shape_cast %get3A_1021 : vector<16xi32> to vector<1x1x16xi32>
      tpu.vector_store %arg9[%swap3A_1023, %swap3A_1024, %swap3A_1025], %swap3A_1028 {strides = array<i32>} : memref<2x6x128xi32, #tpu.memory_space<vmem>>, vector<1x1x16xi32>,
      %get3A_1029 = arith.index_cast %sub3A_863 : i32 to index
      %get3A_1030 = arith.constant 240 : index
      %get3A_1031 = tpu.vector_load %arg8[%get3A_1029, %get3A_1030] {strides = array<i32>} : memref<2x768xi32, #tpu.memory_space<vmem>>, vector<1x16xi32>,
      %get3A_1032 = vector.shape_cast %get3A_1031 : vector<1x16xi32> to vector<16xi32>
      %swap3A_1033 = arith.constant 1 : i32
      %swap3A_1034 = arith.index_cast %sub3A_863 : i32 to index
      %swap3A_1035 = arith.index_cast %swap3A_1033 : i32 to index
      %swap3A_1036 = arith.constant 112 : index
      %swap3A_1037 = tpu.vector_load %arg9[%swap3A_1034, %swap3A_1035, %swap3A_1036] {strides = array<i32>} : memref<2x6x128xi32, #tpu.memory_space<vmem>>, vector<1x1x16xi32>,
      %swap3A_1038 = vector.shape_cast %swap3A_1037 : vector<1x1x16xi32> to vector<16xi32>
      %swap3A_1039 = vector.shape_cast %get3A_1032 : vector<16xi32> to vector<1x1x16xi32>
      tpu.vector_store %arg9[%swap3A_1034, %swap3A_1035, %swap3A_1036], %swap3A_1039 {strides = array<i32>} : memref<2x6x128xi32, #tpu.memory_space<vmem>>, vector<1x1x16xi32>,
      %get3A_1040 = arith.index_cast %sub3A_863 : i32 to index
      %get3A_1041 = arith.constant 256 : index
      %get3A_1042 = tpu.vector_load %arg8[%get3A_1040, %get3A_1041] {strides = array<i32>} : memref<2x768xi32, #tpu.memory_space<vmem>>, vector<1x16xi32>,
      %get3A_1043 = vector.shape_cast %get3A_1042 : vector<1x16xi32> to vector<16xi32>
      %swap3A_1044 = arith.constant 2 : i32
      %swap3A_1045 = arith.index_cast %sub3A_863 : i32 to index
      %swap3A_1046 = arith.index_cast %swap3A_1044 : i32 to index
      %swap3A_1047 = arith.constant 0 : index
      %swap3A_1048 = tpu.vector_load %arg9[%swap3A_1045, %swap3A_1046, %swap3A_1047] {strides = array<i32>} : memref<2x6x128xi32, #tpu.memory_space<vmem>>, vector<1x1x16xi32>,
      %swap3A_1049 = vector.shape_cast %swap3A_1048 : vector<1x1x16xi32> to vector<16xi32>
      %swap3A_1050 = vector.shape_cast %get3A_1043 : vector<16xi32> to vector<1x1x16xi32>
      tpu.vector_store %arg9[%swap3A_1045, %swap3A_1046, %swap3A_1047], %swap3A_1050 {strides = array<i32>} : memref<2x6x128xi32, #tpu.memory_space<vmem>>, vector<1x1x16xi32>,
      %get3A_1051 = arith.index_cast %sub3A_863 : i32 to index
      %get3A_1052 = arith.constant 272 : index
      %get3A_1053 = tpu.vector_load %arg8[%get3A_1051, %get3A_1052] {strides = array<i32>} : memref<2x768xi32, #tpu.memory_space<vmem>>, vector<1x16xi32>,
      %get3A_1054 = vector.shape_cast %get3A_1053 : vector<1x16xi32> to vector<16xi32>
      %swap3A_1055 = arith.constant 2 : i32
      %swap3A_1056 = arith.index_cast %sub3A_863 : i32 to index
      %swap3A_1057 = arith.index_cast %swap3A_1055 : i32 to index
      %swap3A_1058 = arith.constant 16 : index
      %swap3A_1059 = tpu.vector_load %arg9[%swap3A_1056, %swap3A_1057, %swap3A_1058] {strides = array<i32>} : memref<2x6x128xi32, #tpu.memory_space<vmem>>, vector<1x1x16xi32>,
      %swap3A_1060 = vector.shape_cast %swap3A_1059 : vector<1x1x16xi32> to vector<16xi32>
      %swap3A_1061 = vector.shape_cast %get3A_1054 : vector<16xi32> to vector<1x1x16xi32>
      tpu.vector_store %arg9[%swap3A_1056, %swap3A_1057, %swap3A_1058], %swap3A_1061 {strides = array<i32>} : memref<2x6x128xi32, #tpu.memory_space<vmem>>, vector<1x1x16xi32>,
      %get3A_1062 = arith.index_cast %sub3A_863 : i32 to index
      %get3A_1063 = arith.constant 288 : index
      %get3A_1064 = tpu.vector_load %arg8[%get3A_1062, %get3A_1063] {strides = array<i32>} : memref<2x768xi32, #tpu.memory_space<vmem>>, vector<1x16xi32>,
      %get3A_1065 = vector.shape_cast %get3A_1064 : vector<1x16xi32> to vector<16xi32>
      %swap3A_1066 = arith.constant 2 : i32
      %swap3A_1067 = arith.index_cast %sub3A_863 : i32 to index
      %swap3A_1068 = arith.index_cast %swap3A_1066 : i32 to index
      %swap3A_1069 = arith.constant 32 : index
      %swap3A_1070 = tpu.vector_load %arg9[%swap3A_1067, %swap3A_1068, %swap3A_1069] {strides = array<i32>} : memref<2x6x128xi32, #tpu.memory_space<vmem>>, vector<1x1x16xi32>,
      %swap3A_1071 = vector.shape_cast %swap3A_1070 : vector<1x1x16xi32> to vector<16xi32>
      %swap3A_1072 = vector.shape_cast %get3A_1065 : vector<16xi32> to vector<1x1x16xi32>
      tpu.vector_store %arg9[%swap3A_1067, %swap3A_1068, %swap3A_1069], %swap3A_1072 {strides = array<i32>} : memref<2x6x128xi32, #tpu.memory_space<vmem>>, vector<1x1x16xi32>,
      %get3A_1073 = arith.index_cast %sub3A_863 : i32 to index
      %get3A_1074 = arith.constant 304 : index
      %get3A_1075 = tpu.vector_load %arg8[%get3A_1073, %get3A_1074] {strides = array<i32>} : memref<2x768xi32, #tpu.memory_space<vmem>>, vector<1x16xi32>,
      %get3A_1076 = vector.shape_cast %get3A_1075 : vector<1x16xi32> to vector<16xi32>
      %swap3A_1077 = arith.constant 2 : i32
      %swap3A_1078 = arith.index_cast %sub3A_863 : i32 to index
      %swap3A_1079 = arith.index_cast %swap3A_1077 : i32 to index
      %swap3A_1080 = arith.constant 48 : index
      %swap3A_1081 = tpu.vector_load %arg9[%swap3A_1078, %swap3A_1079, %swap3A_1080] {strides = array<i32>} : memref<2x6x128xi32, #tpu.memory_space<vmem>>, vector<1x1x16xi32>,
      %swap3A_1082 = vector.shape_cast %swap3A_1081 : vector<1x1x16xi32> to vector<16xi32>
      %swap3A_1083 = vector.shape_cast %get3A_1076 : vector<16xi32> to vector<1x1x16xi32>
      tpu.vector_store %arg9[%swap3A_1078, %swap3A_1079, %swap3A_1080], %swap3A_1083 {strides = array<i32>} : memref<2x6x128xi32, #tpu.memory_space<vmem>>, vector<1x1x16xi32>,
      %get3A_1084 = arith.index_cast %sub3A_863 : i32 to index
      %get3A_1085 = arith.constant 320 : index
      %get3A_1086 = tpu.vector_load %arg8[%get3A_1084, %get3A_1085] {strides = array<i32>} : memref<2x768xi32, #tpu.memory_space<vmem>>, vector<1x16xi32>,
      %get3A_1087 = vector.shape_cast %get3A_1086 : vector<1x16xi32> to vector<16xi32>
      %swap3A_1088 = arith.constant 2 : i32
      %swap3A_1089 = arith.index_cast %sub3A_863 : i32 to index
      %swap3A_1090 = arith.index_cast %swap3A_1088 : i32 to index
      %swap3A_1091 = arith.constant 64 : index
      %swap3A_1092 = tpu.vector_load %arg9[%swap3A_1089, %swap3A_1090, %swap3A_1091] {strides = array<i32>} : memref<2x6x128xi32, #tpu.memory_space<vmem>>, vector<1x1x16xi32>,
      %swap3A_1093 = vector.shape_cast %swap3A_1092 : vector<1x1x16xi32> to vector<16xi32>
      %swap3A_1094 = vector.shape_cast %get3A_1087 : vector<16xi32> to vector<1x1x16xi32>
      tpu.vector_store %arg9[%swap3A_1089, %swap3A_1090, %swap3A_1091], %swap3A_1094 {strides = array<i32>} : memref<2x6x128xi32, #tpu.memory_space<vmem>>, vector<1x1x16xi32>,
      %get3A_1095 = arith.index_cast %sub3A_863 : i32 to index
      %get3A_1096 = arith.constant 336 : index
      %get3A_1097 = tpu.vector_load %arg8[%get3A_1095, %get3A_1096] {strides = array<i32>} : memref<2x768xi32, #tpu.memory_space<vmem>>, vector<1x16xi32>,
      %get3A_1098 = vector.shape_cast %get3A_1097 : vector<1x16xi32> to vector<16xi32>
      %swap3A_1099 = arith.constant 2 : i32
      %swap3A_1100 = arith.index_cast %sub3A_863 : i32 to index
      %swap3A_1101 = arith.index_cast %swap3A_1099 : i32 to index
      %swap3A_1102 = arith.constant 80 : index
      %swap3A_1103 = tpu.vector_load %arg9[%swap3A_1100, %swap3A_1101, %swap3A_1102] {strides = array<i32>} : memref<2x6x128xi32, #tpu.memory_space<vmem>>, vector<1x1x16xi32>,
      %swap3A_1104 = vector.shape_cast %swap3A_1103 : vector<1x1x16xi32> to vector<16xi32>
      %swap3A_1105 = vector.shape_cast %get3A_1098 : vector<16xi32> to vector<1x1x16xi32>
      tpu.vector_store %arg9[%swap3A_1100, %swap3A_1101, %swap3A_1102], %swap3A_1105 {strides = array<i32>} : memref<2x6x128xi32, #tpu.memory_space<vmem>>, vector<1x1x16xi32>,
      %get3A_1106 = arith.index_cast %sub3A_863 : i32 to index
      %get3A_1107 = arith.constant 352 : index
      %get3A_1108 = tpu.vector_load %arg8[%get3A_1106, %get3A_1107] {strides = array<i32>} : memref<2x768xi32, #tpu.memory_space<vmem>>, vector<1x16xi32>,
      %get3A_1109 = vector.shape_cast %get3A_1108 : vector<1x16xi32> to vector<16xi32>
      %swap3A_1110 = arith.constant 2 : i32
      %swap3A_1111 = arith.index_cast %sub3A_863 : i32 to index
      %swap3A_1112 = arith.index_cast %swap3A_1110 : i32 to index
      %swap3A_1113 = arith.constant 96 : index
      %swap3A_1114 = tpu.vector_load %arg9[%swap3A_1111, %swap3A_1112, %swap3A_1113] {strides = array<i32>} : memref<2x6x128xi32, #tpu.memory_space<vmem>>, vector<1x1x16xi32>,
      %swap3A_1115 = vector.shape_cast %swap3A_1114 : vector<1x1x16xi32> to vector<16xi32>
      %swap3A_1116 = vector.shape_cast %get3A_1109 : vector<16xi32> to vector<1x1x16xi32>
      tpu.vector_store %arg9[%swap3A_1111, %swap3A_1112, %swap3A_1113], %swap3A_1116 {strides = array<i32>} : memref<2x6x128xi32, #tpu.memory_space<vmem>>, vector<1x1x16xi32>,
      %get3A_1117 = arith.index_cast %sub3A_863 : i32 to index
      %get3A_1118 = arith.constant 368 : index
      %get3A_1119 = tpu.vector_load %arg8[%get3A_1117, %get3A_1118] {strides = array<i32>} : memref<2x768xi32, #tpu.memory_space<vmem>>, vector<1x16xi32>,
      %get3A_1120 = vector.shape_cast %get3A_1119 : vector<1x16xi32> to vector<16xi32>
      %swap3A_1121 = arith.constant 2 : i32
      %swap3A_1122 = arith.index_cast %sub3A_863 : i32 to index
      %swap3A_1123 = arith.index_cast %swap3A_1121 : i32 to index
      %swap3A_1124 = arith.constant 112 : index
      %swap3A_1125 = tpu.vector_load %arg9[%swap3A_1122, %swap3A_1123, %swap3A_1124] {strides = array<i32>} : memref<2x6x128xi32, #tpu.memory_space<vmem>>, vector<1x1x16xi32>,
      %swap3A_1126 = vector.shape_cast %swap3A_1125 : vector<1x1x16xi32> to vector<16xi32>
      %swap3A_1127 = vector.shape_cast %get3A_1120 : vector<16xi32> to vector<1x1x16xi32>
      tpu.vector_store %arg9[%swap3A_1122, %swap3A_1123, %swap3A_1124], %swap3A_1127 {strides = array<i32>} : memref<2x6x128xi32, #tpu.memory_space<vmem>>, vector<1x1x16xi32>,
      %get3A_1128 = arith.index_cast %sub3A_863 : i32 to index
      %get3A_1129 = arith.constant 384 : index
      %get3A_1130 = tpu.vector_load %arg8[%get3A_1128, %get3A_1129] {strides = array<i32>} : memref<2x768xi32, #tpu.memory_space<vmem>>, vector<1x16xi32>,
      %get3A_1131 = vector.shape_cast %get3A_1130 : vector<1x16xi32> to vector<16xi32>
      %swap3A_1132 = arith.constant 3 : i32
      %swap3A_1133 = arith.index_cast %sub3A_863 : i32 to index
      %swap3A_1134 = arith.index_cast %swap3A_1132 : i32 to index
      %swap3A_1135 = arith.constant 0 : index
      %swap3A_1136 = tpu.vector_load %arg9[%swap3A_1133, %swap3A_1134, %swap3A_1135] {strides = array<i32>} : memref<2x6x128xi32, #tpu.memory_space<vmem>>, vector<1x1x16xi32>,
      %swap3A_1137 = vector.shape_cast %swap3A_1136 : vector<1x1x16xi32> to vector<16xi32>
      %swap3A_1138 = vector.shape_cast %get3A_1131 : vector<16xi32> to vector<1x1x16xi32>
      tpu.vector_store %arg9[%swap3A_1133, %swap3A_1134, %swap3A_1135], %swap3A_1138 {strides = array<i32>} : memref<2x6x128xi32, #tpu.memory_space<vmem>>, vector<1x1x16xi32>,
      %get3A_1139 = arith.index_cast %sub3A_863 : i32 to index
      %get3A_1140 = arith.constant 400 : index
      %get3A_1141 = tpu.vector_load %arg8[%get3A_1139, %get3A_1140] {strides = array<i32>} : memref<2x768xi32, #tpu.memory_space<vmem>>, vector<1x16xi32>,
      %get3A_1142 = vector.shape_cast %get3A_1141 : vector<1x16xi32> to vector<16xi32>
      %swap3A_1143 = arith.constant 3 : i32
      %swap3A_1144 = arith.index_cast %sub3A_863 : i32 to index
      %swap3A_1145 = arith.index_cast %swap3A_1143 : i32 to index
      %swap3A_1146 = arith.constant 16 : index
      %swap3A_1147 = tpu.vector_load %arg9[%swap3A_1144, %swap3A_1145, %swap3A_1146] {strides = array<i32>} : memref<2x6x128xi32, #tpu.memory_space<vmem>>, vector<1x1x16xi32>,
      %swap3A_1148 = vector.shape_cast %swap3A_1147 : vector<1x1x16xi32> to vector<16xi32>
      %swap3A_1149 = vector.shape_cast %get3A_1142 : vector<16xi32> to vector<1x1x16xi32>
      tpu.vector_store %arg9[%swap3A_1144, %swap3A_1145, %swap3A_1146], %swap3A_1149 {strides = array<i32>} : memref<2x6x128xi32, #tpu.memory_space<vmem>>, vector<1x1x16xi32>,
      %get3A_1150 = arith.index_cast %sub3A_863 : i32 to index
      %get3A_1151 = arith.constant 416 : index
      %get3A_1152 = tpu.vector_load %arg8[%get3A_1150, %get3A_1151] {strides = array<i32>} : memref<2x768xi32, #tpu.memory_space<vmem>>, vector<1x16xi32>,
      %get3A_1153 = vector.shape_cast %get3A_1152 : vector<1x16xi32> to vector<16xi32>
      %swap3A_1154 = arith.constant 3 : i32
      %swap3A_1155 = arith.index_cast %sub3A_863 : i32 to index
      %swap3A_1156 = arith.index_cast %swap3A_1154 : i32 to index
      %swap3A_1157 = arith.constant 32 : index
      %swap3A_1158 = tpu.vector_load %arg9[%swap3A_1155, %swap3A_1156, %swap3A_1157] {strides = array<i32>} : memref<2x6x128xi32, #tpu.memory_space<vmem>>, vector<1x1x16xi32>,
      %swap3A_1159 = vector.shape_cast %swap3A_1158 : vector<1x1x16xi32> to vector<16xi32>
      %swap3A_1160 = vector.shape_cast %get3A_1153 : vector<16xi32> to vector<1x1x16xi32>
      tpu.vector_store %arg9[%swap3A_1155, %swap3A_1156, %swap3A_1157], %swap3A_1160 {strides = array<i32>} : memref<2x6x128xi32, #tpu.memory_space<vmem>>, vector<1x1x16xi32>,
      %get3A_1161 = arith.index_cast %sub3A_863 : i32 to index
      %get3A_1162 = arith.constant 432 : index
      %get3A_1163 = tpu.vector_load %arg8[%get3A_1161, %get3A_1162] {strides = array<i32>} : memref<2x768xi32, #tpu.memory_space<vmem>>, vector<1x16xi32>,
      %get3A_1164 = vector.shape_cast %get3A_1163 : vector<1x16xi32> to vector<16xi32>
      %swap3A_1165 = arith.constant 3 : i32
      %swap3A_1166 = arith.index_cast %sub3A_863 : i32 to index
      %swap3A_1167 = arith.index_cast %swap3A_1165 : i32 to index
      %swap3A_1168 = arith.constant 48 : index
      %swap3A_1169 = tpu.vector_load %arg9[%swap3A_1166, %swap3A_1167, %swap3A_1168] {strides = array<i32>} : memref<2x6x128xi32, #tpu.memory_space<vmem>>, vector<1x1x16xi32>,
      %swap3A_1170 = vector.shape_cast %swap3A_1169 : vector<1x1x16xi32> to vector<16xi32>
      %swap3A_1171 = vector.shape_cast %get3A_1164 : vector<16xi32> to vector<1x1x16xi32>
      tpu.vector_store %arg9[%swap3A_1166, %swap3A_1167, %swap3A_1168], %swap3A_1171 {strides = array<i32>} : memref<2x6x128xi32, #tpu.memory_space<vmem>>, vector<1x1x16xi32>,
      %get3A_1172 = arith.index_cast %sub3A_863 : i32 to index
      %get3A_1173 = arith.constant 448 : index
      %get3A_1174 = tpu.vector_load %arg8[%get3A_1172, %get3A_1173] {strides = array<i32>} : memref<2x768xi32, #tpu.memory_space<vmem>>, vector<1x16xi32>,
      %get3A_1175 = vector.shape_cast %get3A_1174 : vector<1x16xi32> to vector<16xi32>
      %swap3A_1176 = arith.constant 3 : i32
      %swap3A_1177 = arith.index_cast %sub3A_863 : i32 to index
      %swap3A_1178 = arith.index_cast %swap3A_1176 : i32 to index
      %swap3A_1179 = arith.constant 64 : index
      %swap3A_1180 = tpu.vector_load %arg9[%swap3A_1177, %swap3A_1178, %swap3A_1179] {strides = array<i32>} : memref<2x6x128xi32, #tpu.memory_space<vmem>>, vector<1x1x16xi32>,
      %swap3A_1181 = vector.shape_cast %swap3A_1180 : vector<1x1x16xi32> to vector<16xi32>
      %swap3A_1182 = vector.shape_cast %get3A_1175 : vector<16xi32> to vector<1x1x16xi32>
      tpu.vector_store %arg9[%swap3A_1177, %swap3A_1178, %swap3A_1179], %swap3A_1182 {strides = array<i32>} : memref<2x6x128xi32, #tpu.memory_space<vmem>>, vector<1x1x16xi32>,
      %get3A_1183 = arith.index_cast %sub3A_863 : i32 to index
      %get3A_1184 = arith.constant 464 : index
      %get3A_1185 = tpu.vector_load %arg8[%get3A_1183, %get3A_1184] {strides = array<i32>} : memref<2x768xi32, #tpu.memory_space<vmem>>, vector<1x16xi32>,
      %get3A_1186 = vector.shape_cast %get3A_1185 : vector<1x16xi32> to vector<16xi32>
      %swap3A_1187 = arith.constant 3 : i32
      %swap3A_1188 = arith.index_cast %sub3A_863 : i32 to index
      %swap3A_1189 = arith.index_cast %swap3A_1187 : i32 to index
      %swap3A_1190 = arith.constant 80 : index
      %swap3A_1191 = tpu.vector_load %arg9[%swap3A_1188, %swap3A_1189, %swap3A_1190] {strides = array<i32>} : memref<2x6x128xi32, #tpu.memory_space<vmem>>, vector<1x1x16xi32>,
      %swap3A_1192 = vector.shape_cast %swap3A_1191 : vector<1x1x16xi32> to vector<16xi32>
      %swap3A_1193 = vector.shape_cast %get3A_1186 : vector<16xi32> to vector<1x1x16xi32>
      tpu.vector_store %arg9[%swap3A_1188, %swap3A_1189, %swap3A_1190], %swap3A_1193 {strides = array<i32>} : memref<2x6x128xi32, #tpu.memory_space<vmem>>, vector<1x1x16xi32>,
      %get3A_1194 = arith.index_cast %sub3A_863 : i32 to index
      %get3A_1195 = arith.constant 480 : index
      %get3A_1196 = tpu.vector_load %arg8[%get3A_1194, %get3A_1195] {strides = array<i32>} : memref<2x768xi32, #tpu.memory_space<vmem>>, vector<1x16xi32>,
      %get3A_1197 = vector.shape_cast %get3A_1196 : vector<1x16xi32> to vector<16xi32>
      %swap3A_1198 = arith.constant 3 : i32
      %swap3A_1199 = arith.index_cast %sub3A_863 : i32 to index
      %swap3A_1200 = arith.index_cast %swap3A_1198 : i32 to index
      %swap3A_1201 = arith.constant 96 : index
      %swap3A_1202 = tpu.vector_load %arg9[%swap3A_1199, %swap3A_1200, %swap3A_1201] {strides = array<i32>} : memref<2x6x128xi32, #tpu.memory_space<vmem>>, vector<1x1x16xi32>,
      %swap3A_1203 = vector.shape_cast %swap3A_1202 : vector<1x1x16xi32> to vector<16xi32>
      %swap3A_1204 = vector.shape_cast %get3A_1197 : vector<16xi32> to vector<1x1x16xi32>
      tpu.vector_store %arg9[%swap3A_1199, %swap3A_1200, %swap3A_1201], %swap3A_1204 {strides = array<i32>} : memref<2x6x128xi32, #tpu.memory_space<vmem>>, vector<1x1x16xi32>,
      %get3A_1205 = arith.index_cast %sub3A_863 : i32 to index
      %get3A_1206 = arith.constant 496 : index
      %get3A_1207 = tpu.vector_load %arg8[%get3A_1205, %get3A_1206] {strides = array<i32>} : memref<2x768xi32, #tpu.memory_space<vmem>>, vector<1x16xi32>,
      %get3A_1208 = vector.shape_cast %get3A_1207 : vector<1x16xi32> to vector<16xi32>
      %swap3A_1209 = arith.constant 3 : i32
      %swap3A_1210 = arith.index_cast %sub3A_863 : i32 to index
      %swap3A_1211 = arith.index_cast %swap3A_1209 : i32 to index
      %swap3A_1212 = arith.constant 112 : index
      %swap3A_1213 = tpu.vector_load %arg9[%swap3A_1210, %swap3A_1211, %swap3A_1212] {strides = array<i32>} : memref<2x6x128xi32, #tpu.memory_space<vmem>>, vector<1x1x16xi32>,
      %swap3A_1214 = vector.shape_cast %swap3A_1213 : vector<1x1x16xi32> to vector<16xi32>
      %swap3A_1215 = vector.shape_cast %get3A_1208 : vector<16xi32> to vector<1x1x16xi32>
      tpu.vector_store %arg9[%swap3A_1210, %swap3A_1211, %swap3A_1212], %swap3A_1215 {strides = array<i32>} : memref<2x6x128xi32, #tpu.memory_space<vmem>>, vector<1x1x16xi32>,
      %get3A_1216 = arith.index_cast %sub3A_863 : i32 to index
      %get3A_1217 = arith.constant 512 : index
      %get3A_1218 = tpu.vector_load %arg8[%get3A_1216, %get3A_1217] {strides = array<i32>} : memref<2x768xi32, #tpu.memory_space<vmem>>, vector<1x16xi32>,
      %get3A_1219 = vector.shape_cast %get3A_1218 : vector<1x16xi32> to vector<16xi32>
      %swap3A_1220 = arith.constant 4 : i32
      %swap3A_1221 = arith.index_cast %sub3A_863 : i32 to index
      %swap3A_1222 = arith.index_cast %swap3A_1220 : i32 to index
      %swap3A_1223 = arith.constant 0 : index
      %swap3A_1224 = tpu.vector_load %arg9[%swap3A_1221, %swap3A_1222, %swap3A_1223] {strides = array<i32>} : memref<2x6x128xi32, #tpu.memory_space<vmem>>, vector<1x1x16xi32>,
      %swap3A_1225 = vector.shape_cast %swap3A_1224 : vector<1x1x16xi32> to vector<16xi32>
      %swap3A_1226 = vector.shape_cast %get3A_1219 : vector<16xi32> to vector<1x1x16xi32>
      tpu.vector_store %arg9[%swap3A_1221, %swap3A_1222, %swap3A_1223], %swap3A_1226 {strides = array<i32>} : memref<2x6x128xi32, #tpu.memory_space<vmem>>, vector<1x1x16xi32>,
      %get3A_1227 = arith.index_cast %sub3A_863 : i32 to index
      %get3A_1228 = arith.constant 528 : index
      %get3A_1229 = tpu.vector_load %arg8[%get3A_1227, %get3A_1228] {strides = array<i32>} : memref<2x768xi32, #tpu.memory_space<vmem>>, vector<1x16xi32>,
      %get3A_1230 = vector.shape_cast %get3A_1229 : vector<1x16xi32> to vector<16xi32>
      %swap3A_1231 = arith.constant 4 : i32
      %swap3A_1232 = arith.index_cast %sub3A_863 : i32 to index
      %swap3A_1233 = arith.index_cast %swap3A_1231 : i32 to index
      %swap3A_1234 = arith.constant 16 : index
      %swap3A_1235 = tpu.vector_load %arg9[%swap3A_1232, %swap3A_1233, %swap3A_1234] {strides = array<i32>} : memref<2x6x128xi32, #tpu.memory_space<vmem>>, vector<1x1x16xi32>,
      %swap3A_1236 = vector.shape_cast %swap3A_1235 : vector<1x1x16xi32> to vector<16xi32>
      %swap3A_1237 = vector.shape_cast %get3A_1230 : vector<16xi32> to vector<1x1x16xi32>
      tpu.vector_store %arg9[%swap3A_1232, %swap3A_1233, %swap3A_1234], %swap3A_1237 {strides = array<i32>} : memref<2x6x128xi32, #tpu.memory_space<vmem>>, vector<1x1x16xi32>,
      %get3A_1238 = arith.index_cast %sub3A_863 : i32 to index
      %get3A_1239 = arith.constant 544 : index
      %get3A_1240 = tpu.vector_load %arg8[%get3A_1238, %get3A_1239] {strides = array<i32>} : memref<2x768xi32, #tpu.memory_space<vmem>>, vector<1x16xi32>,
      %get3A_1241 = vector.shape_cast %get3A_1240 : vector<1x16xi32> to vector<16xi32>
      %swap3A_1242 = arith.constant 4 : i32
      %swap3A_1243 = arith.index_cast %sub3A_863 : i32 to index
      %swap3A_1244 = arith.index_cast %swap3A_1242 : i32 to index
      %swap3A_1245 = arith.constant 32 : index
      %swap3A_1246 = tpu.vector_load %arg9[%swap3A_1243, %swap3A_1244, %swap3A_1245] {strides = array<i32>} : memref<2x6x128xi32, #tpu.memory_space<vmem>>, vector<1x1x16xi32>,
      %swap3A_1247 = vector.shape_cast %swap3A_1246 : vector<1x1x16xi32> to vector<16xi32>
      %swap3A_1248 = vector.shape_cast %get3A_1241 : vector<16xi32> to vector<1x1x16xi32>
      tpu.vector_store %arg9[%swap3A_1243, %swap3A_1244, %swap3A_1245], %swap3A_1248 {strides = array<i32>} : memref<2x6x128xi32, #tpu.memory_space<vmem>>, vector<1x1x16xi32>,
      %get3A_1249 = arith.index_cast %sub3A_863 : i32 to index
      %get3A_1250 = arith.constant 560 : index
      %get3A_1251 = tpu.vector_load %arg8[%get3A_1249, %get3A_1250] {strides = array<i32>} : memref<2x768xi32, #tpu.memory_space<vmem>>, vector<1x16xi32>,
      %get3A_1252 = vector.shape_cast %get3A_1251 : vector<1x16xi32> to vector<16xi32>
      %swap3A_1253 = arith.constant 4 : i32
      %swap3A_1254 = arith.index_cast %sub3A_863 : i32 to index
      %swap3A_1255 = arith.index_cast %swap3A_1253 : i32 to index
      %swap3A_1256 = arith.constant 48 : index
      %swap3A_1257 = tpu.vector_load %arg9[%swap3A_1254, %swap3A_1255, %swap3A_1256] {strides = array<i32>} : memref<2x6x128xi32, #tpu.memory_space<vmem>>, vector<1x1x16xi32>,
      %swap3A_1258 = vector.shape_cast %swap3A_1257 : vector<1x1x16xi32> to vector<16xi32>
      %swap3A_1259 = vector.shape_cast %get3A_1252 : vector<16xi32> to vector<1x1x16xi32>
      tpu.vector_store %arg9[%swap3A_1254, %swap3A_1255, %swap3A_1256], %swap3A_1259 {strides = array<i32>} : memref<2x6x128xi32, #tpu.memory_space<vmem>>, vector<1x1x16xi32>,
      %get3A_1260 = arith.index_cast %sub3A_863 : i32 to index
      %get3A_1261 = arith.constant 576 : index
      %get3A_1262 = tpu.vector_load %arg8[%get3A_1260, %get3A_1261] {strides = array<i32>} : memref<2x768xi32, #tpu.memory_space<vmem>>, vector<1x16xi32>,
      %get3A_1263 = vector.shape_cast %get3A_1262 : vector<1x16xi32> to vector<16xi32>
      %swap3A_1264 = arith.constant 4 : i32
      %swap3A_1265 = arith.index_cast %sub3A_863 : i32 to index
      %swap3A_1266 = arith.index_cast %swap3A_1264 : i32 to index
      %swap3A_1267 = arith.constant 64 : index
      %swap3A_1268 = tpu.vector_load %arg9[%swap3A_1265, %swap3A_1266, %swap3A_1267] {strides = array<i32>} : memref<2x6x128xi32, #tpu.memory_space<vmem>>, vector<1x1x16xi32>,
      %swap3A_1269 = vector.shape_cast %swap3A_1268 : vector<1x1x16xi32> to vector<16xi32>
      %swap3A_1270 = vector.shape_cast %get3A_1263 : vector<16xi32> to vector<1x1x16xi32>
      tpu.vector_store %arg9[%swap3A_1265, %swap3A_1266, %swap3A_1267], %swap3A_1270 {strides = array<i32>} : memref<2x6x128xi32, #tpu.memory_space<vmem>>, vector<1x1x16xi32>,
      %get3A_1271 = arith.index_cast %sub3A_863 : i32 to index
      %get3A_1272 = arith.constant 592 : index
      %get3A_1273 = tpu.vector_load %arg8[%get3A_1271, %get3A_1272] {strides = array<i32>} : memref<2x768xi32, #tpu.memory_space<vmem>>, vector<1x16xi32>,
      %get3A_1274 = vector.shape_cast %get3A_1273 : vector<1x16xi32> to vector<16xi32>
      %swap3A_1275 = arith.constant 4 : i32
      %swap3A_1276 = arith.index_cast %sub3A_863 : i32 to index
      %swap3A_1277 = arith.index_cast %swap3A_1275 : i32 to index
      %swap3A_1278 = arith.constant 80 : index
      %swap3A_1279 = tpu.vector_load %arg9[%swap3A_1276, %swap3A_1277, %swap3A_1278] {strides = array<i32>} : memref<2x6x128xi32, #tpu.memory_space<vmem>>, vector<1x1x16xi32>,
      %swap3A_1280 = vector.shape_cast %swap3A_1279 : vector<1x1x16xi32> to vector<16xi32>
      %swap3A_1281 = vector.shape_cast %get3A_1274 : vector<16xi32> to vector<1x1x16xi32>
      tpu.vector_store %arg9[%swap3A_1276, %swap3A_1277, %swap3A_1278], %swap3A_1281 {strides = array<i32>} : memref<2x6x128xi32, #tpu.memory_space<vmem>>, vector<1x1x16xi32>,
      %get3A_1282 = arith.index_cast %sub3A_863 : i32 to index
      %get3A_1283 = arith.constant 608 : index
      %get3A_1284 = tpu.vector_load %arg8[%get3A_1282, %get3A_1283] {strides = array<i32>} : memref<2x768xi32, #tpu.memory_space<vmem>>, vector<1x16xi32>,
      %get3A_1285 = vector.shape_cast %get3A_1284 : vector<1x16xi32> to vector<16xi32>
      %swap3A_1286 = arith.constant 4 : i32
      %swap3A_1287 = arith.index_cast %sub3A_863 : i32 to index
      %swap3A_1288 = arith.index_cast %swap3A_1286 : i32 to index
      %swap3A_1289 = arith.constant 96 : index
      %swap3A_1290 = tpu.vector_load %arg9[%swap3A_1287, %swap3A_1288, %swap3A_1289] {strides = array<i32>} : memref<2x6x128xi32, #tpu.memory_space<vmem>>, vector<1x1x16xi32>,
      %swap3A_1291 = vector.shape_cast %swap3A_1290 : vector<1x1x16xi32> to vector<16xi32>
      %swap3A_1292 = vector.shape_cast %get3A_1285 : vector<16xi32> to vector<1x1x16xi32>
      tpu.vector_store %arg9[%swap3A_1287, %swap3A_1288, %swap3A_1289], %swap3A_1292 {strides = array<i32>} : memref<2x6x128xi32, #tpu.memory_space<vmem>>, vector<1x1x16xi32>,
      %get3A_1293 = arith.index_cast %sub3A_863 : i32 to index
      %get3A_1294 = arith.constant 624 : index
      %get3A_1295 = tpu.vector_load %arg8[%get3A_1293, %get3A_1294] {strides = array<i32>} : memref<2x768xi32, #tpu.memory_space<vmem>>, vector<1x16xi32>,
      %get3A_1296 = vector.shape_cast %get3A_1295 : vector<1x16xi32> to vector<16xi32>
      %swap3A_1297 = arith.constant 4 : i32
      %swap3A_1298 = arith.index_cast %sub3A_863 : i32 to index
      %swap3A_1299 = arith.index_cast %swap3A_1297 : i32 to index
      %swap3A_1300 = arith.constant 112 : index
      %swap3A_1301 = tpu.vector_load %arg9[%swap3A_1298, %swap3A_1299, %swap3A_1300] {strides = array<i32>} : memref<2x6x128xi32, #tpu.memory_space<vmem>>, vector<1x1x16xi32>,
      %swap3A_1302 = vector.shape_cast %swap3A_1301 : vector<1x1x16xi32> to vector<16xi32>
      %swap3A_1303 = vector.shape_cast %get3A_1296 : vector<16xi32> to vector<1x1x16xi32>
      tpu.vector_store %arg9[%swap3A_1298, %swap3A_1299, %swap3A_1300], %swap3A_1303 {strides = array<i32>} : memref<2x6x128xi32, #tpu.memory_space<vmem>>, vector<1x1x16xi32>,
      %get3A_1304 = arith.index_cast %sub3A_863 : i32 to index
      %get3A_1305 = arith.constant 640 : index
      %get3A_1306 = tpu.vector_load %arg8[%get3A_1304, %get3A_1305] {strides = array<i32>} : memref<2x768xi32, #tpu.memory_space<vmem>>, vector<1x16xi32>,
      %get3A_1307 = vector.shape_cast %get3A_1306 : vector<1x16xi32> to vector<16xi32>
      %swap3A_1308 = arith.constant 5 : i32
      %swap3A_1309 = arith.index_cast %sub3A_863 : i32 to index
      %swap3A_1310 = arith.index_cast %swap3A_1308 : i32 to index
      %swap3A_1311 = arith.constant 0 : index
      %swap3A_1312 = tpu.vector_load %arg9[%swap3A_1309, %swap3A_1310, %swap3A_1311] {strides = array<i32>} : memref<2x6x128xi32, #tpu.memory_space<vmem>>, vector<1x1x16xi32>,
      %swap3A_1313 = vector.shape_cast %swap3A_1312 : vector<1x1x16xi32> to vector<16xi32>
      %swap3A_1314 = vector.shape_cast %get3A_1307 : vector<16xi32> to vector<1x1x16xi32>
      tpu.vector_store %arg9[%swap3A_1309, %swap3A_1310, %swap3A_1311], %swap3A_1314 {strides = array<i32>} : memref<2x6x128xi32, #tpu.memory_space<vmem>>, vector<1x1x16xi32>,
      %get3A_1315 = arith.index_cast %sub3A_863 : i32 to index
      %get3A_1316 = arith.constant 656 : index
      %get3A_1317 = tpu.vector_load %arg8[%get3A_1315, %get3A_1316] {strides = array<i32>} : memref<2x768xi32, #tpu.memory_space<vmem>>, vector<1x16xi32>,
      %get3A_1318 = vector.shape_cast %get3A_1317 : vector<1x16xi32> to vector<16xi32>
      %swap3A_1319 = arith.constant 5 : i32
      %swap3A_1320 = arith.index_cast %sub3A_863 : i32 to index
      %swap3A_1321 = arith.index_cast %swap3A_1319 : i32 to index
      %swap3A_1322 = arith.constant 16 : index
      %swap3A_1323 = tpu.vector_load %arg9[%swap3A_1320, %swap3A_1321, %swap3A_1322] {strides = array<i32>} : memref<2x6x128xi32, #tpu.memory_space<vmem>>, vector<1x1x16xi32>,
      %swap3A_1324 = vector.shape_cast %swap3A_1323 : vector<1x1x16xi32> to vector<16xi32>
      %swap3A_1325 = vector.shape_cast %get3A_1318 : vector<16xi32> to vector<1x1x16xi32>
      tpu.vector_store %arg9[%swap3A_1320, %swap3A_1321, %swap3A_1322], %swap3A_1325 {strides = array<i32>} : memref<2x6x128xi32, #tpu.memory_space<vmem>>, vector<1x1x16xi32>,
      %get3A_1326 = arith.index_cast %sub3A_863 : i32 to index
      %get3A_1327 = arith.constant 672 : index
      %get3A_1328 = tpu.vector_load %arg8[%get3A_1326, %get3A_1327] {strides = array<i32>} : memref<2x768xi32, #tpu.memory_space<vmem>>, vector<1x16xi32>,
      %get3A_1329 = vector.shape_cast %get3A_1328 : vector<1x16xi32> to vector<16xi32>
      %swap3A_1330 = arith.constant 5 : i32
      %swap3A_1331 = arith.index_cast %sub3A_863 : i32 to index
      %swap3A_1332 = arith.index_cast %swap3A_1330 : i32 to index
      %swap3A_1333 = arith.constant 32 : index
      %swap3A_1334 = tpu.vector_load %arg9[%swap3A_1331, %swap3A_1332, %swap3A_1333] {strides = array<i32>} : memref<2x6x128xi32, #tpu.memory_space<vmem>>, vector<1x1x16xi32>,
      %swap3A_1335 = vector.shape_cast %swap3A_1334 : vector<1x1x16xi32> to vector<16xi32>
      %swap3A_1336 = vector.shape_cast %get3A_1329 : vector<16xi32> to vector<1x1x16xi32>
      tpu.vector_store %arg9[%swap3A_1331, %swap3A_1332, %swap3A_1333], %swap3A_1336 {strides = array<i32>} : memref<2x6x128xi32, #tpu.memory_space<vmem>>, vector<1x1x16xi32>,
      %get3A_1337 = arith.index_cast %sub3A_863 : i32 to index
      %get3A_1338 = arith.constant 688 : index
      %get3A_1339 = tpu.vector_load %arg8[%get3A_1337, %get3A_1338] {strides = array<i32>} : memref<2x768xi32, #tpu.memory_space<vmem>>, vector<1x16xi32>,
      %get3A_1340 = vector.shape_cast %get3A_1339 : vector<1x16xi32> to vector<16xi32>
      %swap3A_1341 = arith.constant 5 : i32
      %swap3A_1342 = arith.index_cast %sub3A_863 : i32 to index
      %swap3A_1343 = arith.index_cast %swap3A_1341 : i32 to index
      %swap3A_1344 = arith.constant 48 : index
      %swap3A_1345 = tpu.vector_load %arg9[%swap3A_1342, %swap3A_1343, %swap3A_1344] {strides = array<i32>} : memref<2x6x128xi32, #tpu.memory_space<vmem>>, vector<1x1x16xi32>,
      %swap3A_1346 = vector.shape_cast %swap3A_1345 : vector<1x1x16xi32> to vector<16xi32>
      %swap3A_1347 = vector.shape_cast %get3A_1340 : vector<16xi32> to vector<1x1x16xi32>
      tpu.vector_store %arg9[%swap3A_1342, %swap3A_1343, %swap3A_1344], %swap3A_1347 {strides = array<i32>} : memref<2x6x128xi32, #tpu.memory_space<vmem>>, vector<1x1x16xi32>,
      %get3A_1348 = arith.index_cast %sub3A_863 : i32 to index
      %get3A_1349 = arith.constant 704 : index
      %get3A_1350 = tpu.vector_load %arg8[%get3A_1348, %get3A_1349] {strides = array<i32>} : memref<2x768xi32, #tpu.memory_space<vmem>>, vector<1x16xi32>,
      %get3A_1351 = vector.shape_cast %get3A_1350 : vector<1x16xi32> to vector<16xi32>
      %swap3A_1352 = arith.constant 5 : i32
      %swap3A_1353 = arith.index_cast %sub3A_863 : i32 to index
      %swap3A_1354 = arith.index_cast %swap3A_1352 : i32 to index
      %swap3A_1355 = arith.constant 64 : index
      %swap3A_1356 = tpu.vector_load %arg9[%swap3A_1353, %swap3A_1354, %swap3A_1355] {strides = array<i32>} : memref<2x6x128xi32, #tpu.memory_space<vmem>>, vector<1x1x16xi32>,
      %swap3A_1357 = vector.shape_cast %swap3A_1356 : vector<1x1x16xi32> to vector<16xi32>
      %swap3A_1358 = vector.shape_cast %get3A_1351 : vector<16xi32> to vector<1x1x16xi32>
      tpu.vector_store %arg9[%swap3A_1353, %swap3A_1354, %swap3A_1355], %swap3A_1358 {strides = array<i32>} : memref<2x6x128xi32, #tpu.memory_space<vmem>>, vector<1x1x16xi32>,
      %get3A_1359 = arith.index_cast %sub3A_863 : i32 to index
      %get3A_1360 = arith.constant 720 : index
      %get3A_1361 = tpu.vector_load %arg8[%get3A_1359, %get3A_1360] {strides = array<i32>} : memref<2x768xi32, #tpu.memory_space<vmem>>, vector<1x16xi32>,
      %get3A_1362 = vector.shape_cast %get3A_1361 : vector<1x16xi32> to vector<16xi32>
      %swap3A_1363 = arith.constant 5 : i32
      %swap3A_1364 = arith.index_cast %sub3A_863 : i32 to index
      %swap3A_1365 = arith.index_cast %swap3A_1363 : i32 to index
      %swap3A_1366 = arith.constant 80 : index
      %swap3A_1367 = tpu.vector_load %arg9[%swap3A_1364, %swap3A_1365, %swap3A_1366] {strides = array<i32>} : memref<2x6x128xi32, #tpu.memory_space<vmem>>, vector<1x1x16xi32>,
      %swap3A_1368 = vector.shape_cast %swap3A_1367 : vector<1x1x16xi32> to vector<16xi32>
      %swap3A_1369 = vector.shape_cast %get3A_1362 : vector<16xi32> to vector<1x1x16xi32>
      tpu.vector_store %arg9[%swap3A_1364, %swap3A_1365, %swap3A_1366], %swap3A_1369 {strides = array<i32>} : memref<2x6x128xi32, #tpu.memory_space<vmem>>, vector<1x1x16xi32>,
      %get3A_1370 = arith.index_cast %sub3A_863 : i32 to index
      %get3A_1371 = arith.constant 736 : index
      %get3A_1372 = tpu.vector_load %arg8[%get3A_1370, %get3A_1371] {strides = array<i32>} : memref<2x768xi32, #tpu.memory_space<vmem>>, vector<1x16xi32>,
      %get3A_1373 = vector.shape_cast %get3A_1372 : vector<1x16xi32> to vector<16xi32>
      %swap3A_1374 = arith.constant 5 : i32
      %swap3A_1375 = arith.index_cast %sub3A_863 : i32 to index
      %swap3A_1376 = arith.index_cast %swap3A_1374 : i32 to index
      %swap3A_1377 = arith.constant 96 : index
      %swap3A_1378 = tpu.vector_load %arg9[%swap3A_1375, %swap3A_1376, %swap3A_1377] {strides = array<i32>} : memref<2x6x128xi32, #tpu.memory_space<vmem>>, vector<1x1x16xi32>,
      %swap3A_1379 = vector.shape_cast %swap3A_1378 : vector<1x1x16xi32> to vector<16xi32>
      %swap3A_1380 = vector.shape_cast %get3A_1373 : vector<16xi32> to vector<1x1x16xi32>
      tpu.vector_store %arg9[%swap3A_1375, %swap3A_1376, %swap3A_1377], %swap3A_1380 {strides = array<i32>} : memref<2x6x128xi32, #tpu.memory_space<vmem>>, vector<1x1x16xi32>,
      %get3A_1381 = arith.index_cast %sub3A_863 : i32 to index
      %get3A_1382 = arith.constant 752 : index
      %get3A_1383 = tpu.vector_load %arg8[%get3A_1381, %get3A_1382] {strides = array<i32>} : memref<2x768xi32, #tpu.memory_space<vmem>>, vector<1x16xi32>,
      %get3A_1384 = vector.shape_cast %get3A_1383 : vector<1x16xi32> to vector<16xi32>
      %swap3A_1385 = arith.constant 5 : i32
      %swap3A_1386 = arith.index_cast %sub3A_863 : i32 to index
      %swap3A_1387 = arith.index_cast %swap3A_1385 : i32 to index
      %swap3A_1388 = arith.constant 112 : index
      %swap3A_1389 = tpu.vector_load %arg9[%swap3A_1386, %swap3A_1387, %swap3A_1388] {strides = array<i32>} : memref<2x6x128xi32, #tpu.memory_space<vmem>>, vector<1x1x16xi32>,
      %swap3A_1390 = vector.shape_cast %swap3A_1389 : vector<1x1x16xi32> to vector<16xi32>
      %swap3A_1391 = vector.shape_cast %get3A_1384 : vector<16xi32> to vector<1x1x16xi32>
      tpu.vector_store %arg9[%swap3A_1386, %swap3A_1387, %swap3A_1388], %swap3A_1391 {strides = array<i32>} : memref<2x6x128xi32, #tpu.memory_space<vmem>>, vector<1x1x16xi32>,
      %sub3A_1392 = arith.constant 1 : i32
      %sub3A_1393 = arith.subi %sub3A_1392, %select_n3A_834 : i32
      %sub3A_1394 = arith.constant 1 : i32
      %sub3A_1395 = arith.subi %sub3A_1394, %select_n3A_834 : i32
      %dma_start3A_1396 = arith.constant 0 : i32
      %dma_start3A_1397 = arith.constant 0 : i32
      %dma_start3A_1398 = tpu.memref_slice %arg10[%sub3A_1395, %dma_start3A_1396, %dma_start3A_1397] : memref<2x768x16xf32, #tpu.memory_space<vmem>> -> memref<1x128x16xf32, #tpu.memory_space<vmem>>
      %dma_start3A_1399 = tpu.memref_squeeze %dma_start3A_1398 : memref<1x128x16xf32, #tpu.memory_space<vmem>> -> memref<128x16xf32, #tpu.memory_space<vmem>>
      %dma_start3A_1400 = arith.constant 0 : i32
      %dma_start3A_1401 = tpu.memref_slice %arg7[%sub3A_1393, %dma_start3A_1400] : memref<2x768xi32, #tpu.memory_space<vmem>> -> memref<1x128xi32, #tpu.memory_space<vmem>>
      %dma_start3A_1402 = tpu.memref_squeeze %dma_start3A_1401 : memref<1x128xi32, #tpu.memory_space<vmem>> -> memref<128xi32, #tpu.memory_space<vmem>>
      %dma_start3A_1403 = arith.constant 0 : i32
      %dma_start3A_1404 = arith.constant 0 : i32
      %dma_start3A_1405 = tpu.memref_slice %arg2[%dma_start3A_1403, %dma_start3A_1404] : memref<100000x16xf32, #tpu.memory_space<hbm>> -> memref<100000x16xf32, #tpu.memory_space<hbm>>
      tpu.enqueue_indirect_dma source(%dma_start3A_1405 : memref<100000x16xf32, #tpu.memory_space<hbm>>) target(%dma_start3A_1399 : memref<128x16xf32, #tpu.memory_space<vmem>>) offsets(%dma_start3A_1402 : memref<128xi32, #tpu.memory_space<vmem>>) semaphore(%arg11 : memref<!tpu.dma_semaphore, #tpu.memory_space<semaphore_mem>>)
      %dma_start3A_1406 = arith.constant 128 : i32
      %dma_start3A_1407 = arith.constant 0 : i32
      %dma_start3A_1408 = tpu.memref_slice %arg10[%sub3A_1395, %dma_start3A_1406, %dma_start3A_1407] : memref<2x768x16xf32, #tpu.memory_space<vmem>> -> memref<1x128x16xf32, #tpu.memory_space<vmem>>
      %dma_start3A_1409 = tpu.memref_squeeze %dma_start3A_1408 : memref<1x128x16xf32, #tpu.memory_space<vmem>> -> memref<128x16xf32, #tpu.memory_space<vmem>>
      %dma_start3A_1410 = arith.constant 128 : i32
      %dma_start3A_1411 = tpu.memref_slice %arg7[%sub3A_1393, %dma_start3A_1410] : memref<2x768xi32, #tpu.memory_space<vmem>> -> memref<1x128xi32, #tpu.memory_space<vmem>>
      %dma_start3A_1412 = tpu.memref_squeeze %dma_start3A_1411 : memref<1x128xi32, #tpu.memory_space<vmem>> -> memref<128xi32, #tpu.memory_space<vmem>>
      %dma_start3A_1413 = arith.constant 0 : i32
      %dma_start3A_1414 = arith.constant 0 : i32
      %dma_start3A_1415 = tpu.memref_slice %arg2[%dma_start3A_1413, %dma_start3A_1414] : memref<100000x16xf32, #tpu.memory_space<hbm>> -> memref<100000x16xf32, #tpu.memory_space<hbm>>
      tpu.enqueue_indirect_dma source(%dma_start3A_1415 : memref<100000x16xf32, #tpu.memory_space<hbm>>) target(%dma_start3A_1409 : memref<128x16xf32, #tpu.memory_space<vmem>>) offsets(%dma_start3A_1412 : memref<128xi32, #tpu.memory_space<vmem>>) semaphore(%arg11 : memref<!tpu.dma_semaphore, #tpu.memory_space<semaphore_mem>>)
      %dma_start3A_1416 = arith.constant 256 : i32
      %dma_start3A_1417 = arith.constant 0 : i32
      %dma_start3A_1418 = tpu.memref_slice %arg10[%sub3A_1395, %dma_start3A_1416, %dma_start3A_1417] : memref<2x768x16xf32, #tpu.memory_space<vmem>> -> memref<1x128x16xf32, #tpu.memory_space<vmem>>
      %dma_start3A_1419 = tpu.memref_squeeze %dma_start3A_1418 : memref<1x128x16xf32, #tpu.memory_space<vmem>> -> memref<128x16xf32, #tpu.memory_space<vmem>>
      %dma_start3A_1420 = arith.constant 256 : i32
      %dma_start3A_1421 = tpu.memref_slice %arg7[%sub3A_1393, %dma_start3A_1420] : memref<2x768xi32, #tpu.memory_space<vmem>> -> memref<1x128xi32, #tpu.memory_space<vmem>>
      %dma_start3A_1422 = tpu.memref_squeeze %dma_start3A_1421 : memref<1x128xi32, #tpu.memory_space<vmem>> -> memref<128xi32, #tpu.memory_space<vmem>>
      %dma_start3A_1423 = arith.constant 0 : i32
      %dma_start3A_1424 = arith.constant 0 : i32
      %dma_start3A_1425 = tpu.memref_slice %arg2[%dma_start3A_1423, %dma_start3A_1424] : memref<100000x16xf32, #tpu.memory_space<hbm>> -> memref<100000x16xf32, #tpu.memory_space<hbm>>
      tpu.enqueue_indirect_dma source(%dma_start3A_1425 : memref<100000x16xf32, #tpu.memory_space<hbm>>) target(%dma_start3A_1419 : memref<128x16xf32, #tpu.memory_space<vmem>>) offsets(%dma_start3A_1422 : memref<128xi32, #tpu.memory_space<vmem>>) semaphore(%arg11 : memref<!tpu.dma_semaphore, #tpu.memory_space<semaphore_mem>>)
      %dma_start3A_1426 = arith.constant 384 : i32
      %dma_start3A_1427 = arith.constant 0 : i32
      %dma_start3A_1428 = tpu.memref_slice %arg10[%sub3A_1395, %dma_start3A_1426, %dma_start3A_1427] : memref<2x768x16xf32, #tpu.memory_space<vmem>> -> memref<1x128x16xf32, #tpu.memory_space<vmem>>
      %dma_start3A_1429 = tpu.memref_squeeze %dma_start3A_1428 : memref<1x128x16xf32, #tpu.memory_space<vmem>> -> memref<128x16xf32, #tpu.memory_space<vmem>>
      %dma_start3A_1430 = arith.constant 384 : i32
      %dma_start3A_1431 = tpu.memref_slice %arg7[%sub3A_1393, %dma_start3A_1430] : memref<2x768xi32, #tpu.memory_space<vmem>> -> memref<1x128xi32, #tpu.memory_space<vmem>>
      %dma_start3A_1432 = tpu.memref_squeeze %dma_start3A_1431 : memref<1x128xi32, #tpu.memory_space<vmem>> -> memref<128xi32, #tpu.memory_space<vmem>>
      %dma_start3A_1433 = arith.constant 0 : i32
      %dma_start3A_1434 = arith.constant 0 : i32
      %dma_start3A_1435 = tpu.memref_slice %arg2[%dma_start3A_1433, %dma_start3A_1434] : memref<100000x16xf32, #tpu.memory_space<hbm>> -> memref<100000x16xf32, #tpu.memory_space<hbm>>
      tpu.enqueue_indirect_dma source(%dma_start3A_1435 : memref<100000x16xf32, #tpu.memory_space<hbm>>) target(%dma_start3A_1429 : memref<128x16xf32, #tpu.memory_space<vmem>>) offsets(%dma_start3A_1432 : memref<128xi32, #tpu.memory_space<vmem>>) semaphore(%arg11 : memref<!tpu.dma_semaphore, #tpu.memory_space<semaphore_mem>>)
      %dma_start3A_1436 = arith.constant 512 : i32
      %dma_start3A_1437 = arith.constant 0 : i32
      %dma_start3A_1438 = tpu.memref_slice %arg10[%sub3A_1395, %dma_start3A_1436, %dma_start3A_1437] : memref<2x768x16xf32, #tpu.memory_space<vmem>> -> memref<1x128x16xf32, #tpu.memory_space<vmem>>
      %dma_start3A_1439 = tpu.memref_squeeze %dma_start3A_1438 : memref<1x128x16xf32, #tpu.memory_space<vmem>> -> memref<128x16xf32, #tpu.memory_space<vmem>>
      %dma_start3A_1440 = arith.constant 512 : i32
      %dma_start3A_1441 = tpu.memref_slice %arg7[%sub3A_1393, %dma_start3A_1440] : memref<2x768xi32, #tpu.memory_space<vmem>> -> memref<1x128xi32, #tpu.memory_space<vmem>>
      %dma_start3A_1442 = tpu.memref_squeeze %dma_start3A_1441 : memref<1x128xi32, #tpu.memory_space<vmem>> -> memref<128xi32, #tpu.memory_space<vmem>>
      %dma_start3A_1443 = arith.constant 0 : i32
      %dma_start3A_1444 = arith.constant 0 : i32
      %dma_start3A_1445 = tpu.memref_slice %arg2[%dma_start3A_1443, %dma_start3A_1444] : memref<100000x16xf32, #tpu.memory_space<hbm>> -> memref<100000x16xf32, #tpu.memory_space<hbm>>
      tpu.enqueue_indirect_dma source(%dma_start3A_1445 : memref<100000x16xf32, #tpu.memory_space<hbm>>) target(%dma_start3A_1439 : memref<128x16xf32, #tpu.memory_space<vmem>>) offsets(%dma_start3A_1442 : memref<128xi32, #tpu.memory_space<vmem>>) semaphore(%arg11 : memref<!tpu.dma_semaphore, #tpu.memory_space<semaphore_mem>>)
      %dma_start3A_1446 = arith.constant 640 : i32
      %dma_start3A_1447 = arith.constant 0 : i32
      %dma_start3A_1448 = tpu.memref_slice %arg10[%sub3A_1395, %dma_start3A_1446, %dma_start3A_1447] : memref<2x768x16xf32, #tpu.memory_space<vmem>> -> memref<1x128x16xf32, #tpu.memory_space<vmem>>
      %dma_start3A_1449 = tpu.memref_squeeze %dma_start3A_1448 : memref<1x128x16xf32, #tpu.memory_space<vmem>> -> memref<128x16xf32, #tpu.memory_space<vmem>>
      %dma_start3A_1450 = arith.constant 640 : i32
      %dma_start3A_1451 = tpu.memref_slice %arg7[%sub3A_1393, %dma_start3A_1450] : memref<2x768xi32, #tpu.memory_space<vmem>> -> memref<1x128xi32, #tpu.memory_space<vmem>>
      %dma_start3A_1452 = tpu.memref_squeeze %dma_start3A_1451 : memref<1x128xi32, #tpu.memory_space<vmem>> -> memref<128xi32, #tpu.memory_space<vmem>>
      %dma_start3A_1453 = arith.constant 0 : i32
      %dma_start3A_1454 = arith.constant 0 : i32
      %dma_start3A_1455 = tpu.memref_slice %arg2[%dma_start3A_1453, %dma_start3A_1454] : memref<100000x16xf32, #tpu.memory_space<hbm>> -> memref<100000x16xf32, #tpu.memory_space<hbm>>
      tpu.enqueue_indirect_dma source(%dma_start3A_1455 : memref<100000x16xf32, #tpu.memory_space<hbm>>) target(%dma_start3A_1449 : memref<128x16xf32, #tpu.memory_space<vmem>>) offsets(%dma_start3A_1452 : memref<128xi32, #tpu.memory_space<vmem>>) semaphore(%arg11 : memref<!tpu.dma_semaphore, #tpu.memory_space<semaphore_mem>>)
      %dma_wait3A_1456 = arith.constant 0 : i32
      %dma_wait3A_1457 = arith.constant 0 : i32
      %dma_wait3A_1458 = arith.constant 0 : i32
      %dma_wait3A_1459 = tpu.memref_slice %arg10[%select_n3A_834, %dma_wait3A_1457, %dma_wait3A_1458] : memref<2x768x16xf32, #tpu.memory_space<vmem>> -> memref<1x768x16xf32, #tpu.memory_space<vmem>>
      %dma_wait3A_1460 = tpu.memref_squeeze %dma_wait3A_1459 : memref<1x768x16xf32, #tpu.memory_space<vmem>> -> memref<768x16xf32, #tpu.memory_space<vmem>>
      %dma_wait3A_1461 = arith.constant 0 : i32
      %dma_wait3A_1462 = arith.constant 0 : i32
      %dma_wait3A_1463 = tpu.memref_slice %arg5[%dma_wait3A_1456, %dma_wait3A_1461, %dma_wait3A_1462] : memref<2x100096x16xf32, #tpu.memory_space<hbm>> -> memref<1x768x16xf32, #tpu.memory_space<hbm>>
      %dma_wait3A_1464 = tpu.memref_squeeze %dma_wait3A_1463 : memref<1x768x16xf32, #tpu.memory_space<hbm>> -> memref<768x16xf32, #tpu.memory_space<hbm>>
      %dma_wait3A_1465 = arith.constant 0 : i32
      %dma_wait3A_1466 = arith.constant 0 : i32
      %dma_wait3A_1467 = tpu.memref_slice %arg10[%select_n3A_834, %dma_wait3A_1465, %dma_wait3A_1466] : memref<2x768x16xf32, #tpu.memory_space<vmem>> -> memref<1x768x16xf32, #tpu.memory_space<vmem>>
      %dma_wait3A_1468 = tpu.memref_squeeze %dma_wait3A_1467 : memref<1x768x16xf32, #tpu.memory_space<vmem>> -> memref<768x16xf32, #tpu.memory_space<vmem>>
      %dma_wait3A_1469 = arith.constant 0 : i32
      %dma_wait3A_1470 = arith.constant 0 : i32
      %dma_wait3A_1471 = tpu.memref_slice %arg5[%dma_wait3A_1456, %dma_wait3A_1469, %dma_wait3A_1470] : memref<2x100096x16xf32, #tpu.memory_space<hbm>> -> memref<1x768x16xf32, #tpu.memory_space<hbm>>
      %dma_wait3A_1472 = tpu.memref_squeeze %dma_wait3A_1471 : memref<1x768x16xf32, #tpu.memory_space<hbm>> -> memref<768x16xf32, #tpu.memory_space<hbm>>
      tpu.wait_dma2 semaphore(%arg11 : memref<!tpu.dma_semaphore, #tpu.memory_space<semaphore_mem>>) src(%dma_wait3A_1472 : memref<768x16xf32, #tpu.memory_space<hbm>>) dst(%dma_wait3A_1468 : memref<768x16xf32, #tpu.memory_space<vmem>>)
      %add3A_1473 = arith.constant 2 : i32
      %add3A_1474 = arith.addi %scan3A_824, %add3A_1473 : i32
      %mul3A_1475 = arith.constant 6 : i32
      %mul3A_1476 = arith.muli %add3A_1474, %mul3A_1475 : i32
      %mul3A_1477 = arith.constant 128 : i32
      %mul3A_1478 = arith.muli %mul3A_1476, %mul3A_1477 : i32
      %add3A_1479 = arith.addi %mul3A_6, %mul3A_1478 : i32
      %dma_start3A_1480 = arith.constant 0 : i32
      %dma_start3A_1481 = arith.constant 0 : i32
      %dma_start3A_1482 = tpu.memref_slice %arg7[%select_n3A_834, %dma_start3A_1481] : memref<2x768xi32, #tpu.memory_space<vmem>> -> memref<1x768xi32, #tpu.memory_space<vmem>>
      %dma_start3A_1483 = tpu.memref_squeeze %dma_start3A_1482 : memref<1x768xi32, #tpu.memory_space<vmem>> -> memref<768xi32, #tpu.memory_space<vmem>>
      %dma_start3A_1484 = tpu.memref_slice %arg3[%dma_start3A_1480, %add3A_1479] : memref<2x3200000xi32, #tpu.memory_space<hbm>> -> memref<1x768xi32, #tpu.memory_space<hbm>>
      %dma_start3A_1485 = tpu.memref_squeeze %dma_start3A_1484 : memref<1x768xi32, #tpu.memory_space<hbm>> -> memref<768xi32, #tpu.memory_space<hbm>>
      %dma_start3A_1486 = arith.constant 0 : i32
      %dma_start3A_1487 = tpu.memref_slice %arg7[%select_n3A_834, %dma_start3A_1486] : memref<2x768xi32, #tpu.memory_space<vmem>> -> memref<1x768xi32, #tpu.memory_space<vmem>>
      %dma_start3A_1488 = tpu.memref_squeeze %dma_start3A_1487 : memref<1x768xi32, #tpu.memory_space<vmem>> -> memref<768xi32, #tpu.memory_space<vmem>>
      %dma_start3A_1489 = tpu.memref_slice %arg3[%dma_start3A_1480, %add3A_1479] : memref<2x3200000xi32, #tpu.memory_space<hbm>> -> memref<1x768xi32, #tpu.memory_space<hbm>>
      %dma_start3A_1490 = tpu.memref_squeeze %dma_start3A_1489 : memref<1x768xi32, #tpu.memory_space<hbm>> -> memref<768xi32, #tpu.memory_space<hbm>>
      tpu.enqueue_dma source(%dma_start3A_1490 : memref<768xi32, #tpu.memory_space<hbm>>) target(%dma_start3A_1488 : memref<768xi32, #tpu.memory_space<vmem>>) target_semaphore(%arg13 : memref<!tpu.dma_semaphore, #tpu.memory_space<semaphore_mem>>)
      %dma_start3A_1491 = arith.constant 1 : i32
      %dma_start3A_1492 = arith.constant 0 : i32
      %dma_start3A_1493 = tpu.memref_slice %arg8[%select_n3A_834, %dma_start3A_1492] : memref<2x768xi32, #tpu.memory_space<vmem>> -> memref<1x768xi32, #tpu.memory_space<vmem>>
      %dma_start3A_1494 = tpu.memref_squeeze %dma_start3A_1493 : memref<1x768xi32, #tpu.memory_space<vmem>> -> memref<768xi32, #tpu.memory_space<vmem>>
      %dma_start3A_1495 = tpu.memref_slice %arg3[%dma_start3A_1491, %add3A_1479] : memref<2x3200000xi32, #tpu.memory_space<hbm>> -> memref<1x768xi32, #tpu.memory_space<hbm>>
      %dma_start3A_1496 = tpu.memref_squeeze %dma_start3A_1495 : memref<1x768xi32, #tpu.memory_space<hbm>> -> memref<768xi32, #tpu.memory_space<hbm>>
      %dma_start3A_1497 = arith.constant 0 : i32
      %dma_start3A_1498 = tpu.memref_slice %arg8[%select_n3A_834, %dma_start3A_1497] : memref<2x768xi32, #tpu.memory_space<vmem>> -> memref<1x768xi32, #tpu.memory_space<vmem>>
      %dma_start3A_1499 = tpu.memref_squeeze %dma_start3A_1498 : memref<1x768xi32, #tpu.memory_space<vmem>> -> memref<768xi32, #tpu.memory_space<vmem>>
      %dma_start3A_1500 = tpu.memref_slice %arg3[%dma_start3A_1491, %add3A_1479] : memref<2x3200000xi32, #tpu.memory_space<hbm>> -> memref<1x768xi32, #tpu.memory_space<hbm>>
      %dma_start3A_1501 = tpu.memref_squeeze %dma_start3A_1500 : memref<1x768xi32, #tpu.memory_space<hbm>> -> memref<768xi32, #tpu.memory_space<hbm>>
      tpu.enqueue_dma source(%dma_start3A_1501 : memref<768xi32, #tpu.memory_space<hbm>>) target(%dma_start3A_1499 : memref<768xi32, #tpu.memory_space<vmem>>) target_semaphore(%arg13 : memref<!tpu.dma_semaphore, #tpu.memory_space<semaphore_mem>>)
    }
    %scan3A_735 = arith.constant 129 : i32
    %dma_wait3A = arith.constant 0 : i32
    %dma_wait3A_736 = arith.constant 0 : i32
    %dma_wait3A_737 = arith.constant 0 : i32
    %dma_wait3A_738 = tpu.memref_slice %arg7[%dma_wait3A_736, %dma_wait3A_737] : memref<2x768xi32, #tpu.memory_space<vmem>> -> memref<1x768xi32, #tpu.memory_space<vmem>>
    %dma_wait3A_739 = tpu.memref_squeeze %dma_wait3A_738 : memref<1x768xi32, #tpu.memory_space<vmem>> -> memref<768xi32, #tpu.memory_space<vmem>>
    %dma_wait3A_740 = arith.constant 0 : i32
    %dma_wait3A_741 = tpu.memref_slice %arg3[%dma_wait3A, %dma_wait3A_740] : memref<2x3200000xi32, #tpu.memory_space<hbm>> -> memref<1x768xi32, #tpu.memory_space<hbm>>
    %dma_wait3A_742 = tpu.memref_squeeze %dma_wait3A_741 : memref<1x768xi32, #tpu.memory_space<hbm>> -> memref<768xi32, #tpu.memory_space<hbm>>
    %dma_wait3A_743 = arith.constant 0 : i32
    %dma_wait3A_744 = tpu.memref_slice %arg7[%dma_wait3A_736, %dma_wait3A_743] : memref<2x768xi32, #tpu.memory_space<vmem>> -> memref<1x768xi32, #tpu.memory_space<vmem>>
    %dma_wait3A_745 = tpu.memref_squeeze %dma_wait3A_744 : memref<1x768xi32, #tpu.memory_space<vmem>> -> memref<768xi32, #tpu.memory_space<vmem>>
    %dma_wait3A_746 = arith.constant 0 : i32
    %dma_wait3A_747 = tpu.memref_slice %arg3[%dma_wait3A, %dma_wait3A_746] : memref<2x3200000xi32, #tpu.memory_space<hbm>> -> memref<1x768xi32, #tpu.memory_space<hbm>>
    %dma_wait3A_748 = tpu.memref_squeeze %dma_wait3A_747 : memref<1x768xi32, #tpu.memory_space<hbm>> -> memref<768xi32, #tpu.memory_space<hbm>>
    tpu.wait_dma2 semaphore(%arg13 : memref<!tpu.dma_semaphore, #tpu.memory_space<semaphore_mem>>) src(%dma_wait3A_748 : memref<768xi32, #tpu.memory_space<hbm>>) dst(%dma_wait3A_745 : memref<768xi32, #tpu.memory_space<vmem>>)
    %dma_wait3A_749 = arith.constant 0 : i32
    %dma_wait3A_750 = arith.constant 0 : i32
    %dma_wait3A_751 = arith.constant 0 : i32
    %dma_wait3A_752 = tpu.memref_slice %arg7[%dma_wait3A_750, %dma_wait3A_751] : memref<2x768xi32, #tpu.memory_space<vmem>> -> memref<1x768xi32, #tpu.memory_space<vmem>>
    %dma_wait3A_753 = tpu.memref_squeeze %dma_wait3A_752 : memref<1x768xi32, #tpu.memory_space<vmem>> -> memref<768xi32, #tpu.memory_space<vmem>>
    %dma_wait3A_754 = arith.constant 0 : i32
    %dma_wait3A_755 = tpu.memref_slice %arg3[%dma_wait3A_749, %dma_wait3A_754] : memref<2x3200000xi32, #tpu.memory_space<hbm>> -> memref<1x768xi32, #tpu.memory_space<hbm>>
    %dma_wait3A_756 = tpu.memref_squeeze %dma_wait3A_755 : memref<1x768xi32, #tpu.memory_space<hbm>> -> memref<768xi32, #tpu.memory_space<hbm>>
    %dma_wait3A_757 = arith.constant 0 : i32
    %dma_wait3A_758 = tpu.memref_slice %arg7[%dma_wait3A_750, %dma_wait3A_757] : memref<2x768xi32, #tpu.memory_space<vmem>> -> memref<1x768xi32, #tpu.memory_space<vmem>>
    %dma_wait3A_759 = tpu.memref_squeeze %dma_wait3A_758 : memref<1x768xi32, #tpu.memory_space<vmem>> -> memref<768xi32, #tpu.memory_space<vmem>>
    %dma_wait3A_760 = arith.constant 0 : i32
    %dma_wait3A_761 = tpu.memref_slice %arg3[%dma_wait3A_749, %dma_wait3A_760] : memref<2x3200000xi32, #tpu.memory_space<hbm>> -> memref<1x768xi32, #tpu.memory_space<hbm>>
    %dma_wait3A_762 = tpu.memref_squeeze %dma_wait3A_761 : memref<1x768xi32, #tpu.memory_space<hbm>> -> memref<768xi32, #tpu.memory_space<hbm>>
    tpu.wait_dma2 semaphore(%arg13 : memref<!tpu.dma_semaphore, #tpu.memory_space<semaphore_mem>>) src(%dma_wait3A_762 : memref<768xi32, #tpu.memory_space<hbm>>) dst(%dma_wait3A_759 : memref<768xi32, #tpu.memory_space<vmem>>)
    %dma_wait3A_763 = arith.constant 0 : i32
    %dma_wait3A_764 = arith.constant 1 : i32
    %dma_wait3A_765 = arith.constant 0 : i32
    %dma_wait3A_766 = arith.constant 0 : i32
    %dma_wait3A_767 = tpu.memref_slice %arg10[%dma_wait3A_764, %dma_wait3A_765, %dma_wait3A_766] : memref<2x768x16xf32, #tpu.memory_space<vmem>> -> memref<1x768x16xf32, #tpu.memory_space<vmem>>
    %dma_wait3A_768 = tpu.memref_squeeze %dma_wait3A_767 : memref<1x768x16xf32, #tpu.memory_space<vmem>> -> memref<768x16xf32, #tpu.memory_space<vmem>>
    %dma_wait3A_769 = arith.constant 0 : i32
    %dma_wait3A_770 = arith.constant 0 : i32
    %dma_wait3A_771 = tpu.memref_slice %arg5[%dma_wait3A_763, %dma_wait3A_769, %dma_wait3A_770] : memref<2x100096x16xf32, #tpu.memory_space<hbm>> -> memref<1x768x16xf32, #tpu.memory_space<hbm>>
    %dma_wait3A_772 = tpu.memref_squeeze %dma_wait3A_771 : memref<1x768x16xf32, #tpu.memory_space<hbm>> -> memref<768x16xf32, #tpu.memory_space<hbm>>
    %dma_wait3A_773 = arith.constant 0 : i32
    %dma_wait3A_774 = arith.constant 0 : i32
    %dma_wait3A_775 = tpu.memref_slice %arg10[%dma_wait3A_764, %dma_wait3A_773, %dma_wait3A_774] : memref<2x768x16xf32, #tpu.memory_space<vmem>> -> memref<1x768x16xf32, #tpu.memory_space<vmem>>
    %dma_wait3A_776 = tpu.memref_squeeze %dma_wait3A_775 : memref<1x768x16xf32, #tpu.memory_space<vmem>> -> memref<768x16xf32, #tpu.memory_space<vmem>>
    %dma_wait3A_777 = arith.constant 0 : i32
    %dma_wait3A_778 = arith.constant 0 : i32
    %dma_wait3A_779 = tpu.memref_slice %arg5[%dma_wait3A_763, %dma_wait3A_777, %dma_wait3A_778] : memref<2x100096x16xf32, #tpu.memory_space<hbm>> -> memref<1x768x16xf32, #tpu.memory_space<hbm>>
    %dma_wait3A_780 = tpu.memref_squeeze %dma_wait3A_779 : memref<1x768x16xf32, #tpu.memory_space<hbm>> -> memref<768x16xf32, #tpu.memory_space<hbm>>
    tpu.wait_dma2 semaphore(%arg11 : memref<!tpu.dma_semaphore, #tpu.memory_space<semaphore_mem>>) src(%dma_wait3A_780 : memref<768x16xf32, #tpu.memory_space<hbm>>) dst(%dma_wait3A_776 : memref<768x16xf32, #tpu.memory_space<vmem>>)
    %add3A_781 = arith.constant 24960 : i32
    %add3A_782 = arith.addi %add3A_781, %add3A : i32
    %mul3A_783 = arith.constant 128 : i32
    %mul3A_784 = arith.muli %add3A_782, %mul3A_783 : i32
    %run_scoped3A_785 = arith.constant 0 : i32
    %run_scoped3A_786 = arith.constant 0 : i32
    "tpu.region"() ({
      %run_scoped3A_824 = tpu.sem_alloc : memref<!tpu.dma_semaphore, #tpu.memory_space<semaphore_mem>>
      %dma_start3A_825 = arith.constant 0 : i32
      %dma_start3A_826 = tpu.memref_slice %arg7[%run_scoped3A_786, %dma_start3A_825] : memref<2x768xi32, #tpu.memory_space<vmem>> -> memref<1x128xi32, #tpu.memory_space<vmem>>
      %dma_start3A_827 = tpu.memref_squeeze %dma_start3A_826 : memref<1x128xi32, #tpu.memory_space<vmem>> -> memref<128xi32, #tpu.memory_space<vmem>>
      %dma_start3A_828 = tpu.memref_slice %arg3[%run_scoped3A_785, %mul3A_784] : memref<2x3200000xi32, #tpu.memory_space<hbm>> -> memref<1x128xi32, #tpu.memory_space<hbm>>
      %dma_start3A_829 = tpu.memref_squeeze %dma_start3A_828 : memref<1x128xi32, #tpu.memory_space<hbm>> -> memref<128xi32, #tpu.memory_space<hbm>>
      %dma_start3A_830 = arith.constant 0 : i32
      %dma_start3A_831 = tpu.memref_slice %arg7[%run_scoped3A_786, %dma_start3A_830] : memref<2x768xi32, #tpu.memory_space<vmem>> -> memref<1x128xi32, #tpu.memory_space<vmem>>
      %dma_start3A_832 = tpu.memref_squeeze %dma_start3A_831 : memref<1x128xi32, #tpu.memory_space<vmem>> -> memref<128xi32, #tpu.memory_space<vmem>>
      %dma_start3A_833 = tpu.memref_slice %arg3[%run_scoped3A_785, %mul3A_784] : memref<2x3200000xi32, #tpu.memory_space<hbm>> -> memref<1x128xi32, #tpu.memory_space<hbm>>
      %dma_start3A_834 = tpu.memref_squeeze %dma_start3A_833 : memref<1x128xi32, #tpu.memory_space<hbm>> -> memref<128xi32, #tpu.memory_space<hbm>>
      tpu.enqueue_dma source(%dma_start3A_834 : memref<128xi32, #tpu.memory_space<hbm>>) target(%dma_start3A_832 : memref<128xi32, #tpu.memory_space<vmem>>) target_semaphore(%run_scoped3A_824 : memref<!tpu.dma_semaphore, #tpu.memory_space<semaphore_mem>>)
      %dma_wait3A_835 = arith.constant 0 : i32
      %dma_wait3A_836 = tpu.memref_slice %arg7[%run_scoped3A_786, %dma_wait3A_835] : memref<2x768xi32, #tpu.memory_space<vmem>> -> memref<1x128xi32, #tpu.memory_space<vmem>>
      %dma_wait3A_837 = tpu.memref_squeeze %dma_wait3A_836 : memref<1x128xi32, #tpu.memory_space<vmem>> -> memref<128xi32, #tpu.memory_space<vmem>>
      %dma_wait3A_838 = tpu.memref_slice %arg3[%run_scoped3A_785, %mul3A_784] : memref<2x3200000xi32, #tpu.memory_space<hbm>> -> memref<1x128xi32, #tpu.memory_space<hbm>>
      %dma_wait3A_839 = tpu.memref_squeeze %dma_wait3A_838 : memref<1x128xi32, #tpu.memory_space<hbm>> -> memref<128xi32, #tpu.memory_space<hbm>>
      %dma_wait3A_840 = arith.constant 0 : i32
      %dma_wait3A_841 = tpu.memref_slice %arg7[%run_scoped3A_786, %dma_wait3A_840] : memref<2x768xi32, #tpu.memory_space<vmem>> -> memref<1x128xi32, #tpu.memory_space<vmem>>
      %dma_wait3A_842 = tpu.memref_squeeze %dma_wait3A_841 : memref<1x128xi32, #tpu.memory_space<vmem>> -> memref<128xi32, #tpu.memory_space<vmem>>
      %dma_wait3A_843 = tpu.memref_slice %arg3[%run_scoped3A_785, %mul3A_784] : memref<2x3200000xi32, #tpu.memory_space<hbm>> -> memref<1x128xi32, #tpu.memory_space<hbm>>
      %dma_wait3A_844 = tpu.memref_squeeze %dma_wait3A_843 : memref<1x128xi32, #tpu.memory_space<hbm>> -> memref<128xi32, #tpu.memory_space<hbm>>
      tpu.wait_dma2 semaphore(%run_scoped3A_824 : memref<!tpu.dma_semaphore, #tpu.memory_space<semaphore_mem>>) src(%dma_wait3A_844 : memref<128xi32, #tpu.memory_space<hbm>>) dst(%dma_wait3A_842 : memref<128xi32, #tpu.memory_space<vmem>>)
      tpu.yield
    }) : () -> ()
    %run_scoped3A_787 = arith.constant 1 : i32
    %run_scoped3A_788 = arith.constant 0 : i32
    %run_scoped3A_789 = arith.constant 0 : i32
    "tpu.region"() ({
      %run_scoped3A_824 = tpu.sem_alloc : memref<!tpu.dma_semaphore, #tpu.memory_space<semaphore_mem>>
      %dma_start3A_825 = arith.constant 0 : i32
      %dma_start3A_826 = tpu.memref_slice %arg9[%run_scoped3A_788, %run_scoped3A_789, %dma_start3A_825] : memref<2x6x128xi32, #tpu.memory_space<vmem>> -> memref<1x1x128xi32, #tpu.memory_space<vmem>>
      %dma_start3A_827 = tpu.memref_squeeze %dma_start3A_826 : memref<1x1x128xi32, #tpu.memory_space<vmem>> -> memref<128xi32, #tpu.memory_space<vmem>>
      %dma_start3A_828 = tpu.memref_slice %arg3[%run_scoped3A_787, %mul3A_784] : memref<2x3200000xi32, #tpu.memory_space<hbm>> -> memref<1x128xi32, #tpu.memory_space<hbm>>
      %dma_start3A_829 = tpu.memref_squeeze %dma_start3A_828 : memref<1x128xi32, #tpu.memory_space<hbm>> -> memref<128xi32, #tpu.memory_space<hbm>>
      %dma_start3A_830 = arith.constant 0 : i32
      %dma_start3A_831 = tpu.memref_slice %arg9[%run_scoped3A_788, %run_scoped3A_789, %dma_start3A_830] : memref<2x6x128xi32, #tpu.memory_space<vmem>> -> memref<1x1x128xi32, #tpu.memory_space<vmem>>
      %dma_start3A_832 = tpu.memref_squeeze %dma_start3A_831 : memref<1x1x128xi32, #tpu.memory_space<vmem>> -> memref<128xi32, #tpu.memory_space<vmem>>
      %dma_start3A_833 = tpu.memref_slice %arg3[%run_scoped3A_787, %mul3A_784] : memref<2x3200000xi32, #tpu.memory_space<hbm>> -> memref<1x128xi32, #tpu.memory_space<hbm>>
      %dma_start3A_834 = tpu.memref_squeeze %dma_start3A_833 : memref<1x128xi32, #tpu.memory_space<hbm>> -> memref<128xi32, #tpu.memory_space<hbm>>
      tpu.enqueue_dma source(%dma_start3A_834 : memref<128xi32, #tpu.memory_space<hbm>>) target(%dma_start3A_832 : memref<128xi32, #tpu.memory_space<vmem>>) target_semaphore(%run_scoped3A_824 : memref<!tpu.dma_semaphore, #tpu.memory_space<semaphore_mem>>)
      %dma_wait3A_835 = arith.constant 0 : i32
      %dma_wait3A_836 = tpu.memref_slice %arg9[%run_scoped3A_788, %run_scoped3A_789, %dma_wait3A_835] : memref<2x6x128xi32, #tpu.memory_space<vmem>> -> memref<1x1x128xi32, #tpu.memory_space<vmem>>
      %dma_wait3A_837 = tpu.memref_squeeze %dma_wait3A_836 : memref<1x1x128xi32, #tpu.memory_space<vmem>> -> memref<128xi32, #tpu.memory_space<vmem>>
      %dma_wait3A_838 = tpu.memref_slice %arg3[%run_scoped3A_787, %mul3A_784] : memref<2x3200000xi32, #tpu.memory_space<hbm>> -> memref<1x128xi32, #tpu.memory_space<hbm>>
      %dma_wait3A_839 = tpu.memref_squeeze %dma_wait3A_838 : memref<1x128xi32, #tpu.memory_space<hbm>> -> memref<128xi32, #tpu.memory_space<hbm>>
      %dma_wait3A_840 = arith.constant 0 : i32
      %dma_wait3A_841 = tpu.memref_slice %arg9[%run_scoped3A_788, %run_scoped3A_789, %dma_wait3A_840] : memref<2x6x128xi32, #tpu.memory_space<vmem>> -> memref<1x1x128xi32, #tpu.memory_space<vmem>>
      %dma_wait3A_842 = tpu.memref_squeeze %dma_wait3A_841 : memref<1x1x128xi32, #tpu.memory_space<vmem>> -> memref<128xi32, #tpu.memory_space<vmem>>
      %dma_wait3A_843 = tpu.memref_slice %arg3[%run_scoped3A_787, %mul3A_784] : memref<2x3200000xi32, #tpu.memory_space<hbm>> -> memref<1x128xi32, #tpu.memory_space<hbm>>
      %dma_wait3A_844 = tpu.memref_squeeze %dma_wait3A_843 : memref<1x128xi32, #tpu.memory_space<hbm>> -> memref<128xi32, #tpu.memory_space<hbm>>
      tpu.wait_dma2 semaphore(%run_scoped3A_824 : memref<!tpu.dma_semaphore, #tpu.memory_space<semaphore_mem>>) src(%dma_wait3A_844 : memref<128xi32, #tpu.memory_space<hbm>>) dst(%dma_wait3A_842 : memref<128xi32, #tpu.memory_space<vmem>>)
      tpu.yield
    }) : () -> ()
    %dma_start3A_790 = arith.constant 0 : i32
    %dma_start3A_791 = arith.constant 0 : i32
    %dma_start3A_792 = arith.constant 0 : i32
    %dma_start3A_793 = arith.constant 0 : i32
    %dma_start3A_794 = tpu.memref_slice %arg10[%dma_start3A_791, %dma_start3A_792, %dma_start3A_793] : memref<2x768x16xf32, #tpu.memory_space<vmem>> -> memref<1x128x16xf32, #tpu.memory_space<vmem>>
    %dma_start3A_795 = tpu.memref_squeeze %dma_start3A_794 : memref<1x128x16xf32, #tpu.memory_space<vmem>> -> memref<128x16xf32, #tpu.memory_space<vmem>>
    %dma_start3A_796 = arith.constant 0 : i32
    %dma_start3A_797 = tpu.memref_slice %arg7[%dma_start3A_790, %dma_start3A_796] : memref<2x768xi32, #tpu.memory_space<vmem>> -> memref<1x128xi32, #tpu.memory_space<vmem>>
    %dma_start3A_798 = tpu.memref_squeeze %dma_start3A_797 : memref<1x128xi32, #tpu.memory_space<vmem>> -> memref<128xi32, #tpu.memory_space<vmem>>
    %dma_start3A_799 = arith.constant 0 : i32
    %dma_start3A_800 = arith.constant 0 : i32
    %dma_start3A_801 = tpu.memref_slice %arg2[%dma_start3A_799, %dma_start3A_800] : memref<100000x16xf32, #tpu.memory_space<hbm>> -> memref<100000x16xf32, #tpu.memory_space<hbm>>
    tpu.enqueue_indirect_dma source(%dma_start3A_801 : memref<100000x16xf32, #tpu.memory_space<hbm>>) target(%dma_start3A_795 : memref<128x16xf32, #tpu.memory_space<vmem>>) offsets(%dma_start3A_798 : memref<128xi32, #tpu.memory_space<vmem>>) semaphore(%arg11 : memref<!tpu.dma_semaphore, #tpu.memory_space<semaphore_mem>>)
    %dma_wait3A_802 = arith.constant 0 : i32
    %dma_wait3A_803 = arith.constant 0 : i32
    %dma_wait3A_804 = arith.constant 0 : i32
    %dma_wait3A_805 = arith.constant 0 : i32
    %dma_wait3A_806 = tpu.memref_slice %arg10[%dma_wait3A_803, %dma_wait3A_804, %dma_wait3A_805] : memref<2x768x16xf32, #tpu.memory_space<vmem>> -> memref<1x128x16xf32, #tpu.memory_space<vmem>>
    %dma_wait3A_807 = tpu.memref_squeeze %dma_wait3A_806 : memref<1x128x16xf32, #tpu.memory_space<vmem>> -> memref<128x16xf32, #tpu.memory_space<vmem>>
    %dma_wait3A_808 = arith.constant 0 : i32
    %dma_wait3A_809 = tpu.memref_slice %arg7[%dma_wait3A_802, %dma_wait3A_808] : memref<2x768xi32, #tpu.memory_space<vmem>> -> memref<1x128xi32, #tpu.memory_space<vmem>>
    %dma_wait3A_810 = tpu.memref_squeeze %dma_wait3A_809 : memref<1x128xi32, #tpu.memory_space<vmem>> -> memref<128xi32, #tpu.memory_space<vmem>>
    %dma_wait3A_811 = arith.constant 0 : i32
    %dma_wait3A_812 = arith.constant 0 : i32
    %dma_wait3A_813 = tpu.memref_slice %arg2[%dma_wait3A_811, %dma_wait3A_812] : memref<100000x16xf32, #tpu.memory_space<hbm>> -> memref<100000x16xf32, #tpu.memory_space<hbm>>
    tpu.wait_indirect_dma semaphore(%arg11 : memref<!tpu.dma_semaphore, #tpu.memory_space<semaphore_mem>>) src(%dma_wait3A_813 : memref<100000x16xf32, #tpu.memory_space<hbm>>) dst(%dma_wait3A_807 : memref<128x16xf32, #tpu.memory_space<vmem>>)
    %run_scoped3A_814 = arith.constant 0 : i32
    %run_scoped3A_815 = arith.constant 0 : i32
    %run_scoped3A_816 = arith.constant 0 : i32
    "tpu.region"() ({
      %run_scoped3A_824 = tpu.sem_alloc : memref<!tpu.dma_semaphore, #tpu.memory_space<semaphore_mem>>
      %dma_start3A_825 = arith.constant 0 : i32
      %dma_start3A_826 = arith.constant 0 : i32
      %dma_start3A_827 = tpu.memref_slice %arg10[%run_scoped3A_814, %dma_start3A_825, %dma_start3A_826] : memref<2x768x16xf32, #tpu.memory_space<vmem>> -> memref<1x128x16xf32, #tpu.memory_space<vmem>>
      %dma_start3A_828 = tpu.memref_squeeze %dma_start3A_827 : memref<1x128x16xf32, #tpu.memory_space<vmem>> -> memref<128x16xf32, #tpu.memory_space<vmem>>
      %dma_start3A_829 = arith.constant 0 : i32
      %dma_start3A_830 = tpu.memref_slice %arg9[%run_scoped3A_815, %run_scoped3A_816, %dma_start3A_829] : memref<2x6x128xi32, #tpu.memory_space<vmem>> -> memref<1x1x128xi32, #tpu.memory_space<vmem>>
      %dma_start3A_831 = tpu.memref_squeeze %dma_start3A_830 : memref<1x1x128xi32, #tpu.memory_space<vmem>> -> memref<128xi32, #tpu.memory_space<vmem>>
      %dma_start3A_832 = arith.constant 0 : i32
      %dma_start3A_833 = arith.constant 0 : i32
      %dma_start3A_834 = tpu.memref_slice %arg6[%dma_start3A_832, %dma_start3A_833] : memref<100096x16xf32, #tpu.memory_space<vmem_shared>> -> memref<100096x16xf32, #tpu.memory_space<vmem_shared>>
      tpu.enqueue_indirect_dma source(%dma_start3A_828 : memref<128x16xf32, #tpu.memory_space<vmem>>) target(%dma_start3A_834 : memref<100096x16xf32, #tpu.memory_space<vmem_shared>>) offsets(%dma_start3A_831 : memref<128xi32, #tpu.memory_space<vmem>>) semaphore(%run_scoped3A_824 : memref<!tpu.dma_semaphore, #tpu.memory_space<semaphore_mem>>) {add = true}
      %dma_wait3A_835 = arith.constant 0 : i32
      %dma_wait3A_836 = arith.constant 0 : i32
      %dma_wait3A_837 = tpu.memref_slice %arg10[%run_scoped3A_814, %dma_wait3A_835, %dma_wait3A_836] : memref<2x768x16xf32, #tpu.memory_space<vmem>> -> memref<1x128x16xf32, #tpu.memory_space<vmem>>
      %dma_wait3A_838 = tpu.memref_squeeze %dma_wait3A_837 : memref<1x128x16xf32, #tpu.memory_space<vmem>> -> memref<128x16xf32, #tpu.memory_space<vmem>>
      %dma_wait3A_839 = arith.constant 0 : i32
      %dma_wait3A_840 = tpu.memref_slice %arg9[%run_scoped3A_815, %run_scoped3A_816, %dma_wait3A_839] : memref<2x6x128xi32, #tpu.memory_space<vmem>> -> memref<1x1x128xi32, #tpu.memory_space<vmem>>
      %dma_wait3A_841 = tpu.memref_squeeze %dma_wait3A_840 : memref<1x1x128xi32, #tpu.memory_space<vmem>> -> memref<128xi32, #tpu.memory_space<vmem>>
      %dma_wait3A_842 = arith.constant 0 : i32
      %dma_wait3A_843 = arith.constant 0 : i32
      %dma_wait3A_844 = tpu.memref_slice %arg6[%dma_wait3A_842, %dma_wait3A_843] : memref<100096x16xf32, #tpu.memory_space<vmem_shared>> -> memref<100096x16xf32, #tpu.memory_space<vmem_shared>>
      tpu.wait_indirect_dma semaphore(%run_scoped3A_824 : memref<!tpu.dma_semaphore, #tpu.memory_space<semaphore_mem>>) src(%dma_wait3A_838 : memref<128x16xf32, #tpu.memory_space<vmem>>) dst(%dma_wait3A_844 : memref<100096x16xf32, #tpu.memory_space<vmem_shared>>)
      tpu.yield
    }) : () -> ()
    %lt3A = arith.constant 8 : i32
    %lt3A_817 = arith.cmpi slt, %add3A, %lt3A : i32
    %convert_element_type3A = arith.extui %lt3A_817 : i1 to i32
    %cond3A = arith.constant 0 : i32
    %cond3A_818 = arith.cmpi ne, %convert_element_type3A, %cond3A : i32
    scf.if %cond3A_818 {
      %add3A_824 = arith.constant 24992 : i32
      %add3A_825 = arith.addi %add3A_824, %add3A : i32
      %mul3A_826 = arith.constant 128 : i32
      %mul3A_827 = arith.muli %add3A_825, %mul3A_826 : i32
      %run_scoped3A_828 = arith.constant 0 : i32
      %run_scoped3A_829 = arith.constant 0 : i32
      "tpu.region"() ({
        %run_scoped3A_860 = tpu.sem_alloc : memref<!tpu.dma_semaphore, #tpu.memory_space<semaphore_mem>>
        %dma_start3A_861 = arith.constant 0 : i32
        %dma_start3A_862 = tpu.memref_slice %arg7[%run_scoped3A_829, %dma_start3A_861] : memref<2x768xi32, #tpu.memory_space<vmem>> -> memref<1x128xi32, #tpu.memory_space<vmem>>
        %dma_start3A_863 = tpu.memref_squeeze %dma_start3A_862 : memref<1x128xi32, #tpu.memory_space<vmem>> -> memref<128xi32, #tpu.memory_space<vmem>>
        %dma_start3A_864 = tpu.memref_slice %arg3[%run_scoped3A_828, %mul3A_827] : memref<2x3200000xi32, #tpu.memory_space<hbm>> -> memref<1x128xi32, #tpu.memory_space<hbm>>
        %dma_start3A_865 = tpu.memref_squeeze %dma_start3A_864 : memref<1x128xi32, #tpu.memory_space<hbm>> -> memref<128xi32, #tpu.memory_space<hbm>>
        %dma_start3A_866 = arith.constant 0 : i32
        %dma_start3A_867 = tpu.memref_slice %arg7[%run_scoped3A_829, %dma_start3A_866] : memref<2x768xi32, #tpu.memory_space<vmem>> -> memref<1x128xi32, #tpu.memory_space<vmem>>
        %dma_start3A_868 = tpu.memref_squeeze %dma_start3A_867 : memref<1x128xi32, #tpu.memory_space<vmem>> -> memref<128xi32, #tpu.memory_space<vmem>>
        %dma_start3A_869 = tpu.memref_slice %arg3[%run_scoped3A_828, %mul3A_827] : memref<2x3200000xi32, #tpu.memory_space<hbm>> -> memref<1x128xi32, #tpu.memory_space<hbm>>
        %dma_start3A_870 = tpu.memref_squeeze %dma_start3A_869 : memref<1x128xi32, #tpu.memory_space<hbm>> -> memref<128xi32, #tpu.memory_space<hbm>>
        tpu.enqueue_dma source(%dma_start3A_870 : memref<128xi32, #tpu.memory_space<hbm>>) target(%dma_start3A_868 : memref<128xi32, #tpu.memory_space<vmem>>) target_semaphore(%run_scoped3A_860 : memref<!tpu.dma_semaphore, #tpu.memory_space<semaphore_mem>>)
        %dma_wait3A_871 = arith.constant 0 : i32
        %dma_wait3A_872 = tpu.memref_slice %arg7[%run_scoped3A_829, %dma_wait3A_871] : memref<2x768xi32, #tpu.memory_space<vmem>> -> memref<1x128xi32, #tpu.memory_space<vmem>>
        %dma_wait3A_873 = tpu.memref_squeeze %dma_wait3A_872 : memref<1x128xi32, #tpu.memory_space<vmem>> -> memref<128xi32, #tpu.memory_space<vmem>>
        %dma_wait3A_874 = tpu.memref_slice %arg3[%run_scoped3A_828, %mul3A_827] : memref<2x3200000xi32, #tpu.memory_space<hbm>> -> memref<1x128xi32, #tpu.memory_space<hbm>>
        %dma_wait3A_875 = tpu.memref_squeeze %dma_wait3A_874 : memref<1x128xi32, #tpu.memory_space<hbm>> -> memref<128xi32, #tpu.memory_space<hbm>>
        %dma_wait3A_876 = arith.constant 0 : i32
        %dma_wait3A_877 = tpu.memref_slice %arg7[%run_scoped3A_829, %dma_wait3A_876] : memref<2x768xi32, #tpu.memory_space<vmem>> -> memref<1x128xi32, #tpu.memory_space<vmem>>
        %dma_wait3A_878 = tpu.memref_squeeze %dma_wait3A_877 : memref<1x128xi32, #tpu.memory_space<vmem>> -> memref<128xi32, #tpu.memory_space<vmem>>
        %dma_wait3A_879 = tpu.memref_slice %arg3[%run_scoped3A_828, %mul3A_827] : memref<2x3200000xi32, #tpu.memory_space<hbm>> -> memref<1x128xi32, #tpu.memory_space<hbm>>
        %dma_wait3A_880 = tpu.memref_squeeze %dma_wait3A_879 : memref<1x128xi32, #tpu.memory_space<hbm>> -> memref<128xi32, #tpu.memory_space<hbm>>
        tpu.wait_dma2 semaphore(%run_scoped3A_860 : memref<!tpu.dma_semaphore, #tpu.memory_space<semaphore_mem>>) src(%dma_wait3A_880 : memref<128xi32, #tpu.memory_space<hbm>>) dst(%dma_wait3A_878 : memref<128xi32, #tpu.memory_space<vmem>>)
        tpu.yield
      }) : () -> ()
      %run_scoped3A_830 = arith.constant 1 : i32
      %run_scoped3A_831 = arith.constant 0 : i32
      %run_scoped3A_832 = arith.constant 0 : i32
      "tpu.region"() ({
        %run_scoped3A_860 = tpu.sem_alloc : memref<!tpu.dma_semaphore, #tpu.memory_space<semaphore_mem>>
        %dma_start3A_861 = arith.constant 0 : i32
        %dma_start3A_862 = tpu.memref_slice %arg9[%run_scoped3A_831, %run_scoped3A_832, %dma_start3A_861] : memref<2x6x128xi32, #tpu.memory_space<vmem>> -> memref<1x1x128xi32, #tpu.memory_space<vmem>>
        %dma_start3A_863 = tpu.memref_squeeze %dma_start3A_862 : memref<1x1x128xi32, #tpu.memory_space<vmem>> -> memref<128xi32, #tpu.memory_space<vmem>>
        %dma_start3A_864 = tpu.memref_slice %arg3[%run_scoped3A_830, %mul3A_827] : memref<2x3200000xi32, #tpu.memory_space<hbm>> -> memref<1x128xi32, #tpu.memory_space<hbm>>
        %dma_start3A_865 = tpu.memref_squeeze %dma_start3A_864 : memref<1x128xi32, #tpu.memory_space<hbm>> -> memref<128xi32, #tpu.memory_space<hbm>>
        %dma_start3A_866 = arith.constant 0 : i32
        %dma_start3A_867 = tpu.memref_slice %arg9[%run_scoped3A_831, %run_scoped3A_832, %dma_start3A_866] : memref<2x6x128xi32, #tpu.memory_space<vmem>> -> memref<1x1x128xi32, #tpu.memory_space<vmem>>
        %dma_start3A_868 = tpu.memref_squeeze %dma_start3A_867 : memref<1x1x128xi32, #tpu.memory_space<vmem>> -> memref<128xi32, #tpu.memory_space<vmem>>
        %dma_start3A_869 = tpu.memref_slice %arg3[%run_scoped3A_830, %mul3A_827] : memref<2x3200000xi32, #tpu.memory_space<hbm>> -> memref<1x128xi32, #tpu.memory_space<hbm>>
        %dma_start3A_870 = tpu.memref_squeeze %dma_start3A_869 : memref<1x128xi32, #tpu.memory_space<hbm>> -> memref<128xi32, #tpu.memory_space<hbm>>
        tpu.enqueue_dma source(%dma_start3A_870 : memref<128xi32, #tpu.memory_space<hbm>>) target(%dma_start3A_868 : memref<128xi32, #tpu.memory_space<vmem>>) target_semaphore(%run_scoped3A_860 : memref<!tpu.dma_semaphore, #tpu.memory_space<semaphore_mem>>)
        %dma_wait3A_871 = arith.constant 0 : i32
        %dma_wait3A_872 = tpu.memref_slice %arg9[%run_scoped3A_831, %run_scoped3A_832, %dma_wait3A_871] : memref<2x6x128xi32, #tpu.memory_space<vmem>> -> memref<1x1x128xi32, #tpu.memory_space<vmem>>
        %dma_wait3A_873 = tpu.memref_squeeze %dma_wait3A_872 : memref<1x1x128xi32, #tpu.memory_space<vmem>> -> memref<128xi32, #tpu.memory_space<vmem>>
        %dma_wait3A_874 = tpu.memref_slice %arg3[%run_scoped3A_830, %mul3A_827] : memref<2x3200000xi32, #tpu.memory_space<hbm>> -> memref<1x128xi32, #tpu.memory_space<hbm>>
        %dma_wait3A_875 = tpu.memref_squeeze %dma_wait3A_874 : memref<1x128xi32, #tpu.memory_space<hbm>> -> memref<128xi32, #tpu.memory_space<hbm>>
        %dma_wait3A_876 = arith.constant 0 : i32
        %dma_wait3A_877 = tpu.memref_slice %arg9[%run_scoped3A_831, %run_scoped3A_832, %dma_wait3A_876] : memref<2x6x128xi32, #tpu.memory_space<vmem>> -> memref<1x1x128xi32, #tpu.memory_space<vmem>>
        %dma_wait3A_878 = tpu.memref_squeeze %dma_wait3A_877 : memref<1x1x128xi32, #tpu.memory_space<vmem>> -> memref<128xi32, #tpu.memory_space<vmem>>
        %dma_wait3A_879 = tpu.memref_slice %arg3[%run_scoped3A_830, %mul3A_827] : memref<2x3200000xi32, #tpu.memory_space<hbm>> -> memref<1x128xi32, #tpu.memory_space<hbm>>
        %dma_wait3A_880 = tpu.memref_squeeze %dma_wait3A_879 : memref<1x128xi32, #tpu.memory_space<hbm>> -> memref<128xi32, #tpu.memory_space<hbm>>
        tpu.wait_dma2 semaphore(%run_scoped3A_860 : memref<!tpu.dma_semaphore, #tpu.memory_space<semaphore_mem>>) src(%dma_wait3A_880 : memref<128xi32, #tpu.memory_space<hbm>>) dst(%dma_wait3A_878 : memref<128xi32, #tpu.memory_space<vmem>>)
        tpu.yield
      }) : () -> ()
      %dma_start3A_833 = arith.constant 0 : i32
      %dma_start3A_834 = arith.constant 0 : i32
      %dma_start3A_835 = arith.constant 0 : i32
      %dma_start3A_836 = arith.constant 0 : i32
      %dma_start3A_837 = tpu.memref_slice %arg10[%dma_start3A_834, %dma_start3A_835, %dma_start3A_836] : memref<2x768x16xf32, #tpu.memory_space<vmem>> -> memref<1x128x16xf32, #tpu.memory_space<vmem>>
      %dma_start3A_838 = tpu.memref_squeeze %dma_start3A_837 : memref<1x128x16xf32, #tpu.memory_space<vmem>> -> memref<128x16xf32, #tpu.memory_space<vmem>>
      %dma_start3A_839 = arith.constant 0 : i32
      %dma_start3A_840 = tpu.memref_slice %arg7[%dma_start3A_833, %dma_start3A_839] : memref<2x768xi32, #tpu.memory_space<vmem>> -> memref<1x128xi32, #tpu.memory_space<vmem>>
      %dma_start3A_841 = tpu.memref_squeeze %dma_start3A_840 : memref<1x128xi32, #tpu.memory_space<vmem>> -> memref<128xi32, #tpu.memory_space<vmem>>
      %dma_start3A_842 = arith.constant 0 : i32
      %dma_start3A_843 = arith.constant 0 : i32
      %dma_start3A_844 = tpu.memref_slice %arg2[%dma_start3A_842, %dma_start3A_843] : memref<100000x16xf32, #tpu.memory_space<hbm>> -> memref<100000x16xf32, #tpu.memory_space<hbm>>
      tpu.enqueue_indirect_dma source(%dma_start3A_844 : memref<100000x16xf32, #tpu.memory_space<hbm>>) target(%dma_start3A_838 : memref<128x16xf32, #tpu.memory_space<vmem>>) offsets(%dma_start3A_841 : memref<128xi32, #tpu.memory_space<vmem>>) semaphore(%arg11 : memref<!tpu.dma_semaphore, #tpu.memory_space<semaphore_mem>>)
      %dma_wait3A_845 = arith.constant 0 : i32
      %dma_wait3A_846 = arith.constant 0 : i32
      %dma_wait3A_847 = arith.constant 0 : i32
      %dma_wait3A_848 = arith.constant 0 : i32
      %dma_wait3A_849 = tpu.memref_slice %arg10[%dma_wait3A_846, %dma_wait3A_847, %dma_wait3A_848] : memref<2x768x16xf32, #tpu.memory_space<vmem>> -> memref<1x128x16xf32, #tpu.memory_space<vmem>>
      %dma_wait3A_850 = tpu.memref_squeeze %dma_wait3A_849 : memref<1x128x16xf32, #tpu.memory_space<vmem>> -> memref<128x16xf32, #tpu.memory_space<vmem>>
      %dma_wait3A_851 = arith.constant 0 : i32
      %dma_wait3A_852 = tpu.memref_slice %arg7[%dma_wait3A_845, %dma_wait3A_851] : memref<2x768xi32, #tpu.memory_space<vmem>> -> memref<1x128xi32, #tpu.memory_space<vmem>>
      %dma_wait3A_853 = tpu.memref_squeeze %dma_wait3A_852 : memref<1x128xi32, #tpu.memory_space<vmem>> -> memref<128xi32, #tpu.memory_space<vmem>>
      %dma_wait3A_854 = arith.constant 0 : i32
      %dma_wait3A_855 = arith.constant 0 : i32
      %dma_wait3A_856 = tpu.memref_slice %arg2[%dma_wait3A_854, %dma_wait3A_855] : memref<100000x16xf32, #tpu.memory_space<hbm>> -> memref<100000x16xf32, #tpu.memory_space<hbm>>
      tpu.wait_indirect_dma semaphore(%arg11 : memref<!tpu.dma_semaphore, #tpu.memory_space<semaphore_mem>>) src(%dma_wait3A_856 : memref<100000x16xf32, #tpu.memory_space<hbm>>) dst(%dma_wait3A_850 : memref<128x16xf32, #tpu.memory_space<vmem>>)
      %run_scoped3A_857 = arith.constant 0 : i32
      %run_scoped3A_858 = arith.constant 0 : i32
      %run_scoped3A_859 = arith.constant 0 : i32
      "tpu.region"() ({
        %run_scoped3A_860 = tpu.sem_alloc : memref<!tpu.dma_semaphore, #tpu.memory_space<semaphore_mem>>
        %dma_start3A_861 = arith.constant 0 : i32
        %dma_start3A_862 = arith.constant 0 : i32
        %dma_start3A_863 = tpu.memref_slice %arg10[%run_scoped3A_857, %dma_start3A_861, %dma_start3A_862] : memref<2x768x16xf32, #tpu.memory_space<vmem>> -> memref<1x128x16xf32, #tpu.memory_space<vmem>>
        %dma_start3A_864 = tpu.memref_squeeze %dma_start3A_863 : memref<1x128x16xf32, #tpu.memory_space<vmem>> -> memref<128x16xf32, #tpu.memory_space<vmem>>
        %dma_start3A_865 = arith.constant 0 : i32
        %dma_start3A_866 = tpu.memref_slice %arg9[%run_scoped3A_858, %run_scoped3A_859, %dma_start3A_865] : memref<2x6x128xi32, #tpu.memory_space<vmem>> -> memref<1x1x128xi32, #tpu.memory_space<vmem>>
        %dma_start3A_867 = tpu.memref_squeeze %dma_start3A_866 : memref<1x1x128xi32, #tpu.memory_space<vmem>> -> memref<128xi32, #tpu.memory_space<vmem>>
        %dma_start3A_868 = arith.constant 0 : i32
        %dma_start3A_869 = arith.constant 0 : i32
        %dma_start3A_870 = tpu.memref_slice %arg6[%dma_start3A_868, %dma_start3A_869] : memref<100096x16xf32, #tpu.memory_space<vmem_shared>> -> memref<100096x16xf32, #tpu.memory_space<vmem_shared>>
        tpu.enqueue_indirect_dma source(%dma_start3A_864 : memref<128x16xf32, #tpu.memory_space<vmem>>) target(%dma_start3A_870 : memref<100096x16xf32, #tpu.memory_space<vmem_shared>>) offsets(%dma_start3A_867 : memref<128xi32, #tpu.memory_space<vmem>>) semaphore(%run_scoped3A_860 : memref<!tpu.dma_semaphore, #tpu.memory_space<semaphore_mem>>) {add = true}
        %dma_wait3A_871 = arith.constant 0 : i32
        %dma_wait3A_872 = arith.constant 0 : i32
        %dma_wait3A_873 = tpu.memref_slice %arg10[%run_scoped3A_857, %dma_wait3A_871, %dma_wait3A_872] : memref<2x768x16xf32, #tpu.memory_space<vmem>> -> memref<1x128x16xf32, #tpu.memory_space<vmem>>
        %dma_wait3A_874 = tpu.memref_squeeze %dma_wait3A_873 : memref<1x128x16xf32, #tpu.memory_space<vmem>> -> memref<128x16xf32, #tpu.memory_space<vmem>>
        %dma_wait3A_875 = arith.constant 0 : i32
        %dma_wait3A_876 = tpu.memref_slice %arg9[%run_scoped3A_858, %run_scoped3A_859, %dma_wait3A_875] : memref<2x6x128xi32, #tpu.memory_space<vmem>> -> memref<1x1x128xi32, #tpu.memory_space<vmem>>
        %dma_wait3A_877 = tpu.memref_squeeze %dma_wait3A_876 : memref<1x1x128xi32, #tpu.memory_space<vmem>> -> memref<128xi32, #tpu.memory_space<vmem>>
        %dma_wait3A_878 = arith.constant 0 : i32
        %dma_wait3A_879 = arith.constant 0 : i32
        %dma_wait3A_880 = tpu.memref_slice %arg6[%dma_wait3A_878, %dma_wait3A_879] : memref<100096x16xf32, #tpu.memory_space<vmem_shared>> -> memref<100096x16xf32, #tpu.memory_space<vmem_shared>>
        tpu.wait_indirect_dma semaphore(%run_scoped3A_860 : memref<!tpu.dma_semaphore, #tpu.memory_space<semaphore_mem>>) src(%dma_wait3A_874 : memref<128x16xf32, #tpu.memory_space<vmem>>) dst(%dma_wait3A_880 : memref<100096x16xf32, #tpu.memory_space<vmem_shared>>)
        tpu.yield
      }) : () -> ()
    } else {
    }
    %barrier3A_819 = arith.constant 0 : index
    tpu.barrier barrier_id(%barrier3A_819)
    %mul3A_820 = arith.constant 6256 : i32
    %mul3A_821 = arith.muli %arg1, %mul3A_820 : i32
    %mul3A_822 = arith.constant 6256 : i32
    %mul3A_823 = arith.muli %arg1, %mul3A_822 : i32
    "tpu.region"() ({
      %run_scoped3A_824 = tpu.sem_alloc : memref<!tpu.dma_semaphore, #tpu.memory_space<semaphore_mem>>
      %dma_start3A_825 = arith.constant 0 : i32
      %dma_start3A_826 = tpu.memref_slice %arg5[%arg0, %mul3A_823, %dma_start3A_825] : memref<2x100096x16xf32, #tpu.memory_space<hbm>> -> memref<1x6256x16xf32, #tpu.memory_space<hbm>>
      %dma_start3A_827 = tpu.memref_squeeze %dma_start3A_826 : memref<1x6256x16xf32, #tpu.memory_space<hbm>> -> memref<6256x16xf32, #tpu.memory_space<hbm>>
      %dma_start3A_828 = arith.constant 0 : i32
      %dma_start3A_829 = tpu.memref_slice %arg6[%mul3A_821, %dma_start3A_828] : memref<100096x16xf32, #tpu.memory_space<vmem_shared>> -> memref<6256x16xf32, #tpu.memory_space<vmem_shared>>
      tpu.enqueue_dma source(%dma_start3A_829 : memref<6256x16xf32, #tpu.memory_space<vmem_shared>>) target(%dma_start3A_827 : memref<6256x16xf32, #tpu.memory_space<hbm>>) target_semaphore(%run_scoped3A_824 : memref<!tpu.dma_semaphore, #tpu.memory_space<semaphore_mem>>)
      %dma_wait3A_830 = arith.constant 0 : i32
      %dma_wait3A_831 = tpu.memref_slice %arg5[%arg0, %mul3A_823, %dma_wait3A_830] : memref<2x100096x16xf32, #tpu.memory_space<hbm>> -> memref<1x6256x16xf32, #tpu.memory_space<hbm>>
      %dma_wait3A_832 = tpu.memref_squeeze %dma_wait3A_831 : memref<1x6256x16xf32, #tpu.memory_space<hbm>> -> memref<6256x16xf32, #tpu.memory_space<hbm>>
      %dma_wait3A_833 = arith.constant 0 : i32
      %dma_wait3A_834 = tpu.memref_slice %arg6[%mul3A_821, %dma_wait3A_833] : memref<100096x16xf32, #tpu.memory_space<vmem_shared>> -> memref<6256x16xf32, #tpu.memory_space<vmem_shared>>
      tpu.wait_dma2 semaphore(%run_scoped3A_824 : memref<!tpu.dma_semaphore, #tpu.memory_space<semaphore_mem>>) src(%dma_wait3A_834 : memref<6256x16xf32, #tpu.memory_space<vmem_shared>>) dst(%dma_wait3A_832 : memref<6256x16xf32, #tpu.memory_space<hbm>>)
      tpu.yield
    }) : () -> ()
    return
  }
}

module attributes {stable_mosaic.version = 14 : i64} {
  func.func @_mm_body(%arg0: i32, %arg1: memref<10000x128xf32, #tpu.memory_space<vmem>>, %arg2: memref<128x16xf32, #tpu.memory_space<vmem>>, %arg3: memref<10000x16xf32, #tpu.memory_space<vmem>>) attributes {dimension_semantics = [#tpu.dimension_semantics<arbitrary>], iteration_bounds = array<i64: 10>, scalar_prefetch = 0 : i64, scratch_operands = 0 : i64, tpu.core_type = #tpu.core_type<tc>, window_params = [{transform_indices = @transform_0, window_bounds = array<i64: 10000, 128>}, {pipeline_mode = #tpu.pipeline_mode<synchronous>, transform_indices = @transform_1, window_bounds = array<i64: 128, 16>}, {transform_indices = @transform_2, window_bounds = array<i64: 10000, 16>}]} {
    %get3A = arith.constant 0 : index
    %get3A_0 = arith.constant 0 : index
    %get3A_1 = vector.load %arg1[%get3A, %get3A_0] : memref<10000x128xf32, #tpu.memory_space<vmem>>, vector<10000x128xf32>
    %get3A_2 = arith.constant 0 : index
    %get3A_3 = arith.constant 0 : index
    %get3A_4 = vector.load %arg2[%get3A_2, %get3A_3] : memref<128x16xf32, #tpu.memory_space<vmem>>, vector<128x16xf32>
    %dot_general3A = arith.constant dense<0.000000e+00> : vector<10000x16xf32>
    %dot_general3A_5 = tpu.matmul %get3A_1, %get3A_4, %dot_general3A {dimension_numbers = #tpu.dot_dimension_numbers<[1], [0], [0], [1], [0, 0, 1, 1], [], []>, transpose_lhs_hint = false} : vector<10000x128xf32>, vector<128x16xf32>, vector<10000x16xf32> -> vector<10000x16xf32>
    %swap3A = arith.constant 0 : index
    %swap3A_6 = arith.constant 0 : index
    %swap3A_7 = vector.load %arg3[%swap3A, %swap3A_6] : memref<10000x16xf32, #tpu.memory_space<vmem>>, vector<10000x16xf32>
    tpu.vector_store %arg3[%swap3A, %swap3A_6], %dot_general3A_5 {strides = array<i32>} : memref<10000x16xf32, #tpu.memory_space<vmem>>, vector<10000x16xf32>,
    return
  }
  func.func @transform_0(%arg0: i32) -> (i32, i32) {
    %c0_i32 = arith.constant 0 : i32
    %c0_i32_0 = arith.constant 0 : i32
    return %arg0, %c0_i32 : i32, i32
  }
  func.func @transform_1(%arg0: i32) -> (i32, i32) {
    %c0_i32 = arith.constant 0 : i32
    %c0_i32_0 = arith.constant 0 : i32
    %c0_i32_1 = arith.constant 0 : i32
    return %c0_i32, %c0_i32_0 : i32, i32
  }
  func.func @transform_2(%arg0: i32) -> (i32, i32) {
    %c0_i32 = arith.constant 0 : i32
    %c0_i32_0 = arith.constant 0 : i32
    return %arg0, %c0_i32 : i32, i32
  }
}

module attributes {stable_mosaic.version = 14 : i64} {
  func.func @_snf_body(%arg0: i32, %arg1: memref<10000x1xf32, #tpu.memory_space<vmem>>, %arg2: memref<1x1x10000xf32, #tpu.memory_space<vmem>>) attributes {dimension_semantics = [#tpu.dimension_semantics<arbitrary>], iteration_bounds = array<i64: 10>, scalar_prefetch = 0 : i64, scratch_operands = 0 : i64, tpu.core_type = #tpu.core_type<tc>, window_params = [{transform_indices = @transform_0, window_bounds = array<i64: 10000, 1>}, {transform_indices = @transform_1, window_bounds = array<i64: 1, 1, 10000>}]} {
    %get3A = arith.constant 0 : index
    %get3A_0 = arith.constant 0 : index
    %get3A_1 = vector.load %arg1[%get3A, %get3A_0] : memref<10000x1xf32, #tpu.memory_space<vmem>>, vector<10000x1xf32>
    %reshape3A = vector.shape_cast %get3A_1 : vector<10000x1xf32> to vector<1x1x10000xf32>
    %swap3A = arith.constant 0 : index
    %swap3A_2 = arith.constant 0 : index
    %swap3A_3 = arith.constant 0 : index
    %swap3A_4 = vector.load %arg2[%swap3A, %swap3A_2, %swap3A_3] : memref<1x1x10000xf32, #tpu.memory_space<vmem>>, vector<1x1x10000xf32>
    tpu.vector_store %arg2[%swap3A, %swap3A_2, %swap3A_3], %reshape3A {strides = array<i32>} : memref<1x1x10000xf32, #tpu.memory_space<vmem>>, vector<1x1x10000xf32>,
    return
  }
  func.func @transform_0(%arg0: i32) -> (i32, i32) {
    %c0_i32 = arith.constant 0 : i32
    %c0_i32_0 = arith.constant 0 : i32
    return %arg0, %c0_i32 : i32, i32
  }
  func.func @transform_1(%arg0: i32) -> (i32, i32, i32) {
    %c0_i32 = arith.constant 0 : i32
    %c0_i32_0 = arith.constant 0 : i32
    %c0_i32_1 = arith.constant 0 : i32
    return %arg0, %c0_i32, %c0_i32_0 : i32, i32, i32
  }
}

</mosaic_0001>

<sc_bundles>
// kernel: kernel.6.cloned.1.call-start
scs
__scs_entry_jumppad:
0x0: {  	(pc) =	sbr.rel $0x88, $3  }
0x1: {  	(tag) =	ssettag $0x0;
	lr =	simm.s32 $0x1  }
0x2: {  	[smem:$0x3F9D] =	sst lr;
	_ =	strace $0xD0000000  }
0x3: {  	_ = 	snop  }
0x4: {  	_ = 	snop  }
0x5: {  	_ = 	snop  }
0x6: {  	_ = 	snop  }
0x7: {  	_ = 	snop  }
__scs_overlays_trampoline_lowered:
0x8: {  	[smem:$0x3FAC] =	sst s0  }
0x9: {  	[smem:$0x3FAD] =	sst s1  }
0xa: {  	[smem:$0x3FAE] =	sst s2  }
0xb: {  	[smem:$0x3FAF] =	sst s3  }
0xc: {  	[smem:$0x3FB0] =	sst s4  }
0xd: {  	[smem:$0x3FB1] =	sst s5  }
0xe: {  	[smem:$0x3FB2] =	sst s6  }
0xf: {  	[smem:$0x3FB3] =	sst s7  }
0x10: {  	[smem:$0x3FB4] =	sst s8  }
0x11: {  	[smem:$0x3FB5] =	sst s9;
	s0 =	simm.s32 @!p0 $0x0  }
0x12: {  	s1 =	sld [smem:$0x3F9B];
	s0 =	simm.s32 @p0 $0x1  }
0x13: {  	[smem:$0x3FB6] =	sst s0;
	s0 =	simm.s32 @!p1 $0x0  }
0x14: {  	s2 =	sld [smem:$0x3F9A];
	s0 =	simm.s32 @p1 $0x1  }
0x15: {  	[smem:$0x3FB7] =	sst s0;
	s0 =	simm.s32 @!p2 $0x0  }
0x16: {  	s3 =	sld [smem:$0x3FDB];
	s0 =	simm.s32 @p2 $0x1  }
0x17: {  	s4 =	simm.s32 $0x1BF5;
	[smem:$0x3FB9] =	sst s0  }
0x18: {  	s0 =	sld [smem:$0x3F9C];
	_ =	swait.ge [sflag:s4], $0x0  }
0x19: {  	s7 =	sld [smem:$0x3F9D]  }
0x1a: {  	s8 =	sadd.s32 $0xFFFFE003, lr  }
0x1b: {  	s9 =	sadd.s32 $0xFFFFFEF7, lr;
	s5 =	simm.s32 $0xFFFFFFFF;
	p2 =	slt.u32 s8, $0xFFFFF086  }
0x1c: {  	p1 =	slt.u32 s9, $0xF7A;
	s5 =	simm.s32 @!p2 $0x0  }
0x1d: {  	s5 =	simm.s32 @p1 $0x1;
	p0 =	seq.s32 s7, s2  }
0x1e: {  	s7 =	smul.u32 @!p0 $0xF7A, s2;
	p2 =	seq.s32 @!p0 s5, $0x0  }
0x1f: {  	s9 =	smul.u32 $0xF7A, s1;
	s8 =	simm.s32 @!p0 $0x1BF5;
	p2 =	por !p2, p0  }
0x20: {  	[sflag:s8] =	ssyncset.s32 @!p0 $0xFFFFF086;
	s6 =	sadd.s32 @!p0 s3, s7;
	s7 =	simm.s32 @!p0 $0x108  }
0x21: {  	s3 =	sadd.s32 s3, s9;
	s6 =	sadd.s32 @!p0 $0x88, s6;
	s7 =	simm.s32 @p2 $0x1082  }
0x22: {  	[simem:s7], [sflag:s8] =	dma.local @!p0 [hbm:s6], $0xF7A  }
0x23: {  	s9 =	sor.u32 $0xD0000000, s2;
	s6 =	simm.s32 $0x108;
	_ =	swait.ge @!p0 [sflag:s8], $0x0  }
0x24: {  	s3 =	sadd.s32 $0x88, s3;
	s6 =	simm.s32 @!p1 $0x1082;
	[sflag:s4] =	ssyncset.s32 $0xFFFFF086  }
0x25: {  	[simem:s6], [sflag:s4] =	dma.local [hbm:s3], $0xF7A  }
0x26: {  	[smem:$0x3F9D] =	sst s1;
	(tag) =	ssettag s2;
	_ =	strace s9  }
0x27: {  	s1 =	sld [smem:$0x3FAD]  }
0x28: {  	s2 =	sld [smem:$0x3FAE]  }
0x29: {  	s4 =	sld [smem:$0x3FB0]  }
0x2a: {  	p0 =	seq.s32 s5, $0x0;
	s5 =	sld [smem:$0x3FB1]  }
0x2b: {  	s6 =	sld [smem:$0x3FB2]  }
0x2c: {  	s7 =	sld [smem:$0x3FB3]  }
0x2d: {  	s3 =	simm.s32 $0x108;
	s8 =	sld [smem:$0x3FB4]  }
0x2e: {  	s3 =	simm.s32 @!p0 $0x1082;
	s9 =	sld [smem:$0x3FB5]  }
0x2f: {  	lr =	sadd.s32 s0, s3;
	s0 =	sld [smem:$0x3FAC]  }
0x30: {  	s3 =	sld [smem:$0x3FAF]  }
0x31: {  	[smem:$0x3FB8] =	sst s10  }
0x32: {  	s10 =	sld [smem:$0x3FB6];
	_ =	sdelay $0x3  }
0x33: {  	p0 =	seq.s32 s10, $0x1;
	s10 =	sld [smem:$0x3FB8];
	_ =	sdelay $0x3  }
0x34: {  	[smem:$0x3FB8] =	sst s10  }
0x35: {  	s10 =	sld [smem:$0x3FB7];
	_ =	sdelay $0x3  }
0x36: {  	p1 =	seq.s32 s10, $0x1;
	s10 =	sld [smem:$0x3FB8];
	_ =	sdelay $0x3  }
0x37: {  	[smem:$0x3FB8] =	sst s10  }
0x38: {  	s10 =	sld [smem:$0x3FB9]  }
0x39: {  	_ = 	snop;
	(pc) =	sbr.ind lr, $3  }
0x3a: {  	_ = 	snop  }
0x3b: {  	_ = 	snop  }
0x3c: {  	p2 =	seq.s32 s10, $0x1;
	s10 =	sld [smem:$0x3FB8]  }
0x3d: {  	_ =	shalt  }
0x3e: {  	_ =	shalt  }
0x3f: {  	_ =	shalt  }
0x40: {  	_ =	shalt  }
0x41: {  	_ =	shalt  }
0x42: {  	_ =	shalt  }
0x43: {  	_ =	shalt  }
0x44: {  	_ =	shalt  }
0x45: {  	_ =	shalt  }
0x46: {  	_ =	shalt  }
0x47: {  	_ =	shalt  }
0x48: {  	_ =	shalt  }
0x49: {  	_ =	shalt  }
0x4a: {  	_ =	shalt  }
0x4b: {  	_ =	shalt  }
0x4c: {  	_ =	shalt  }
0x4d: {  	_ =	shalt  }
0x4e: {  	_ =	shalt  }
0x4f: {  	_ =	shalt  }
0x50: {  	_ =	shalt  }
0x51: {  	_ =	shalt  }
0x52: {  	_ =	shalt  }
0x53: {  	_ =	shalt  }
0x54: {  	_ =	shalt  }
0x55: {  	_ =	shalt  }
0x56: {  	_ =	shalt  }
0x57: {  	_ =	shalt  }
0x58: {  	_ =	shalt  }
0x59: {  	_ =	shalt  }
0x5a: {  	_ =	shalt  }
0x5b: {  	_ =	shalt  }
0x5c: {  	_ =	shalt  }
0x5d: {  	_ =	shalt  }
0x5e: {  	_ =	shalt  }
0x5f: {  	_ =	shalt  }
0x60: {  	_ =	shalt  }
0x61: {  	_ =	shalt  }
0x62: {  	_ =	shalt  }
0x63: {  	_ =	shalt  }
0x64: {  	_ =	shalt  }
0x65: {  	_ =	shalt  }
0x66: {  	_ =	shalt  }
0x67: {  	_ =	shalt  }
0x68: {  	_ =	shalt  }
0x69: {  	_ =	shalt  }
0x6a: {  	_ =	shalt  }
0x6b: {  	_ =	shalt  }
0x6c: {  	_ =	shalt  }
0x6d: {  	_ =	shalt  }
0x6e: {  	_ =	shalt  }
0x6f: {  	_ =	shalt  }
0x70: {  	_ =	shalt  }
0x71: {  	_ =	shalt  }
0x72: {  	_ =	shalt  }
0x73: {  	_ =	shalt  }
0x74: {  	_ =	shalt  }
0x75: {  	_ =	shalt  }
0x76: {  	_ =	shalt  }
0x77: {  	_ =	shalt  }
0x78: {  	_ =	shalt  }
0x79: {  	_ =	shalt  }
0x7a: {  	_ =	shalt  }
0x7b: {  	_ =	shalt  }
0x7c: {  	_ =	shalt  }
0x7d: {  	_ =	shalt  }
0x7e: {  	_ =	shalt  }
0x7f: {  	_ =	shalt  }
0x80: {  	_ =	shalt  }
0x81: {  	_ =	shalt  }
0x82: {  	_ =	shalt  }
0x83: {  	_ =	shalt  }
0x84: {  	_ =	shalt  }
0x85: {  	_ =	shalt  }
0x86: {  	_ =	shalt  }
0x87: {  	_ =	shalt  }
.Lfunc_end0:
.L_simem_size_0:
called_computation_lowered:
.L_overlay_start_0:
0x88: {  	s2 =	sld [smem:$0x3FD9]  }
0x89: {  	s3 =	sld [smem:$0x3FFE];
	_ =	sdelay $0x1  }
0x8a: {  	s1 =	srdreg.scid  }
0x8b: {  	s0 =	sand.u32 $0x1, s1  }
0x8c: {  	s17 =	sshll.u32 s0, $0xA;
	s2 =	sadd.s32 s3, s2  }
0x8d: {  	s2 =	sadd.s32 s2, s17  }
0x8e: {  	[smem:$0x3FC4] =	sst s2  }
0x8f: {  	_ = 	snop  }
0x90: {  	s2 =	sld [smem:$0x3FD0];
	(tm) =	ssettm $0x1  }
0x91: {  	s18 =	sld [smem:$0x3FFB];
	_ =	sdelay $0x3  }
0x92: {  	_ =	strace s18  }
0x93: {  	s3 =	sld [smem:$0x3FFC];
	_ =	sdelay $0x3  }
0x94: {  	_ =	strace s3  }
0x95: {  	s3 =	sld [smem:$0x3FFD];
	_ =	sdelay $0x3  }
0x96: {  	_ =	strace s3  }
0x97: {  	_ =	strace $0x8FFFFFFF  }
0x98: {  	s19 =	sld [smem:$0x3FDB];
	_ =	sdelay $0x1  }
0x99: {  	s4 =	simm.s32 $_scs_section_size  }
0x9a: {  	s5 =	simm.s32 $_size__tile_overlayer_lowered;
	s6 =	simm.s32 $_tile_overlayer_lowered  }
0x9b: {  	s22 =	simm.s32 $0x1BFF;
	s21 =	sshll.u32 s6, $0x1;
	s3 =	sadd.s32 s4, s19  }
0x9c: {  	s7 =	simm.s32 $0x0;
	s20 =	sshll.u32 s5, $0x1;
	s5 =	sadd.s32 s21, s3  }
0x9d: {  	[timem:s7], [sflag:s22] =	dma.local [hbm:s5], s20  }
0x9e: {  	_ =	swait.ge [sflag:s22], s20  }
0x9f: {  	s4 =	ssub.s32 $0x0, s20;
	[sflag:s22] =	ssyncset.done $0x0  }
0xa0: {  	[sflag:s22] =	ssyncadd.s32 s4;
	_ =	sdelay $0x1  }
0xa1: {  	s23 =	simm.s32 $0x1B8B  }
0xa2: {  	_ =	swait.ge [sflag:s23], $0x1  }
0xa3: {  	[sflag:s23] =	ssyncset.done $0x0  }
0xa4: {  	s25 =	simm.s32 $0x1B8E;
	s24 =	sld [smem:$0x3FFE];
	[sflag:s23] =	ssyncadd.s32 $0xFFFFFFFF  }
0xa5: {  	s26 =	simm.s32 $execute0_lowered;
	[smem:$0x3FD2] =	sst s25  }
0xa6: {  	s5 =	sshll.u32 s26, $0x1;
	_ =	strace $0x80000046;
	[dreg:$0x1] =	wrdreg $0xFFFFFFFF  }
0xa7: {  	s28 =	simm.s32 $_size_execute0_lowered;
	s3 =	sadd.s32 s3, s5;
	[dreg:$0x0] =	wrdreg $0x0  }
0xa8: {  	s5 =	sshll.u32 s28, $0x1;
	[dreg:$0x2] =	wrdreg s3  }
0xa9: {  	[dreg:$0x3] =	wrdreg s5  }
0xaa: {  	[dreg:$0x4] =	wrdreg $0xC0  }
0xab: {  	_ =	task [dreg:s7], $0x5FFFF  }
0xac: {  	[dreg:$0x1] =	wrdreg $0xFFFFFFFF  }
0xad: {  	[dreg:$0x0] =	wrdreg $0x60  }
0xae: {  	[dreg:$0x2] =	wrdreg s2  }
0xaf: {  	[dreg:$0x3] =	wrdreg s24  }
0xb0: {  	[dreg:$0x4] =	wrdreg $0x0  }
0xb1: {  	[dreg:$0x5] =	wrdreg $0x9  }
0xb2: {  	_ =	task.clear_ibuf [dreg:s7], $0x6FFFF;
	_ =	strace $0x90000046  }
0xb3: {  	s29 =	simm.s32 $0x9;
	_ =	strace $0x80000048  }
0xb4: {  	_ =	swait.ge [sflag:s29], $0x1  }
0xb5: {  	[sflag:s29] =	ssyncadd.s32 $0xFFFFFFFF  }
0xb6: {  	_ =	strace $0x90000048  }
0xb7: {  	_ =	sfence  }
0xb8: {  	s30 =	sld [smem:$0x0];
	_ =	sdelay $0x2  }
0xb9: {  	s31 =	sshll.u32 s1, $0xD;
	s1 =	sshrl.u32 s1, $0x2  }
0xba: {  	s3 =	sand.u32 $0x4000, s31;
	s1 =	sadd.s32 s1, s30  }
0xbb: {  	s0 =	sor.u32 s3, s0;
	s1 =	sshll.u32 s1, $0x11  }
0xbc: {  	s0 =	sor.u32 s1, s0  }
0xbd: {  	s0 =	sadd.s32 $0x8F2B, s0  }
0xbe: {  	[sflag:s0] =	ssyncadd.remote.s32 $0x1  }
0xbf: {  	_ =	sfence.sel $0xFFFF  }
0xc0: {  	[dreg:$0x0] =	wrdreg $0xFFFFFFFF;
	(pc) =	sbr.abs _section_cstart, $3  }
0xc1: {  	[dreg:$0x1] =	wrdreg $0xFFFFFFFF  }
0xc2: {  	_ =	task.clear_ibuf [dreg:s7], $0x2FFFF;
	_ =	strace $0x9FFFFFFF  }
0xc3: {  	(tm) =	ssettm $0x7FFFFFFF  }
tec
execute0_lowered:
.L_overlay_start_1:
0x0: {  	(tag) =	ssettag $0x1  }
0x1: {  	s1 =	rddreg [dreg:$0x0]  }
0x2: {  	s0 =	rddreg [dreg:$0x1]  }
0x3: {  	s11 =	rddreg [dreg:$0x2]  }
0x4: {  	s2 =	srdreg.scid;
	s25 =	stileid.u32  }
0x5: {  	s4 =	simm.s32 $0x0;
	s29 =	simm.s32 $0x2;
	s30 =	simm.s32 $0x1  }
0x6: {  	s31 =	simm.s32 $0x19300;
	s2 =	sand.u32 $0x1, s2;
	s3 =	smul.u32 $0x18700, s25  }
0x7: {  	[smem:$0x7FF] =	sst s4;
	s17 =	sadd.s32 $0x2200, s0;
	s6 =	sshll.u32 s25, $0x1  }
0x8: {  	s20 =	sadd.s32 $0xC5800, s0;
	s21 =	sshll.u32 s25, $0x6;
	s13 =	smul.u32 $0x30C00, s25  }
0x9: {  	p0 =	sgt.u32 s25, $0x3;
	s5 =	smul.u32 $0x187000, s2;
	_ =	strace $0x80000047  }
0xa: {  	s7 =	ssub.s32 $0x2, s2;
	s9 =	sor.u32 s2, s6;
	[dreg:$0x4] =	wrdreg s20  }
0xb: {  	s6 =	sor.u32 $0x1C03, s21;
	s2 =	smul.u32 $0x18600, s2;
	s20 =	simm.s32 $0x3  }
0xc: {  	s21 =	simm.s32 $0x18700;
	s8 =	sshrl.u32 s7, $0x1;
	s10 =	smul.u32 $0x18600, s9  }
0xd: {  	s24 =	sshll.u32 s9, $0x4;
	s5 =	sadd.s32 s3, s5;
	s16 =	ssub.s32 s7, s8  }
0xe: {  	s3 =	sadd.s32 s3, s11;
	s14 =	sadd.s32 s24, s17;
	s2 =	sadd.s32 s2, s13  }
0xf: {  	s24 =	simm.s32 $0x19900;
	s19 =	sshrl.u32 s5, $0x3;
	s22 =	sshrl.u32 s10, $0x3  }
0x10: {  	s11 =	sadd.s32 $0x61800, s14;
	s12 =	sadd.s32 $0xC3280, s14;
	s13 =	sadd.s32 $0x61A00, s14  }
0x11: {  	s14 =	sadd.s32 $0xC3480, s14;
	s18 =	sadd.s32 $0x600, s2;
	s2 =	sadd.s32 $0x30DA00, s2  }
0x12: {  	s16 =	smax.u32 s16, $0x1;
	s0 =	sadd.s32 s19, s0;
	s7 =	sadd.s32 s17, s22  }
0x13: {  	s26 =	sshrl.u32 s18, $0x3;
	s28 =	sshrl.u32 s2, $0x3;
	s19 =	sshrl.u32 s3, $0x3  }
0x14: {  	s23 =	sadd.s32 $0x61A80, s7;
	s9 =	sadd.s32 $0x60, s7;
	s10 =	sadd.s32 $0x61AE0, s7  }
0x15: {  	s15 =	sadd.s32 $0xC8A00, s0;
	s22 =	sadd.s32 s26, s17;
	s2 =	sadd.s32 s28, s17  }
0x16: {  	s0 =	simm.s32 $0x0;
	[dreg:$0x5] =	wrdreg s23;
	s23 =	simm.s32 $0x80  }
.LBB2_1:
0x17: {  	s3 =	rddreg [dreg:$0x4]  }
0x18: {  	[spmem:s19], [sflag:s6] =	dma.local [hbm:s3], $0x30E0  }
0x19: {  	_ =	swait.ge [sflag:s20], $0x30E0  }
0x1a: {  	[sflag:s20] =	ssyncset.done $0x0  }
0x1b: {  	[sflag:s20] =	ssyncadd.s32 $0xFFFFCF20  }
0x1c: {  	[bflag:$0x0] =	sbarrier.arrive $0xFFFF  }
0x1d: {  	[tilespmem:s21], [sflag:$0x3] =	stream.linear.gather [hbm4b:s7+s4], $0x300, $0x38;
	[tilespmem:$0x1F900] =	vst v63  }
0x1e: {  	_ =	swait.ge [sflag:s20], $0x300  }
0x1f: {  	[sflag:s20] =	ssyncset.done $0x0  }
0x20: {  	s5 =	simm.s32 $0x18D00;
	s28 =	rddreg [dreg:$0x5];
	[sflag:s20] =	ssyncadd.s32 $0xFFFFFD00  }
0x21: {  	[tilespmem:s5], [sflag:$0x3] =	stream.linear.gather [hbm4b:s28+s4], $0x300, $0x38;
	[tilespmem:$0x1F900] =	vst v63  }
0x22: {  	_ =	swait.ge [sflag:s20], $0x300  }
0x23: {  	[sflag:s20] =	ssyncset.done $0x0  }
0x24: {  	[sflag:s20] =	ssyncadd.s32 $0xFFFFFD00  }
0x25: {  	v0 =	vld [tilespmem:$0x18D00]  }
0x26: {  	v1 =	vld [tilespmem:$0x18D10]  }
0x27: {  	v2 =	vld [tilespmem:$0x18D20]  }
0x28: {  	v3 =	vld [tilespmem:$0x18D30]  }
0x29: {  	v4 =	vld [tilespmem:$0x18D40]  }
0x2a: {  	v21 =	vld [tilespmem:$0x18D50];
	[tilespmem:$0x19300] =	vst v0  }
0x2b: {  	v22 =	vld [tilespmem:$0x18D60];
	[tilespmem:$0x19310] =	vst v1  }
0x2c: {  	v23 =	vld [tilespmem:$0x18D70];
	[tilespmem:$0x19320] =	vst v2  }
0x2d: {  	v24 =	vld [tilespmem:$0x18D80];
	[tilespmem:$0x19330] =	vst v3  }
0x2e: {  	v25 =	vld [tilespmem:$0x18D90];
	[tilespmem:$0x19340] =	vst v4  }
0x2f: {  	v26 =	vld [tilespmem:$0x18DA0];
	[tilespmem:$0x19350] =	vst v21  }
0x30: {  	v27 =	vld [tilespmem:$0x18DB0];
	[tilespmem:$0x19360] =	vst v22  }
0x31: {  	v28 =	vld [tilespmem:$0x18DC0];
	[tilespmem:$0x19370] =	vst v23  }
0x32: {  	v29 =	vld [tilespmem:$0x18DD0];
	[tilespmem:$0x19380] =	vst v24  }
0x33: {  	v30 =	vld [tilespmem:$0x18DE0];
	[tilespmem:$0x19390] =	vst v25  }
0x34: {  	v31 =	vld [tilespmem:$0x18DF0];
	[tilespmem:$0x193A0] =	vst v26  }
0x35: {  	v32 =	vld [tilespmem:$0x18E00];
	[tilespmem:$0x193B0] =	vst v27  }
0x36: {  	v33 =	vld [tilespmem:$0x18E10];
	[tilespmem:$0x193C0] =	vst v28  }
0x37: {  	v34 =	vld [tilespmem:$0x18E20];
	[tilespmem:$0x193D0] =	vst v29  }
0x38: {  	v35 =	vld [tilespmem:$0x18E30];
	[tilespmem:$0x193E0] =	vst v30  }
0x39: {  	v36 =	vld [tilespmem:$0x18E40];
	[tilespmem:$0x193F0] =	vst v31  }
0x3a: {  	v37 =	vld [tilespmem:$0x18E50];
	[tilespmem:$0x19400] =	vst v32  }
0x3b: {  	v38 =	vld [tilespmem:$0x18E60];
	[tilespmem:$0x19410] =	vst v33  }
0x3c: {  	v39 =	vld [tilespmem:$0x18E70];
	[tilespmem:$0x19420] =	vst v34  }
0x3d: {  	v40 =	vld [tilespmem:$0x18E80];
	[tilespmem:$0x19430] =	vst v35  }
0x3e: {  	v41 =	vld [tilespmem:$0x18E90];
	[tilespmem:$0x19440] =	vst v36  }
0x3f: {  	v42 =	vld [tilespmem:$0x18EA0];
	[tilespmem:$0x19450] =	vst v37  }
0x40: {  	v43 =	vld [tilespmem:$0x18EB0];
	[tilespmem:$0x19460] =	vst v38  }
0x41: {  	v44 =	vld [tilespmem:$0x18EC0];
	[tilespmem:$0x19470] =	vst v39  }
0x42: {  	v45 =	vld [tilespmem:$0x18ED0];
	[tilespmem:$0x19480] =	vst v40  }
0x43: {  	v46 =	vld [tilespmem:$0x18EE0];
	[tilespmem:$0x19490] =	vst v41  }
0x44: {  	v47 =	vld [tilespmem:$0x18EF0];
	[tilespmem:$0x194A0] =	vst v42  }
0x45: {  	v48 =	vld [tilespmem:$0x18F00];
	[tilespmem:$0x194B0] =	vst v43  }
0x46: {  	v49 =	vld [tilespmem:$0x18F10];
	[tilespmem:$0x194C0] =	vst v44  }
0x47: {  	v50 =	vld [tilespmem:$0x18F20];
	[tilespmem:$0x194D0] =	vst v45  }
0x48: {  	v51 =	vld [tilespmem:$0x18F30];
	[tilespmem:$0x194E0] =	vst v46  }
0x49: {  	v52 =	vld [tilespmem:$0x18F40];
	[tilespmem:$0x194F0] =	vst v47  }
0x4a: {  	v53 =	vld [tilespmem:$0x18F50];
	[tilespmem:$0x19500] =	vst v48  }
0x4b: {  	v54 =	vld [tilespmem:$0x18F60];
	[tilespmem:$0x19510] =	vst v49  }
0x4c: {  	v55 =	vld [tilespmem:$0x18F70];
	[tilespmem:$0x19520] =	vst v50  }
0x4d: {  	v56 =	vld [tilespmem:$0x18F80];
	[tilespmem:$0x19530] =	vst v51  }
0x4e: {  	v57 =	vld [tilespmem:$0x18F90];
	[tilespmem:$0x19540] =	vst v52  }
0x4f: {  	v58 =	vld [tilespmem:$0x18FA0];
	[tilespmem:$0x19550] =	vst v53  }
0x50: {  	v59 =	vld [tilespmem:$0x18FB0];
	[tilespmem:$0x19560] =	vst v54  }
0x51: {  	v60 =	vld [tilespmem:$0x18FC0];
	[tilespmem:$0x19570] =	vst v55  }
0x52: {  	v61 =	vld [tilespmem:$0x18FD0];
	[tilespmem:$0x19580] =	vst v56  }
0x53: {  	v62 =	vld [tilespmem:$0x18FE0];
	[tilespmem:$0x19590] =	vst v57  }
0x54: {  	v63 =	vld [tilespmem:$0x18FF0];
	[tilespmem:$0x195A0] =	vst v58  }
0x55: {  	[tilespmem:$0x195B0] =	vst v59  }
0x56: {  	[tilespmem:$0x195C0] =	vst v60  }
0x57: {  	[tilespmem:$0x195D0] =	vst v61  }
0x58: {  	[tilespmem:$0x195E0] =	vst v62  }
0x59: {  	[tilespmem:$0x195F0] =	vst v63  }
0x5a: {  	[tilespmem:s24], [sflag:$0x1] =	stream.indirect.gather [hbm4b:s1+s23], $0x10, s21, s23, $0xb8;
	[tilespmem:$0x1F900] =	vst v63  }
0x5b: {  	s8 =	simm.s32 $0x18780;
	s17 =	simm.s32 $0x1A100  }
0x5c: {  	[tilespmem:s17], [sflag:$0x1] =	stream.indirect.gather [hbm4b:s1+s23], $0x10, s8, s23, $0xb8;
	[tilespmem:$0x1F900] =	vst v63  }
0x5d: {  	s18 =	simm.s32 $0x18800;
	s25 =	simm.s32 $0x1A900  }
0x5e: {  	[tilespmem:s25], [sflag:$0x1] =	stream.indirect.gather [hbm4b:s1+s23], $0x10, s18, s23, $0xb8;
	[tilespmem:$0x1F900] =	vst v63  }
0x5f: {  	s26 =	simm.s32 $0x18880;
	s28 =	simm.s32 $0x1B100  }
0x60: {  	[tilespmem:s28], [sflag:$0x1] =	stream.indirect.gather [hbm4b:s1+s23], $0x10, s26, s23, $0xb8;
	[tilespmem:$0x1F900] =	vst v63  }
0x61: {  	s8 =	simm.s32 $0x18900;
	s17 =	simm.s32 $0x1B900  }
0x62: {  	[tilespmem:s17], [sflag:$0x1] =	stream.indirect.gather [hbm4b:s1+s23], $0x10, s8, s23, $0xb8;
	[tilespmem:$0x1F900] =	vst v63  }
0x63: {  	s18 =	simm.s32 $0x18980;
	s25 =	simm.s32 $0x1C100  }
0x64: {  	[tilespmem:s25], [sflag:$0x1] =	stream.indirect.gather [hbm4b:s1+s23], $0x10, s18, s23, $0xb8;
	[tilespmem:$0x1F900] =	vst v63  }
0x65: {  	s26 =	simm.s32 $0x18A00;
	s28 =	simm.s32 $0x19000  }
0x66: {  	[tilespmem:s26], [sflag:$0x2] =	stream.linear.gather [hbm4b:s9+s4], $0x300, $0x38;
	[tilespmem:$0x1F900] =	vst v63  }
0x67: {  	s17 =	smov.u32 s22;
	s18 =	smov.u32 s2;
	s25 =	simm.s32 $0x0  }
0x68: {  	[tilespmem:s28], [sflag:$0x2] =	stream.linear.gather [hbm4b:s10+s4], $0x300, $0x38;
	[tilespmem:$0x1F900] =	vst v63  }
.LBB2_2:
0x69: {  	_ =	swait.ge [sflag:s29], $0x300  }
0x6a: {  	[sflag:s29] =	ssyncset.done $0x0  }
0x6b: {  	s26 =	sand.u32 $0x1, s25;
	[sflag:s29] =	ssyncadd.s32 $0xFFFFFD00  }
0x6c: {  	s3 =	sxor.u32 $0x1, s26;
	_ =	swait.ge [sflag:s29], $0x300  }
0x6d: {  	s28 =	smul.u32 $0x300, s3;
	[sflag:s29] =	ssyncset.done $0x0  }
0x6e: {  	[sflag:s29] =	ssyncadd.s32 $0xFFFFFD00  }
0x6f: {  	v0 =	vld [tilespmem:s28+$0x18D00]  }
0x70: {  	v1 =	vld [tilespmem:s28+$0x18D10]  }
0x71: {  	v2 =	vld [tilespmem:s28+$0x18D20]  }
0x72: {  	v3 =	vld [tilespmem:s28+$0x18D30]  }
0x73: {  	v4 =	vld [tilespmem:s28+$0x18D40]  }
0x74: {  	v21 =	vld [tilespmem:s28+$0x18D50];
	[tilespmem:s28+$0x19300] =	vst v0  }
0x75: {  	v22 =	vld [tilespmem:s28+$0x18D60];
	[tilespmem:s28+$0x19310] =	vst v1  }
0x76: {  	v23 =	vld [tilespmem:s28+$0x18D70];
	[tilespmem:s28+$0x19320] =	vst v2  }
0x77: {  	v24 =	vld [tilespmem:s28+$0x18D80];
	[tilespmem:s28+$0x19330] =	vst v3  }
0x78: {  	v25 =	vld [tilespmem:s28+$0x18D90];
	[tilespmem:s28+$0x19340] =	vst v4  }
0x79: {  	v26 =	vld [tilespmem:s28+$0x18DA0];
	[tilespmem:s28+$0x19350] =	vst v21  }
0x7a: {  	v27 =	vld [tilespmem:s28+$0x18DB0];
	[tilespmem:s28+$0x19360] =	vst v22  }
0x7b: {  	v28 =	vld [tilespmem:s28+$0x18DC0];
	[tilespmem:s28+$0x19370] =	vst v23  }
0x7c: {  	v29 =	vld [tilespmem:s28+$0x18DD0];
	[tilespmem:s28+$0x19380] =	vst v24  }
0x7d: {  	v30 =	vld [tilespmem:s28+$0x18DE0];
	[tilespmem:s28+$0x19390] =	vst v25  }
0x7e: {  	v31 =	vld [tilespmem:s28+$0x18DF0];
	[tilespmem:s28+$0x193A0] =	vst v26  }
0x7f: {  	v32 =	vld [tilespmem:s28+$0x18E00];
	[tilespmem:s28+$0x193B0] =	vst v27  }
0x80: {  	v33 =	vld [tilespmem:s28+$0x18E10];
	[tilespmem:s28+$0x193C0] =	vst v28  }
0x81: {  	v34 =	vld [tilespmem:s28+$0x18E20];
	[tilespmem:s28+$0x193D0] =	vst v29  }
0x82: {  	v35 =	vld [tilespmem:s28+$0x18E30];
	[tilespmem:s28+$0x193E0] =	vst v30  }
0x83: {  	v36 =	vld [tilespmem:s28+$0x18E40];
	[tilespmem:s28+$0x193F0] =	vst v31  }
0x84: {  	v37 =	vld [tilespmem:s28+$0x18E50];
	[tilespmem:s28+$0x19400] =	vst v32  }
0x85: {  	v38 =	vld [tilespmem:s28+$0x18E60];
	[tilespmem:s28+$0x19410] =	vst v33  }
0x86: {  	v39 =	vld [tilespmem:s28+$0x18E70];
	[tilespmem:s28+$0x19420] =	vst v34  }
0x87: {  	v40 =	vld [tilespmem:s28+$0x18E80];
	[tilespmem:s28+$0x19430] =	vst v35  }
0x88: {  	v41 =	vld [tilespmem:s28+$0x18E90];
	[tilespmem:s28+$0x19440] =	vst v36  }
0x89: {  	v42 =	vld [tilespmem:s28+$0x18EA0];
	[tilespmem:s28+$0x19450] =	vst v37  }
0x8a: {  	v43 =	vld [tilespmem:s28+$0x18EB0];
	[tilespmem:s28+$0x19460] =	vst v38  }
0x8b: {  	v44 =	vld [tilespmem:s28+$0x18EC0];
	[tilespmem:s28+$0x19470] =	vst v39  }
0x8c: {  	v45 =	vld [tilespmem:s28+$0x18ED0];
	[tilespmem:s28+$0x19480] =	vst v40  }
0x8d: {  	v46 =	vld [tilespmem:s28+$0x18EE0];
	[tilespmem:s28+$0x19490] =	vst v41  }
0x8e: {  	v47 =	vld [tilespmem:s28+$0x18EF0];
	[tilespmem:s28+$0x194A0] =	vst v42  }
0x8f: {  	v48 =	vld [tilespmem:s28+$0x18F00];
	[tilespmem:s28+$0x194B0] =	vst v43  }
0x90: {  	v49 =	vld [tilespmem:s28+$0x18F10];
	[tilespmem:s28+$0x194C0] =	vst v44  }
0x91: {  	v50 =	vld [tilespmem:s28+$0x18F20];
	[tilespmem:s28+$0x194D0] =	vst v45  }
0x92: {  	v51 =	vld [tilespmem:s28+$0x18F30];
	[tilespmem:s28+$0x194E0] =	vst v46  }
0x93: {  	v52 =	vld [tilespmem:s28+$0x18F40];
	[tilespmem:s28+$0x194F0] =	vst v47  }
0x94: {  	v53 =	vld [tilespmem:s28+$0x18F50];
	[tilespmem:s28+$0x19500] =	vst v48  }
0x95: {  	v54 =	vld [tilespmem:s28+$0x18F60];
	[tilespmem:s28+$0x19510] =	vst v49  }
0x96: {  	v55 =	vld [tilespmem:s28+$0x18F70];
	[tilespmem:s28+$0x19520] =	vst v50  }
0x97: {  	v56 =	vld [tilespmem:s28+$0x18F80];
	[tilespmem:s28+$0x19530] =	vst v51  }
0x98: {  	v57 =	vld [tilespmem:s28+$0x18F90];
	[tilespmem:s28+$0x19540] =	vst v52  }
0x99: {  	v58 =	vld [tilespmem:s28+$0x18FA0];
	[tilespmem:s28+$0x19550] =	vst v53  }
0x9a: {  	v59 =	vld [tilespmem:s28+$0x18FB0];
	[tilespmem:s28+$0x19560] =	vst v54  }
0x9b: {  	v60 =	vld [tilespmem:s28+$0x18FC0];
	[tilespmem:s28+$0x19570] =	vst v55  }
0x9c: {  	v61 =	vld [tilespmem:s28+$0x18FD0];
	[tilespmem:s28+$0x19580] =	vst v56  }
0x9d: {  	v62 =	vld [tilespmem:s28+$0x18FE0];
	[tilespmem:s28+$0x19590] =	vst v57  }
0x9e: {  	v63 =	vld [tilespmem:s28+$0x18FF0];
	[tilespmem:s28+$0x195A0] =	vst v58  }
0x9f: {  	[tilespmem:s28+$0x195B0] =	vst v59  }
0xa0: {  	s3 =	smul.u32 $0xC000, s3;
	[tilespmem:s28+$0x195C0] =	vst v60  }
0xa1: {  	[tilespmem:s28+$0x195D0] =	vst v61  }
0xa2: {  	s3 =	sshrl.u32 s3, $0x2;
	[tilespmem:s28+$0x195E0] =	vst v62  }
0xa3: {  	s8 =	sadd.s32 $0x18700, s28;
	s5 =	sadd.s32 $0x19900, s3;
	[tilespmem:s28+$0x195F0] =	vst v63  }
0xa4: {  	[tilespmem:s5], [sflag:$0x1] =	stream.indirect.gather [hbm4b:s1+s23], $0x10, s8, s23, $0xb8;
	[tilespmem:$0x1F900] =	vst v63  }
0xa5: {  	s5 =	sadd.s32 $0x1A100, s3;
	s8 =	sadd.s32 $0x18780, s28  }
0xa6: {  	[tilespmem:s5], [sflag:$0x1] =	stream.indirect.gather [hbm4b:s1+s23], $0x10, s8, s23, $0xb8;
	[tilespmem:$0x1F900] =	vst v63  }
0xa7: {  	s5 =	sadd.s32 $0x1A900, s3;
	s8 =	sor.u32 $0x18800, s28  }
0xa8: {  	[tilespmem:s5], [sflag:$0x1] =	stream.indirect.gather [hbm4b:s1+s23], $0x10, s8, s23, $0xb8;
	[tilespmem:$0x1F900] =	vst v63  }
0xa9: {  	s5 =	sadd.s32 $0x1B100, s3;
	s8 =	sor.u32 $0x18880, s28  }
0xaa: {  	[tilespmem:s5], [sflag:$0x1] =	stream.indirect.gather [hbm4b:s1+s23], $0x10, s8, s23, $0xb8;
	[tilespmem:$0x1F900] =	vst v63  }
0xab: {  	s5 =	sadd.s32 $0x1B900, s3;
	s8 =	sadd.s32 $0x18900, s28  }
0xac: {  	[tilespmem:s5], [sflag:$0x1] =	stream.indirect.gather [hbm4b:s1+s23], $0x10, s8, s23, $0xb8;
	[tilespmem:$0x1F900] =	vst v63  }
0xad: {  	s3 =	sor.u32 $0x1C100, s3;
	s8 =	sadd.s32 $0x18980, s28  }
0xae: {  	[tilespmem:s3], [sflag:$0x1] =	stream.indirect.gather [hbm4b:s1+s23], $0x10, s8, s23, $0xb8;
	[tilespmem:$0x1F900] =	vst v63  }
0xaf: {  	s26 =	smul.u32 $0x300, s26;
	_ =	swait.ge [sflag:s30], $0x3000  }
0xb0: {  	p1 =	sne.s32 s25, $0x80;
	[sflag:s30] =	ssyncset.done $0x0  }
.Ltmp0:
0xb1: {  	s28 =	sadd.s32 $0x18700, s26;
	[sflag:s30] =	ssyncadd.s32 $0xFFFFD000;
	(pc) =	sbr.rel @p1 .LBB2_2-.Ltmp0, $4  }
0xb2: {  	[tilespmem:s28], [sflag:$0x2] =	stream.linear.gather [hbm4b:s17+s4], $0x300, $0x38;
	[tilespmem:$0x1F900] =	vst v63  }
0xb3: {  	s3 =	sadd.s32 $0x18D00, s26  }
0xb4: {  	[tilespmem:s3], [sflag:$0x2] =	stream.linear.gather [hbm4b:s18+s4], $0x300, $0x38;
	[tilespmem:$0x1F900] =	vst v63  }
0xb5: {  	s25 =	sadd.s32 $0x1, s25;
	s17 =	sadd.s32 $0x60, s17;
	s18 =	sadd.s32 $0x60, s18  }
0xb6: {  	_ =	swait.ge [sflag:s29], $0x300  }
0xb7: {  	[sflag:s29] =	ssyncset.done $0x0  }
0xb8: {  	[sflag:s29] =	ssyncadd.s32 $0xFFFFFD00  }
0xb9: {  	_ =	swait.ge [sflag:s29], $0x300  }
0xba: {  	[sflag:s29] =	ssyncset.done $0x0  }
0xbb: {  	[sflag:s29] =	ssyncadd.s32 $0xFFFFFD00  }
0xbc: {  	_ =	swait.ge [sflag:s30], $0x3000  }
0xbd: {  	[sflag:s30] =	ssyncset.done $0x0  }
0xbe: {  	[sflag:s30] =	ssyncadd.s32 $0xFFFFD000  }
0xbf: {  	[tilespmem:s21], [sflag:$0x3] =	stream.linear.gather [hbm4b:s11+s4], $0x80, $0x38;
	[tilespmem:$0x1F900] =	vst v63  }
0xc0: {  	_ =	swait.ge [sflag:s20], $0x80  }
0xc1: {  	[sflag:s20] =	ssyncset.done $0x0  }
0xc2: {  	[sflag:s20] =	ssyncadd.s32 $0xFFFFFF80  }
0xc3: {  	[tilespmem:s31], [sflag:$0x3] =	stream.linear.gather [hbm4b:s12+s4], $0x80, $0x38;
	[tilespmem:$0x1F900] =	vst v63  }
0xc4: {  	_ =	swait.ge [sflag:s20], $0x80  }
0xc5: {  	[sflag:s20] =	ssyncset.done $0x0  }
0xc6: {  	[sflag:s20] =	ssyncadd.s32 $0xFFFFFF80  }
0xc7: {  	[tilespmem:s24], [sflag:$0x1] =	stream.indirect.gather [hbm4b:s1+s23], $0x10, s21, s23, $0xb8;
	[tilespmem:$0x1F900] =	vst v63  }
0xc8: {  	_ =	swait.ge [sflag:s30], $0x800  }
0xc9: {  	[sflag:s30] =	ssyncset.done $0x0  }
0xca: {  	[sflag:s30] =	ssyncadd.s32 $0xFFFFF800  }
0xcb: {  	s25 =	rddreg [dreg:$0x2]  }
0xcc: {  	[spmem:s25] =	stream.indirect.scatter.add.f32 [tilespmem:s24], [sflag:$0x3], $0x10, s31, s23, $0xb8;
	[tilespmem:$0x1F900] =	vst v63  }
0xcd: {  	_ =	swait.ge [sflag:s20], $0x800  }
0xce: {  	s3 =	simm.s32 @!p0 $0x0;
	[sflag:s20] =	ssyncset.done $0x0  }
0xcf: {  	s5 =	simm.s32 @!p0 $0x18700;
	s8 =	simm.s32 @!p0 $0x3;
	[sflag:s20] =	ssyncadd.s32 $0xFFFFF800  }
0xd0: {  	[tilespmem:s5], [sflag:$0x3] =	stream.linear.gather @!p0 [hbm4b:s13+s3], $0x80, $0x38;
	[tilespmem:$0x1F900] =	vst v63  }
0xd1: {  	_ =	swait.ge @!p0 [sflag:s8], $0x80  }
0xd2: {  	[sflag:s8] =	ssyncset.done @!p0 $0x0  }
0xd3: {  	s17 =	simm.s32 @!p0 $0x19300;
	[sflag:s8] =	ssyncadd.s32 @!p0 $0xFFFFFF80  }
0xd4: {  	[tilespmem:s17], [sflag:$0x3] =	stream.linear.gather @!p0 [hbm4b:s14+s3], $0x80, $0x38;
	[tilespmem:$0x1F900] =	vst v63  }
0xd5: {  	_ =	swait.ge @!p0 [sflag:s8], $0x80  }
0xd6: {  	[sflag:s8] =	ssyncset.done @!p0 $0x0  }
0xd7: {  	s18 =	simm.s32 @!p0 $0x19900;
	s3 =	simm.s32 @!p0 $0x80;
	[sflag:s8] =	ssyncadd.s32 @!p0 $0xFFFFFF80  }
0xd8: {  	[tilespmem:s18], [sflag:$0x1] =	stream.indirect.gather @!p0 [hbm4b:s1+s3], $0x10, s5, s3, $0xb8;
	[tilespmem:$0x1F900] =	vst v63  }
0xd9: {  	s5 =	simm.s32 @!p0 $0x1  }
0xda: {  	_ =	swait.ge @!p0 [sflag:s5], $0x800  }
0xdb: {  	[sflag:s5] =	ssyncset.done @!p0 $0x0  }
0xdc: {  	[sflag:s5] =	ssyncadd.s32 @!p0 $0xFFFFF800  }
0xdd: {  	[spmem:s25] =	stream.indirect.scatter.add.f32 @!p0 [tilespmem:s18], [sflag:$0x3], $0x10, s17, s3, $0xb8;
	[tilespmem:$0x1F900] =	vst v63  }
0xde: {  	_ =	swait.ge @!p0 [sflag:s8], $0x800  }
0xdf: {  	s0 =	sadd.s32 $0x1, s0;
	[sflag:s8] =	ssyncset.done @!p0 $0x0  }
0xe0: {  	p1 =	sne.s32 s0, s16;
	[sflag:s8] =	ssyncadd.s32 @!p0 $0xFFFFF800  }
.Ltmp1:
0xe1: {  	[bflag:$0x0] =	sbarrier.arrive $0xFFFF;
	(pc) =	sbr.rel @p1 .LBB2_1-.Ltmp1, $4  }
0xe2: {  	[hbm:s15], [sflag:s6] =	dma.local [spmem:s19], $0x30E0  }
0xe3: {  	_ =	swait.ge [sflag:s20], $0x30E0  }
0xe4: {  	[sflag:s20] =	ssyncset.done $0x0  }
0xe5: {  	[sflag:s20] =	ssyncadd.s32 $0xFFFFCF20  }
0xe6: {  	_ =	sfence.sel $0x180000  }
0xe7: {  	[bflag:$0x0] =	sbarrier.arrive $0xFFFF  }
0xe8: {  	_ =	strace $0x90000047  }
0xe9: {  	s0 =	stileid.u32;
	[bflag:$0x2] =	sbarrier.arrive $0xFFFF  }
0xea: {  	p0 =	sne.s32 s0, $0x0;
	s0 =	rddreg [dreg:$0x3]  }
0xeb: {  	s0 =	sadd.s32 @!p0 $0x100000, s0  }
0xec: {  	[sflag:s0] =	ssyncadd.tile.s32 @!p0 $0x1;
	_ =	shalt  }
.Lfunc_end2:
_tile_overlayer_lowered:
.L_overlay_start_2:
0xed: {  	(tag) =	ssettag $0x2  }
0xee: {  	s0 =	rddreg [dreg:$0x0];
	s2 =	stileid.u32  }
0xef: {  	s1 =	rddreg [dreg:$0x1];
	p0 =	sne.s32 s2, $0x0  }
0xf0: {  	s3 =	rddreg [dreg:$0x2];
	[bflag:$0x3] =	sbarrier.arrive $0xFFFF;
	s2 =	simm.s32 @!p0 $0x1C03  }
0xf1: {  	[timem:s3], [sflag:s2] =	dma.local @!p0 [hbm:s0], s1  }
0xf2: {  	s0 =	simm.s32 @!p0 $0x3  }
0xf3: {  	_ =	swait.ge @!p0 [sflag:s0], s1  }
0xf4: {  	s1 =	ssub.s32 @!p0 $0x0, s1;
	[sflag:s0] =	ssyncset.done @!p0 $0x0  }
0xf5: {  	[sflag:s0] =	ssyncadd.s32 @!p0 s1  }
0xf6: {  	[bflag:$0x3] =	sbarrier.arrive $0xFFFF  }
0xf7: {  	_ =	shalt  }

// kernel: kernel.9.cloned.1.call-start
scs
__scs_entry_jumppad:
0x0: {  	(pc) =	sbr.rel $0x88, $3  }
0x1: {  	(tag) =	ssettag $0x0;
	lr =	simm.s32 $0x1  }
0x2: {  	[smem:$0x3F9D] =	sst lr;
	_ =	strace $0xD0000000  }
0x3: {  	_ = 	snop  }
0x4: {  	_ = 	snop  }
0x5: {  	_ = 	snop  }
0x6: {  	_ = 	snop  }
0x7: {  	_ = 	snop  }
__scs_overlays_trampoline_lowered:
0x8: {  	[smem:$0x3FAC] =	sst s0  }
0x9: {  	[smem:$0x3FAD] =	sst s1  }
0xa: {  	[smem:$0x3FAE] =	sst s2  }
0xb: {  	[smem:$0x3FAF] =	sst s3  }
0xc: {  	[smem:$0x3FB0] =	sst s4  }
0xd: {  	[smem:$0x3FB1] =	sst s5  }
0xe: {  	[smem:$0x3FB2] =	sst s6  }
0xf: {  	[smem:$0x3FB3] =	sst s7  }
0x10: {  	[smem:$0x3FB4] =	sst s8  }
0x11: {  	[smem:$0x3FB5] =	sst s9;
	s0 =	simm.s32 @!p0 $0x0  }
0x12: {  	s1 =	sld [smem:$0x3F9B];
	s0 =	simm.s32 @p0 $0x1  }
0x13: {  	[smem:$0x3FB6] =	sst s0;
	s0 =	simm.s32 @!p1 $0x0  }
0x14: {  	s2 =	sld [smem:$0x3F9A];
	s0 =	simm.s32 @p1 $0x1  }
0x15: {  	[smem:$0x3FB7] =	sst s0;
	s0 =	simm.s32 @!p2 $0x0  }
0x16: {  	s3 =	sld [smem:$0x3FDB];
	s0 =	simm.s32 @p2 $0x1  }
0x17: {  	s4 =	simm.s32 $0x1BF5;
	[smem:$0x3FB9] =	sst s0  }
0x18: {  	s0 =	sld [smem:$0x3F9C];
	_ =	swait.ge [sflag:s4], $0x0  }
0x19: {  	s7 =	sld [smem:$0x3F9D]  }
0x1a: {  	s8 =	sadd.s32 $0xFFFFE003, lr  }
0x1b: {  	s9 =	sadd.s32 $0xFFFFFEF7, lr;
	s5 =	simm.s32 $0xFFFFFFFF;
	p2 =	slt.u32 s8, $0xFFFFF086  }
0x1c: {  	p1 =	slt.u32 s9, $0xF7A;
	s5 =	simm.s32 @!p2 $0x0  }
0x1d: {  	s5 =	simm.s32 @p1 $0x1;
	p0 =	seq.s32 s7, s2  }
0x1e: {  	s7 =	smul.u32 @!p0 $0xF7A, s2;
	p2 =	seq.s32 @!p0 s5, $0x0  }
0x1f: {  	s9 =	smul.u32 $0xF7A, s1;
	s8 =	simm.s32 @!p0 $0x1BF5;
	p2 =	por !p2, p0  }
0x20: {  	[sflag:s8] =	ssyncset.s32 @!p0 $0xFFFFF086;
	s6 =	sadd.s32 @!p0 s3, s7;
	s7 =	simm.s32 @!p0 $0x108  }
0x21: {  	s3 =	sadd.s32 s3, s9;
	s6 =	sadd.s32 @!p0 $0x88, s6;
	s7 =	simm.s32 @p2 $0x1082  }
0x22: {  	[simem:s7], [sflag:s8] =	dma.local @!p0 [hbm:s6], $0xF7A  }
0x23: {  	s9 =	sor.u32 $0xD0000000, s2;
	s6 =	simm.s32 $0x108;
	_ =	swait.ge @!p0 [sflag:s8], $0x0  }
0x24: {  	s3 =	sadd.s32 $0x88, s3;
	s6 =	simm.s32 @!p1 $0x1082;
	[sflag:s4] =	ssyncset.s32 $0xFFFFF086  }
0x25: {  	[simem:s6], [sflag:s4] =	dma.local [hbm:s3], $0xF7A  }
0x26: {  	[smem:$0x3F9D] =	sst s1;
	(tag) =	ssettag s2;
	_ =	strace s9  }
0x27: {  	s1 =	sld [smem:$0x3FAD]  }
0x28: {  	s2 =	sld [smem:$0x3FAE]  }
0x29: {  	s4 =	sld [smem:$0x3FB0]  }
0x2a: {  	p0 =	seq.s32 s5, $0x0;
	s5 =	sld [smem:$0x3FB1]  }
0x2b: {  	s6 =	sld [smem:$0x3FB2]  }
0x2c: {  	s7 =	sld [smem:$0x3FB3]  }
0x2d: {  	s3 =	simm.s32 $0x108;
	s8 =	sld [smem:$0x3FB4]  }
0x2e: {  	s3 =	simm.s32 @!p0 $0x1082;
	s9 =	sld [smem:$0x3FB5]  }
0x2f: {  	lr =	sadd.s32 s0, s3;
	s0 =	sld [smem:$0x3FAC]  }
0x30: {  	s3 =	sld [smem:$0x3FAF]  }
0x31: {  	[smem:$0x3FB8] =	sst s10  }
0x32: {  	s10 =	sld [smem:$0x3FB6];
	_ =	sdelay $0x3  }
0x33: {  	p0 =	seq.s32 s10, $0x1;
	s10 =	sld [smem:$0x3FB8];
	_ =	sdelay $0x3  }
0x34: {  	[smem:$0x3FB8] =	sst s10  }
0x35: {  	s10 =	sld [smem:$0x3FB7];
	_ =	sdelay $0x3  }
0x36: {  	p1 =	seq.s32 s10, $0x1;
	s10 =	sld [smem:$0x3FB8];
	_ =	sdelay $0x3  }
0x37: {  	[smem:$0x3FB8] =	sst s10  }
0x38: {  	s10 =	sld [smem:$0x3FB9]  }
0x39: {  	_ = 	snop;
	(pc) =	sbr.ind lr, $3  }
0x3a: {  	_ = 	snop  }
0x3b: {  	_ = 	snop  }
0x3c: {  	p2 =	seq.s32 s10, $0x1;
	s10 =	sld [smem:$0x3FB8]  }
0x3d: {  	_ =	shalt  }
0x3e: {  	_ =	shalt  }
0x3f: {  	_ =	shalt  }
0x40: {  	_ =	shalt  }
0x41: {  	_ =	shalt  }
0x42: {  	_ =	shalt  }
0x43: {  	_ =	shalt  }
0x44: {  	_ =	shalt  }
0x45: {  	_ =	shalt  }
0x46: {  	_ =	shalt  }
0x47: {  	_ =	shalt  }
0x48: {  	_ =	shalt  }
0x49: {  	_ =	shalt  }
0x4a: {  	_ =	shalt  }
0x4b: {  	_ =	shalt  }
0x4c: {  	_ =	shalt  }
0x4d: {  	_ =	shalt  }
0x4e: {  	_ =	shalt  }
0x4f: {  	_ =	shalt  }
0x50: {  	_ =	shalt  }
0x51: {  	_ =	shalt  }
0x52: {  	_ =	shalt  }
0x53: {  	_ =	shalt  }
0x54: {  	_ =	shalt  }
0x55: {  	_ =	shalt  }
0x56: {  	_ =	shalt  }
0x57: {  	_ =	shalt  }
0x58: {  	_ =	shalt  }
0x59: {  	_ =	shalt  }
0x5a: {  	_ =	shalt  }
0x5b: {  	_ =	shalt  }
0x5c: {  	_ =	shalt  }
0x5d: {  	_ =	shalt  }
0x5e: {  	_ =	shalt  }
0x5f: {  	_ =	shalt  }
0x60: {  	_ =	shalt  }
0x61: {  	_ =	shalt  }
0x62: {  	_ =	shalt  }
0x63: {  	_ =	shalt  }
0x64: {  	_ =	shalt  }
0x65: {  	_ =	shalt  }
0x66: {  	_ =	shalt  }
0x67: {  	_ =	shalt  }
0x68: {  	_ =	shalt  }
0x69: {  	_ =	shalt  }
0x6a: {  	_ =	shalt  }
0x6b: {  	_ =	shalt  }
0x6c: {  	_ =	shalt  }
0x6d: {  	_ =	shalt  }
0x6e: {  	_ =	shalt  }
0x6f: {  	_ =	shalt  }
0x70: {  	_ =	shalt  }
0x71: {  	_ =	shalt  }
0x72: {  	_ =	shalt  }
0x73: {  	_ =	shalt  }
0x74: {  	_ =	shalt  }
0x75: {  	_ =	shalt  }
0x76: {  	_ =	shalt  }
0x77: {  	_ =	shalt  }
0x78: {  	_ =	shalt  }
0x79: {  	_ =	shalt  }
0x7a: {  	_ =	shalt  }
0x7b: {  	_ =	shalt  }
0x7c: {  	_ =	shalt  }
0x7d: {  	_ =	shalt  }
0x7e: {  	_ =	shalt  }
0x7f: {  	_ =	shalt  }
0x80: {  	_ =	shalt  }
0x81: {  	_ =	shalt  }
0x82: {  	_ =	shalt  }
0x83: {  	_ =	shalt  }
0x84: {  	_ =	shalt  }
0x85: {  	_ =	shalt  }
0x86: {  	_ =	shalt  }
0x87: {  	_ =	shalt  }
.Lfunc_end0:
.L_simem_size_0:
called_computation.1_lowered:
.L_overlay_start_0:
0x88: {  	s2 =	sld [smem:$0x3FD9]  }
0x89: {  	s3 =	sld [smem:$0x3FFE];
	_ =	sdelay $0x1  }
0x8a: {  	s1 =	srdreg.scid  }
0x8b: {  	s0 =	sand.u32 $0x1, s1  }
0x8c: {  	s17 =	sshll.u32 s0, $0xA;
	s2 =	sadd.s32 s3, s2  }
0x8d: {  	s2 =	sadd.s32 s2, s17  }
0x8e: {  	[smem:$0x3FC4] =	sst s2  }
0x8f: {  	_ = 	snop  }
0x90: {  	s2 =	sld [smem:$0x3FD0];
	(tm) =	ssettm $0x1  }
0x91: {  	s18 =	sld [smem:$0x3FFB];
	_ =	sdelay $0x3  }
0x92: {  	_ =	strace s18  }
0x93: {  	s3 =	sld [smem:$0x3FFC];
	_ =	sdelay $0x3  }
0x94: {  	_ =	strace s3  }
0x95: {  	s3 =	sld [smem:$0x3FFD];
	_ =	sdelay $0x3  }
0x96: {  	_ =	strace s3  }
0x97: {  	_ =	strace $0x8FFFFFFF  }
0x98: {  	s19 =	sld [smem:$0x3FDB];
	_ =	sdelay $0x1  }
0x99: {  	s4 =	simm.s32 $_scs_section_size  }
0x9a: {  	s5 =	simm.s32 $_size__tile_overlayer_lowered;
	s6 =	simm.s32 $_tile_overlayer_lowered  }
0x9b: {  	s22 =	simm.s32 $0x1BFF;
	s21 =	sshll.u32 s6, $0x1;
	s3 =	sadd.s32 s4, s19  }
0x9c: {  	s7 =	simm.s32 $0x0;
	s20 =	sshll.u32 s5, $0x1;
	s5 =	sadd.s32 s21, s3  }
0x9d: {  	[timem:s7], [sflag:s22] =	dma.local [hbm:s5], s20  }
0x9e: {  	_ =	swait.ge [sflag:s22], s20  }
0x9f: {  	s4 =	ssub.s32 $0x0, s20;
	[sflag:s22] =	ssyncset.done $0x0  }
0xa0: {  	[sflag:s22] =	ssyncadd.s32 s4;
	_ =	sdelay $0x1  }
0xa1: {  	s23 =	simm.s32 $0x1B8B  }
0xa2: {  	_ =	swait.ge [sflag:s23], $0x1  }
0xa3: {  	[sflag:s23] =	ssyncset.done $0x0  }
0xa4: {  	s25 =	simm.s32 $0x1B8E;
	s24 =	sld [smem:$0x3FFE];
	[sflag:s23] =	ssyncadd.s32 $0xFFFFFFFF  }
0xa5: {  	s26 =	simm.s32 $execute0_lowered;
	[smem:$0x3FD2] =	sst s25  }
0xa6: {  	s5 =	sshll.u32 s26, $0x1;
	_ =	strace $0x80000049;
	[dreg:$0x1] =	wrdreg $0xFFFFFFFF  }
0xa7: {  	s28 =	simm.s32 $_size_execute0_lowered;
	s3 =	sadd.s32 s3, s5;
	[dreg:$0x0] =	wrdreg $0x0  }
0xa8: {  	s5 =	sshll.u32 s28, $0x1;
	[dreg:$0x2] =	wrdreg s3  }
0xa9: {  	[dreg:$0x3] =	wrdreg s5  }
0xaa: {  	[dreg:$0x4] =	wrdreg $0xC0  }
0xab: {  	_ =	task [dreg:s7], $0x5FFFF  }
0xac: {  	[dreg:$0x1] =	wrdreg $0xFFFFFFFF  }
0xad: {  	[dreg:$0x0] =	wrdreg $0x60  }
0xae: {  	[dreg:$0x2] =	wrdreg s24  }
0xaf: {  	[dreg:$0x3] =	wrdreg s2  }
0xb0: {  	[dreg:$0x4] =	wrdreg $0x9  }
0xb1: {  	_ =	task.clear_ibuf [dreg:s7], $0x5FFFF;
	_ =	strace $0x90000049  }
0xb2: {  	s29 =	simm.s32 $0x9;
	_ =	strace $0x8000004B  }
0xb3: {  	_ =	swait.ge [sflag:s29], $0x1  }
0xb4: {  	[sflag:s29] =	ssyncadd.s32 $0xFFFFFFFF  }
0xb5: {  	_ =	strace $0x9000004B  }
0xb6: {  	_ =	sfence  }
0xb7: {  	s30 =	sld [smem:$0x0];
	_ =	sdelay $0x2  }
0xb8: {  	s31 =	sshll.u32 s1, $0xD;
	s1 =	sshrl.u32 s1, $0x2  }
0xb9: {  	s3 =	sand.u32 $0x4000, s31;
	s1 =	sadd.s32 s1, s30  }
0xba: {  	s0 =	sor.u32 s3, s0;
	s1 =	sshll.u32 s1, $0x11  }
0xbb: {  	s0 =	sor.u32 s1, s0  }
0xbc: {  	s0 =	sadd.s32 $0x8F2B, s0  }
0xbd: {  	[sflag:s0] =	ssyncadd.remote.s32 $0x1  }
0xbe: {  	_ =	sfence.sel $0xFFFF  }
0xbf: {  	[dreg:$0x0] =	wrdreg $0xFFFFFFFF;
	(pc) =	sbr.abs _section_cstart, $3  }
0xc0: {  	[dreg:$0x1] =	wrdreg $0xFFFFFFFF  }
0xc1: {  	_ =	task.clear_ibuf [dreg:s7], $0x2FFFF;
	_ =	strace $0x9FFFFFFF  }
0xc2: {  	(tm) =	ssettm $0x7FFFFFFF  }
0xc3: {  	_ =	shalt  }
tec
execute0_lowered:
.L_overlay_start_1:
0x0: {  	(tag) =	ssettag $0x1  }
0x1: {  	s6 =	rddreg [dreg:$0x0];
	s1 =	srdreg.scid  }
0x2: {  	s0 =	stileid.u32;
	s2 =	rddreg [dreg:$0x1];
	s3 =	simm.s32 $0x0  }
0x3: {  	s8 =	simm.s32 $0x2710;
	s7 =	sand.u32 $0x1, s1;
	s4 =	sshll.u32 s0, $0x1  }
0x4: {  	s12 =	simm.s32 $0x6400;
	s13 =	simm.s32 $0x2;
	s4 =	sor.u32 s7, s4  }
0x5: {  	s14 =	simm.s32 $0x0;
	s1 =	rddreg [dreg:$0x2];
	s5 =	sadd.s32 $0xFFFFFFE7, s4  }
0x6: {  	[smem:$0x7FF] =	sst s3;
	s11 =	smul.u32 $0x320, s4;
	s5 =	smin.u32 s4, s5  }
0x7: {  	v0 =	vimm.s32 $0x0;
	_ =	strace $0x8000004A;
	s7 =	ssub.s32 $0x2, s7;
	s9 =	smul.u32 $0x190, s5  }
.Ltmp0:
0x8: {  	v1 =	vimm.s32 $0x1;
	v2 =	vimm.s32 $0x2;
	v3 =	vimm.s32 $0x3;
	p0 =	sgt.u32 s4, $0x18;
	s10 =	sshrl.u32 s7, $0x1;
	(pc) =	sbr.rel .LBB2_1-.Ltmp0, $4  }
0x9: {  	v4 =	vimm.s32 $0x4;
	v5 =	vimm.s32 $0x5;
	v6 =	vimm.s32 $0x6;
	s8 =	simm.s32 @!p0 $0x0;
	s31 =	ssub.s32 s7, s10;
	s10 =	simm.s32 $0x1900  }
0xa: {  	v7 =	vimm.s32 $0x7;
	v8 =	vimm.s32 $0x8;
	v9 =	vimm.s32 $0x9;
	p0 =	sgt.u32 s0, $0xC;
	s5 =	sadd.s32 $0xC8A00, s6;
	s8 =	sadd.s32 s9, s8  }
0xb: {  	v10 =	vimm.s32 $0xA;
	v11 =	vimm.s32 $0xB;
	v12 =	vimm.s32 $0xC;
	s6 =	sadd.s32 $0x12A600, s6;
	s7 =	sadd.s32 s5, s11;
	s8 =	sshrl.u32 s8, $0x3  }
0xc: {  	v13 =	vimm.s32 $0xD;
	v14 =	vimm.s32 $0xE;
	v15 =	vimm.s32 $0xF;
	s11 =	simm.s32 $0x187000;
	s9 =	smax.u32 s31, $0x1;
	s8 =	sadd.s32 s6, s8  }
.LBB2_7:
0xd: {  	s14 =	sadd.s32 $0x1, s14  }
0xe: {  	_ =	swait.ge [sflag:s13], $0x1900;
	p1 =	sne.s32 s14, s9  }
.Ltmp1:
0xf: {  	[sflag:s13] =	ssyncset.done $0x0;
	(pc) =	sbr.rel @!p1 .LBB2_8-.Ltmp1, $4  }
0x10: {  	s15 =	simm.s32 @!p0 $0x2;
	[sflag:s13] =	ssyncadd.s32 $0xFFFFE700  }
0x11: {  	_ =	swait.ge @!p0 [sflag:s15], $0x1900  }
0x12: {  	[sflag:s15] =	ssyncset.done @!p0 $0x0  }
0x13: {  	[sflag:s15] =	ssyncadd.s32 @!p0 $0xFFFFE700  }
.LBB2_1:
.Ltmp2:
0x14: {  	(pc) =	sbr.rel .LBB2_2-.Ltmp2, $4  }
0x15: {  	_ = 	snop  }
0x16: {  	[tilespmem:s3], [sflag:$0x1] =	stream.strided.gather [hbm4b:s7+s10], $0x3200, s11, s10, $0x38;
	[tilespmem:$0x9920] =	vst v63  }
0x17: {  	p1 =	por $0x0, $0x0;
	s15 =	simm.s32 $0x0  }
0x18: {  	[tilespmem:s12], [sflag:$0x1] =	stream.linear.gather [hbm4b:s8+s3], $0x190, $0x38;
	[tilespmem:$0x9920] =	vst v63  }
.LBB2_6:
0x19: {  	p2 =	sne.s32 s15, $0x8  }
.Ltmp3:
0x1a: {  	_ = 	snop;
	(pc) =	sbr.rel @!p2 .LBB2_7-.Ltmp3, $2  }
0x1b: {  	_ =	sdelay $0x2  }
0x1c: {  	p1 =	por !p1, !p1  }
.LBB2_2:
0x1d: {  	s17 =	smov.u32 s15;
	s15 =	sadd.s32 $0x1, s15  }
0x1e: {  	s16 =	sshll.u32 s15, $0x5  }
0x1f: {  	s16 =	sor.u32 s4, s16  }
0x20: {  	p2 =	sgt.u32 s16, $0xF9  }
0x21: {  	s19 =	sand.u32 $0x1, s17;
	s21 =	smul.u32 @!p2 $0x29, s16  }
0x22: {  	s18 =	sxor.u32 @!p2 $0x1, s19;
	s22 =	smul.u32 @!p2 $0x320, s16  }
0x23: {  	s20 =	smul.u32 @!p2 $0xC800, s18;
	s21 =	sshrl.u32 @!p2 s21, $0xA  }
0x24: {  	s23 =	simm.s32 @!p2 $0x1900;
	s24 =	simm.s32 @!p2 $0x187000;
	s21 =	sand.u32 @!p2 $0x3F, s21  }
0x25: {  	s22 =	sadd.s32 @!p2 s5, s22;
	s20 =	sshrl.u32 @!p2 s20, $0x2;
	s25 =	smul.u32 @!p2 $0x19, s21  }
0x26: {  	[tilespmem:s20], [sflag:$0x1] =	stream.strided.gather @!p2 [hbm4b:s22+s23], $0x3200, s24, s23, $0x38;
	[tilespmem:$0x9920] =	vst v63  }
0x27: {  	s16 =	ssub.s32 @!p2 s16, s25  }
0x28: {  	s20 =	smul.u32 @!p2 $0x2710, s21;
	s16 =	sand.u32 @!p2 $0xFF, s16  }
0x29: {  	s16 =	smul.u32 @!p2 $0x190, s16  }
0x2a: {  	s18 =	smul.u32 @!p2 $0x640, s18  }
0x2b: {  	s16 =	sadd.s32 @!p2 s16, s20  }
0x2c: {  	s31 =	sshll.u32 s17, $0x5;
	s18 =	sshrl.u32 @!p2 s18, $0x2;
	s16 =	sshrl.u32 @!p2 s16, $0x3  }
0x2d: {  	s18 =	sor.u32 @!p2 $0x6400, s18;
	s20 =	simm.s32 @!p2 $0x0;
	s16 =	sadd.s32 @!p2 s6, s16  }
0x2e: {  	[tilespmem:s18], [sflag:$0x1] =	stream.linear.gather @!p2 [hbm4b:s16+s20], $0x190, $0x38;
	[tilespmem:$0x9920] =	vst v63  }
0x2f: {  	s16 =	sor.u32 s4, s31  }
0x30: {  	p2 =	sgt.u32 s16, $0xF9  }
0x31: {  	s18 =	simm.s32 @!p2 $0x1  }
0x32: {  	_ =	swait.ge @!p2 [sflag:s18], $0x3200  }
0x33: {  	[sflag:s18] =	ssyncset.done @!p2 $0x0  }
0x34: {  	[sflag:s18] =	ssyncadd.s32 @!p2 $0xFFFFCE00  }
0x35: {  	_ =	swait.ge @!p2 [sflag:s18], $0x190  }
.Ltmp4:
0x36: {  	p3 =	slt.u32 s17, $0x2;
	[sflag:s18] =	ssyncset.done @!p2 $0x0;
	(pc) =	sbr.rel @p2 .LBB2_6-.Ltmp4, $4  }
0x37: {  	s17 =	simm.s32 @!p3 $0x2;
	[sflag:s18] =	ssyncadd.s32 @!p2 $0xFFFFFE70  }
0x38: {  	_ =	swait.ge @!p3 [sflag:s17], $0x1900  }
0x39: {  	[sflag:s17] =	ssyncset.done @!p3 $0x0  }
0x3a: {  	[sflag:s17] =	ssyncadd.s32 @!p3 $0xFFFFE700  }
0x3b: {  	s20 =	simm.s32 $0x1  }
0x3c: {  	s20 =	simm.s32 @!p1 $0x0  }
0x3d: {  	s17 =	smul.u32 $0xC800, s20;
	_ =	sdelay $0x1  }
0x3e: {  	s17 =	sshrl.u32 s17, $0x2  }
0x3f: {  	s17 =	sadd.s32 $0x1900, s17  }
0x40: {  	v16 =	vmov s17;
	_ =	sdelay $0x2  }
0x41: {  	s18 =	smul.u32 $0x640, s20  }
0x42: {  	s17 =	simm.s32 $0x80  }
0x43: {  	s18 =	sshrl.u32 s18, $0x2;
	v18 =	vld.idx.msk [tilespmem:v16+s17+$0xFFFFE680 ss:$0x1], $0xffff  }
0x44: {  	s18 =	sor.u32 $0x6400, s18;
	v19 =	vld.idx.msk [tilespmem:v16+s17+$0xFFFFFF80 ss:$0x1], $0xffff  }
0x45: {  	s20 =	smul.u32 $0x6400, s20;
	v20 =	vld [tilespmem:s18+$0x0];
	_ =	sdelay $0x1  }
0x46: {  	s20 =	sshrl.u32 s20, $0x2  }
0x47: {  	s20 =	sadd.s32 $0x6720, s20  }
0x48: {  	v17 =	vmov s20;
	v18 =	vadd.f32 v19, v18  }
0x49: {  	v19 =	vperm.xlane v20, v0  }
0x4a: {  	v18 =	vmax.f32 v18, $0.0e+00  }
0x4b: {  	v18 =	vmul.f32 v18, v19;
	_ =	sdelay $0x1  }
0x4c: {  	[tilespmem:v17+s17+$0xFFFFFF80 ss:$0x1] =	vst.idx.msk $0xffff, v18  }
0x4d: {  	v18 =	vld.idx.msk [tilespmem:v16+s17+$0xFFFFE690 ss:$0x1], $0xffff  }
0x4e: {  	v19 =	vld.idx.msk [tilespmem:v16+s17+$0xFFFFFF90 ss:$0x1], $0xffff;
	_ =	sdelay $0x4  }
0x4f: {  	v18 =	vadd.f32 v19, v18  }
0x50: {  	v19 =	vperm.xlane v20, v1  }
0x51: {  	v18 =	vmax.f32 v18, $0.0e+00  }
0x52: {  	v18 =	vmul.f32 v18, v19;
	_ =	sdelay $0x1  }
0x53: {  	[tilespmem:v17+s17+$0xFFFFFF90 ss:$0x1] =	vst.idx.msk $0xffff, v18  }
0x54: {  	v18 =	vld.idx.msk [tilespmem:v16+s17+$0xFFFFE6A0 ss:$0x1], $0xffff  }
0x55: {  	v19 =	vld.idx.msk [tilespmem:v16+s17+$0xFFFFFFA0 ss:$0x1], $0xffff;
	_ =	sdelay $0x4  }
0x56: {  	v18 =	vadd.f32 v19, v18  }
0x57: {  	v19 =	vperm.xlane v20, v2  }
0x58: {  	v18 =	vmax.f32 v18, $0.0e+00  }
0x59: {  	v18 =	vmul.f32 v18, v19;
	_ =	sdelay $0x1  }
0x5a: {  	[tilespmem:v17+s17+$0xFFFFFFA0 ss:$0x1] =	vst.idx.msk $0xffff, v18  }
0x5b: {  	v18 =	vld.idx.msk [tilespmem:v16+s17+$0xFFFFE6B0 ss:$0x1], $0xffff  }
0x5c: {  	v19 =	vld.idx.msk [tilespmem:v16+s17+$0xFFFFFFB0 ss:$0x1], $0xffff;
	_ =	sdelay $0x4  }
0x5d: {  	v18 =	vadd.f32 v19, v18  }
0x5e: {  	v19 =	vperm.xlane v20, v3  }
0x5f: {  	v18 =	vmax.f32 v18, $0.0e+00  }
0x60: {  	v18 =	vmul.f32 v18, v19;
	_ =	sdelay $0x1  }
0x61: {  	[tilespmem:v17+s17+$0xFFFFFFB0 ss:$0x1] =	vst.idx.msk $0xffff, v18  }
0x62: {  	v18 =	vld.idx.msk [tilespmem:v16+s17+$0xFFFFE6C0 ss:$0x1], $0xffff  }
0x63: {  	v19 =	vld.idx.msk [tilespmem:v16+s17+$0xFFFFFFC0 ss:$0x1], $0xffff;
	_ =	sdelay $0x4  }
0x64: {  	v18 =	vadd.f32 v19, v18  }
0x65: {  	v19 =	vperm.xlane v20, v4  }
0x66: {  	v18 =	vmax.f32 v18, $0.0e+00  }
0x67: {  	v18 =	vmul.f32 v18, v19;
	_ =	sdelay $0x1  }
0x68: {  	[tilespmem:v17+s17+$0xFFFFFFC0 ss:$0x1] =	vst.idx.msk $0xffff, v18  }
0x69: {  	v18 =	vld.idx.msk [tilespmem:v16+s17+$0xFFFFE6D0 ss:$0x1], $0xffff  }
0x6a: {  	v19 =	vld.idx.msk [tilespmem:v16+s17+$0xFFFFFFD0 ss:$0x1], $0xffff;
	_ =	sdelay $0x4  }
0x6b: {  	v18 =	vadd.f32 v19, v18  }
0x6c: {  	v19 =	vperm.xlane v20, v5  }
0x6d: {  	v18 =	vmax.f32 v18, $0.0e+00  }
0x6e: {  	v18 =	vmul.f32 v18, v19;
	_ =	sdelay $0x1  }
0x6f: {  	[tilespmem:v17+s17+$0xFFFFFFD0 ss:$0x1] =	vst.idx.msk $0xffff, v18  }
0x70: {  	v18 =	vld.idx.msk [tilespmem:v16+s17+$0xFFFFE6E0 ss:$0x1], $0xffff  }
0x71: {  	v19 =	vld.idx.msk [tilespmem:v16+s17+$0xFFFFFFE0 ss:$0x1], $0xffff;
	_ =	sdelay $0x4  }
0x72: {  	v18 =	vadd.f32 v19, v18  }
0x73: {  	v19 =	vperm.xlane v20, v6  }
0x74: {  	v18 =	vmax.f32 v18, $0.0e+00  }
0x75: {  	v18 =	vmul.f32 v18, v19;
	_ =	sdelay $0x1  }
0x76: {  	[tilespmem:v17+s17+$0xFFFFFFE0 ss:$0x1] =	vst.idx.msk $0xffff, v18  }
0x77: {  	v18 =	vld.idx.msk [tilespmem:v16+s17+$0xFFFFE6F0 ss:$0x1], $0xffff  }
0x78: {  	v19 =	vld.idx.msk [tilespmem:v16+s17+$0xFFFFFFF0 ss:$0x1], $0xffff;
	_ =	sdelay $0x4  }
0x79: {  	v18 =	vadd.f32 v19, v18  }
0x7a: {  	v19 =	vperm.xlane v20, v7  }
0x7b: {  	v18 =	vmax.f32 v18, $0.0e+00  }
0x7c: {  	v18 =	vmul.f32 v18, v19;
	_ =	sdelay $0x1  }
0x7d: {  	[tilespmem:v17+s17+$0xFFFFFFF0 ss:$0x1] =	vst.idx.msk $0xffff, v18  }
0x7e: {  	v18 =	vld.idx.msk [tilespmem:v16+s17+$0xFFFFE700 ss:$0x1], $0xffff  }
0x7f: {  	v19 =	vld.idx.msk [tilespmem:v16+s17+$0x0 ss:$0x1], $0xffff;
	_ =	sdelay $0x4  }
0x80: {  	v18 =	vadd.f32 v19, v18  }
0x81: {  	v19 =	vperm.xlane v20, v8  }
0x82: {  	v18 =	vmax.f32 v18, $0.0e+00  }
0x83: {  	v18 =	vmul.f32 v18, v19;
	_ =	sdelay $0x1  }
0x84: {  	[tilespmem:v17+s17+$0x0 ss:$0x1] =	vst.idx.msk $0xffff, v18  }
0x85: {  	v18 =	vld.idx.msk [tilespmem:v16+s17+$0xFFFFE710 ss:$0x1], $0xffff  }
0x86: {  	v19 =	vld.idx.msk [tilespmem:v16+s17+$0x10 ss:$0x1], $0xffff;
	_ =	sdelay $0x4  }
0x87: {  	v18 =	vadd.f32 v19, v18  }
0x88: {  	v19 =	vperm.xlane v20, v9  }
0x89: {  	v18 =	vmax.f32 v18, $0.0e+00  }
0x8a: {  	v18 =	vmul.f32 v18, v19;
	_ =	sdelay $0x1  }
0x8b: {  	[tilespmem:v17+s17+$0x10 ss:$0x1] =	vst.idx.msk $0xffff, v18  }
0x8c: {  	v18 =	vld.idx.msk [tilespmem:v16+s17+$0xFFFFE720 ss:$0x1], $0xffff  }
0x8d: {  	v19 =	vld.idx.msk [tilespmem:v16+s17+$0x20 ss:$0x1], $0xffff;
	_ =	sdelay $0x4  }
0x8e: {  	v18 =	vadd.f32 v19, v18  }
0x8f: {  	v19 =	vperm.xlane v20, v10  }
0x90: {  	v18 =	vmax.f32 v18, $0.0e+00  }
0x91: {  	v18 =	vmul.f32 v18, v19;
	_ =	sdelay $0x1  }
0x92: {  	[tilespmem:v17+s17+$0x20 ss:$0x1] =	vst.idx.msk $0xffff, v18  }
0x93: {  	v18 =	vld.idx.msk [tilespmem:v16+s17+$0xFFFFE730 ss:$0x1], $0xffff  }
0x94: {  	v19 =	vld.idx.msk [tilespmem:v16+s17+$0x30 ss:$0x1], $0xffff;
	_ =	sdelay $0x4  }
0x95: {  	v18 =	vadd.f32 v19, v18  }
0x96: {  	v19 =	vperm.xlane v20, v11  }
0x97: {  	v18 =	vmax.f32 v18, $0.0e+00  }
0x98: {  	v18 =	vmul.f32 v18, v19;
	_ =	sdelay $0x1  }
0x99: {  	[tilespmem:v17+s17+$0x30 ss:$0x1] =	vst.idx.msk $0xffff, v18  }
0x9a: {  	v18 =	vld.idx.msk [tilespmem:v16+s17+$0xFFFFE740 ss:$0x1], $0xffff  }
0x9b: {  	v19 =	vld.idx.msk [tilespmem:v16+s17+$0x40 ss:$0x1], $0xffff;
	_ =	sdelay $0x4  }
0x9c: {  	v18 =	vadd.f32 v19, v18  }
0x9d: {  	v19 =	vperm.xlane v20, v12  }
0x9e: {  	v18 =	vmax.f32 v18, $0.0e+00  }
0x9f: {  	v18 =	vmul.f32 v18, v19;
	_ =	sdelay $0x1  }
0xa0: {  	[tilespmem:v17+s17+$0x40 ss:$0x1] =	vst.idx.msk $0xffff, v18  }
0xa1: {  	v18 =	vld.idx.msk [tilespmem:v16+s17+$0xFFFFE750 ss:$0x1], $0xffff  }
0xa2: {  	v19 =	vld.idx.msk [tilespmem:v16+s17+$0x50 ss:$0x1], $0xffff;
	_ =	sdelay $0x4  }
0xa3: {  	v18 =	vadd.f32 v19, v18  }
0xa4: {  	v19 =	vperm.xlane v20, v13  }
0xa5: {  	v18 =	vmax.f32 v18, $0.0e+00  }
0xa6: {  	v18 =	vmul.f32 v18, v19;
	_ =	sdelay $0x1  }
0xa7: {  	[tilespmem:v17+s17+$0x50 ss:$0x1] =	vst.idx.msk $0xffff, v18  }
0xa8: {  	v21 =	vld.idx.msk [tilespmem:v16+s17+$0xFFFFE760 ss:$0x1], $0xffff  }
0xa9: {  	v22 =	vld.idx.msk [tilespmem:v16+s17+$0x60 ss:$0x1], $0xffff;
	_ =	sdelay $0x1  }
0xaa: {  	s19 =	smul.u32 $0x6400, s19;
	_ =	sdelay $0x1  }
0xab: {  	s19 =	sshrl.u32 s19, $0x2  }
0xac: {  	s19 =	sadd.s32 $0x6720, s19;
	s20 =	simm.s32 $0x600;
	v19 =	vperm.xlane v20, v14;
	v18 =	vperm.xlane v20, v15;
	v20 =	vadd.f32 v22, v21  }
.LBB2_4:
0xad: {  	p2 =	sne.s32 s20, $0x6200  }
0xae: {  	s18 =	sadd.s32 $0x10, s18;
	s21 =	smov.u32 s20;
	s20 =	sadd.s32 $0x400, s20;
	v20 =	vmax.f32 v20, $0.0e+00  }
0xaf: {  	v19 =	vmul.f32 v20, v19;
	_ =	sdelay $0x1  }
0xb0: {  	[tilespmem:v17+s17+$0x60 ss:$0x1] =	vst.idx.msk $0xffff, v19  }
0xb1: {  	v19 =	vld.idx.msk [tilespmem:v16+s17+$0xFFFFE770 ss:$0x1], $0xffff  }
0xb2: {  	v20 =	vld.idx.msk [tilespmem:v16+s17+$0x70 ss:$0x1], $0xffff;
	_ =	sdelay $0x5  }
0xb3: {  	v19 =	vadd.f32 v20, v19;
	_ =	sdelay $0x1  }
0xb4: {  	v19 =	vmax.f32 v19, $0.0e+00  }
0xb5: {  	v18 =	vmul.f32 v19, v18;
	_ =	sdelay $0x1  }
0xb6: {  	[tilespmem:v17+s17+$0x70 ss:$0x1] =	vst.idx.msk $0xffff, v18;
	s17 =	sshra.s32 s21, $0x2  }
0xb7: {  	v19 =	vld.idx.msk [tilespmem:v16+s17+$0xFFFFE680 ss:$0x1], $0xffff  }
0xb8: {  	v20 =	vld.idx.msk [tilespmem:v16+s17+$0xFFFFFF80 ss:$0x1], $0xffff  }
0xb9: {  	v18 =	vld [tilespmem:s18+$0x0];
	_ =	sdelay $0x4  }
0xba: {  	v19 =	vadd.f32 v20, v19;
	v21 =	vperm.xlane v18, v0;
	_ =	sdelay $0x1  }
0xbb: {  	v19 =	vmax.f32 v19, $0.0e+00  }
0xbc: {  	v19 =	vmul.f32 v19, v21;
	_ =	sdelay $0x1  }
0xbd: {  	[tilespmem:v17+s17+$0xFFFFFF80 ss:$0x1] =	vst.idx.msk $0xffff, v19  }
0xbe: {  	v19 =	vld.idx.msk [tilespmem:v16+s17+$0xFFFFE690 ss:$0x1], $0xffff  }
0xbf: {  	v20 =	vld.idx.msk [tilespmem:v16+s17+$0xFFFFFF90 ss:$0x1], $0xffff;
	_ =	sdelay $0x4  }
0xc0: {  	v21 =	vperm.xlane v18, v1  }
0xc1: {  	v19 =	vadd.f32 v20, v19;
	_ =	sdelay $0x1  }
0xc2: {  	v19 =	vmax.f32 v19, $0.0e+00  }
0xc3: {  	v19 =	vmul.f32 v19, v21;
	_ =	sdelay $0x1  }
0xc4: {  	[tilespmem:v17+s17+$0xFFFFFF90 ss:$0x1] =	vst.idx.msk $0xffff, v19  }
0xc5: {  	v19 =	vld.idx.msk [tilespmem:v16+s17+$0xFFFFE6A0 ss:$0x1], $0xffff  }
0xc6: {  	v20 =	vld.idx.msk [tilespmem:v16+s17+$0xFFFFFFA0 ss:$0x1], $0xffff;
	_ =	sdelay $0x3  }
0xc7: {  	v21 =	vperm.xlane v18, v2;
	_ =	sdelay $0x1  }
0xc8: {  	v19 =	vadd.f32 v20, v19;
	_ =	sdelay $0x1  }
0xc9: {  	v19 =	vmax.f32 v19, $0.0e+00  }
0xca: {  	v19 =	vmul.f32 v19, v21;
	_ =	sdelay $0x1  }
0xcb: {  	[tilespmem:v17+s17+$0xFFFFFFA0 ss:$0x1] =	vst.idx.msk $0xffff, v19  }
0xcc: {  	v19 =	vld.idx.msk [tilespmem:v16+s17+$0xFFFFE6B0 ss:$0x1], $0xffff  }
0xcd: {  	v20 =	vld.idx.msk [tilespmem:v16+s17+$0xFFFFFFB0 ss:$0x1], $0xffff;
	_ =	sdelay $0x2  }
0xce: {  	v21 =	vperm.xlane v18, v3;
	_ =	sdelay $0x2  }
0xcf: {  	v19 =	vadd.f32 v20, v19;
	_ =	sdelay $0x1  }
0xd0: {  	v19 =	vmax.f32 v19, $0.0e+00  }
0xd1: {  	v19 =	vmul.f32 v19, v21;
	_ =	sdelay $0x1  }
0xd2: {  	[tilespmem:v17+s17+$0xFFFFFFB0 ss:$0x1] =	vst.idx.msk $0xffff, v19  }
0xd3: {  	v19 =	vld.idx.msk [tilespmem:v16+s17+$0xFFFFE6C0 ss:$0x1], $0xffff  }
0xd4: {  	v20 =	vld.idx.msk [tilespmem:v16+s17+$0xFFFFFFC0 ss:$0x1], $0xffff;
	_ =	sdelay $0x1  }
0xd5: {  	v21 =	vperm.xlane v18, v4;
	_ =	sdelay $0x3  }
0xd6: {  	v19 =	vadd.f32 v20, v19;
	_ =	sdelay $0x1  }
0xd7: {  	v19 =	vmax.f32 v19, $0.0e+00  }
0xd8: {  	v19 =	vmul.f32 v19, v21;
	_ =	sdelay $0x1  }
0xd9: {  	[tilespmem:v17+s17+$0xFFFFFFC0 ss:$0x1] =	vst.idx.msk $0xffff, v19  }
0xda: {  	v19 =	vld.idx.msk [tilespmem:v16+s17+$0xFFFFE6D0 ss:$0x1], $0xffff  }
0xdb: {  	v20 =	vld.idx.msk [tilespmem:v16+s17+$0xFFFFFFD0 ss:$0x1], $0xffff  }
0xdc: {  	v21 =	vperm.xlane v18, v5;
	_ =	sdelay $0x4  }
0xdd: {  	v19 =	vadd.f32 v20, v19;
	_ =	sdelay $0x1  }
0xde: {  	v19 =	vmax.f32 v19, $0.0e+00  }
0xdf: {  	v19 =	vmul.f32 v19, v21;
	_ =	sdelay $0x1  }
0xe0: {  	[tilespmem:v17+s17+$0xFFFFFFD0 ss:$0x1] =	vst.idx.msk $0xffff, v19  }
0xe1: {  	v19 =	vld.idx.msk [tilespmem:v16+s17+$0xFFFFE6E0 ss:$0x1], $0xffff  }
0xe2: {  	v20 =	vperm.xlane v18, v6;
	v21 =	vld.idx.msk [tilespmem:v16+s17+$0xFFFFFFE0 ss:$0x1], $0xffff;
	_ =	sdelay $0x5  }
0xe3: {  	v19 =	vadd.f32 v21, v19;
	_ =	sdelay $0x1  }
0xe4: {  	v19 =	vmax.f32 v19, $0.0e+00  }
0xe5: {  	v19 =	vmul.f32 v19, v20;
	_ =	sdelay $0x1  }
0xe6: {  	[tilespmem:v17+s17+$0xFFFFFFE0 ss:$0x1] =	vst.idx.msk $0xffff, v19  }
0xe7: {  	v19 =	vperm.xlane v18, v7;
	v20 =	vld.idx.msk [tilespmem:v16+s17+$0xFFFFE6F0 ss:$0x1], $0xffff  }
0xe8: {  	v21 =	vld.idx.msk [tilespmem:v16+s17+$0xFFFFFFF0 ss:$0x1], $0xffff;
	_ =	sdelay $0x5  }
0xe9: {  	v20 =	vadd.f32 v21, v20;
	_ =	sdelay $0x1  }
0xea: {  	v20 =	vmax.f32 v20, $0.0e+00  }
0xeb: {  	v19 =	vmul.f32 v20, v19;
	_ =	sdelay $0x1  }
0xec: {  	[tilespmem:v17+s17+$0xFFFFFFF0 ss:$0x1] =	vst.idx.msk $0xffff, v19;
	v19 =	vperm.xlane v18, v8  }
0xed: {  	v20 =	vld.idx.msk [tilespmem:v16+s17+$0xFFFFE700 ss:$0x1], $0xffff  }
0xee: {  	v21 =	vld.idx.msk [tilespmem:v16+s17+$0x0 ss:$0x1], $0xffff;
	_ =	sdelay $0x5  }
0xef: {  	v20 =	vadd.f32 v21, v20;
	_ =	sdelay $0x1  }
0xf0: {  	v20 =	vmax.f32 v20, $0.0e+00  }
0xf1: {  	v19 =	vmul.f32 v20, v19  }
0xf2: {  	v20 =	vperm.xlane v18, v9  }
0xf3: {  	[tilespmem:v17+s17+$0x0 ss:$0x1] =	vst.idx.msk $0xffff, v19  }
0xf4: {  	v19 =	vld.idx.msk [tilespmem:v16+s17+$0xFFFFE710 ss:$0x1], $0xffff  }
0xf5: {  	v21 =	vld.idx.msk [tilespmem:v16+s17+$0x10 ss:$0x1], $0xffff;
	_ =	sdelay $0x5  }
0xf6: {  	v19 =	vadd.f32 v21, v19;
	_ =	sdelay $0x1  }
0xf7: {  	v19 =	vmax.f32 v19, $0.0e+00  }
0xf8: {  	v19 =	vmul.f32 v19, v20;
	v20 =	vperm.xlane v18, v10;
	_ =	sdelay $0x1  }
0xf9: {  	[tilespmem:v17+s17+$0x10 ss:$0x1] =	vst.idx.msk $0xffff, v19  }
0xfa: {  	v19 =	vld.idx.msk [tilespmem:v16+s17+$0xFFFFE720 ss:$0x1], $0xffff  }
0xfb: {  	v21 =	vld.idx.msk [tilespmem:v16+s17+$0x20 ss:$0x1], $0xffff;
	_ =	sdelay $0x5  }
0xfc: {  	v19 =	vadd.f32 v21, v19;
	_ =	sdelay $0x1  }
0xfd: {  	v21 =	vperm.xlane v18, v11;
	v19 =	vmax.f32 v19, $0.0e+00  }
0xfe: {  	v19 =	vmul.f32 v19, v20;
	_ =	sdelay $0x1  }
0xff: {  	[tilespmem:v17+s17+$0x20 ss:$0x1] =	vst.idx.msk $0xffff, v19  }
0x100: {  	v19 =	vld.idx.msk [tilespmem:v16+s17+$0xFFFFE730 ss:$0x1], $0xffff  }
0x101: {  	v20 =	vld.idx.msk [tilespmem:v16+s17+$0x30 ss:$0x1], $0xffff;
	_ =	sdelay $0x5  }
0x102: {  	v19 =	vadd.f32 v20, v19  }
0x103: {  	v20 =	vperm.xlane v18, v12  }
0x104: {  	v19 =	vmax.f32 v19, $0.0e+00  }
0x105: {  	v19 =	vmul.f32 v19, v21;
	_ =	sdelay $0x1  }
0x106: {  	[tilespmem:v17+s17+$0x30 ss:$0x1] =	vst.idx.msk $0xffff, v19  }
0x107: {  	v19 =	vld.idx.msk [tilespmem:v16+s17+$0xFFFFE740 ss:$0x1], $0xffff  }
0x108: {  	v21 =	vld.idx.msk [tilespmem:v16+s17+$0x40 ss:$0x1], $0xffff;
	_ =	sdelay $0x5  }
0x109: {  	v19 =	vadd.f32 v21, v19;
	v21 =	vperm.xlane v18, v13;
	_ =	sdelay $0x1  }
0x10a: {  	v19 =	vmax.f32 v19, $0.0e+00  }
0x10b: {  	v19 =	vmul.f32 v19, v20;
	_ =	sdelay $0x1  }
0x10c: {  	[tilespmem:v17+s17+$0x40 ss:$0x1] =	vst.idx.msk $0xffff, v19  }
0x10d: {  	v20 =	vld.idx.msk [tilespmem:v16+s17+$0xFFFFE750 ss:$0x1], $0xffff  }
0x10e: {  	v22 =	vld.idx.msk [tilespmem:v16+s17+$0x50 ss:$0x1], $0xffff;
	_ =	sdelay $0x4  }
0x10f: {  	v19 =	vperm.xlane v18, v14  }
0x110: {  	v20 =	vadd.f32 v22, v20;
	_ =	sdelay $0x1  }
0x111: {  	v20 =	vmax.f32 v20, $0.0e+00  }
0x112: {  	v20 =	vmul.f32 v20, v21;
	_ =	sdelay $0x1  }
0x113: {  	[tilespmem:v17+s17+$0x50 ss:$0x1] =	vst.idx.msk $0xffff, v20  }
0x114: {  	v20 =	vld.idx.msk [tilespmem:v16+s17+$0xFFFFE760 ss:$0x1], $0xffff  }
0x115: {  	v21 =	vld.idx.msk [tilespmem:v16+s17+$0x60 ss:$0x1], $0xffff;
	_ =	sdelay $0x1  }
.Ltmp5:
0x116: {  	(pc) =	sbr.rel @p2 .LBB2_4-.Ltmp5, $3  }
0x117: {  	_ = 	snop  }
0x118: {  	v18 =	vperm.xlane v18, v15;
	_ =	sdelay $0x1  }
0x119: {  	v20 =	vadd.f32 v21, v20  }
0x11a: {  	_ = 	snop  }
0x11b: {  	v20 =	vmax.f32 v20, $0.0e+00  }
0x11c: {  	v19 =	vmul.f32 v20, v19;
	_ =	sdelay $0x1  }
0x11d: {  	[tilespmem:v17+s17+$0x60 ss:$0x1] =	vst.idx.msk $0xffff, v19  }
0x11e: {  	v19 =	vld.idx.msk [tilespmem:v16+s17+$0xFFFFE770 ss:$0x1], $0xffff  }
0x11f: {  	v16 =	vld.idx.msk [tilespmem:v16+s17+$0x70 ss:$0x1], $0xffff;
	_ =	sdelay $0x4  }
0x120: {  	v16 =	vadd.f32 v16, v19;
	_ =	sdelay $0x1  }
.Ltmp6:
0x121: {  	v16 =	vmax.f32 v16, $0.0e+00;
	(pc) =	sbr.rel .LBB2_6-.Ltmp6, $3  }
0x122: {  	s16 =	smul.u32 $0x320, s16;
	v16 =	vmul.f32 v16, v18;
	_ =	sdelay $0x1  }
0x123: {  	s16 =	sadd.s32 s2, s16;
	[tilespmem:v17+s17+$0x70 ss:$0x1] =	vst.idx.msk $0xffff, v16  }
0x124: {  	[hbm4b:s16+s3] =	stream.linear.scatter [tilespmem:s19], [sflag:$0x2], $0x1900, $0x38;
	[tilespmem:$0x9920] =	vst v63  }
.LBB2_8:
0x125: {  	_ =	sfence.sel $0x180000  }
0x126: {  	[bflag:$0x0] =	sbarrier.arrive $0xFFFF  }
0x127: {  	p0 =	sne.s32 s0, $0x0;
	_ =	strace $0x9000004A  }
0x128: {  	s0 =	sadd.s32 @!p0 $0x100000, s1;
	[bflag:$0x2] =	sbarrier.arrive $0xFFFF  }
0x129: {  	[sflag:s0] =	ssyncadd.tile.s32 @!p0 $0x1;
	_ =	shalt  }
.Lfunc_end2:
_tile_overlayer_lowered:
.L_overlay_start_2:
0x12a: {  	(tag) =	ssettag $0x2  }
0x12b: {  	s0 =	rddreg [dreg:$0x0];
	s2 =	stileid.u32  }
0x12c: {  	s1 =	rddreg [dreg:$0x1];
	p0 =	sne.s32 s2, $0x0  }
0x12d: {  	s3 =	rddreg [dreg:$0x2];
	[bflag:$0x3] =	sbarrier.arrive $0xFFFF;
	s2 =	simm.s32 @!p0 $0x1C03  }
0x12e: {  	[timem:s3], [sflag:s2] =	dma.local @!p0 [hbm:s0], s1  }
0x12f: {  	s0 =	simm.s32 @!p0 $0x3  }
0x130: {  	_ =	swait.ge @!p0 [sflag:s0], s1  }
0x131: {  	s1 =	ssub.s32 @!p0 $0x0, s1;
	[sflag:s0] =	ssyncset.done @!p0 $0x0  }
0x132: {  	[sflag:s0] =	ssyncadd.s32 @!p0 s1  }
0x133: {  	[bflag:$0x3] =	sbarrier.arrive $0xFFFF  }
0x134: {  	_ =	shalt  }

</sc_bundles>
